<compile_context>
chip_gen: v7x
topology: tpu7x:2x2x1
jax: 0.10.2.dev20260603
libtpu: 0.0.44.dev20260713+nightly
codegen_flags: <defaults>
</compile_context>

<pallas_src>
import functools

import jax
import jax.numpy as jnp
from jax import lax
from jax.experimental import pallas as pl
from jax.experimental.pallas import tpu as pltpu
from jax.experimental.pallas import tpu_sc as plsc

KNN = 32
DIM = 128
NKEYS = 100000
QTOT = 1024
GROUP = 128
KPAD = 100352
NG = KPAD // GROUP
KB = 2048
GPB = KB // GROUP
NKB = KPAD // KB
QT1 = 1024
QT2 = 128
NCAND = KNN * GROUP
BIG = 1e30

NC, NS = 2, 16
NW = NC * NS
IPW = QTOT * KNN // NW
CHUNKS = IPW // 128


def _dist_body(qsq_ref, ksq_ref, q_ref, k_ref, dist_ref, gmin_ref):
    kb = pl.program_id(0)
    gram = lax.dot_general(q_ref[...], k_ref[...], (((1,), (1,)), ((), ())),
                           preferred_element_type=jnp.float32)
    dist = qsq_ref[...] - 2.0 * gram + ksq_ref[...]
    gk = kb * KB + lax.broadcasted_iota(jnp.int32, (1, KB), 1)
    dist = jnp.where(gk >= NKEYS, BIG, dist)
    mins = []
    for i in range(GPB):
        sl = dist[:, i * GROUP:(i + 1) * GROUP]
        dist_ref[:, i, :] = sl
        mins.append(jnp.min(sl, axis=1, keepdims=True))
    gmin_ref[...] = jnp.concatenate(mins, axis=1)[None]


def _stage1(qsq, ksq, queries, keys_p):
    return pl.pallas_call(
        _dist_body,
        grid=(NKB, QTOT // QT1),
        in_specs=[
            pl.BlockSpec((QT1, 1), lambda kb, qt: (qt, 0)),
            pl.BlockSpec((1, KB), lambda kb, qt: (0, kb)),
            pl.BlockSpec((QT1, DIM), lambda kb, qt: (qt, 0)),
            pl.BlockSpec((KB, DIM), lambda kb, qt: (kb, 0)),
        ],
        out_specs=[
            pl.BlockSpec((QT1, GPB, GROUP), lambda kb, qt: (qt, kb, 0)),
            pl.BlockSpec((1, QT1, GPB), lambda kb, qt: (kb, qt, 0)),
        ],
        out_shape=[
            jax.ShapeDtypeStruct((QTOT, NG, GROUP), jnp.float32),
            jax.ShapeDtypeStruct((NKB, QTOT, GPB), jnp.float32),
        ],
    )(qsq, ksq, queries, keys_p)


def _select_body(gmin_ref, didx_ref, pidx_ref, m_ref):
    qt = pl.program_id(0)
    m_ref[...] = gmin_ref[...]
    gidx = lax.broadcasted_iota(jnp.int32, (QT2, NG), 1)
    qrow = qt * QT2 + lax.broadcasted_iota(jnp.int32, (QT2, 1), 0)
    dcols, pcols = [], []
    for _ in range(KNN):
        m = m_ref[...]
        mn = jnp.min(m, axis=1, keepdims=True)
        g = jnp.min(jnp.where(m == mn, gidx, NG), axis=1, keepdims=True)
        pcols.append(g)
        dcols.append(qrow * NG + g)
        m_ref[...] = jnp.where(gidx == g, BIG, m)
    didx_ref[...] = jnp.concatenate(dcols, axis=1)
    pidx_ref[...] = jnp.concatenate(pcols, axis=1)


def _stage2(gmin):
    return pl.pallas_call(
        _select_body,
        grid=(QTOT // QT2,),
        in_specs=[pl.BlockSpec((QT2, NG), lambda qt: (qt, 0))],
        out_specs=[
            pl.BlockSpec((QT2, KNN), lambda qt: (qt, 0)),
            pl.BlockSpec((QT2, KNN), lambda qt: (qt, 0)),
        ],
        out_shape=[
            jax.ShapeDtypeStruct((QTOT, KNN), jnp.int32),
            jax.ShapeDtypeStruct((QTOT, KNN), jnp.int32),
        ],
        scratch_shapes=[pltpu.VMEM((QT2, NG), jnp.float32)],
    )(gmin)


def _sc_gather_body(dtab, ptab, didx, pidx, outd, outp,
                    di_v, pi_v, dr_v, pr_v, gsems, wsems):
    wid = lax.axis_index("s") * NC + lax.axis_index("c")
    pltpu.sync_copy(didx.at[wid], di_v)
    pltpu.sync_copy(pidx.at[wid], pi_v)
    writes = {}
    for c in range(CHUNKS):
        b = c % 2
        gd = pltpu.async_copy(dtab.at[di_v.at[c]], dr_v.at[b], gsems.at[b, 0])
        gp = pltpu.async_copy(ptab.at[pi_v.at[c]], pr_v.at[b], gsems.at[b, 1])
        if c >= 2:
            for w in writes.pop(b):
                w.wait()
        gd.wait()
        gp.wait()
        base = wid * IPW + c * 128
        writes[b] = (
            pltpu.async_copy(dr_v.at[b], outd.at[pl.ds(base, 128)],
                             wsems.at[b, 0]),
            pltpu.async_copy(pr_v.at[b], outp.at[pl.ds(base, 128)],
                             wsems.at[b, 1]),
        )
    for ws in writes.values():
        for w in ws:
            w.wait()


@functools.cache
def _sc_gather():
    return pl.kernel(
        _sc_gather_body,
        mesh=plsc.VectorSubcoreMesh(core_axis_name="c", subcore_axis_name="s"),
        out_type=(
            jax.ShapeDtypeStruct((QTOT * KNN, GROUP), jnp.float32),
            jax.ShapeDtypeStruct((QTOT * KNN, GROUP), jnp.float32),
        ),
        scratch_types=[
            pltpu.VMEM((CHUNKS, 128), jnp.int32),
            pltpu.VMEM((CHUNKS, 128), jnp.int32),
            pltpu.VMEM((2, 128, GROUP), jnp.float32),
            pltpu.VMEM((2, 128, GROUP), jnp.float32),
            pltpu.SemaphoreType.DMA((2, 2)),
            pltpu.SemaphoreType.DMA((2, 2)),
        ],
    )


def _mean_body(pidx_ref, cd_ref, cp_ref, out_ref, m_ref):
    m_ref[...] = cd_ref[...]
    pv = cp_ref[...]
    lane = lax.broadcasted_iota(jnp.int32, (QT2, GROUP), 1)
    okey = jnp.concatenate(
        [pidx_ref[:, j:j + 1] * GROUP + lane for j in range(KNN)], axis=1)
    acc = jnp.zeros((QT2, 1), jnp.float32)
    for _ in range(KNN):
        m = m_ref[...]
        mn = jnp.min(m, axis=1, keepdims=True)
        sel = jnp.min(jnp.where(m == mn, okey, KPAD), axis=1, keepdims=True)
        hit = okey == sel
        acc = acc + jnp.sum(jnp.where(hit, pv, 0.0), axis=1, keepdims=True)
        m_ref[...] = jnp.where(hit, BIG, m)
    out_ref[...] = acc * (1.0 / KNN)


def _stage4(pidx, cd, cp):
    return pl.pallas_call(
        _mean_body,
        grid=(QTOT // QT2,),
        in_specs=[
            pl.BlockSpec((QT2, KNN), lambda qt: (qt, 0)),
            pl.BlockSpec((QT2, NCAND), lambda qt: (qt, 0)),
            pl.BlockSpec((QT2, NCAND), lambda qt: (qt, 0)),
        ],
        out_specs=pl.BlockSpec((QT2, 1), lambda qt: (qt, 0)),
        out_shape=jax.ShapeDtypeStruct((QTOT, 1), jnp.float32),
        scratch_shapes=[pltpu.VMEM((QT2, NCAND), jnp.float32)],
    )(pidx, cd, cp)


def kernel(queries, keys, pnls):
    keys_p = jnp.pad(keys, ((0, KPAD - NKEYS), (0, 0)))
    qsq = jnp.sum(queries * queries, axis=1, keepdims=True)
    ksq = jnp.sum(keys_p * keys_p, axis=1)[None, :]
    dist, gmin = _stage1(qsq, ksq, queries, keys_p)
    didx, pidx = _stage2(gmin.transpose(1, 0, 2).reshape(QTOT, NG))
    dtab = dist.reshape(QTOT * NG, GROUP)
    ptab = jnp.pad(pnls, (0, KPAD - NKEYS)).reshape(NG, GROUP)
    cd, cp = _sc_gather()(dtab, ptab,
                          didx.reshape(NW, CHUNKS, 128),
                          pidx.reshape(NW, CHUNKS, 128))
    out = _stage4(pidx, cd.reshape(QTOT, NCAND), cp.reshape(QTOT, NCAND))
    return out.reshape(QTOT)

# --- scband reference (transcript-rebuilt; emitter-appended) ---
"""Pipeline reference for scband-playbook-memory-37718402793932 (READ-ONLY COPY).

The authoritative reference and input builder live on the scoring server;
editing this copy changes nothing except your own understanding.
"""

import jax, jax.numpy as jnp
import numpy as np

K_NEIGHBORS = 32

def setup_inputs(seed: int = 0) -> dict:
    key = jax.random.key(seed)
    k1, k2, k3 = jax.random.split(key, 3)
    queries = jax.random.normal(k1, (1024, 128), dtype=jnp.float32)
    keys = jax.random.normal(k2, (100000, 128), dtype=jnp.float32)
    pnls = jax.random.normal(k3, (100000,), dtype=jnp.float32)
    return {"queries": queries, "keys": keys, "pnls": pnls}

def reference(queries, keys, pnls):
    # PlaybookMemory.recall, batched over queries:
    # 1) euclidean kNN over stored feature bank (NearestNeighbors.kneighbors)
    # 2) mean of pnls at the k nearest indices
    q_sq = jnp.sum(queries * queries, axis=1, keepdims=True)          # [Q, 1]
    k_sq = jnp.sum(keys * keys, axis=1)[None, :]                      # [1, K]
    dist2 = q_sq - 2.0 * (queries @ keys.T) + k_sq                    # [Q, K]
    _, idx = jax.lax.top_k(-dist2, K_NEIGHBORS)                       # nearest = smallest dist
    vals = jnp.take(pnls, idx, axis=0)                                # [Q, k]
    return jnp.mean(vals, axis=1)                                     # [Q]

if __name__ == "__main__":
    import jax
    _d = setup_inputs()
    print(jax.jit(kernel)(*tuple(_d.values())))

</pallas_src>

<mosaic_0001>
#map = affine_map<(d0, d1) -> (0, 0)>
#map1 = affine_map<(d0, d1) -> (0, 0, 0)>
module attributes {stable_mosaic.version = 14 : i64} {
  func.func @_sc_gather_body(%arg0: i32, %arg1: i32, %arg2: memref<802816x128xf32, #tpu.memory_space<hbm>>, %arg3: memref<784x128xf32, #tpu.memory_space<hbm>>, %arg4: memref<32x8x128xi32, #tpu.memory_space<hbm>>, %arg5: memref<32x8x128xi32, #tpu.memory_space<hbm>>, %arg6: memref<32768x128xf32, #tpu.memory_space<hbm>>, %arg7: memref<32768x128xf32, #tpu.memory_space<hbm>>, %arg8: memref<8x128xi32, #tpu.memory_space<vmem>>, %arg9: memref<8x128xi32, #tpu.memory_space<vmem>>, %arg10: memref<2x128x128xf32, #tpu.memory_space<vmem>>, %arg11: memref<2x128x128xf32, #tpu.memory_space<vmem>>, %arg12: memref<2x2x!tpu.dma_semaphore, #tpu.memory_space<semaphore_mem>>, %arg13: memref<2x2x!tpu.dma_semaphore, #tpu.memory_space<semaphore_mem>>) attributes {dimension_semantics = [#tpu.dimension_semantics<core_parallel>, #tpu.dimension_semantics<subcore_parallel>], iteration_bounds = array<i64: 2, 16>, scalar_prefetch = 0 : i64, scratch_operands = 6 : i64, tpu.core_type = #tpu.core_type<sc_vector_subcore>, window_params = [{transform_indices = #map}, {transform_indices = #map}, {transform_indices = #map1}, {transform_indices = #map1}, {transform_indices = #map}, {transform_indices = #map}]} {
    %mul3A = arith.constant 2 : i32
    %mul3A_0 = arith.muli %arg1, %mul3A : i32
    %add3A = arith.addi %mul3A_0, %arg0 : i32
    "tpu.region"() ({
      %run_scoped3A = tpu.sem_alloc : memref<!tpu.dma_semaphore, #tpu.memory_space<semaphore_mem>>
      %dma_start3A_1087 = arith.constant 0 : i32
      %dma_start3A_1088 = arith.constant 0 : i32
      %dma_start3A_1089 = tpu.memref_slice %arg4[%add3A, %dma_start3A_1087, %dma_start3A_1088] : memref<32x8x128xi32, #tpu.memory_space<hbm>> -> memref<1x8x128xi32, #tpu.memory_space<hbm>>
      %dma_start3A_1090 = tpu.memref_squeeze %dma_start3A_1089 : memref<1x8x128xi32, #tpu.memory_space<hbm>> -> memref<8x128xi32, #tpu.memory_space<hbm>>
      %dma_start3A_1091 = arith.constant 0 : i32
      %dma_start3A_1092 = arith.constant 0 : i32
      %dma_start3A_1093 = tpu.memref_slice %arg4[%add3A, %dma_start3A_1091, %dma_start3A_1092] : memref<32x8x128xi32, #tpu.memory_space<hbm>> -> memref<1x8x128xi32, #tpu.memory_space<hbm>>
      %dma_start3A_1094 = tpu.memref_squeeze %dma_start3A_1093 : memref<1x8x128xi32, #tpu.memory_space<hbm>> -> memref<8x128xi32, #tpu.memory_space<hbm>>
      tpu.enqueue_dma source(%dma_start3A_1094 : memref<8x128xi32, #tpu.memory_space<hbm>>) target(%arg8 : memref<8x128xi32, #tpu.memory_space<vmem>>) target_semaphore(%run_scoped3A : memref<!tpu.dma_semaphore, #tpu.memory_space<semaphore_mem>>)
      %dma_wait3A_1095 = arith.constant 0 : i32
      %dma_wait3A_1096 = arith.constant 0 : i32
      %dma_wait3A_1097 = tpu.memref_slice %arg4[%add3A, %dma_wait3A_1095, %dma_wait3A_1096] : memref<32x8x128xi32, #tpu.memory_space<hbm>> -> memref<1x8x128xi32, #tpu.memory_space<hbm>>
      %dma_wait3A_1098 = tpu.memref_squeeze %dma_wait3A_1097 : memref<1x8x128xi32, #tpu.memory_space<hbm>> -> memref<8x128xi32, #tpu.memory_space<hbm>>
      %dma_wait3A_1099 = arith.constant 0 : i32
      %dma_wait3A_1100 = arith.constant 0 : i32
      %dma_wait3A_1101 = tpu.memref_slice %arg4[%add3A, %dma_wait3A_1099, %dma_wait3A_1100] : memref<32x8x128xi32, #tpu.memory_space<hbm>> -> memref<1x8x128xi32, #tpu.memory_space<hbm>>
      %dma_wait3A_1102 = tpu.memref_squeeze %dma_wait3A_1101 : memref<1x8x128xi32, #tpu.memory_space<hbm>> -> memref<8x128xi32, #tpu.memory_space<hbm>>
      tpu.wait_dma2 semaphore(%run_scoped3A : memref<!tpu.dma_semaphore, #tpu.memory_space<semaphore_mem>>) src(%dma_wait3A_1102 : memref<8x128xi32, #tpu.memory_space<hbm>>) dst(%arg8 : memref<8x128xi32, #tpu.memory_space<vmem>>)
      tpu.yield
    }) : () -> ()
    "tpu.region"() ({
      %run_scoped3A = tpu.sem_alloc : memref<!tpu.dma_semaphore, #tpu.memory_space<semaphore_mem>>
      %dma_start3A_1087 = arith.constant 0 : i32
      %dma_start3A_1088 = arith.constant 0 : i32
      %dma_start3A_1089 = tpu.memref_slice %arg5[%add3A, %dma_start3A_1087, %dma_start3A_1088] : memref<32x8x128xi32, #tpu.memory_space<hbm>> -> memref<1x8x128xi32, #tpu.memory_space<hbm>>
      %dma_start3A_1090 = tpu.memref_squeeze %dma_start3A_1089 : memref<1x8x128xi32, #tpu.memory_space<hbm>> -> memref<8x128xi32, #tpu.memory_space<hbm>>
      %dma_start3A_1091 = arith.constant 0 : i32
      %dma_start3A_1092 = arith.constant 0 : i32
      %dma_start3A_1093 = tpu.memref_slice %arg5[%add3A, %dma_start3A_1091, %dma_start3A_1092] : memref<32x8x128xi32, #tpu.memory_space<hbm>> -> memref<1x8x128xi32, #tpu.memory_space<hbm>>
      %dma_start3A_1094 = tpu.memref_squeeze %dma_start3A_1093 : memref<1x8x128xi32, #tpu.memory_space<hbm>> -> memref<8x128xi32, #tpu.memory_space<hbm>>
      tpu.enqueue_dma source(%dma_start3A_1094 : memref<8x128xi32, #tpu.memory_space<hbm>>) target(%arg9 : memref<8x128xi32, #tpu.memory_space<vmem>>) target_semaphore(%run_scoped3A : memref<!tpu.dma_semaphore, #tpu.memory_space<semaphore_mem>>)
      %dma_wait3A_1095 = arith.constant 0 : i32
      %dma_wait3A_1096 = arith.constant 0 : i32
      %dma_wait3A_1097 = tpu.memref_slice %arg5[%add3A, %dma_wait3A_1095, %dma_wait3A_1096] : memref<32x8x128xi32, #tpu.memory_space<hbm>> -> memref<1x8x128xi32, #tpu.memory_space<hbm>>
      %dma_wait3A_1098 = tpu.memref_squeeze %dma_wait3A_1097 : memref<1x8x128xi32, #tpu.memory_space<hbm>> -> memref<8x128xi32, #tpu.memory_space<hbm>>
      %dma_wait3A_1099 = arith.constant 0 : i32
      %dma_wait3A_1100 = arith.constant 0 : i32
      %dma_wait3A_1101 = tpu.memref_slice %arg5[%add3A, %dma_wait3A_1099, %dma_wait3A_1100] : memref<32x8x128xi32, #tpu.memory_space<hbm>> -> memref<1x8x128xi32, #tpu.memory_space<hbm>>
      %dma_wait3A_1102 = tpu.memref_squeeze %dma_wait3A_1101 : memref<1x8x128xi32, #tpu.memory_space<hbm>> -> memref<8x128xi32, #tpu.memory_space<hbm>>
      tpu.wait_dma2 semaphore(%run_scoped3A : memref<!tpu.dma_semaphore, #tpu.memory_space<semaphore_mem>>) src(%dma_wait3A_1102 : memref<8x128xi32, #tpu.memory_space<hbm>>) dst(%arg9 : memref<8x128xi32, #tpu.memory_space<vmem>>)
      tpu.yield
    }) : () -> ()
    %dma_start3A = arith.constant 0 : i32
    %dma_start3A_1 = arith.constant 0 : i32
    %dma_start3A_2 = arith.constant 0 : i32
    %dma_start3A_3 = arith.constant 0 : i32
    %dma_start3A_4 = arith.constant 0 : i32
    %dma_start3A_5 = arith.constant 0 : i32
    %dma_start3A_6 = tpu.memref_slice %arg10[%dma_start3A_1, %dma_start3A_4, %dma_start3A_5] : memref<2x128x128xf32, #tpu.memory_space<vmem>> -> memref<1x128x128xf32, #tpu.memory_space<vmem>>
    %dma_start3A_7 = tpu.memref_squeeze %dma_start3A_6 : memref<1x128x128xf32, #tpu.memory_space<vmem>> -> memref<128x128xf32, #tpu.memory_space<vmem>>
    %dma_start3A_8 = arith.constant 0 : i32
    %dma_start3A_9 = tpu.memref_slice %arg8[%dma_start3A, %dma_start3A_8] : memref<8x128xi32, #tpu.memory_space<vmem>> -> memref<1x128xi32, #tpu.memory_space<vmem>>
    %dma_start3A_10 = tpu.memref_squeeze %dma_start3A_9 : memref<1x128xi32, #tpu.memory_space<vmem>> -> memref<128xi32, #tpu.memory_space<vmem>>
    %dma_start3A_11 = arith.constant 0 : i32
    %dma_start3A_12 = arith.constant 0 : i32
    %dma_start3A_13 = tpu.memref_slice %arg2[%dma_start3A_11, %dma_start3A_12] : memref<802816x128xf32, #tpu.memory_space<hbm>> -> memref<802816x128xf32, #tpu.memory_space<hbm>>
    %dma_start3A_14 = tpu.memref_slice %arg12[%dma_start3A_2, %dma_start3A_3] : memref<2x2x!tpu.dma_semaphore, #tpu.memory_space<semaphore_mem>> -> memref<1x1x!tpu.dma_semaphore, #tpu.memory_space<semaphore_mem>>
    %dma_start3A_15 = tpu.memref_squeeze %dma_start3A_14 : memref<1x1x!tpu.dma_semaphore, #tpu.memory_space<semaphore_mem>> -> memref<!tpu.dma_semaphore, #tpu.memory_space<semaphore_mem>>
    tpu.enqueue_indirect_dma source(%dma_start3A_13 : memref<802816x128xf32, #tpu.memory_space<hbm>>) target(%dma_start3A_7 : memref<128x128xf32, #tpu.memory_space<vmem>>) offsets(%dma_start3A_10 : memref<128xi32, #tpu.memory_space<vmem>>) semaphore(%dma_start3A_15 : memref<!tpu.dma_semaphore, #tpu.memory_space<semaphore_mem>>)
    %dma_start3A_16 = arith.constant 0 : i32
    %dma_start3A_17 = arith.constant 0 : i32
    %dma_start3A_18 = arith.constant 0 : i32
    %dma_start3A_19 = arith.constant 1 : i32
    %dma_start3A_20 = arith.constant 0 : i32
    %dma_start3A_21 = arith.constant 0 : i32
    %dma_start3A_22 = tpu.memref_slice %arg11[%dma_start3A_17, %dma_start3A_20, %dma_start3A_21] : memref<2x128x128xf32, #tpu.memory_space<vmem>> -> memref<1x128x128xf32, #tpu.memory_space<vmem>>
    %dma_start3A_23 = tpu.memref_squeeze %dma_start3A_22 : memref<1x128x128xf32, #tpu.memory_space<vmem>> -> memref<128x128xf32, #tpu.memory_space<vmem>>
    %dma_start3A_24 = arith.constant 0 : i32
    %dma_start3A_25 = tpu.memref_slice %arg9[%dma_start3A_16, %dma_start3A_24] : memref<8x128xi32, #tpu.memory_space<vmem>> -> memref<1x128xi32, #tpu.memory_space<vmem>>
    %dma_start3A_26 = tpu.memref_squeeze %dma_start3A_25 : memref<1x128xi32, #tpu.memory_space<vmem>> -> memref<128xi32, #tpu.memory_space<vmem>>
    %dma_start3A_27 = arith.constant 0 : i32
    %dma_start3A_28 = arith.constant 0 : i32
    %dma_start3A_29 = tpu.memref_slice %arg3[%dma_start3A_27, %dma_start3A_28] : memref<784x128xf32, #tpu.memory_space<hbm>> -> memref<784x128xf32, #tpu.memory_space<hbm>>
    %dma_start3A_30 = tpu.memref_slice %arg12[%dma_start3A_18, %dma_start3A_19] : memref<2x2x!tpu.dma_semaphore, #tpu.memory_space<semaphore_mem>> -> memref<1x1x!tpu.dma_semaphore, #tpu.memory_space<semaphore_mem>>
    %dma_start3A_31 = tpu.memref_squeeze %dma_start3A_30 : memref<1x1x!tpu.dma_semaphore, #tpu.memory_space<semaphore_mem>> -> memref<!tpu.dma_semaphore, #tpu.memory_space<semaphore_mem>>
    tpu.enqueue_indirect_dma source(%dma_start3A_29 : memref<784x128xf32, #tpu.memory_space<hbm>>) target(%dma_start3A_23 : memref<128x128xf32, #tpu.memory_space<vmem>>) offsets(%dma_start3A_26 : memref<128xi32, #tpu.memory_space<vmem>>) semaphore(%dma_start3A_31 : memref<!tpu.dma_semaphore, #tpu.memory_space<semaphore_mem>>)
    %dma_wait3A = arith.constant 0 : i32
    %dma_wait3A_32 = arith.constant 0 : i32
    %dma_wait3A_33 = arith.constant 0 : i32
    %dma_wait3A_34 = arith.constant 0 : i32
    %dma_wait3A_35 = arith.constant 0 : i32
    %dma_wait3A_36 = arith.constant 0 : i32
    %dma_wait3A_37 = tpu.memref_slice %arg10[%dma_wait3A_32, %dma_wait3A_35, %dma_wait3A_36] : memref<2x128x128xf32, #tpu.memory_space<vmem>> -> memref<1x128x128xf32, #tpu.memory_space<vmem>>
    %dma_wait3A_38 = tpu.memref_squeeze %dma_wait3A_37 : memref<1x128x128xf32, #tpu.memory_space<vmem>> -> memref<128x128xf32, #tpu.memory_space<vmem>>
    %dma_wait3A_39 = arith.constant 0 : i32
    %dma_wait3A_40 = tpu.memref_slice %arg8[%dma_wait3A, %dma_wait3A_39] : memref<8x128xi32, #tpu.memory_space<vmem>> -> memref<1x128xi32, #tpu.memory_space<vmem>>
    %dma_wait3A_41 = tpu.memref_squeeze %dma_wait3A_40 : memref<1x128xi32, #tpu.memory_space<vmem>> -> memref<128xi32, #tpu.memory_space<vmem>>
    %dma_wait3A_42 = arith.constant 0 : i32
    %dma_wait3A_43 = arith.constant 0 : i32
    %dma_wait3A_44 = tpu.memref_slice %arg2[%dma_wait3A_42, %dma_wait3A_43] : memref<802816x128xf32, #tpu.memory_space<hbm>> -> memref<802816x128xf32, #tpu.memory_space<hbm>>
    %dma_wait3A_45 = tpu.memref_slice %arg12[%dma_wait3A_33, %dma_wait3A_34] : memref<2x2x!tpu.dma_semaphore, #tpu.memory_space<semaphore_mem>> -> memref<1x1x!tpu.dma_semaphore, #tpu.memory_space<semaphore_mem>>
    %dma_wait3A_46 = tpu.memref_squeeze %dma_wait3A_45 : memref<1x1x!tpu.dma_semaphore, #tpu.memory_space<semaphore_mem>> -> memref<!tpu.dma_semaphore, #tpu.memory_space<semaphore_mem>>
    tpu.wait_indirect_dma semaphore(%dma_wait3A_46 : memref<!tpu.dma_semaphore, #tpu.memory_space<semaphore_mem>>) src(%dma_wait3A_44 : memref<802816x128xf32, #tpu.memory_space<hbm>>) dst(%dma_wait3A_38 : memref<128x128xf32, #tpu.memory_space<vmem>>)
    %dma_wait3A_47 = arith.constant 0 : i32
    %dma_wait3A_48 = arith.constant 0 : i32
    %dma_wait3A_49 = arith.constant 0 : i32
    %dma_wait3A_50 = arith.constant 1 : i32
    %dma_wait3A_51 = arith.constant 0 : i32
    %dma_wait3A_52 = arith.constant 0 : i32
    %dma_wait3A_53 = tpu.memref_slice %arg11[%dma_wait3A_48, %dma_wait3A_51, %dma_wait3A_52] : memref<2x128x128xf32, #tpu.memory_space<vmem>> -> memref<1x128x128xf32, #tpu.memory_space<vmem>>
    %dma_wait3A_54 = tpu.memref_squeeze %dma_wait3A_53 : memref<1x128x128xf32, #tpu.memory_space<vmem>> -> memref<128x128xf32, #tpu.memory_space<vmem>>
    %dma_wait3A_55 = arith.constant 0 : i32
    %dma_wait3A_56 = tpu.memref_slice %arg9[%dma_wait3A_47, %dma_wait3A_55] : memref<8x128xi32, #tpu.memory_space<vmem>> -> memref<1x128xi32, #tpu.memory_space<vmem>>
    %dma_wait3A_57 = tpu.memref_squeeze %dma_wait3A_56 : memref<1x128xi32, #tpu.memory_space<vmem>> -> memref<128xi32, #tpu.memory_space<vmem>>
    %dma_wait3A_58 = arith.constant 0 : i32
    %dma_wait3A_59 = arith.constant 0 : i32
    %dma_wait3A_60 = tpu.memref_slice %arg3[%dma_wait3A_58, %dma_wait3A_59] : memref<784x128xf32, #tpu.memory_space<hbm>> -> memref<784x128xf32, #tpu.memory_space<hbm>>
    %dma_wait3A_61 = tpu.memref_slice %arg12[%dma_wait3A_49, %dma_wait3A_50] : memref<2x2x!tpu.dma_semaphore, #tpu.memory_space<semaphore_mem>> -> memref<1x1x!tpu.dma_semaphore, #tpu.memory_space<semaphore_mem>>
    %dma_wait3A_62 = tpu.memref_squeeze %dma_wait3A_61 : memref<1x1x!tpu.dma_semaphore, #tpu.memory_space<semaphore_mem>> -> memref<!tpu.dma_semaphore, #tpu.memory_space<semaphore_mem>>
    tpu.wait_indirect_dma semaphore(%dma_wait3A_62 : memref<!tpu.dma_semaphore, #tpu.memory_space<semaphore_mem>>) src(%dma_wait3A_60 : memref<784x128xf32, #tpu.memory_space<hbm>>) dst(%dma_wait3A_54 : memref<128x128xf32, #tpu.memory_space<vmem>>)
    %mul3A_63 = arith.constant 1024 : i32
    %mul3A_64 = arith.muli %add3A, %mul3A_63 : i32
    %add3A_65 = arith.constant 0 : i32
    %add3A_66 = arith.addi %mul3A_64, %add3A_65 : i32
    %dma_start3A_67 = arith.constant 0 : i32
    %dma_start3A_68 = arith.constant 0 : i32
    %dma_start3A_69 = arith.constant 0 : i32
    %dma_start3A_70 = arith.constant 0 : i32
    %dma_start3A_71 = arith.constant 0 : i32
    %dma_start3A_72 = tpu.memref_slice %arg10[%dma_start3A_67, %dma_start3A_70, %dma_start3A_71] : memref<2x128x128xf32, #tpu.memory_space<vmem>> -> memref<1x128x128xf32, #tpu.memory_space<vmem>>
    %dma_start3A_73 = tpu.memref_squeeze %dma_start3A_72 : memref<1x128x128xf32, #tpu.memory_space<vmem>> -> memref<128x128xf32, #tpu.memory_space<vmem>>
    %dma_start3A_74 = arith.constant 0 : i32
    %dma_start3A_75 = tpu.memref_slice %arg6[%add3A_66, %dma_start3A_74] : memref<32768x128xf32, #tpu.memory_space<hbm>> -> memref<128x128xf32, #tpu.memory_space<hbm>>
    %dma_start3A_76 = tpu.memref_slice %arg13[%dma_start3A_68, %dma_start3A_69] : memref<2x2x!tpu.dma_semaphore, #tpu.memory_space<semaphore_mem>> -> memref<1x1x!tpu.dma_semaphore, #tpu.memory_space<semaphore_mem>>
    %dma_start3A_77 = tpu.memref_squeeze %dma_start3A_76 : memref<1x1x!tpu.dma_semaphore, #tpu.memory_space<semaphore_mem>> -> memref<!tpu.dma_semaphore, #tpu.memory_space<semaphore_mem>>
    %dma_start3A_78 = arith.constant 0 : i32
    %dma_start3A_79 = tpu.memref_slice %arg6[%add3A_66, %dma_start3A_78] : memref<32768x128xf32, #tpu.memory_space<hbm>> -> memref<128x128xf32, #tpu.memory_space<hbm>>
    %dma_start3A_80 = arith.constant 0 : i32
    %dma_start3A_81 = arith.constant 0 : i32
    %dma_start3A_82 = tpu.memref_slice %arg10[%dma_start3A_67, %dma_start3A_80, %dma_start3A_81] : memref<2x128x128xf32, #tpu.memory_space<vmem>> -> memref<1x128x128xf32, #tpu.memory_space<vmem>>
    %dma_start3A_83 = tpu.memref_squeeze %dma_start3A_82 : memref<1x128x128xf32, #tpu.memory_space<vmem>> -> memref<128x128xf32, #tpu.memory_space<vmem>>
    tpu.enqueue_dma source(%dma_start3A_83 : memref<128x128xf32, #tpu.memory_space<vmem>>) target(%dma_start3A_79 : memref<128x128xf32, #tpu.memory_space<hbm>>) target_semaphore(%dma_start3A_77 : memref<!tpu.dma_semaphore, #tpu.memory_space<semaphore_mem>>)
    %dma_start3A_84 = arith.constant 0 : i32
    %dma_start3A_85 = arith.constant 0 : i32
    %dma_start3A_86 = arith.constant 1 : i32
    %dma_start3A_87 = arith.constant 0 : i32
    %dma_start3A_88 = arith.constant 0 : i32
    %dma_start3A_89 = tpu.memref_slice %arg11[%dma_start3A_84, %dma_start3A_87, %dma_start3A_88] : memref<2x128x128xf32, #tpu.memory_space<vmem>> -> memref<1x128x128xf32, #tpu.memory_space<vmem>>
    %dma_start3A_90 = tpu.memref_squeeze %dma_start3A_89 : memref<1x128x128xf32, #tpu.memory_space<vmem>> -> memref<128x128xf32, #tpu.memory_space<vmem>>
    %dma_start3A_91 = arith.constant 0 : i32
    %dma_start3A_92 = tpu.memref_slice %arg7[%add3A_66, %dma_start3A_91] : memref<32768x128xf32, #tpu.memory_space<hbm>> -> memref<128x128xf32, #tpu.memory_space<hbm>>
    %dma_start3A_93 = tpu.memref_slice %arg13[%dma_start3A_85, %dma_start3A_86] : memref<2x2x!tpu.dma_semaphore, #tpu.memory_space<semaphore_mem>> -> memref<1x1x!tpu.dma_semaphore, #tpu.memory_space<semaphore_mem>>
    %dma_start3A_94 = tpu.memref_squeeze %dma_start3A_93 : memref<1x1x!tpu.dma_semaphore, #tpu.memory_space<semaphore_mem>> -> memref<!tpu.dma_semaphore, #tpu.memory_space<semaphore_mem>>
    %dma_start3A_95 = arith.constant 0 : i32
    %dma_start3A_96 = tpu.memref_slice %arg7[%add3A_66, %dma_start3A_95] : memref<32768x128xf32, #tpu.memory_space<hbm>> -> memref<128x128xf32, #tpu.memory_space<hbm>>
    %dma_start3A_97 = arith.constant 0 : i32
    %dma_start3A_98 = arith.constant 0 : i32
    %dma_start3A_99 = tpu.memref_slice %arg11[%dma_start3A_84, %dma_start3A_97, %dma_start3A_98] : memref<2x128x128xf32, #tpu.memory_space<vmem>> -> memref<1x128x128xf32, #tpu.memory_space<vmem>>
    %dma_start3A_100 = tpu.memref_squeeze %dma_start3A_99 : memref<1x128x128xf32, #tpu.memory_space<vmem>> -> memref<128x128xf32, #tpu.memory_space<vmem>>
    tpu.enqueue_dma source(%dma_start3A_100 : memref<128x128xf32, #tpu.memory_space<vmem>>) target(%dma_start3A_96 : memref<128x128xf32, #tpu.memory_space<hbm>>) target_semaphore(%dma_start3A_94 : memref<!tpu.dma_semaphore, #tpu.memory_space<semaphore_mem>>)
    %dma_start3A_101 = arith.constant 1 : i32
    %dma_start3A_102 = arith.constant 1 : i32
    %dma_start3A_103 = arith.constant 1 : i32
    %dma_start3A_104 = arith.constant 0 : i32
    %dma_start3A_105 = arith.constant 0 : i32
    %dma_start3A_106 = arith.constant 0 : i32
    %dma_start3A_107 = tpu.memref_slice %arg10[%dma_start3A_102, %dma_start3A_105, %dma_start3A_106] : memref<2x128x128xf32, #tpu.memory_space<vmem>> -> memref<1x128x128xf32, #tpu.memory_space<vmem>>
    %dma_start3A_108 = tpu.memref_squeeze %dma_start3A_107 : memref<1x128x128xf32, #tpu.memory_space<vmem>> -> memref<128x128xf32, #tpu.memory_space<vmem>>
    %dma_start3A_109 = arith.constant 0 : i32
    %dma_start3A_110 = tpu.memref_slice %arg8[%dma_start3A_101, %dma_start3A_109] : memref<8x128xi32, #tpu.memory_space<vmem>> -> memref<1x128xi32, #tpu.memory_space<vmem>>
    %dma_start3A_111 = tpu.memref_squeeze %dma_start3A_110 : memref<1x128xi32, #tpu.memory_space<vmem>> -> memref<128xi32, #tpu.memory_space<vmem>>
    %dma_start3A_112 = arith.constant 0 : i32
    %dma_start3A_113 = arith.constant 0 : i32
    %dma_start3A_114 = tpu.memref_slice %arg2[%dma_start3A_112, %dma_start3A_113] : memref<802816x128xf32, #tpu.memory_space<hbm>> -> memref<802816x128xf32, #tpu.memory_space<hbm>>
    %dma_start3A_115 = tpu.memref_slice %arg12[%dma_start3A_103, %dma_start3A_104] : memref<2x2x!tpu.dma_semaphore, #tpu.memory_space<semaphore_mem>> -> memref<1x1x!tpu.dma_semaphore, #tpu.memory_space<semaphore_mem>>
    %dma_start3A_116 = tpu.memref_squeeze %dma_start3A_115 : memref<1x1x!tpu.dma_semaphore, #tpu.memory_space<semaphore_mem>> -> memref<!tpu.dma_semaphore, #tpu.memory_space<semaphore_mem>>
    tpu.enqueue_indirect_dma source(%dma_start3A_114 : memref<802816x128xf32, #tpu.memory_space<hbm>>) target(%dma_start3A_108 : memref<128x128xf32, #tpu.memory_space<vmem>>) offsets(%dma_start3A_111 : memref<128xi32, #tpu.memory_space<vmem>>) semaphore(%dma_start3A_116 : memref<!tpu.dma_semaphore, #tpu.memory_space<semaphore_mem>>)
    %dma_start3A_117 = arith.constant 1 : i32
    %dma_start3A_118 = arith.constant 1 : i32
    %dma_start3A_119 = arith.constant 1 : i32
    %dma_start3A_120 = arith.constant 1 : i32
    %dma_start3A_121 = arith.constant 0 : i32
    %dma_start3A_122 = arith.constant 0 : i32
    %dma_start3A_123 = tpu.memref_slice %arg11[%dma_start3A_118, %dma_start3A_121, %dma_start3A_122] : memref<2x128x128xf32, #tpu.memory_space<vmem>> -> memref<1x128x128xf32, #tpu.memory_space<vmem>>
    %dma_start3A_124 = tpu.memref_squeeze %dma_start3A_123 : memref<1x128x128xf32, #tpu.memory_space<vmem>> -> memref<128x128xf32, #tpu.memory_space<vmem>>
    %dma_start3A_125 = arith.constant 0 : i32
    %dma_start3A_126 = tpu.memref_slice %arg9[%dma_start3A_117, %dma_start3A_125] : memref<8x128xi32, #tpu.memory_space<vmem>> -> memref<1x128xi32, #tpu.memory_space<vmem>>
    %dma_start3A_127 = tpu.memref_squeeze %dma_start3A_126 : memref<1x128xi32, #tpu.memory_space<vmem>> -> memref<128xi32, #tpu.memory_space<vmem>>
    %dma_start3A_128 = arith.constant 0 : i32
    %dma_start3A_129 = arith.constant 0 : i32
    %dma_start3A_130 = tpu.memref_slice %arg3[%dma_start3A_128, %dma_start3A_129] : memref<784x128xf32, #tpu.memory_space<hbm>> -> memref<784x128xf32, #tpu.memory_space<hbm>>
    %dma_start3A_131 = tpu.memref_slice %arg12[%dma_start3A_119, %dma_start3A_120] : memref<2x2x!tpu.dma_semaphore, #tpu.memory_space<semaphore_mem>> -> memref<1x1x!tpu.dma_semaphore, #tpu.memory_space<semaphore_mem>>
    %dma_start3A_132 = tpu.memref_squeeze %dma_start3A_131 : memref<1x1x!tpu.dma_semaphore, #tpu.memory_space<semaphore_mem>> -> memref<!tpu.dma_semaphore, #tpu.memory_space<semaphore_mem>>
    tpu.enqueue_indirect_dma source(%dma_start3A_130 : memref<784x128xf32, #tpu.memory_space<hbm>>) target(%dma_start3A_124 : memref<128x128xf32, #tpu.memory_space<vmem>>) offsets(%dma_start3A_127 : memref<128xi32, #tpu.memory_space<vmem>>) semaphore(%dma_start3A_132 : memref<!tpu.dma_semaphore, #tpu.memory_space<semaphore_mem>>)
    %dma_wait3A_133 = arith.constant 1 : i32
    %dma_wait3A_134 = arith.constant 1 : i32
    %dma_wait3A_135 = arith.constant 1 : i32
    %dma_wait3A_136 = arith.constant 0 : i32
    %dma_wait3A_137 = arith.constant 0 : i32
    %dma_wait3A_138 = arith.constant 0 : i32
    %dma_wait3A_139 = tpu.memref_slice %arg10[%dma_wait3A_134, %dma_wait3A_137, %dma_wait3A_138] : memref<2x128x128xf32, #tpu.memory_space<vmem>> -> memref<1x128x128xf32, #tpu.memory_space<vmem>>
    %dma_wait3A_140 = tpu.memref_squeeze %dma_wait3A_139 : memref<1x128x128xf32, #tpu.memory_space<vmem>> -> memref<128x128xf32, #tpu.memory_space<vmem>>
    %dma_wait3A_141 = arith.constant 0 : i32
    %dma_wait3A_142 = tpu.memref_slice %arg8[%dma_wait3A_133, %dma_wait3A_141] : memref<8x128xi32, #tpu.memory_space<vmem>> -> memref<1x128xi32, #tpu.memory_space<vmem>>
    %dma_wait3A_143 = tpu.memref_squeeze %dma_wait3A_142 : memref<1x128xi32, #tpu.memory_space<vmem>> -> memref<128xi32, #tpu.memory_space<vmem>>
    %dma_wait3A_144 = arith.constant 0 : i32
    %dma_wait3A_145 = arith.constant 0 : i32
    %dma_wait3A_146 = tpu.memref_slice %arg2[%dma_wait3A_144, %dma_wait3A_145] : memref<802816x128xf32, #tpu.memory_space<hbm>> -> memref<802816x128xf32, #tpu.memory_space<hbm>>
    %dma_wait3A_147 = tpu.memref_slice %arg12[%dma_wait3A_135, %dma_wait3A_136] : memref<2x2x!tpu.dma_semaphore, #tpu.memory_space<semaphore_mem>> -> memref<1x1x!tpu.dma_semaphore, #tpu.memory_space<semaphore_mem>>
    %dma_wait3A_148 = tpu.memref_squeeze %dma_wait3A_147 : memref<1x1x!tpu.dma_semaphore, #tpu.memory_space<semaphore_mem>> -> memref<!tpu.dma_semaphore, #tpu.memory_space<semaphore_mem>>
    tpu.wait_indirect_dma semaphore(%dma_wait3A_148 : memref<!tpu.dma_semaphore, #tpu.memory_space<semaphore_mem>>) src(%dma_wait3A_146 : memref<802816x128xf32, #tpu.memory_space<hbm>>) dst(%dma_wait3A_140 : memref<128x128xf32, #tpu.memory_space<vmem>>)
    %dma_wait3A_149 = arith.constant 1 : i32
    %dma_wait3A_150 = arith.constant 1 : i32
    %dma_wait3A_151 = arith.constant 1 : i32
    %dma_wait3A_152 = arith.constant 1 : i32
    %dma_wait3A_153 = arith.constant 0 : i32
    %dma_wait3A_154 = arith.constant 0 : i32
    %dma_wait3A_155 = tpu.memref_slice %arg11[%dma_wait3A_150, %dma_wait3A_153, %dma_wait3A_154] : memref<2x128x128xf32, #tpu.memory_space<vmem>> -> memref<1x128x128xf32, #tpu.memory_space<vmem>>
    %dma_wait3A_156 = tpu.memref_squeeze %dma_wait3A_155 : memref<1x128x128xf32, #tpu.memory_space<vmem>> -> memref<128x128xf32, #tpu.memory_space<vmem>>
    %dma_wait3A_157 = arith.constant 0 : i32
    %dma_wait3A_158 = tpu.memref_slice %arg9[%dma_wait3A_149, %dma_wait3A_157] : memref<8x128xi32, #tpu.memory_space<vmem>> -> memref<1x128xi32, #tpu.memory_space<vmem>>
    %dma_wait3A_159 = tpu.memref_squeeze %dma_wait3A_158 : memref<1x128xi32, #tpu.memory_space<vmem>> -> memref<128xi32, #tpu.memory_space<vmem>>
    %dma_wait3A_160 = arith.constant 0 : i32
    %dma_wait3A_161 = arith.constant 0 : i32
    %dma_wait3A_162 = tpu.memref_slice %arg3[%dma_wait3A_160, %dma_wait3A_161] : memref<784x128xf32, #tpu.memory_space<hbm>> -> memref<784x128xf32, #tpu.memory_space<hbm>>
    %dma_wait3A_163 = tpu.memref_slice %arg12[%dma_wait3A_151, %dma_wait3A_152] : memref<2x2x!tpu.dma_semaphore, #tpu.memory_space<semaphore_mem>> -> memref<1x1x!tpu.dma_semaphore, #tpu.memory_space<semaphore_mem>>
    %dma_wait3A_164 = tpu.memref_squeeze %dma_wait3A_163 : memref<1x1x!tpu.dma_semaphore, #tpu.memory_space<semaphore_mem>> -> memref<!tpu.dma_semaphore, #tpu.memory_space<semaphore_mem>>
    tpu.wait_indirect_dma semaphore(%dma_wait3A_164 : memref<!tpu.dma_semaphore, #tpu.memory_space<semaphore_mem>>) src(%dma_wait3A_162 : memref<784x128xf32, #tpu.memory_space<hbm>>) dst(%dma_wait3A_156 : memref<128x128xf32, #tpu.memory_space<vmem>>)
    %mul3A_165 = arith.constant 1024 : i32
    %mul3A_166 = arith.muli %add3A, %mul3A_165 : i32
    %add3A_167 = arith.constant 128 : i32
    %add3A_168 = arith.addi %mul3A_166, %add3A_167 : i32
    %dma_start3A_169 = arith.constant 1 : i32
    %dma_start3A_170 = arith.constant 1 : i32
    %dma_start3A_171 = arith.constant 0 : i32
    %dma_start3A_172 = arith.constant 0 : i32
    %dma_start3A_173 = arith.constant 0 : i32
    %dma_start3A_174 = tpu.memref_slice %arg10[%dma_start3A_169, %dma_start3A_172, %dma_start3A_173] : memref<2x128x128xf32, #tpu.memory_space<vmem>> -> memref<1x128x128xf32, #tpu.memory_space<vmem>>
    %dma_start3A_175 = tpu.memref_squeeze %dma_start3A_174 : memref<1x128x128xf32, #tpu.memory_space<vmem>> -> memref<128x128xf32, #tpu.memory_space<vmem>>
    %dma_start3A_176 = arith.constant 0 : i32
    %dma_start3A_177 = tpu.memref_slice %arg6[%add3A_168, %dma_start3A_176] : memref<32768x128xf32, #tpu.memory_space<hbm>> -> memref<128x128xf32, #tpu.memory_space<hbm>>
    %dma_start3A_178 = tpu.memref_slice %arg13[%dma_start3A_170, %dma_start3A_171] : memref<2x2x!tpu.dma_semaphore, #tpu.memory_space<semaphore_mem>> -> memref<1x1x!tpu.dma_semaphore, #tpu.memory_space<semaphore_mem>>
    %dma_start3A_179 = tpu.memref_squeeze %dma_start3A_178 : memref<1x1x!tpu.dma_semaphore, #tpu.memory_space<semaphore_mem>> -> memref<!tpu.dma_semaphore, #tpu.memory_space<semaphore_mem>>
    %dma_start3A_180 = arith.constant 0 : i32
    %dma_start3A_181 = tpu.memref_slice %arg6[%add3A_168, %dma_start3A_180] : memref<32768x128xf32, #tpu.memory_space<hbm>> -> memref<128x128xf32, #tpu.memory_space<hbm>>
    %dma_start3A_182 = arith.constant 0 : i32
    %dma_start3A_183 = arith.constant 0 : i32
    %dma_start3A_184 = tpu.memref_slice %arg10[%dma_start3A_169, %dma_start3A_182, %dma_start3A_183] : memref<2x128x128xf32, #tpu.memory_space<vmem>> -> memref<1x128x128xf32, #tpu.memory_space<vmem>>
    %dma_start3A_185 = tpu.memref_squeeze %dma_start3A_184 : memref<1x128x128xf32, #tpu.memory_space<vmem>> -> memref<128x128xf32, #tpu.memory_space<vmem>>
    tpu.enqueue_dma source(%dma_start3A_185 : memref<128x128xf32, #tpu.memory_space<vmem>>) target(%dma_start3A_181 : memref<128x128xf32, #tpu.memory_space<hbm>>) target_semaphore(%dma_start3A_179 : memref<!tpu.dma_semaphore, #tpu.memory_space<semaphore_mem>>)
    %dma_start3A_186 = arith.constant 1 : i32
    %dma_start3A_187 = arith.constant 1 : i32
    %dma_start3A_188 = arith.constant 1 : i32
    %dma_start3A_189 = arith.constant 0 : i32
    %dma_start3A_190 = arith.constant 0 : i32
    %dma_start3A_191 = tpu.memref_slice %arg11[%dma_start3A_186, %dma_start3A_189, %dma_start3A_190] : memref<2x128x128xf32, #tpu.memory_space<vmem>> -> memref<1x128x128xf32, #tpu.memory_space<vmem>>
    %dma_start3A_192 = tpu.memref_squeeze %dma_start3A_191 : memref<1x128x128xf32, #tpu.memory_space<vmem>> -> memref<128x128xf32, #tpu.memory_space<vmem>>
    %dma_start3A_193 = arith.constant 0 : i32
    %dma_start3A_194 = tpu.memref_slice %arg7[%add3A_168, %dma_start3A_193] : memref<32768x128xf32, #tpu.memory_space<hbm>> -> memref<128x128xf32, #tpu.memory_space<hbm>>
    %dma_start3A_195 = tpu.memref_slice %arg13[%dma_start3A_187, %dma_start3A_188] : memref<2x2x!tpu.dma_semaphore, #tpu.memory_space<semaphore_mem>> -> memref<1x1x!tpu.dma_semaphore, #tpu.memory_space<semaphore_mem>>
    %dma_start3A_196 = tpu.memref_squeeze %dma_start3A_195 : memref<1x1x!tpu.dma_semaphore, #tpu.memory_space<semaphore_mem>> -> memref<!tpu.dma_semaphore, #tpu.memory_space<semaphore_mem>>
    %dma_start3A_197 = arith.constant 0 : i32
    %dma_start3A_198 = tpu.memref_slice %arg7[%add3A_168, %dma_start3A_197] : memref<32768x128xf32, #tpu.memory_space<hbm>> -> memref<128x128xf32, #tpu.memory_space<hbm>>
    %dma_start3A_199 = arith.constant 0 : i32
    %dma_start3A_200 = arith.constant 0 : i32
    %dma_start3A_201 = tpu.memref_slice %arg11[%dma_start3A_186, %dma_start3A_199, %dma_start3A_200] : memref<2x128x128xf32, #tpu.memory_space<vmem>> -> memref<1x128x128xf32, #tpu.memory_space<vmem>>
    %dma_start3A_202 = tpu.memref_squeeze %dma_start3A_201 : memref<1x128x128xf32, #tpu.memory_space<vmem>> -> memref<128x128xf32, #tpu.memory_space<vmem>>
    tpu.enqueue_dma source(%dma_start3A_202 : memref<128x128xf32, #tpu.memory_space<vmem>>) target(%dma_start3A_198 : memref<128x128xf32, #tpu.memory_space<hbm>>) target_semaphore(%dma_start3A_196 : memref<!tpu.dma_semaphore, #tpu.memory_space<semaphore_mem>>)
    %dma_start3A_203 = arith.constant 2 : i32
    %dma_start3A_204 = arith.constant 0 : i32
    %dma_start3A_205 = arith.constant 0 : i32
    %dma_start3A_206 = arith.constant 0 : i32
    %dma_start3A_207 = arith.constant 0 : i32
    %dma_start3A_208 = arith.constant 0 : i32
    %dma_start3A_209 = tpu.memref_slice %arg10[%dma_start3A_204, %dma_start3A_207, %dma_start3A_208] : memref<2x128x128xf32, #tpu.memory_space<vmem>> -> memref<1x128x128xf32, #tpu.memory_space<vmem>>
    %dma_start3A_210 = tpu.memref_squeeze %dma_start3A_209 : memref<1x128x128xf32, #tpu.memory_space<vmem>> -> memref<128x128xf32, #tpu.memory_space<vmem>>
    %dma_start3A_211 = arith.constant 0 : i32
    %dma_start3A_212 = tpu.memref_slice %arg8[%dma_start3A_203, %dma_start3A_211] : memref<8x128xi32, #tpu.memory_space<vmem>> -> memref<1x128xi32, #tpu.memory_space<vmem>>
    %dma_start3A_213 = tpu.memref_squeeze %dma_start3A_212 : memref<1x128xi32, #tpu.memory_space<vmem>> -> memref<128xi32, #tpu.memory_space<vmem>>
    %dma_start3A_214 = arith.constant 0 : i32
    %dma_start3A_215 = arith.constant 0 : i32
    %dma_start3A_216 = tpu.memref_slice %arg2[%dma_start3A_214, %dma_start3A_215] : memref<802816x128xf32, #tpu.memory_space<hbm>> -> memref<802816x128xf32, #tpu.memory_space<hbm>>
    %dma_start3A_217 = tpu.memref_slice %arg12[%dma_start3A_205, %dma_start3A_206] : memref<2x2x!tpu.dma_semaphore, #tpu.memory_space<semaphore_mem>> -> memref<1x1x!tpu.dma_semaphore, #tpu.memory_space<semaphore_mem>>
    %dma_start3A_218 = tpu.memref_squeeze %dma_start3A_217 : memref<1x1x!tpu.dma_semaphore, #tpu.memory_space<semaphore_mem>> -> memref<!tpu.dma_semaphore, #tpu.memory_space<semaphore_mem>>
    tpu.enqueue_indirect_dma source(%dma_start3A_216 : memref<802816x128xf32, #tpu.memory_space<hbm>>) target(%dma_start3A_210 : memref<128x128xf32, #tpu.memory_space<vmem>>) offsets(%dma_start3A_213 : memref<128xi32, #tpu.memory_space<vmem>>) semaphore(%dma_start3A_218 : memref<!tpu.dma_semaphore, #tpu.memory_space<semaphore_mem>>)
    %dma_start3A_219 = arith.constant 2 : i32
    %dma_start3A_220 = arith.constant 0 : i32
    %dma_start3A_221 = arith.constant 0 : i32
    %dma_start3A_222 = arith.constant 1 : i32
    %dma_start3A_223 = arith.constant 0 : i32
    %dma_start3A_224 = arith.constant 0 : i32
    %dma_start3A_225 = tpu.memref_slice %arg11[%dma_start3A_220, %dma_start3A_223, %dma_start3A_224] : memref<2x128x128xf32, #tpu.memory_space<vmem>> -> memref<1x128x128xf32, #tpu.memory_space<vmem>>
    %dma_start3A_226 = tpu.memref_squeeze %dma_start3A_225 : memref<1x128x128xf32, #tpu.memory_space<vmem>> -> memref<128x128xf32, #tpu.memory_space<vmem>>
    %dma_start3A_227 = arith.constant 0 : i32
    %dma_start3A_228 = tpu.memref_slice %arg9[%dma_start3A_219, %dma_start3A_227] : memref<8x128xi32, #tpu.memory_space<vmem>> -> memref<1x128xi32, #tpu.memory_space<vmem>>
    %dma_start3A_229 = tpu.memref_squeeze %dma_start3A_228 : memref<1x128xi32, #tpu.memory_space<vmem>> -> memref<128xi32, #tpu.memory_space<vmem>>
    %dma_start3A_230 = arith.constant 0 : i32
    %dma_start3A_231 = arith.constant 0 : i32
    %dma_start3A_232 = tpu.memref_slice %arg3[%dma_start3A_230, %dma_start3A_231] : memref<784x128xf32, #tpu.memory_space<hbm>> -> memref<784x128xf32, #tpu.memory_space<hbm>>
    %dma_start3A_233 = tpu.memref_slice %arg12[%dma_start3A_221, %dma_start3A_222] : memref<2x2x!tpu.dma_semaphore, #tpu.memory_space<semaphore_mem>> -> memref<1x1x!tpu.dma_semaphore, #tpu.memory_space<semaphore_mem>>
    %dma_start3A_234 = tpu.memref_squeeze %dma_start3A_233 : memref<1x1x!tpu.dma_semaphore, #tpu.memory_space<semaphore_mem>> -> memref<!tpu.dma_semaphore, #tpu.memory_space<semaphore_mem>>
    tpu.enqueue_indirect_dma source(%dma_start3A_232 : memref<784x128xf32, #tpu.memory_space<hbm>>) target(%dma_start3A_226 : memref<128x128xf32, #tpu.memory_space<vmem>>) offsets(%dma_start3A_229 : memref<128xi32, #tpu.memory_space<vmem>>) semaphore(%dma_start3A_234 : memref<!tpu.dma_semaphore, #tpu.memory_space<semaphore_mem>>)
    %dma_wait3A_235 = arith.constant 0 : i32
    %dma_wait3A_236 = arith.constant 0 : i32
    %dma_wait3A_237 = arith.constant 0 : i32
    %dma_wait3A_238 = arith.constant 0 : i32
    %dma_wait3A_239 = arith.constant 0 : i32
    %dma_wait3A_240 = tpu.memref_slice %arg10[%dma_wait3A_235, %dma_wait3A_238, %dma_wait3A_239] : memref<2x128x128xf32, #tpu.memory_space<vmem>> -> memref<1x128x128xf32, #tpu.memory_space<vmem>>
    %dma_wait3A_241 = tpu.memref_squeeze %dma_wait3A_240 : memref<1x128x128xf32, #tpu.memory_space<vmem>> -> memref<128x128xf32, #tpu.memory_space<vmem>>
    %dma_wait3A_242 = arith.constant 0 : i32
    %dma_wait3A_243 = tpu.memref_slice %arg6[%add3A_66, %dma_wait3A_242] : memref<32768x128xf32, #tpu.memory_space<hbm>> -> memref<128x128xf32, #tpu.memory_space<hbm>>
    %dma_wait3A_244 = tpu.memref_slice %arg13[%dma_wait3A_236, %dma_wait3A_237] : memref<2x2x!tpu.dma_semaphore, #tpu.memory_space<semaphore_mem>> -> memref<1x1x!tpu.dma_semaphore, #tpu.memory_space<semaphore_mem>>
    %dma_wait3A_245 = tpu.memref_squeeze %dma_wait3A_244 : memref<1x1x!tpu.dma_semaphore, #tpu.memory_space<semaphore_mem>> -> memref<!tpu.dma_semaphore, #tpu.memory_space<semaphore_mem>>
    %dma_wait3A_246 = arith.constant 0 : i32
    %dma_wait3A_247 = tpu.memref_slice %arg6[%add3A_66, %dma_wait3A_246] : memref<32768x128xf32, #tpu.memory_space<hbm>> -> memref<128x128xf32, #tpu.memory_space<hbm>>
    %dma_wait3A_248 = arith.constant 0 : i32
    %dma_wait3A_249 = arith.constant 0 : i32
    %dma_wait3A_250 = tpu.memref_slice %arg10[%dma_wait3A_235, %dma_wait3A_248, %dma_wait3A_249] : memref<2x128x128xf32, #tpu.memory_space<vmem>> -> memref<1x128x128xf32, #tpu.memory_space<vmem>>
    %dma_wait3A_251 = tpu.memref_squeeze %dma_wait3A_250 : memref<1x128x128xf32, #tpu.memory_space<vmem>> -> memref<128x128xf32, #tpu.memory_space<vmem>>
    tpu.wait_dma2 semaphore(%dma_wait3A_245 : memref<!tpu.dma_semaphore, #tpu.memory_space<semaphore_mem>>) src(%dma_wait3A_251 : memref<128x128xf32, #tpu.memory_space<vmem>>) dst(%dma_wait3A_247 : memref<128x128xf32, #tpu.memory_space<hbm>>)
    %dma_wait3A_252 = arith.constant 0 : i32
    %dma_wait3A_253 = arith.constant 0 : i32
    %dma_wait3A_254 = arith.constant 1 : i32
    %dma_wait3A_255 = arith.constant 0 : i32
    %dma_wait3A_256 = arith.constant 0 : i32
    %dma_wait3A_257 = tpu.memref_slice %arg11[%dma_wait3A_252, %dma_wait3A_255, %dma_wait3A_256] : memref<2x128x128xf32, #tpu.memory_space<vmem>> -> memref<1x128x128xf32, #tpu.memory_space<vmem>>
    %dma_wait3A_258 = tpu.memref_squeeze %dma_wait3A_257 : memref<1x128x128xf32, #tpu.memory_space<vmem>> -> memref<128x128xf32, #tpu.memory_space<vmem>>
    %dma_wait3A_259 = arith.constant 0 : i32
    %dma_wait3A_260 = tpu.memref_slice %arg7[%add3A_66, %dma_wait3A_259] : memref<32768x128xf32, #tpu.memory_space<hbm>> -> memref<128x128xf32, #tpu.memory_space<hbm>>
    %dma_wait3A_261 = tpu.memref_slice %arg13[%dma_wait3A_253, %dma_wait3A_254] : memref<2x2x!tpu.dma_semaphore, #tpu.memory_space<semaphore_mem>> -> memref<1x1x!tpu.dma_semaphore, #tpu.memory_space<semaphore_mem>>
    %dma_wait3A_262 = tpu.memref_squeeze %dma_wait3A_261 : memref<1x1x!tpu.dma_semaphore, #tpu.memory_space<semaphore_mem>> -> memref<!tpu.dma_semaphore, #tpu.memory_space<semaphore_mem>>
    %dma_wait3A_263 = arith.constant 0 : i32
    %dma_wait3A_264 = tpu.memref_slice %arg7[%add3A_66, %dma_wait3A_263] : memref<32768x128xf32, #tpu.memory_space<hbm>> -> memref<128x128xf32, #tpu.memory_space<hbm>>
    %dma_wait3A_265 = arith.constant 0 : i32
    %dma_wait3A_266 = arith.constant 0 : i32
    %dma_wait3A_267 = tpu.memref_slice %arg11[%dma_wait3A_252, %dma_wait3A_265, %dma_wait3A_266] : memref<2x128x128xf32, #tpu.memory_space<vmem>> -> memref<1x128x128xf32, #tpu.memory_space<vmem>>
    %dma_wait3A_268 = tpu.memref_squeeze %dma_wait3A_267 : memref<1x128x128xf32, #tpu.memory_space<vmem>> -> memref<128x128xf32, #tpu.memory_space<vmem>>
    tpu.wait_dma2 semaphore(%dma_wait3A_262 : memref<!tpu.dma_semaphore, #tpu.memory_space<semaphore_mem>>) src(%dma_wait3A_268 : memref<128x128xf32, #tpu.memory_space<vmem>>) dst(%dma_wait3A_264 : memref<128x128xf32, #tpu.memory_space<hbm>>)
    %dma_wait3A_269 = arith.constant 2 : i32
    %dma_wait3A_270 = arith.constant 0 : i32
    %dma_wait3A_271 = arith.constant 0 : i32
    %dma_wait3A_272 = arith.constant 0 : i32
    %dma_wait3A_273 = arith.constant 0 : i32
    %dma_wait3A_274 = arith.constant 0 : i32
    %dma_wait3A_275 = tpu.memref_slice %arg10[%dma_wait3A_270, %dma_wait3A_273, %dma_wait3A_274] : memref<2x128x128xf32, #tpu.memory_space<vmem>> -> memref<1x128x128xf32, #tpu.memory_space<vmem>>
    %dma_wait3A_276 = tpu.memref_squeeze %dma_wait3A_275 : memref<1x128x128xf32, #tpu.memory_space<vmem>> -> memref<128x128xf32, #tpu.memory_space<vmem>>
    %dma_wait3A_277 = arith.constant 0 : i32
    %dma_wait3A_278 = tpu.memref_slice %arg8[%dma_wait3A_269, %dma_wait3A_277] : memref<8x128xi32, #tpu.memory_space<vmem>> -> memref<1x128xi32, #tpu.memory_space<vmem>>
    %dma_wait3A_279 = tpu.memref_squeeze %dma_wait3A_278 : memref<1x128xi32, #tpu.memory_space<vmem>> -> memref<128xi32, #tpu.memory_space<vmem>>
    %dma_wait3A_280 = arith.constant 0 : i32
    %dma_wait3A_281 = arith.constant 0 : i32
    %dma_wait3A_282 = tpu.memref_slice %arg2[%dma_wait3A_280, %dma_wait3A_281] : memref<802816x128xf32, #tpu.memory_space<hbm>> -> memref<802816x128xf32, #tpu.memory_space<hbm>>
    %dma_wait3A_283 = tpu.memref_slice %arg12[%dma_wait3A_271, %dma_wait3A_272] : memref<2x2x!tpu.dma_semaphore, #tpu.memory_space<semaphore_mem>> -> memref<1x1x!tpu.dma_semaphore, #tpu.memory_space<semaphore_mem>>
    %dma_wait3A_284 = tpu.memref_squeeze %dma_wait3A_283 : memref<1x1x!tpu.dma_semaphore, #tpu.memory_space<semaphore_mem>> -> memref<!tpu.dma_semaphore, #tpu.memory_space<semaphore_mem>>
    tpu.wait_indirect_dma semaphore(%dma_wait3A_284 : memref<!tpu.dma_semaphore, #tpu.memory_space<semaphore_mem>>) src(%dma_wait3A_282 : memref<802816x128xf32, #tpu.memory_space<hbm>>) dst(%dma_wait3A_276 : memref<128x128xf32, #tpu.memory_space<vmem>>)
    %dma_wait3A_285 = arith.constant 2 : i32
    %dma_wait3A_286 = arith.constant 0 : i32
    %dma_wait3A_287 = arith.constant 0 : i32
    %dma_wait3A_288 = arith.constant 1 : i32
    %dma_wait3A_289 = arith.constant 0 : i32
    %dma_wait3A_290 = arith.constant 0 : i32
    %dma_wait3A_291 = tpu.memref_slice %arg11[%dma_wait3A_286, %dma_wait3A_289, %dma_wait3A_290] : memref<2x128x128xf32, #tpu.memory_space<vmem>> -> memref<1x128x128xf32, #tpu.memory_space<vmem>>
    %dma_wait3A_292 = tpu.memref_squeeze %dma_wait3A_291 : memref<1x128x128xf32, #tpu.memory_space<vmem>> -> memref<128x128xf32, #tpu.memory_space<vmem>>
    %dma_wait3A_293 = arith.constant 0 : i32
    %dma_wait3A_294 = tpu.memref_slice %arg9[%dma_wait3A_285, %dma_wait3A_293] : memref<8x128xi32, #tpu.memory_space<vmem>> -> memref<1x128xi32, #tpu.memory_space<vmem>>
    %dma_wait3A_295 = tpu.memref_squeeze %dma_wait3A_294 : memref<1x128xi32, #tpu.memory_space<vmem>> -> memref<128xi32, #tpu.memory_space<vmem>>
    %dma_wait3A_296 = arith.constant 0 : i32
    %dma_wait3A_297 = arith.constant 0 : i32
    %dma_wait3A_298 = tpu.memref_slice %arg3[%dma_wait3A_296, %dma_wait3A_297] : memref<784x128xf32, #tpu.memory_space<hbm>> -> memref<784x128xf32, #tpu.memory_space<hbm>>
    %dma_wait3A_299 = tpu.memref_slice %arg12[%dma_wait3A_287, %dma_wait3A_288] : memref<2x2x!tpu.dma_semaphore, #tpu.memory_space<semaphore_mem>> -> memref<1x1x!tpu.dma_semaphore, #tpu.memory_space<semaphore_mem>>
    %dma_wait3A_300 = tpu.memref_squeeze %dma_wait3A_299 : memref<1x1x!tpu.dma_semaphore, #tpu.memory_space<semaphore_mem>> -> memref<!tpu.dma_semaphore, #tpu.memory_space<semaphore_mem>>
    tpu.wait_indirect_dma semaphore(%dma_wait3A_300 : memref<!tpu.dma_semaphore, #tpu.memory_space<semaphore_mem>>) src(%dma_wait3A_298 : memref<784x128xf32, #tpu.memory_space<hbm>>) dst(%dma_wait3A_292 : memref<128x128xf32, #tpu.memory_space<vmem>>)
    %mul3A_301 = arith.constant 1024 : i32
    %mul3A_302 = arith.muli %add3A, %mul3A_301 : i32
    %add3A_303 = arith.constant 256 : i32
    %add3A_304 = arith.addi %mul3A_302, %add3A_303 : i32
    %dma_start3A_305 = arith.constant 0 : i32
    %dma_start3A_306 = arith.constant 0 : i32
    %dma_start3A_307 = arith.constant 0 : i32
    %dma_start3A_308 = arith.constant 0 : i32
    %dma_start3A_309 = arith.constant 0 : i32
    %dma_start3A_310 = tpu.memref_slice %arg10[%dma_start3A_305, %dma_start3A_308, %dma_start3A_309] : memref<2x128x128xf32, #tpu.memory_space<vmem>> -> memref<1x128x128xf32, #tpu.memory_space<vmem>>
    %dma_start3A_311 = tpu.memref_squeeze %dma_start3A_310 : memref<1x128x128xf32, #tpu.memory_space<vmem>> -> memref<128x128xf32, #tpu.memory_space<vmem>>
    %dma_start3A_312 = arith.constant 0 : i32
    %dma_start3A_313 = tpu.memref_slice %arg6[%add3A_304, %dma_start3A_312] : memref<32768x128xf32, #tpu.memory_space<hbm>> -> memref<128x128xf32, #tpu.memory_space<hbm>>
    %dma_start3A_314 = tpu.memref_slice %arg13[%dma_start3A_306, %dma_start3A_307] : memref<2x2x!tpu.dma_semaphore, #tpu.memory_space<semaphore_mem>> -> memref<1x1x!tpu.dma_semaphore, #tpu.memory_space<semaphore_mem>>
    %dma_start3A_315 = tpu.memref_squeeze %dma_start3A_314 : memref<1x1x!tpu.dma_semaphore, #tpu.memory_space<semaphore_mem>> -> memref<!tpu.dma_semaphore, #tpu.memory_space<semaphore_mem>>
    %dma_start3A_316 = arith.constant 0 : i32
    %dma_start3A_317 = tpu.memref_slice %arg6[%add3A_304, %dma_start3A_316] : memref<32768x128xf32, #tpu.memory_space<hbm>> -> memref<128x128xf32, #tpu.memory_space<hbm>>
    %dma_start3A_318 = arith.constant 0 : i32
    %dma_start3A_319 = arith.constant 0 : i32
    %dma_start3A_320 = tpu.memref_slice %arg10[%dma_start3A_305, %dma_start3A_318, %dma_start3A_319] : memref<2x128x128xf32, #tpu.memory_space<vmem>> -> memref<1x128x128xf32, #tpu.memory_space<vmem>>
    %dma_start3A_321 = tpu.memref_squeeze %dma_start3A_320 : memref<1x128x128xf32, #tpu.memory_space<vmem>> -> memref<128x128xf32, #tpu.memory_space<vmem>>
    tpu.enqueue_dma source(%dma_start3A_321 : memref<128x128xf32, #tpu.memory_space<vmem>>) target(%dma_start3A_317 : memref<128x128xf32, #tpu.memory_space<hbm>>) target_semaphore(%dma_start3A_315 : memref<!tpu.dma_semaphore, #tpu.memory_space<semaphore_mem>>)
    %dma_start3A_322 = arith.constant 0 : i32
    %dma_start3A_323 = arith.constant 0 : i32
    %dma_start3A_324 = arith.constant 1 : i32
    %dma_start3A_325 = arith.constant 0 : i32
    %dma_start3A_326 = arith.constant 0 : i32
    %dma_start3A_327 = tpu.memref_slice %arg11[%dma_start3A_322, %dma_start3A_325, %dma_start3A_326] : memref<2x128x128xf32, #tpu.memory_space<vmem>> -> memref<1x128x128xf32, #tpu.memory_space<vmem>>
    %dma_start3A_328 = tpu.memref_squeeze %dma_start3A_327 : memref<1x128x128xf32, #tpu.memory_space<vmem>> -> memref<128x128xf32, #tpu.memory_space<vmem>>
    %dma_start3A_329 = arith.constant 0 : i32
    %dma_start3A_330 = tpu.memref_slice %arg7[%add3A_304, %dma_start3A_329] : memref<32768x128xf32, #tpu.memory_space<hbm>> -> memref<128x128xf32, #tpu.memory_space<hbm>>
    %dma_start3A_331 = tpu.memref_slice %arg13[%dma_start3A_323, %dma_start3A_324] : memref<2x2x!tpu.dma_semaphore, #tpu.memory_space<semaphore_mem>> -> memref<1x1x!tpu.dma_semaphore, #tpu.memory_space<semaphore_mem>>
    %dma_start3A_332 = tpu.memref_squeeze %dma_start3A_331 : memref<1x1x!tpu.dma_semaphore, #tpu.memory_space<semaphore_mem>> -> memref<!tpu.dma_semaphore, #tpu.memory_space<semaphore_mem>>
    %dma_start3A_333 = arith.constant 0 : i32
    %dma_start3A_334 = tpu.memref_slice %arg7[%add3A_304, %dma_start3A_333] : memref<32768x128xf32, #tpu.memory_space<hbm>> -> memref<128x128xf32, #tpu.memory_space<hbm>>
    %dma_start3A_335 = arith.constant 0 : i32
    %dma_start3A_336 = arith.constant 0 : i32
    %dma_start3A_337 = tpu.memref_slice %arg11[%dma_start3A_322, %dma_start3A_335, %dma_start3A_336] : memref<2x128x128xf32, #tpu.memory_space<vmem>> -> memref<1x128x128xf32, #tpu.memory_space<vmem>>
    %dma_start3A_338 = tpu.memref_squeeze %dma_start3A_337 : memref<1x128x128xf32, #tpu.memory_space<vmem>> -> memref<128x128xf32, #tpu.memory_space<vmem>>
    tpu.enqueue_dma source(%dma_start3A_338 : memref<128x128xf32, #tpu.memory_space<vmem>>) target(%dma_start3A_334 : memref<128x128xf32, #tpu.memory_space<hbm>>) target_semaphore(%dma_start3A_332 : memref<!tpu.dma_semaphore, #tpu.memory_space<semaphore_mem>>)
    %dma_start3A_339 = arith.constant 3 : i32
    %dma_start3A_340 = arith.constant 1 : i32
    %dma_start3A_341 = arith.constant 1 : i32
    %dma_start3A_342 = arith.constant 0 : i32
    %dma_start3A_343 = arith.constant 0 : i32
    %dma_start3A_344 = arith.constant 0 : i32
    %dma_start3A_345 = tpu.memref_slice %arg10[%dma_start3A_340, %dma_start3A_343, %dma_start3A_344] : memref<2x128x128xf32, #tpu.memory_space<vmem>> -> memref<1x128x128xf32, #tpu.memory_space<vmem>>
    %dma_start3A_346 = tpu.memref_squeeze %dma_start3A_345 : memref<1x128x128xf32, #tpu.memory_space<vmem>> -> memref<128x128xf32, #tpu.memory_space<vmem>>
    %dma_start3A_347 = arith.constant 0 : i32
    %dma_start3A_348 = tpu.memref_slice %arg8[%dma_start3A_339, %dma_start3A_347] : memref<8x128xi32, #tpu.memory_space<vmem>> -> memref<1x128xi32, #tpu.memory_space<vmem>>
    %dma_start3A_349 = tpu.memref_squeeze %dma_start3A_348 : memref<1x128xi32, #tpu.memory_space<vmem>> -> memref<128xi32, #tpu.memory_space<vmem>>
    %dma_start3A_350 = arith.constant 0 : i32
    %dma_start3A_351 = arith.constant 0 : i32
    %dma_start3A_352 = tpu.memref_slice %arg2[%dma_start3A_350, %dma_start3A_351] : memref<802816x128xf32, #tpu.memory_space<hbm>> -> memref<802816x128xf32, #tpu.memory_space<hbm>>
    %dma_start3A_353 = tpu.memref_slice %arg12[%dma_start3A_341, %dma_start3A_342] : memref<2x2x!tpu.dma_semaphore, #tpu.memory_space<semaphore_mem>> -> memref<1x1x!tpu.dma_semaphore, #tpu.memory_space<semaphore_mem>>
    %dma_start3A_354 = tpu.memref_squeeze %dma_start3A_353 : memref<1x1x!tpu.dma_semaphore, #tpu.memory_space<semaphore_mem>> -> memref<!tpu.dma_semaphore, #tpu.memory_space<semaphore_mem>>
    tpu.enqueue_indirect_dma source(%dma_start3A_352 : memref<802816x128xf32, #tpu.memory_space<hbm>>) target(%dma_start3A_346 : memref<128x128xf32, #tpu.memory_space<vmem>>) offsets(%dma_start3A_349 : memref<128xi32, #tpu.memory_space<vmem>>) semaphore(%dma_start3A_354 : memref<!tpu.dma_semaphore, #tpu.memory_space<semaphore_mem>>)
    %dma_start3A_355 = arith.constant 3 : i32
    %dma_start3A_356 = arith.constant 1 : i32
    %dma_start3A_357 = arith.constant 1 : i32
    %dma_start3A_358 = arith.constant 1 : i32
    %dma_start3A_359 = arith.constant 0 : i32
    %dma_start3A_360 = arith.constant 0 : i32
    %dma_start3A_361 = tpu.memref_slice %arg11[%dma_start3A_356, %dma_start3A_359, %dma_start3A_360] : memref<2x128x128xf32, #tpu.memory_space<vmem>> -> memref<1x128x128xf32, #tpu.memory_space<vmem>>
    %dma_start3A_362 = tpu.memref_squeeze %dma_start3A_361 : memref<1x128x128xf32, #tpu.memory_space<vmem>> -> memref<128x128xf32, #tpu.memory_space<vmem>>
    %dma_start3A_363 = arith.constant 0 : i32
    %dma_start3A_364 = tpu.memref_slice %arg9[%dma_start3A_355, %dma_start3A_363] : memref<8x128xi32, #tpu.memory_space<vmem>> -> memref<1x128xi32, #tpu.memory_space<vmem>>
    %dma_start3A_365 = tpu.memref_squeeze %dma_start3A_364 : memref<1x128xi32, #tpu.memory_space<vmem>> -> memref<128xi32, #tpu.memory_space<vmem>>
    %dma_start3A_366 = arith.constant 0 : i32
    %dma_start3A_367 = arith.constant 0 : i32
    %dma_start3A_368 = tpu.memref_slice %arg3[%dma_start3A_366, %dma_start3A_367] : memref<784x128xf32, #tpu.memory_space<hbm>> -> memref<784x128xf32, #tpu.memory_space<hbm>>
    %dma_start3A_369 = tpu.memref_slice %arg12[%dma_start3A_357, %dma_start3A_358] : memref<2x2x!tpu.dma_semaphore, #tpu.memory_space<semaphore_mem>> -> memref<1x1x!tpu.dma_semaphore, #tpu.memory_space<semaphore_mem>>
    %dma_start3A_370 = tpu.memref_squeeze %dma_start3A_369 : memref<1x1x!tpu.dma_semaphore, #tpu.memory_space<semaphore_mem>> -> memref<!tpu.dma_semaphore, #tpu.memory_space<semaphore_mem>>
    tpu.enqueue_indirect_dma source(%dma_start3A_368 : memref<784x128xf32, #tpu.memory_space<hbm>>) target(%dma_start3A_362 : memref<128x128xf32, #tpu.memory_space<vmem>>) offsets(%dma_start3A_365 : memref<128xi32, #tpu.memory_space<vmem>>) semaphore(%dma_start3A_370 : memref<!tpu.dma_semaphore, #tpu.memory_space<semaphore_mem>>)
    %dma_wait3A_371 = arith.constant 1 : i32
    %dma_wait3A_372 = arith.constant 1 : i32
    %dma_wait3A_373 = arith.constant 0 : i32
    %dma_wait3A_374 = arith.constant 0 : i32
    %dma_wait3A_375 = arith.constant 0 : i32
    %dma_wait3A_376 = tpu.memref_slice %arg10[%dma_wait3A_371, %dma_wait3A_374, %dma_wait3A_375] : memref<2x128x128xf32, #tpu.memory_space<vmem>> -> memref<1x128x128xf32, #tpu.memory_space<vmem>>
    %dma_wait3A_377 = tpu.memref_squeeze %dma_wait3A_376 : memref<1x128x128xf32, #tpu.memory_space<vmem>> -> memref<128x128xf32, #tpu.memory_space<vmem>>
    %dma_wait3A_378 = arith.constant 0 : i32
    %dma_wait3A_379 = tpu.memref_slice %arg6[%add3A_168, %dma_wait3A_378] : memref<32768x128xf32, #tpu.memory_space<hbm>> -> memref<128x128xf32, #tpu.memory_space<hbm>>
    %dma_wait3A_380 = tpu.memref_slice %arg13[%dma_wait3A_372, %dma_wait3A_373] : memref<2x2x!tpu.dma_semaphore, #tpu.memory_space<semaphore_mem>> -> memref<1x1x!tpu.dma_semaphore, #tpu.memory_space<semaphore_mem>>
    %dma_wait3A_381 = tpu.memref_squeeze %dma_wait3A_380 : memref<1x1x!tpu.dma_semaphore, #tpu.memory_space<semaphore_mem>> -> memref<!tpu.dma_semaphore, #tpu.memory_space<semaphore_mem>>
    %dma_wait3A_382 = arith.constant 0 : i32
    %dma_wait3A_383 = tpu.memref_slice %arg6[%add3A_168, %dma_wait3A_382] : memref<32768x128xf32, #tpu.memory_space<hbm>> -> memref<128x128xf32, #tpu.memory_space<hbm>>
    %dma_wait3A_384 = arith.constant 0 : i32
    %dma_wait3A_385 = arith.constant 0 : i32
    %dma_wait3A_386 = tpu.memref_slice %arg10[%dma_wait3A_371, %dma_wait3A_384, %dma_wait3A_385] : memref<2x128x128xf32, #tpu.memory_space<vmem>> -> memref<1x128x128xf32, #tpu.memory_space<vmem>>
    %dma_wait3A_387 = tpu.memref_squeeze %dma_wait3A_386 : memref<1x128x128xf32, #tpu.memory_space<vmem>> -> memref<128x128xf32, #tpu.memory_space<vmem>>
    tpu.wait_dma2 semaphore(%dma_wait3A_381 : memref<!tpu.dma_semaphore, #tpu.memory_space<semaphore_mem>>) src(%dma_wait3A_387 : memref<128x128xf32, #tpu.memory_space<vmem>>) dst(%dma_wait3A_383 : memref<128x128xf32, #tpu.memory_space<hbm>>)
    %dma_wait3A_388 = arith.constant 1 : i32
    %dma_wait3A_389 = arith.constant 1 : i32
    %dma_wait3A_390 = arith.constant 1 : i32
    %dma_wait3A_391 = arith.constant 0 : i32
    %dma_wait3A_392 = arith.constant 0 : i32
    %dma_wait3A_393 = tpu.memref_slice %arg11[%dma_wait3A_388, %dma_wait3A_391, %dma_wait3A_392] : memref<2x128x128xf32, #tpu.memory_space<vmem>> -> memref<1x128x128xf32, #tpu.memory_space<vmem>>
    %dma_wait3A_394 = tpu.memref_squeeze %dma_wait3A_393 : memref<1x128x128xf32, #tpu.memory_space<vmem>> -> memref<128x128xf32, #tpu.memory_space<vmem>>
    %dma_wait3A_395 = arith.constant 0 : i32
    %dma_wait3A_396 = tpu.memref_slice %arg7[%add3A_168, %dma_wait3A_395] : memref<32768x128xf32, #tpu.memory_space<hbm>> -> memref<128x128xf32, #tpu.memory_space<hbm>>
    %dma_wait3A_397 = tpu.memref_slice %arg13[%dma_wait3A_389, %dma_wait3A_390] : memref<2x2x!tpu.dma_semaphore, #tpu.memory_space<semaphore_mem>> -> memref<1x1x!tpu.dma_semaphore, #tpu.memory_space<semaphore_mem>>
    %dma_wait3A_398 = tpu.memref_squeeze %dma_wait3A_397 : memref<1x1x!tpu.dma_semaphore, #tpu.memory_space<semaphore_mem>> -> memref<!tpu.dma_semaphore, #tpu.memory_space<semaphore_mem>>
    %dma_wait3A_399 = arith.constant 0 : i32
    %dma_wait3A_400 = tpu.memref_slice %arg7[%add3A_168, %dma_wait3A_399] : memref<32768x128xf32, #tpu.memory_space<hbm>> -> memref<128x128xf32, #tpu.memory_space<hbm>>
    %dma_wait3A_401 = arith.constant 0 : i32
    %dma_wait3A_402 = arith.constant 0 : i32
    %dma_wait3A_403 = tpu.memref_slice %arg11[%dma_wait3A_388, %dma_wait3A_401, %dma_wait3A_402] : memref<2x128x128xf32, #tpu.memory_space<vmem>> -> memref<1x128x128xf32, #tpu.memory_space<vmem>>
    %dma_wait3A_404 = tpu.memref_squeeze %dma_wait3A_403 : memref<1x128x128xf32, #tpu.memory_space<vmem>> -> memref<128x128xf32, #tpu.memory_space<vmem>>
    tpu.wait_dma2 semaphore(%dma_wait3A_398 : memref<!tpu.dma_semaphore, #tpu.memory_space<semaphore_mem>>) src(%dma_wait3A_404 : memref<128x128xf32, #tpu.memory_space<vmem>>) dst(%dma_wait3A_400 : memref<128x128xf32, #tpu.memory_space<hbm>>)
    %dma_wait3A_405 = arith.constant 3 : i32
    %dma_wait3A_406 = arith.constant 1 : i32
    %dma_wait3A_407 = arith.constant 1 : i32
    %dma_wait3A_408 = arith.constant 0 : i32
    %dma_wait3A_409 = arith.constant 0 : i32
    %dma_wait3A_410 = arith.constant 0 : i32
    %dma_wait3A_411 = tpu.memref_slice %arg10[%dma_wait3A_406, %dma_wait3A_409, %dma_wait3A_410] : memref<2x128x128xf32, #tpu.memory_space<vmem>> -> memref<1x128x128xf32, #tpu.memory_space<vmem>>
    %dma_wait3A_412 = tpu.memref_squeeze %dma_wait3A_411 : memref<1x128x128xf32, #tpu.memory_space<vmem>> -> memref<128x128xf32, #tpu.memory_space<vmem>>
    %dma_wait3A_413 = arith.constant 0 : i32
    %dma_wait3A_414 = tpu.memref_slice %arg8[%dma_wait3A_405, %dma_wait3A_413] : memref<8x128xi32, #tpu.memory_space<vmem>> -> memref<1x128xi32, #tpu.memory_space<vmem>>
    %dma_wait3A_415 = tpu.memref_squeeze %dma_wait3A_414 : memref<1x128xi32, #tpu.memory_space<vmem>> -> memref<128xi32, #tpu.memory_space<vmem>>
    %dma_wait3A_416 = arith.constant 0 : i32
    %dma_wait3A_417 = arith.constant 0 : i32
    %dma_wait3A_418 = tpu.memref_slice %arg2[%dma_wait3A_416, %dma_wait3A_417] : memref<802816x128xf32, #tpu.memory_space<hbm>> -> memref<802816x128xf32, #tpu.memory_space<hbm>>
    %dma_wait3A_419 = tpu.memref_slice %arg12[%dma_wait3A_407, %dma_wait3A_408] : memref<2x2x!tpu.dma_semaphore, #tpu.memory_space<semaphore_mem>> -> memref<1x1x!tpu.dma_semaphore, #tpu.memory_space<semaphore_mem>>
    %dma_wait3A_420 = tpu.memref_squeeze %dma_wait3A_419 : memref<1x1x!tpu.dma_semaphore, #tpu.memory_space<semaphore_mem>> -> memref<!tpu.dma_semaphore, #tpu.memory_space<semaphore_mem>>
    tpu.wait_indirect_dma semaphore(%dma_wait3A_420 : memref<!tpu.dma_semaphore, #tpu.memory_space<semaphore_mem>>) src(%dma_wait3A_418 : memref<802816x128xf32, #tpu.memory_space<hbm>>) dst(%dma_wait3A_412 : memref<128x128xf32, #tpu.memory_space<vmem>>)
    %dma_wait3A_421 = arith.constant 3 : i32
    %dma_wait3A_422 = arith.constant 1 : i32
    %dma_wait3A_423 = arith.constant 1 : i32
    %dma_wait3A_424 = arith.constant 1 : i32
    %dma_wait3A_425 = arith.constant 0 : i32
    %dma_wait3A_426 = arith.constant 0 : i32
    %dma_wait3A_427 = tpu.memref_slice %arg11[%dma_wait3A_422, %dma_wait3A_425, %dma_wait3A_426] : memref<2x128x128xf32, #tpu.memory_space<vmem>> -> memref<1x128x128xf32, #tpu.memory_space<vmem>>
    %dma_wait3A_428 = tpu.memref_squeeze %dma_wait3A_427 : memref<1x128x128xf32, #tpu.memory_space<vmem>> -> memref<128x128xf32, #tpu.memory_space<vmem>>
    %dma_wait3A_429 = arith.constant 0 : i32
    %dma_wait3A_430 = tpu.memref_slice %arg9[%dma_wait3A_421, %dma_wait3A_429] : memref<8x128xi32, #tpu.memory_space<vmem>> -> memref<1x128xi32, #tpu.memory_space<vmem>>
    %dma_wait3A_431 = tpu.memref_squeeze %dma_wait3A_430 : memref<1x128xi32, #tpu.memory_space<vmem>> -> memref<128xi32, #tpu.memory_space<vmem>>
    %dma_wait3A_432 = arith.constant 0 : i32
    %dma_wait3A_433 = arith.constant 0 : i32
    %dma_wait3A_434 = tpu.memref_slice %arg3[%dma_wait3A_432, %dma_wait3A_433] : memref<784x128xf32, #tpu.memory_space<hbm>> -> memref<784x128xf32, #tpu.memory_space<hbm>>
    %dma_wait3A_435 = tpu.memref_slice %arg12[%dma_wait3A_423, %dma_wait3A_424] : memref<2x2x!tpu.dma_semaphore, #tpu.memory_space<semaphore_mem>> -> memref<1x1x!tpu.dma_semaphore, #tpu.memory_space<semaphore_mem>>
    %dma_wait3A_436 = tpu.memref_squeeze %dma_wait3A_435 : memref<1x1x!tpu.dma_semaphore, #tpu.memory_space<semaphore_mem>> -> memref<!tpu.dma_semaphore, #tpu.memory_space<semaphore_mem>>
    tpu.wait_indirect_dma semaphore(%dma_wait3A_436 : memref<!tpu.dma_semaphore, #tpu.memory_space<semaphore_mem>>) src(%dma_wait3A_434 : memref<784x128xf32, #tpu.memory_space<hbm>>) dst(%dma_wait3A_428 : memref<128x128xf32, #tpu.memory_space<vmem>>)
    %mul3A_437 = arith.constant 1024 : i32
    %mul3A_438 = arith.muli %add3A, %mul3A_437 : i32
    %add3A_439 = arith.constant 384 : i32
    %add3A_440 = arith.addi %mul3A_438, %add3A_439 : i32
    %dma_start3A_441 = arith.constant 1 : i32
    %dma_start3A_442 = arith.constant 1 : i32
    %dma_start3A_443 = arith.constant 0 : i32
    %dma_start3A_444 = arith.constant 0 : i32
    %dma_start3A_445 = arith.constant 0 : i32
    %dma_start3A_446 = tpu.memref_slice %arg10[%dma_start3A_441, %dma_start3A_444, %dma_start3A_445] : memref<2x128x128xf32, #tpu.memory_space<vmem>> -> memref<1x128x128xf32, #tpu.memory_space<vmem>>
    %dma_start3A_447 = tpu.memref_squeeze %dma_start3A_446 : memref<1x128x128xf32, #tpu.memory_space<vmem>> -> memref<128x128xf32, #tpu.memory_space<vmem>>
    %dma_start3A_448 = arith.constant 0 : i32
    %dma_start3A_449 = tpu.memref_slice %arg6[%add3A_440, %dma_start3A_448] : memref<32768x128xf32, #tpu.memory_space<hbm>> -> memref<128x128xf32, #tpu.memory_space<hbm>>
    %dma_start3A_450 = tpu.memref_slice %arg13[%dma_start3A_442, %dma_start3A_443] : memref<2x2x!tpu.dma_semaphore, #tpu.memory_space<semaphore_mem>> -> memref<1x1x!tpu.dma_semaphore, #tpu.memory_space<semaphore_mem>>
    %dma_start3A_451 = tpu.memref_squeeze %dma_start3A_450 : memref<1x1x!tpu.dma_semaphore, #tpu.memory_space<semaphore_mem>> -> memref<!tpu.dma_semaphore, #tpu.memory_space<semaphore_mem>>
    %dma_start3A_452 = arith.constant 0 : i32
    %dma_start3A_453 = tpu.memref_slice %arg6[%add3A_440, %dma_start3A_452] : memref<32768x128xf32, #tpu.memory_space<hbm>> -> memref<128x128xf32, #tpu.memory_space<hbm>>
    %dma_start3A_454 = arith.constant 0 : i32
    %dma_start3A_455 = arith.constant 0 : i32
    %dma_start3A_456 = tpu.memref_slice %arg10[%dma_start3A_441, %dma_start3A_454, %dma_start3A_455] : memref<2x128x128xf32, #tpu.memory_space<vmem>> -> memref<1x128x128xf32, #tpu.memory_space<vmem>>
    %dma_start3A_457 = tpu.memref_squeeze %dma_start3A_456 : memref<1x128x128xf32, #tpu.memory_space<vmem>> -> memref<128x128xf32, #tpu.memory_space<vmem>>
    tpu.enqueue_dma source(%dma_start3A_457 : memref<128x128xf32, #tpu.memory_space<vmem>>) target(%dma_start3A_453 : memref<128x128xf32, #tpu.memory_space<hbm>>) target_semaphore(%dma_start3A_451 : memref<!tpu.dma_semaphore, #tpu.memory_space<semaphore_mem>>)
    %dma_start3A_458 = arith.constant 1 : i32
    %dma_start3A_459 = arith.constant 1 : i32
    %dma_start3A_460 = arith.constant 1 : i32
    %dma_start3A_461 = arith.constant 0 : i32
    %dma_start3A_462 = arith.constant 0 : i32
    %dma_start3A_463 = tpu.memref_slice %arg11[%dma_start3A_458, %dma_start3A_461, %dma_start3A_462] : memref<2x128x128xf32, #tpu.memory_space<vmem>> -> memref<1x128x128xf32, #tpu.memory_space<vmem>>
    %dma_start3A_464 = tpu.memref_squeeze %dma_start3A_463 : memref<1x128x128xf32, #tpu.memory_space<vmem>> -> memref<128x128xf32, #tpu.memory_space<vmem>>
    %dma_start3A_465 = arith.constant 0 : i32
    %dma_start3A_466 = tpu.memref_slice %arg7[%add3A_440, %dma_start3A_465] : memref<32768x128xf32, #tpu.memory_space<hbm>> -> memref<128x128xf32, #tpu.memory_space<hbm>>
    %dma_start3A_467 = tpu.memref_slice %arg13[%dma_start3A_459, %dma_start3A_460] : memref<2x2x!tpu.dma_semaphore, #tpu.memory_space<semaphore_mem>> -> memref<1x1x!tpu.dma_semaphore, #tpu.memory_space<semaphore_mem>>
    %dma_start3A_468 = tpu.memref_squeeze %dma_start3A_467 : memref<1x1x!tpu.dma_semaphore, #tpu.memory_space<semaphore_mem>> -> memref<!tpu.dma_semaphore, #tpu.memory_space<semaphore_mem>>
    %dma_start3A_469 = arith.constant 0 : i32
    %dma_start3A_470 = tpu.memref_slice %arg7[%add3A_440, %dma_start3A_469] : memref<32768x128xf32, #tpu.memory_space<hbm>> -> memref<128x128xf32, #tpu.memory_space<hbm>>
    %dma_start3A_471 = arith.constant 0 : i32
    %dma_start3A_472 = arith.constant 0 : i32
    %dma_start3A_473 = tpu.memref_slice %arg11[%dma_start3A_458, %dma_start3A_471, %dma_start3A_472] : memref<2x128x128xf32, #tpu.memory_space<vmem>> -> memref<1x128x128xf32, #tpu.memory_space<vmem>>
    %dma_start3A_474 = tpu.memref_squeeze %dma_start3A_473 : memref<1x128x128xf32, #tpu.memory_space<vmem>> -> memref<128x128xf32, #tpu.memory_space<vmem>>
    tpu.enqueue_dma source(%dma_start3A_474 : memref<128x128xf32, #tpu.memory_space<vmem>>) target(%dma_start3A_470 : memref<128x128xf32, #tpu.memory_space<hbm>>) target_semaphore(%dma_start3A_468 : memref<!tpu.dma_semaphore, #tpu.memory_space<semaphore_mem>>)
    %dma_start3A_475 = arith.constant 4 : i32
    %dma_start3A_476 = arith.constant 0 : i32
    %dma_start3A_477 = arith.constant 0 : i32
    %dma_start3A_478 = arith.constant 0 : i32
    %dma_start3A_479 = arith.constant 0 : i32
    %dma_start3A_480 = arith.constant 0 : i32
    %dma_start3A_481 = tpu.memref_slice %arg10[%dma_start3A_476, %dma_start3A_479, %dma_start3A_480] : memref<2x128x128xf32, #tpu.memory_space<vmem>> -> memref<1x128x128xf32, #tpu.memory_space<vmem>>
    %dma_start3A_482 = tpu.memref_squeeze %dma_start3A_481 : memref<1x128x128xf32, #tpu.memory_space<vmem>> -> memref<128x128xf32, #tpu.memory_space<vmem>>
    %dma_start3A_483 = arith.constant 0 : i32
    %dma_start3A_484 = tpu.memref_slice %arg8[%dma_start3A_475, %dma_start3A_483] : memref<8x128xi32, #tpu.memory_space<vmem>> -> memref<1x128xi32, #tpu.memory_space<vmem>>
    %dma_start3A_485 = tpu.memref_squeeze %dma_start3A_484 : memref<1x128xi32, #tpu.memory_space<vmem>> -> memref<128xi32, #tpu.memory_space<vmem>>
    %dma_start3A_486 = arith.constant 0 : i32
    %dma_start3A_487 = arith.constant 0 : i32
    %dma_start3A_488 = tpu.memref_slice %arg2[%dma_start3A_486, %dma_start3A_487] : memref<802816x128xf32, #tpu.memory_space<hbm>> -> memref<802816x128xf32, #tpu.memory_space<hbm>>
    %dma_start3A_489 = tpu.memref_slice %arg12[%dma_start3A_477, %dma_start3A_478] : memref<2x2x!tpu.dma_semaphore, #tpu.memory_space<semaphore_mem>> -> memref<1x1x!tpu.dma_semaphore, #tpu.memory_space<semaphore_mem>>
    %dma_start3A_490 = tpu.memref_squeeze %dma_start3A_489 : memref<1x1x!tpu.dma_semaphore, #tpu.memory_space<semaphore_mem>> -> memref<!tpu.dma_semaphore, #tpu.memory_space<semaphore_mem>>
    tpu.enqueue_indirect_dma source(%dma_start3A_488 : memref<802816x128xf32, #tpu.memory_space<hbm>>) target(%dma_start3A_482 : memref<128x128xf32, #tpu.memory_space<vmem>>) offsets(%dma_start3A_485 : memref<128xi32, #tpu.memory_space<vmem>>) semaphore(%dma_start3A_490 : memref<!tpu.dma_semaphore, #tpu.memory_space<semaphore_mem>>)
    %dma_start3A_491 = arith.constant 4 : i32
    %dma_start3A_492 = arith.constant 0 : i32
    %dma_start3A_493 = arith.constant 0 : i32
    %dma_start3A_494 = arith.constant 1 : i32
    %dma_start3A_495 = arith.constant 0 : i32
    %dma_start3A_496 = arith.constant 0 : i32
    %dma_start3A_497 = tpu.memref_slice %arg11[%dma_start3A_492, %dma_start3A_495, %dma_start3A_496] : memref<2x128x128xf32, #tpu.memory_space<vmem>> -> memref<1x128x128xf32, #tpu.memory_space<vmem>>
    %dma_start3A_498 = tpu.memref_squeeze %dma_start3A_497 : memref<1x128x128xf32, #tpu.memory_space<vmem>> -> memref<128x128xf32, #tpu.memory_space<vmem>>
    %dma_start3A_499 = arith.constant 0 : i32
    %dma_start3A_500 = tpu.memref_slice %arg9[%dma_start3A_491, %dma_start3A_499] : memref<8x128xi32, #tpu.memory_space<vmem>> -> memref<1x128xi32, #tpu.memory_space<vmem>>
    %dma_start3A_501 = tpu.memref_squeeze %dma_start3A_500 : memref<1x128xi32, #tpu.memory_space<vmem>> -> memref<128xi32, #tpu.memory_space<vmem>>
    %dma_start3A_502 = arith.constant 0 : i32
    %dma_start3A_503 = arith.constant 0 : i32
    %dma_start3A_504 = tpu.memref_slice %arg3[%dma_start3A_502, %dma_start3A_503] : memref<784x128xf32, #tpu.memory_space<hbm>> -> memref<784x128xf32, #tpu.memory_space<hbm>>
    %dma_start3A_505 = tpu.memref_slice %arg12[%dma_start3A_493, %dma_start3A_494] : memref<2x2x!tpu.dma_semaphore, #tpu.memory_space<semaphore_mem>> -> memref<1x1x!tpu.dma_semaphore, #tpu.memory_space<semaphore_mem>>
    %dma_start3A_506 = tpu.memref_squeeze %dma_start3A_505 : memref<1x1x!tpu.dma_semaphore, #tpu.memory_space<semaphore_mem>> -> memref<!tpu.dma_semaphore, #tpu.memory_space<semaphore_mem>>
    tpu.enqueue_indirect_dma source(%dma_start3A_504 : memref<784x128xf32, #tpu.memory_space<hbm>>) target(%dma_start3A_498 : memref<128x128xf32, #tpu.memory_space<vmem>>) offsets(%dma_start3A_501 : memref<128xi32, #tpu.memory_space<vmem>>) semaphore(%dma_start3A_506 : memref<!tpu.dma_semaphore, #tpu.memory_space<semaphore_mem>>)
    %dma_wait3A_507 = arith.constant 0 : i32
    %dma_wait3A_508 = arith.constant 0 : i32
    %dma_wait3A_509 = arith.constant 0 : i32
    %dma_wait3A_510 = arith.constant 0 : i32
    %dma_wait3A_511 = arith.constant 0 : i32
    %dma_wait3A_512 = tpu.memref_slice %arg10[%dma_wait3A_507, %dma_wait3A_510, %dma_wait3A_511] : memref<2x128x128xf32, #tpu.memory_space<vmem>> -> memref<1x128x128xf32, #tpu.memory_space<vmem>>
    %dma_wait3A_513 = tpu.memref_squeeze %dma_wait3A_512 : memref<1x128x128xf32, #tpu.memory_space<vmem>> -> memref<128x128xf32, #tpu.memory_space<vmem>>
    %dma_wait3A_514 = arith.constant 0 : i32
    %dma_wait3A_515 = tpu.memref_slice %arg6[%add3A_304, %dma_wait3A_514] : memref<32768x128xf32, #tpu.memory_space<hbm>> -> memref<128x128xf32, #tpu.memory_space<hbm>>
    %dma_wait3A_516 = tpu.memref_slice %arg13[%dma_wait3A_508, %dma_wait3A_509] : memref<2x2x!tpu.dma_semaphore, #tpu.memory_space<semaphore_mem>> -> memref<1x1x!tpu.dma_semaphore, #tpu.memory_space<semaphore_mem>>
    %dma_wait3A_517 = tpu.memref_squeeze %dma_wait3A_516 : memref<1x1x!tpu.dma_semaphore, #tpu.memory_space<semaphore_mem>> -> memref<!tpu.dma_semaphore, #tpu.memory_space<semaphore_mem>>
    %dma_wait3A_518 = arith.constant 0 : i32
    %dma_wait3A_519 = tpu.memref_slice %arg6[%add3A_304, %dma_wait3A_518] : memref<32768x128xf32, #tpu.memory_space<hbm>> -> memref<128x128xf32, #tpu.memory_space<hbm>>
    %dma_wait3A_520 = arith.constant 0 : i32
    %dma_wait3A_521 = arith.constant 0 : i32
    %dma_wait3A_522 = tpu.memref_slice %arg10[%dma_wait3A_507, %dma_wait3A_520, %dma_wait3A_521] : memref<2x128x128xf32, #tpu.memory_space<vmem>> -> memref<1x128x128xf32, #tpu.memory_space<vmem>>
    %dma_wait3A_523 = tpu.memref_squeeze %dma_wait3A_522 : memref<1x128x128xf32, #tpu.memory_space<vmem>> -> memref<128x128xf32, #tpu.memory_space<vmem>>
    tpu.wait_dma2 semaphore(%dma_wait3A_517 : memref<!tpu.dma_semaphore, #tpu.memory_space<semaphore_mem>>) src(%dma_wait3A_523 : memref<128x128xf32, #tpu.memory_space<vmem>>) dst(%dma_wait3A_519 : memref<128x128xf32, #tpu.memory_space<hbm>>)
    %dma_wait3A_524 = arith.constant 0 : i32
    %dma_wait3A_525 = arith.constant 0 : i32
    %dma_wait3A_526 = arith.constant 1 : i32
    %dma_wait3A_527 = arith.constant 0 : i32
    %dma_wait3A_528 = arith.constant 0 : i32
    %dma_wait3A_529 = tpu.memref_slice %arg11[%dma_wait3A_524, %dma_wait3A_527, %dma_wait3A_528] : memref<2x128x128xf32, #tpu.memory_space<vmem>> -> memref<1x128x128xf32, #tpu.memory_space<vmem>>
    %dma_wait3A_530 = tpu.memref_squeeze %dma_wait3A_529 : memref<1x128x128xf32, #tpu.memory_space<vmem>> -> memref<128x128xf32, #tpu.memory_space<vmem>>
    %dma_wait3A_531 = arith.constant 0 : i32
    %dma_wait3A_532 = tpu.memref_slice %arg7[%add3A_304, %dma_wait3A_531] : memref<32768x128xf32, #tpu.memory_space<hbm>> -> memref<128x128xf32, #tpu.memory_space<hbm>>
    %dma_wait3A_533 = tpu.memref_slice %arg13[%dma_wait3A_525, %dma_wait3A_526] : memref<2x2x!tpu.dma_semaphore, #tpu.memory_space<semaphore_mem>> -> memref<1x1x!tpu.dma_semaphore, #tpu.memory_space<semaphore_mem>>
    %dma_wait3A_534 = tpu.memref_squeeze %dma_wait3A_533 : memref<1x1x!tpu.dma_semaphore, #tpu.memory_space<semaphore_mem>> -> memref<!tpu.dma_semaphore, #tpu.memory_space<semaphore_mem>>
    %dma_wait3A_535 = arith.constant 0 : i32
    %dma_wait3A_536 = tpu.memref_slice %arg7[%add3A_304, %dma_wait3A_535] : memref<32768x128xf32, #tpu.memory_space<hbm>> -> memref<128x128xf32, #tpu.memory_space<hbm>>
    %dma_wait3A_537 = arith.constant 0 : i32
    %dma_wait3A_538 = arith.constant 0 : i32
    %dma_wait3A_539 = tpu.memref_slice %arg11[%dma_wait3A_524, %dma_wait3A_537, %dma_wait3A_538] : memref<2x128x128xf32, #tpu.memory_space<vmem>> -> memref<1x128x128xf32, #tpu.memory_space<vmem>>
    %dma_wait3A_540 = tpu.memref_squeeze %dma_wait3A_539 : memref<1x128x128xf32, #tpu.memory_space<vmem>> -> memref<128x128xf32, #tpu.memory_space<vmem>>
    tpu.wait_dma2 semaphore(%dma_wait3A_534 : memref<!tpu.dma_semaphore, #tpu.memory_space<semaphore_mem>>) src(%dma_wait3A_540 : memref<128x128xf32, #tpu.memory_space<vmem>>) dst(%dma_wait3A_536 : memref<128x128xf32, #tpu.memory_space<hbm>>)
    %dma_wait3A_541 = arith.constant 4 : i32
    %dma_wait3A_542 = arith.constant 0 : i32
    %dma_wait3A_543 = arith.constant 0 : i32
    %dma_wait3A_544 = arith.constant 0 : i32
    %dma_wait3A_545 = arith.constant 0 : i32
    %dma_wait3A_546 = arith.constant 0 : i32
    %dma_wait3A_547 = tpu.memref_slice %arg10[%dma_wait3A_542, %dma_wait3A_545, %dma_wait3A_546] : memref<2x128x128xf32, #tpu.memory_space<vmem>> -> memref<1x128x128xf32, #tpu.memory_space<vmem>>
    %dma_wait3A_548 = tpu.memref_squeeze %dma_wait3A_547 : memref<1x128x128xf32, #tpu.memory_space<vmem>> -> memref<128x128xf32, #tpu.memory_space<vmem>>
    %dma_wait3A_549 = arith.constant 0 : i32
    %dma_wait3A_550 = tpu.memref_slice %arg8[%dma_wait3A_541, %dma_wait3A_549] : memref<8x128xi32, #tpu.memory_space<vmem>> -> memref<1x128xi32, #tpu.memory_space<vmem>>
    %dma_wait3A_551 = tpu.memref_squeeze %dma_wait3A_550 : memref<1x128xi32, #tpu.memory_space<vmem>> -> memref<128xi32, #tpu.memory_space<vmem>>
    %dma_wait3A_552 = arith.constant 0 : i32
    %dma_wait3A_553 = arith.constant 0 : i32
    %dma_wait3A_554 = tpu.memref_slice %arg2[%dma_wait3A_552, %dma_wait3A_553] : memref<802816x128xf32, #tpu.memory_space<hbm>> -> memref<802816x128xf32, #tpu.memory_space<hbm>>
    %dma_wait3A_555 = tpu.memref_slice %arg12[%dma_wait3A_543, %dma_wait3A_544] : memref<2x2x!tpu.dma_semaphore, #tpu.memory_space<semaphore_mem>> -> memref<1x1x!tpu.dma_semaphore, #tpu.memory_space<semaphore_mem>>
    %dma_wait3A_556 = tpu.memref_squeeze %dma_wait3A_555 : memref<1x1x!tpu.dma_semaphore, #tpu.memory_space<semaphore_mem>> -> memref<!tpu.dma_semaphore, #tpu.memory_space<semaphore_mem>>
    tpu.wait_indirect_dma semaphore(%dma_wait3A_556 : memref<!tpu.dma_semaphore, #tpu.memory_space<semaphore_mem>>) src(%dma_wait3A_554 : memref<802816x128xf32, #tpu.memory_space<hbm>>) dst(%dma_wait3A_548 : memref<128x128xf32, #tpu.memory_space<vmem>>)
    %dma_wait3A_557 = arith.constant 4 : i32
    %dma_wait3A_558 = arith.constant 0 : i32
    %dma_wait3A_559 = arith.constant 0 : i32
    %dma_wait3A_560 = arith.constant 1 : i32
    %dma_wait3A_561 = arith.constant 0 : i32
    %dma_wait3A_562 = arith.constant 0 : i32
    %dma_wait3A_563 = tpu.memref_slice %arg11[%dma_wait3A_558, %dma_wait3A_561, %dma_wait3A_562] : memref<2x128x128xf32, #tpu.memory_space<vmem>> -> memref<1x128x128xf32, #tpu.memory_space<vmem>>
    %dma_wait3A_564 = tpu.memref_squeeze %dma_wait3A_563 : memref<1x128x128xf32, #tpu.memory_space<vmem>> -> memref<128x128xf32, #tpu.memory_space<vmem>>
    %dma_wait3A_565 = arith.constant 0 : i32
    %dma_wait3A_566 = tpu.memref_slice %arg9[%dma_wait3A_557, %dma_wait3A_565] : memref<8x128xi32, #tpu.memory_space<vmem>> -> memref<1x128xi32, #tpu.memory_space<vmem>>
    %dma_wait3A_567 = tpu.memref_squeeze %dma_wait3A_566 : memref<1x128xi32, #tpu.memory_space<vmem>> -> memref<128xi32, #tpu.memory_space<vmem>>
    %dma_wait3A_568 = arith.constant 0 : i32
    %dma_wait3A_569 = arith.constant 0 : i32
    %dma_wait3A_570 = tpu.memref_slice %arg3[%dma_wait3A_568, %dma_wait3A_569] : memref<784x128xf32, #tpu.memory_space<hbm>> -> memref<784x128xf32, #tpu.memory_space<hbm>>
    %dma_wait3A_571 = tpu.memref_slice %arg12[%dma_wait3A_559, %dma_wait3A_560] : memref<2x2x!tpu.dma_semaphore, #tpu.memory_space<semaphore_mem>> -> memref<1x1x!tpu.dma_semaphore, #tpu.memory_space<semaphore_mem>>
    %dma_wait3A_572 = tpu.memref_squeeze %dma_wait3A_571 : memref<1x1x!tpu.dma_semaphore, #tpu.memory_space<semaphore_mem>> -> memref<!tpu.dma_semaphore, #tpu.memory_space<semaphore_mem>>
    tpu.wait_indirect_dma semaphore(%dma_wait3A_572 : memref<!tpu.dma_semaphore, #tpu.memory_space<semaphore_mem>>) src(%dma_wait3A_570 : memref<784x128xf32, #tpu.memory_space<hbm>>) dst(%dma_wait3A_564 : memref<128x128xf32, #tpu.memory_space<vmem>>)
    %mul3A_573 = arith.constant 1024 : i32
    %mul3A_574 = arith.muli %add3A, %mul3A_573 : i32
    %add3A_575 = arith.constant 512 : i32
    %add3A_576 = arith.addi %mul3A_574, %add3A_575 : i32
    %dma_start3A_577 = arith.constant 0 : i32
    %dma_start3A_578 = arith.constant 0 : i32
    %dma_start3A_579 = arith.constant 0 : i32
    %dma_start3A_580 = arith.constant 0 : i32
    %dma_start3A_581 = arith.constant 0 : i32
    %dma_start3A_582 = tpu.memref_slice %arg10[%dma_start3A_577, %dma_start3A_580, %dma_start3A_581] : memref<2x128x128xf32, #tpu.memory_space<vmem>> -> memref<1x128x128xf32, #tpu.memory_space<vmem>>
    %dma_start3A_583 = tpu.memref_squeeze %dma_start3A_582 : memref<1x128x128xf32, #tpu.memory_space<vmem>> -> memref<128x128xf32, #tpu.memory_space<vmem>>
    %dma_start3A_584 = arith.constant 0 : i32
    %dma_start3A_585 = tpu.memref_slice %arg6[%add3A_576, %dma_start3A_584] : memref<32768x128xf32, #tpu.memory_space<hbm>> -> memref<128x128xf32, #tpu.memory_space<hbm>>
    %dma_start3A_586 = tpu.memref_slice %arg13[%dma_start3A_578, %dma_start3A_579] : memref<2x2x!tpu.dma_semaphore, #tpu.memory_space<semaphore_mem>> -> memref<1x1x!tpu.dma_semaphore, #tpu.memory_space<semaphore_mem>>
    %dma_start3A_587 = tpu.memref_squeeze %dma_start3A_586 : memref<1x1x!tpu.dma_semaphore, #tpu.memory_space<semaphore_mem>> -> memref<!tpu.dma_semaphore, #tpu.memory_space<semaphore_mem>>
    %dma_start3A_588 = arith.constant 0 : i32
    %dma_start3A_589 = tpu.memref_slice %arg6[%add3A_576, %dma_start3A_588] : memref<32768x128xf32, #tpu.memory_space<hbm>> -> memref<128x128xf32, #tpu.memory_space<hbm>>
    %dma_start3A_590 = arith.constant 0 : i32
    %dma_start3A_591 = arith.constant 0 : i32
    %dma_start3A_592 = tpu.memref_slice %arg10[%dma_start3A_577, %dma_start3A_590, %dma_start3A_591] : memref<2x128x128xf32, #tpu.memory_space<vmem>> -> memref<1x128x128xf32, #tpu.memory_space<vmem>>
    %dma_start3A_593 = tpu.memref_squeeze %dma_start3A_592 : memref<1x128x128xf32, #tpu.memory_space<vmem>> -> memref<128x128xf32, #tpu.memory_space<vmem>>
    tpu.enqueue_dma source(%dma_start3A_593 : memref<128x128xf32, #tpu.memory_space<vmem>>) target(%dma_start3A_589 : memref<128x128xf32, #tpu.memory_space<hbm>>) target_semaphore(%dma_start3A_587 : memref<!tpu.dma_semaphore, #tpu.memory_space<semaphore_mem>>)
    %dma_start3A_594 = arith.constant 0 : i32
    %dma_start3A_595 = arith.constant 0 : i32
    %dma_start3A_596 = arith.constant 1 : i32
    %dma_start3A_597 = arith.constant 0 : i32
    %dma_start3A_598 = arith.constant 0 : i32
    %dma_start3A_599 = tpu.memref_slice %arg11[%dma_start3A_594, %dma_start3A_597, %dma_start3A_598] : memref<2x128x128xf32, #tpu.memory_space<vmem>> -> memref<1x128x128xf32, #tpu.memory_space<vmem>>
    %dma_start3A_600 = tpu.memref_squeeze %dma_start3A_599 : memref<1x128x128xf32, #tpu.memory_space<vmem>> -> memref<128x128xf32, #tpu.memory_space<vmem>>
    %dma_start3A_601 = arith.constant 0 : i32
    %dma_start3A_602 = tpu.memref_slice %arg7[%add3A_576, %dma_start3A_601] : memref<32768x128xf32, #tpu.memory_space<hbm>> -> memref<128x128xf32, #tpu.memory_space<hbm>>
    %dma_start3A_603 = tpu.memref_slice %arg13[%dma_start3A_595, %dma_start3A_596] : memref<2x2x!tpu.dma_semaphore, #tpu.memory_space<semaphore_mem>> -> memref<1x1x!tpu.dma_semaphore, #tpu.memory_space<semaphore_mem>>
    %dma_start3A_604 = tpu.memref_squeeze %dma_start3A_603 : memref<1x1x!tpu.dma_semaphore, #tpu.memory_space<semaphore_mem>> -> memref<!tpu.dma_semaphore, #tpu.memory_space<semaphore_mem>>
    %dma_start3A_605 = arith.constant 0 : i32
    %dma_start3A_606 = tpu.memref_slice %arg7[%add3A_576, %dma_start3A_605] : memref<32768x128xf32, #tpu.memory_space<hbm>> -> memref<128x128xf32, #tpu.memory_space<hbm>>
    %dma_start3A_607 = arith.constant 0 : i32
    %dma_start3A_608 = arith.constant 0 : i32
    %dma_start3A_609 = tpu.memref_slice %arg11[%dma_start3A_594, %dma_start3A_607, %dma_start3A_608] : memref<2x128x128xf32, #tpu.memory_space<vmem>> -> memref<1x128x128xf32, #tpu.memory_space<vmem>>
    %dma_start3A_610 = tpu.memref_squeeze %dma_start3A_609 : memref<1x128x128xf32, #tpu.memory_space<vmem>> -> memref<128x128xf32, #tpu.memory_space<vmem>>
    tpu.enqueue_dma source(%dma_start3A_610 : memref<128x128xf32, #tpu.memory_space<vmem>>) target(%dma_start3A_606 : memref<128x128xf32, #tpu.memory_space<hbm>>) target_semaphore(%dma_start3A_604 : memref<!tpu.dma_semaphore, #tpu.memory_space<semaphore_mem>>)
    %dma_start3A_611 = arith.constant 5 : i32
    %dma_start3A_612 = arith.constant 1 : i32
    %dma_start3A_613 = arith.constant 1 : i32
    %dma_start3A_614 = arith.constant 0 : i32
    %dma_start3A_615 = arith.constant 0 : i32
    %dma_start3A_616 = arith.constant 0 : i32
    %dma_start3A_617 = tpu.memref_slice %arg10[%dma_start3A_612, %dma_start3A_615, %dma_start3A_616] : memref<2x128x128xf32, #tpu.memory_space<vmem>> -> memref<1x128x128xf32, #tpu.memory_space<vmem>>
    %dma_start3A_618 = tpu.memref_squeeze %dma_start3A_617 : memref<1x128x128xf32, #tpu.memory_space<vmem>> -> memref<128x128xf32, #tpu.memory_space<vmem>>
    %dma_start3A_619 = arith.constant 0 : i32
    %dma_start3A_620 = tpu.memref_slice %arg8[%dma_start3A_611, %dma_start3A_619] : memref<8x128xi32, #tpu.memory_space<vmem>> -> memref<1x128xi32, #tpu.memory_space<vmem>>
    %dma_start3A_621 = tpu.memref_squeeze %dma_start3A_620 : memref<1x128xi32, #tpu.memory_space<vmem>> -> memref<128xi32, #tpu.memory_space<vmem>>
    %dma_start3A_622 = arith.constant 0 : i32
    %dma_start3A_623 = arith.constant 0 : i32
    %dma_start3A_624 = tpu.memref_slice %arg2[%dma_start3A_622, %dma_start3A_623] : memref<802816x128xf32, #tpu.memory_space<hbm>> -> memref<802816x128xf32, #tpu.memory_space<hbm>>
    %dma_start3A_625 = tpu.memref_slice %arg12[%dma_start3A_613, %dma_start3A_614] : memref<2x2x!tpu.dma_semaphore, #tpu.memory_space<semaphore_mem>> -> memref<1x1x!tpu.dma_semaphore, #tpu.memory_space<semaphore_mem>>
    %dma_start3A_626 = tpu.memref_squeeze %dma_start3A_625 : memref<1x1x!tpu.dma_semaphore, #tpu.memory_space<semaphore_mem>> -> memref<!tpu.dma_semaphore, #tpu.memory_space<semaphore_mem>>
    tpu.enqueue_indirect_dma source(%dma_start3A_624 : memref<802816x128xf32, #tpu.memory_space<hbm>>) target(%dma_start3A_618 : memref<128x128xf32, #tpu.memory_space<vmem>>) offsets(%dma_start3A_621 : memref<128xi32, #tpu.memory_space<vmem>>) semaphore(%dma_start3A_626 : memref<!tpu.dma_semaphore, #tpu.memory_space<semaphore_mem>>)
    %dma_start3A_627 = arith.constant 5 : i32
    %dma_start3A_628 = arith.constant 1 : i32
    %dma_start3A_629 = arith.constant 1 : i32
    %dma_start3A_630 = arith.constant 1 : i32
    %dma_start3A_631 = arith.constant 0 : i32
    %dma_start3A_632 = arith.constant 0 : i32
    %dma_start3A_633 = tpu.memref_slice %arg11[%dma_start3A_628, %dma_start3A_631, %dma_start3A_632] : memref<2x128x128xf32, #tpu.memory_space<vmem>> -> memref<1x128x128xf32, #tpu.memory_space<vmem>>
    %dma_start3A_634 = tpu.memref_squeeze %dma_start3A_633 : memref<1x128x128xf32, #tpu.memory_space<vmem>> -> memref<128x128xf32, #tpu.memory_space<vmem>>
    %dma_start3A_635 = arith.constant 0 : i32
    %dma_start3A_636 = tpu.memref_slice %arg9[%dma_start3A_627, %dma_start3A_635] : memref<8x128xi32, #tpu.memory_space<vmem>> -> memref<1x128xi32, #tpu.memory_space<vmem>>
    %dma_start3A_637 = tpu.memref_squeeze %dma_start3A_636 : memref<1x128xi32, #tpu.memory_space<vmem>> -> memref<128xi32, #tpu.memory_space<vmem>>
    %dma_start3A_638 = arith.constant 0 : i32
    %dma_start3A_639 = arith.constant 0 : i32
    %dma_start3A_640 = tpu.memref_slice %arg3[%dma_start3A_638, %dma_start3A_639] : memref<784x128xf32, #tpu.memory_space<hbm>> -> memref<784x128xf32, #tpu.memory_space<hbm>>
    %dma_start3A_641 = tpu.memref_slice %arg12[%dma_start3A_629, %dma_start3A_630] : memref<2x2x!tpu.dma_semaphore, #tpu.memory_space<semaphore_mem>> -> memref<1x1x!tpu.dma_semaphore, #tpu.memory_space<semaphore_mem>>
    %dma_start3A_642 = tpu.memref_squeeze %dma_start3A_641 : memref<1x1x!tpu.dma_semaphore, #tpu.memory_space<semaphore_mem>> -> memref<!tpu.dma_semaphore, #tpu.memory_space<semaphore_mem>>
    tpu.enqueue_indirect_dma source(%dma_start3A_640 : memref<784x128xf32, #tpu.memory_space<hbm>>) target(%dma_start3A_634 : memref<128x128xf32, #tpu.memory_space<vmem>>) offsets(%dma_start3A_637 : memref<128xi32, #tpu.memory_space<vmem>>) semaphore(%dma_start3A_642 : memref<!tpu.dma_semaphore, #tpu.memory_space<semaphore_mem>>)
    %dma_wait3A_643 = arith.constant 1 : i32
    %dma_wait3A_644 = arith.constant 1 : i32
    %dma_wait3A_645 = arith.constant 0 : i32
    %dma_wait3A_646 = arith.constant 0 : i32
    %dma_wait3A_647 = arith.constant 0 : i32
    %dma_wait3A_648 = tpu.memref_slice %arg10[%dma_wait3A_643, %dma_wait3A_646, %dma_wait3A_647] : memref<2x128x128xf32, #tpu.memory_space<vmem>> -> memref<1x128x128xf32, #tpu.memory_space<vmem>>
    %dma_wait3A_649 = tpu.memref_squeeze %dma_wait3A_648 : memref<1x128x128xf32, #tpu.memory_space<vmem>> -> memref<128x128xf32, #tpu.memory_space<vmem>>
    %dma_wait3A_650 = arith.constant 0 : i32
    %dma_wait3A_651 = tpu.memref_slice %arg6[%add3A_440, %dma_wait3A_650] : memref<32768x128xf32, #tpu.memory_space<hbm>> -> memref<128x128xf32, #tpu.memory_space<hbm>>
    %dma_wait3A_652 = tpu.memref_slice %arg13[%dma_wait3A_644, %dma_wait3A_645] : memref<2x2x!tpu.dma_semaphore, #tpu.memory_space<semaphore_mem>> -> memref<1x1x!tpu.dma_semaphore, #tpu.memory_space<semaphore_mem>>
    %dma_wait3A_653 = tpu.memref_squeeze %dma_wait3A_652 : memref<1x1x!tpu.dma_semaphore, #tpu.memory_space<semaphore_mem>> -> memref<!tpu.dma_semaphore, #tpu.memory_space<semaphore_mem>>
    %dma_wait3A_654 = arith.constant 0 : i32
    %dma_wait3A_655 = tpu.memref_slice %arg6[%add3A_440, %dma_wait3A_654] : memref<32768x128xf32, #tpu.memory_space<hbm>> -> memref<128x128xf32, #tpu.memory_space<hbm>>
    %dma_wait3A_656 = arith.constant 0 : i32
    %dma_wait3A_657 = arith.constant 0 : i32
    %dma_wait3A_658 = tpu.memref_slice %arg10[%dma_wait3A_643, %dma_wait3A_656, %dma_wait3A_657] : memref<2x128x128xf32, #tpu.memory_space<vmem>> -> memref<1x128x128xf32, #tpu.memory_space<vmem>>
    %dma_wait3A_659 = tpu.memref_squeeze %dma_wait3A_658 : memref<1x128x128xf32, #tpu.memory_space<vmem>> -> memref<128x128xf32, #tpu.memory_space<vmem>>
    tpu.wait_dma2 semaphore(%dma_wait3A_653 : memref<!tpu.dma_semaphore, #tpu.memory_space<semaphore_mem>>) src(%dma_wait3A_659 : memref<128x128xf32, #tpu.memory_space<vmem>>) dst(%dma_wait3A_655 : memref<128x128xf32, #tpu.memory_space<hbm>>)
    %dma_wait3A_660 = arith.constant 1 : i32
    %dma_wait3A_661 = arith.constant 1 : i32
    %dma_wait3A_662 = arith.constant 1 : i32
    %dma_wait3A_663 = arith.constant 0 : i32
    %dma_wait3A_664 = arith.constant 0 : i32
    %dma_wait3A_665 = tpu.memref_slice %arg11[%dma_wait3A_660, %dma_wait3A_663, %dma_wait3A_664] : memref<2x128x128xf32, #tpu.memory_space<vmem>> -> memref<1x128x128xf32, #tpu.memory_space<vmem>>
    %dma_wait3A_666 = tpu.memref_squeeze %dma_wait3A_665 : memref<1x128x128xf32, #tpu.memory_space<vmem>> -> memref<128x128xf32, #tpu.memory_space<vmem>>
    %dma_wait3A_667 = arith.constant 0 : i32
    %dma_wait3A_668 = tpu.memref_slice %arg7[%add3A_440, %dma_wait3A_667] : memref<32768x128xf32, #tpu.memory_space<hbm>> -> memref<128x128xf32, #tpu.memory_space<hbm>>
    %dma_wait3A_669 = tpu.memref_slice %arg13[%dma_wait3A_661, %dma_wait3A_662] : memref<2x2x!tpu.dma_semaphore, #tpu.memory_space<semaphore_mem>> -> memref<1x1x!tpu.dma_semaphore, #tpu.memory_space<semaphore_mem>>
    %dma_wait3A_670 = tpu.memref_squeeze %dma_wait3A_669 : memref<1x1x!tpu.dma_semaphore, #tpu.memory_space<semaphore_mem>> -> memref<!tpu.dma_semaphore, #tpu.memory_space<semaphore_mem>>
    %dma_wait3A_671 = arith.constant 0 : i32
    %dma_wait3A_672 = tpu.memref_slice %arg7[%add3A_440, %dma_wait3A_671] : memref<32768x128xf32, #tpu.memory_space<hbm>> -> memref<128x128xf32, #tpu.memory_space<hbm>>
    %dma_wait3A_673 = arith.constant 0 : i32
    %dma_wait3A_674 = arith.constant 0 : i32
    %dma_wait3A_675 = tpu.memref_slice %arg11[%dma_wait3A_660, %dma_wait3A_673, %dma_wait3A_674] : memref<2x128x128xf32, #tpu.memory_space<vmem>> -> memref<1x128x128xf32, #tpu.memory_space<vmem>>
    %dma_wait3A_676 = tpu.memref_squeeze %dma_wait3A_675 : memref<1x128x128xf32, #tpu.memory_space<vmem>> -> memref<128x128xf32, #tpu.memory_space<vmem>>
    tpu.wait_dma2 semaphore(%dma_wait3A_670 : memref<!tpu.dma_semaphore, #tpu.memory_space<semaphore_mem>>) src(%dma_wait3A_676 : memref<128x128xf32, #tpu.memory_space<vmem>>) dst(%dma_wait3A_672 : memref<128x128xf32, #tpu.memory_space<hbm>>)
    %dma_wait3A_677 = arith.constant 5 : i32
    %dma_wait3A_678 = arith.constant 1 : i32
    %dma_wait3A_679 = arith.constant 1 : i32
    %dma_wait3A_680 = arith.constant 0 : i32
    %dma_wait3A_681 = arith.constant 0 : i32
    %dma_wait3A_682 = arith.constant 0 : i32
    %dma_wait3A_683 = tpu.memref_slice %arg10[%dma_wait3A_678, %dma_wait3A_681, %dma_wait3A_682] : memref<2x128x128xf32, #tpu.memory_space<vmem>> -> memref<1x128x128xf32, #tpu.memory_space<vmem>>
    %dma_wait3A_684 = tpu.memref_squeeze %dma_wait3A_683 : memref<1x128x128xf32, #tpu.memory_space<vmem>> -> memref<128x128xf32, #tpu.memory_space<vmem>>
    %dma_wait3A_685 = arith.constant 0 : i32
    %dma_wait3A_686 = tpu.memref_slice %arg8[%dma_wait3A_677, %dma_wait3A_685] : memref<8x128xi32, #tpu.memory_space<vmem>> -> memref<1x128xi32, #tpu.memory_space<vmem>>
    %dma_wait3A_687 = tpu.memref_squeeze %dma_wait3A_686 : memref<1x128xi32, #tpu.memory_space<vmem>> -> memref<128xi32, #tpu.memory_space<vmem>>
    %dma_wait3A_688 = arith.constant 0 : i32
    %dma_wait3A_689 = arith.constant 0 : i32
    %dma_wait3A_690 = tpu.memref_slice %arg2[%dma_wait3A_688, %dma_wait3A_689] : memref<802816x128xf32, #tpu.memory_space<hbm>> -> memref<802816x128xf32, #tpu.memory_space<hbm>>
    %dma_wait3A_691 = tpu.memref_slice %arg12[%dma_wait3A_679, %dma_wait3A_680] : memref<2x2x!tpu.dma_semaphore, #tpu.memory_space<semaphore_mem>> -> memref<1x1x!tpu.dma_semaphore, #tpu.memory_space<semaphore_mem>>
    %dma_wait3A_692 = tpu.memref_squeeze %dma_wait3A_691 : memref<1x1x!tpu.dma_semaphore, #tpu.memory_space<semaphore_mem>> -> memref<!tpu.dma_semaphore, #tpu.memory_space<semaphore_mem>>
    tpu.wait_indirect_dma semaphore(%dma_wait3A_692 : memref<!tpu.dma_semaphore, #tpu.memory_space<semaphore_mem>>) src(%dma_wait3A_690 : memref<802816x128xf32, #tpu.memory_space<hbm>>) dst(%dma_wait3A_684 : memref<128x128xf32, #tpu.memory_space<vmem>>)
    %dma_wait3A_693 = arith.constant 5 : i32
    %dma_wait3A_694 = arith.constant 1 : i32
    %dma_wait3A_695 = arith.constant 1 : i32
    %dma_wait3A_696 = arith.constant 1 : i32
    %dma_wait3A_697 = arith.constant 0 : i32
    %dma_wait3A_698 = arith.constant 0 : i32
    %dma_wait3A_699 = tpu.memref_slice %arg11[%dma_wait3A_694, %dma_wait3A_697, %dma_wait3A_698] : memref<2x128x128xf32, #tpu.memory_space<vmem>> -> memref<1x128x128xf32, #tpu.memory_space<vmem>>
    %dma_wait3A_700 = tpu.memref_squeeze %dma_wait3A_699 : memref<1x128x128xf32, #tpu.memory_space<vmem>> -> memref<128x128xf32, #tpu.memory_space<vmem>>
    %dma_wait3A_701 = arith.constant 0 : i32
    %dma_wait3A_702 = tpu.memref_slice %arg9[%dma_wait3A_693, %dma_wait3A_701] : memref<8x128xi32, #tpu.memory_space<vmem>> -> memref<1x128xi32, #tpu.memory_space<vmem>>
    %dma_wait3A_703 = tpu.memref_squeeze %dma_wait3A_702 : memref<1x128xi32, #tpu.memory_space<vmem>> -> memref<128xi32, #tpu.memory_space<vmem>>
    %dma_wait3A_704 = arith.constant 0 : i32
    %dma_wait3A_705 = arith.constant 0 : i32
    %dma_wait3A_706 = tpu.memref_slice %arg3[%dma_wait3A_704, %dma_wait3A_705] : memref<784x128xf32, #tpu.memory_space<hbm>> -> memref<784x128xf32, #tpu.memory_space<hbm>>
    %dma_wait3A_707 = tpu.memref_slice %arg12[%dma_wait3A_695, %dma_wait3A_696] : memref<2x2x!tpu.dma_semaphore, #tpu.memory_space<semaphore_mem>> -> memref<1x1x!tpu.dma_semaphore, #tpu.memory_space<semaphore_mem>>
    %dma_wait3A_708 = tpu.memref_squeeze %dma_wait3A_707 : memref<1x1x!tpu.dma_semaphore, #tpu.memory_space<semaphore_mem>> -> memref<!tpu.dma_semaphore, #tpu.memory_space<semaphore_mem>>
    tpu.wait_indirect_dma semaphore(%dma_wait3A_708 : memref<!tpu.dma_semaphore, #tpu.memory_space<semaphore_mem>>) src(%dma_wait3A_706 : memref<784x128xf32, #tpu.memory_space<hbm>>) dst(%dma_wait3A_700 : memref<128x128xf32, #tpu.memory_space<vmem>>)
    %mul3A_709 = arith.constant 1024 : i32
    %mul3A_710 = arith.muli %add3A, %mul3A_709 : i32
    %add3A_711 = arith.constant 640 : i32
    %add3A_712 = arith.addi %mul3A_710, %add3A_711 : i32
    %dma_start3A_713 = arith.constant 1 : i32
    %dma_start3A_714 = arith.constant 1 : i32
    %dma_start3A_715 = arith.constant 0 : i32
    %dma_start3A_716 = arith.constant 0 : i32
    %dma_start3A_717 = arith.constant 0 : i32
    %dma_start3A_718 = tpu.memref_slice %arg10[%dma_start3A_713, %dma_start3A_716, %dma_start3A_717] : memref<2x128x128xf32, #tpu.memory_space<vmem>> -> memref<1x128x128xf32, #tpu.memory_space<vmem>>
    %dma_start3A_719 = tpu.memref_squeeze %dma_start3A_718 : memref<1x128x128xf32, #tpu.memory_space<vmem>> -> memref<128x128xf32, #tpu.memory_space<vmem>>
    %dma_start3A_720 = arith.constant 0 : i32
    %dma_start3A_721 = tpu.memref_slice %arg6[%add3A_712, %dma_start3A_720] : memref<32768x128xf32, #tpu.memory_space<hbm>> -> memref<128x128xf32, #tpu.memory_space<hbm>>
    %dma_start3A_722 = tpu.memref_slice %arg13[%dma_start3A_714, %dma_start3A_715] : memref<2x2x!tpu.dma_semaphore, #tpu.memory_space<semaphore_mem>> -> memref<1x1x!tpu.dma_semaphore, #tpu.memory_space<semaphore_mem>>
    %dma_start3A_723 = tpu.memref_squeeze %dma_start3A_722 : memref<1x1x!tpu.dma_semaphore, #tpu.memory_space<semaphore_mem>> -> memref<!tpu.dma_semaphore, #tpu.memory_space<semaphore_mem>>
    %dma_start3A_724 = arith.constant 0 : i32
    %dma_start3A_725 = tpu.memref_slice %arg6[%add3A_712, %dma_start3A_724] : memref<32768x128xf32, #tpu.memory_space<hbm>> -> memref<128x128xf32, #tpu.memory_space<hbm>>
    %dma_start3A_726 = arith.constant 0 : i32
    %dma_start3A_727 = arith.constant 0 : i32
    %dma_start3A_728 = tpu.memref_slice %arg10[%dma_start3A_713, %dma_start3A_726, %dma_start3A_727] : memref<2x128x128xf32, #tpu.memory_space<vmem>> -> memref<1x128x128xf32, #tpu.memory_space<vmem>>
    %dma_start3A_729 = tpu.memref_squeeze %dma_start3A_728 : memref<1x128x128xf32, #tpu.memory_space<vmem>> -> memref<128x128xf32, #tpu.memory_space<vmem>>
    tpu.enqueue_dma source(%dma_start3A_729 : memref<128x128xf32, #tpu.memory_space<vmem>>) target(%dma_start3A_725 : memref<128x128xf32, #tpu.memory_space<hbm>>) target_semaphore(%dma_start3A_723 : memref<!tpu.dma_semaphore, #tpu.memory_space<semaphore_mem>>)
    %dma_start3A_730 = arith.constant 1 : i32
    %dma_start3A_731 = arith.constant 1 : i32
    %dma_start3A_732 = arith.constant 1 : i32
    %dma_start3A_733 = arith.constant 0 : i32
    %dma_start3A_734 = arith.constant 0 : i32
    %dma_start3A_735 = tpu.memref_slice %arg11[%dma_start3A_730, %dma_start3A_733, %dma_start3A_734] : memref<2x128x128xf32, #tpu.memory_space<vmem>> -> memref<1x128x128xf32, #tpu.memory_space<vmem>>
    %dma_start3A_736 = tpu.memref_squeeze %dma_start3A_735 : memref<1x128x128xf32, #tpu.memory_space<vmem>> -> memref<128x128xf32, #tpu.memory_space<vmem>>
    %dma_start3A_737 = arith.constant 0 : i32
    %dma_start3A_738 = tpu.memref_slice %arg7[%add3A_712, %dma_start3A_737] : memref<32768x128xf32, #tpu.memory_space<hbm>> -> memref<128x128xf32, #tpu.memory_space<hbm>>
    %dma_start3A_739 = tpu.memref_slice %arg13[%dma_start3A_731, %dma_start3A_732] : memref<2x2x!tpu.dma_semaphore, #tpu.memory_space<semaphore_mem>> -> memref<1x1x!tpu.dma_semaphore, #tpu.memory_space<semaphore_mem>>
    %dma_start3A_740 = tpu.memref_squeeze %dma_start3A_739 : memref<1x1x!tpu.dma_semaphore, #tpu.memory_space<semaphore_mem>> -> memref<!tpu.dma_semaphore, #tpu.memory_space<semaphore_mem>>
    %dma_start3A_741 = arith.constant 0 : i32
    %dma_start3A_742 = tpu.memref_slice %arg7[%add3A_712, %dma_start3A_741] : memref<32768x128xf32, #tpu.memory_space<hbm>> -> memref<128x128xf32, #tpu.memory_space<hbm>>
    %dma_start3A_743 = arith.constant 0 : i32
    %dma_start3A_744 = arith.constant 0 : i32
    %dma_start3A_745 = tpu.memref_slice %arg11[%dma_start3A_730, %dma_start3A_743, %dma_start3A_744] : memref<2x128x128xf32, #tpu.memory_space<vmem>> -> memref<1x128x128xf32, #tpu.memory_space<vmem>>
    %dma_start3A_746 = tpu.memref_squeeze %dma_start3A_745 : memref<1x128x128xf32, #tpu.memory_space<vmem>> -> memref<128x128xf32, #tpu.memory_space<vmem>>
    tpu.enqueue_dma source(%dma_start3A_746 : memref<128x128xf32, #tpu.memory_space<vmem>>) target(%dma_start3A_742 : memref<128x128xf32, #tpu.memory_space<hbm>>) target_semaphore(%dma_start3A_740 : memref<!tpu.dma_semaphore, #tpu.memory_space<semaphore_mem>>)
    %dma_start3A_747 = arith.constant 6 : i32
    %dma_start3A_748 = arith.constant 0 : i32
    %dma_start3A_749 = arith.constant 0 : i32
    %dma_start3A_750 = arith.constant 0 : i32
    %dma_start3A_751 = arith.constant 0 : i32
    %dma_start3A_752 = arith.constant 0 : i32
    %dma_start3A_753 = tpu.memref_slice %arg10[%dma_start3A_748, %dma_start3A_751, %dma_start3A_752] : memref<2x128x128xf32, #tpu.memory_space<vmem>> -> memref<1x128x128xf32, #tpu.memory_space<vmem>>
    %dma_start3A_754 = tpu.memref_squeeze %dma_start3A_753 : memref<1x128x128xf32, #tpu.memory_space<vmem>> -> memref<128x128xf32, #tpu.memory_space<vmem>>
    %dma_start3A_755 = arith.constant 0 : i32
    %dma_start3A_756 = tpu.memref_slice %arg8[%dma_start3A_747, %dma_start3A_755] : memref<8x128xi32, #tpu.memory_space<vmem>> -> memref<1x128xi32, #tpu.memory_space<vmem>>
    %dma_start3A_757 = tpu.memref_squeeze %dma_start3A_756 : memref<1x128xi32, #tpu.memory_space<vmem>> -> memref<128xi32, #tpu.memory_space<vmem>>
    %dma_start3A_758 = arith.constant 0 : i32
    %dma_start3A_759 = arith.constant 0 : i32
    %dma_start3A_760 = tpu.memref_slice %arg2[%dma_start3A_758, %dma_start3A_759] : memref<802816x128xf32, #tpu.memory_space<hbm>> -> memref<802816x128xf32, #tpu.memory_space<hbm>>
    %dma_start3A_761 = tpu.memref_slice %arg12[%dma_start3A_749, %dma_start3A_750] : memref<2x2x!tpu.dma_semaphore, #tpu.memory_space<semaphore_mem>> -> memref<1x1x!tpu.dma_semaphore, #tpu.memory_space<semaphore_mem>>
    %dma_start3A_762 = tpu.memref_squeeze %dma_start3A_761 : memref<1x1x!tpu.dma_semaphore, #tpu.memory_space<semaphore_mem>> -> memref<!tpu.dma_semaphore, #tpu.memory_space<semaphore_mem>>
    tpu.enqueue_indirect_dma source(%dma_start3A_760 : memref<802816x128xf32, #tpu.memory_space<hbm>>) target(%dma_start3A_754 : memref<128x128xf32, #tpu.memory_space<vmem>>) offsets(%dma_start3A_757 : memref<128xi32, #tpu.memory_space<vmem>>) semaphore(%dma_start3A_762 : memref<!tpu.dma_semaphore, #tpu.memory_space<semaphore_mem>>)
    %dma_start3A_763 = arith.constant 6 : i32
    %dma_start3A_764 = arith.constant 0 : i32
    %dma_start3A_765 = arith.constant 0 : i32
    %dma_start3A_766 = arith.constant 1 : i32
    %dma_start3A_767 = arith.constant 0 : i32
    %dma_start3A_768 = arith.constant 0 : i32
    %dma_start3A_769 = tpu.memref_slice %arg11[%dma_start3A_764, %dma_start3A_767, %dma_start3A_768] : memref<2x128x128xf32, #tpu.memory_space<vmem>> -> memref<1x128x128xf32, #tpu.memory_space<vmem>>
    %dma_start3A_770 = tpu.memref_squeeze %dma_start3A_769 : memref<1x128x128xf32, #tpu.memory_space<vmem>> -> memref<128x128xf32, #tpu.memory_space<vmem>>
    %dma_start3A_771 = arith.constant 0 : i32
    %dma_start3A_772 = tpu.memref_slice %arg9[%dma_start3A_763, %dma_start3A_771] : memref<8x128xi32, #tpu.memory_space<vmem>> -> memref<1x128xi32, #tpu.memory_space<vmem>>
    %dma_start3A_773 = tpu.memref_squeeze %dma_start3A_772 : memref<1x128xi32, #tpu.memory_space<vmem>> -> memref<128xi32, #tpu.memory_space<vmem>>
    %dma_start3A_774 = arith.constant 0 : i32
    %dma_start3A_775 = arith.constant 0 : i32
    %dma_start3A_776 = tpu.memref_slice %arg3[%dma_start3A_774, %dma_start3A_775] : memref<784x128xf32, #tpu.memory_space<hbm>> -> memref<784x128xf32, #tpu.memory_space<hbm>>
    %dma_start3A_777 = tpu.memref_slice %arg12[%dma_start3A_765, %dma_start3A_766] : memref<2x2x!tpu.dma_semaphore, #tpu.memory_space<semaphore_mem>> -> memref<1x1x!tpu.dma_semaphore, #tpu.memory_space<semaphore_mem>>
    %dma_start3A_778 = tpu.memref_squeeze %dma_start3A_777 : memref<1x1x!tpu.dma_semaphore, #tpu.memory_space<semaphore_mem>> -> memref<!tpu.dma_semaphore, #tpu.memory_space<semaphore_mem>>
    tpu.enqueue_indirect_dma source(%dma_start3A_776 : memref<784x128xf32, #tpu.memory_space<hbm>>) target(%dma_start3A_770 : memref<128x128xf32, #tpu.memory_space<vmem>>) offsets(%dma_start3A_773 : memref<128xi32, #tpu.memory_space<vmem>>) semaphore(%dma_start3A_778 : memref<!tpu.dma_semaphore, #tpu.memory_space<semaphore_mem>>)
    %dma_wait3A_779 = arith.constant 0 : i32
    %dma_wait3A_780 = arith.constant 0 : i32
    %dma_wait3A_781 = arith.constant 0 : i32
    %dma_wait3A_782 = arith.constant 0 : i32
    %dma_wait3A_783 = arith.constant 0 : i32
    %dma_wait3A_784 = tpu.memref_slice %arg10[%dma_wait3A_779, %dma_wait3A_782, %dma_wait3A_783] : memref<2x128x128xf32, #tpu.memory_space<vmem>> -> memref<1x128x128xf32, #tpu.memory_space<vmem>>
    %dma_wait3A_785 = tpu.memref_squeeze %dma_wait3A_784 : memref<1x128x128xf32, #tpu.memory_space<vmem>> -> memref<128x128xf32, #tpu.memory_space<vmem>>
    %dma_wait3A_786 = arith.constant 0 : i32
    %dma_wait3A_787 = tpu.memref_slice %arg6[%add3A_576, %dma_wait3A_786] : memref<32768x128xf32, #tpu.memory_space<hbm>> -> memref<128x128xf32, #tpu.memory_space<hbm>>
    %dma_wait3A_788 = tpu.memref_slice %arg13[%dma_wait3A_780, %dma_wait3A_781] : memref<2x2x!tpu.dma_semaphore, #tpu.memory_space<semaphore_mem>> -> memref<1x1x!tpu.dma_semaphore, #tpu.memory_space<semaphore_mem>>
    %dma_wait3A_789 = tpu.memref_squeeze %dma_wait3A_788 : memref<1x1x!tpu.dma_semaphore, #tpu.memory_space<semaphore_mem>> -> memref<!tpu.dma_semaphore, #tpu.memory_space<semaphore_mem>>
    %dma_wait3A_790 = arith.constant 0 : i32
    %dma_wait3A_791 = tpu.memref_slice %arg6[%add3A_576, %dma_wait3A_790] : memref<32768x128xf32, #tpu.memory_space<hbm>> -> memref<128x128xf32, #tpu.memory_space<hbm>>
    %dma_wait3A_792 = arith.constant 0 : i32
    %dma_wait3A_793 = arith.constant 0 : i32
    %dma_wait3A_794 = tpu.memref_slice %arg10[%dma_wait3A_779, %dma_wait3A_792, %dma_wait3A_793] : memref<2x128x128xf32, #tpu.memory_space<vmem>> -> memref<1x128x128xf32, #tpu.memory_space<vmem>>
    %dma_wait3A_795 = tpu.memref_squeeze %dma_wait3A_794 : memref<1x128x128xf32, #tpu.memory_space<vmem>> -> memref<128x128xf32, #tpu.memory_space<vmem>>
    tpu.wait_dma2 semaphore(%dma_wait3A_789 : memref<!tpu.dma_semaphore, #tpu.memory_space<semaphore_mem>>) src(%dma_wait3A_795 : memref<128x128xf32, #tpu.memory_space<vmem>>) dst(%dma_wait3A_791 : memref<128x128xf32, #tpu.memory_space<hbm>>)
    %dma_wait3A_796 = arith.constant 0 : i32
    %dma_wait3A_797 = arith.constant 0 : i32
    %dma_wait3A_798 = arith.constant 1 : i32
    %dma_wait3A_799 = arith.constant 0 : i32
    %dma_wait3A_800 = arith.constant 0 : i32
    %dma_wait3A_801 = tpu.memref_slice %arg11[%dma_wait3A_796, %dma_wait3A_799, %dma_wait3A_800] : memref<2x128x128xf32, #tpu.memory_space<vmem>> -> memref<1x128x128xf32, #tpu.memory_space<vmem>>
    %dma_wait3A_802 = tpu.memref_squeeze %dma_wait3A_801 : memref<1x128x128xf32, #tpu.memory_space<vmem>> -> memref<128x128xf32, #tpu.memory_space<vmem>>
    %dma_wait3A_803 = arith.constant 0 : i32
    %dma_wait3A_804 = tpu.memref_slice %arg7[%add3A_576, %dma_wait3A_803] : memref<32768x128xf32, #tpu.memory_space<hbm>> -> memref<128x128xf32, #tpu.memory_space<hbm>>
    %dma_wait3A_805 = tpu.memref_slice %arg13[%dma_wait3A_797, %dma_wait3A_798] : memref<2x2x!tpu.dma_semaphore, #tpu.memory_space<semaphore_mem>> -> memref<1x1x!tpu.dma_semaphore, #tpu.memory_space<semaphore_mem>>
    %dma_wait3A_806 = tpu.memref_squeeze %dma_wait3A_805 : memref<1x1x!tpu.dma_semaphore, #tpu.memory_space<semaphore_mem>> -> memref<!tpu.dma_semaphore, #tpu.memory_space<semaphore_mem>>
    %dma_wait3A_807 = arith.constant 0 : i32
    %dma_wait3A_808 = tpu.memref_slice %arg7[%add3A_576, %dma_wait3A_807] : memref<32768x128xf32, #tpu.memory_space<hbm>> -> memref<128x128xf32, #tpu.memory_space<hbm>>
    %dma_wait3A_809 = arith.constant 0 : i32
    %dma_wait3A_810 = arith.constant 0 : i32
    %dma_wait3A_811 = tpu.memref_slice %arg11[%dma_wait3A_796, %dma_wait3A_809, %dma_wait3A_810] : memref<2x128x128xf32, #tpu.memory_space<vmem>> -> memref<1x128x128xf32, #tpu.memory_space<vmem>>
    %dma_wait3A_812 = tpu.memref_squeeze %dma_wait3A_811 : memref<1x128x128xf32, #tpu.memory_space<vmem>> -> memref<128x128xf32, #tpu.memory_space<vmem>>
    tpu.wait_dma2 semaphore(%dma_wait3A_806 : memref<!tpu.dma_semaphore, #tpu.memory_space<semaphore_mem>>) src(%dma_wait3A_812 : memref<128x128xf32, #tpu.memory_space<vmem>>) dst(%dma_wait3A_808 : memref<128x128xf32, #tpu.memory_space<hbm>>)
    %dma_wait3A_813 = arith.constant 6 : i32
    %dma_wait3A_814 = arith.constant 0 : i32
    %dma_wait3A_815 = arith.constant 0 : i32
    %dma_wait3A_816 = arith.constant 0 : i32
    %dma_wait3A_817 = arith.constant 0 : i32
    %dma_wait3A_818 = arith.constant 0 : i32
    %dma_wait3A_819 = tpu.memref_slice %arg10[%dma_wait3A_814, %dma_wait3A_817, %dma_wait3A_818] : memref<2x128x128xf32, #tpu.memory_space<vmem>> -> memref<1x128x128xf32, #tpu.memory_space<vmem>>
    %dma_wait3A_820 = tpu.memref_squeeze %dma_wait3A_819 : memref<1x128x128xf32, #tpu.memory_space<vmem>> -> memref<128x128xf32, #tpu.memory_space<vmem>>
    %dma_wait3A_821 = arith.constant 0 : i32
    %dma_wait3A_822 = tpu.memref_slice %arg8[%dma_wait3A_813, %dma_wait3A_821] : memref<8x128xi32, #tpu.memory_space<vmem>> -> memref<1x128xi32, #tpu.memory_space<vmem>>
    %dma_wait3A_823 = tpu.memref_squeeze %dma_wait3A_822 : memref<1x128xi32, #tpu.memory_space<vmem>> -> memref<128xi32, #tpu.memory_space<vmem>>
    %dma_wait3A_824 = arith.constant 0 : i32
    %dma_wait3A_825 = arith.constant 0 : i32
    %dma_wait3A_826 = tpu.memref_slice %arg2[%dma_wait3A_824, %dma_wait3A_825] : memref<802816x128xf32, #tpu.memory_space<hbm>> -> memref<802816x128xf32, #tpu.memory_space<hbm>>
    %dma_wait3A_827 = tpu.memref_slice %arg12[%dma_wait3A_815, %dma_wait3A_816] : memref<2x2x!tpu.dma_semaphore, #tpu.memory_space<semaphore_mem>> -> memref<1x1x!tpu.dma_semaphore, #tpu.memory_space<semaphore_mem>>
    %dma_wait3A_828 = tpu.memref_squeeze %dma_wait3A_827 : memref<1x1x!tpu.dma_semaphore, #tpu.memory_space<semaphore_mem>> -> memref<!tpu.dma_semaphore, #tpu.memory_space<semaphore_mem>>
    tpu.wait_indirect_dma semaphore(%dma_wait3A_828 : memref<!tpu.dma_semaphore, #tpu.memory_space<semaphore_mem>>) src(%dma_wait3A_826 : memref<802816x128xf32, #tpu.memory_space<hbm>>) dst(%dma_wait3A_820 : memref<128x128xf32, #tpu.memory_space<vmem>>)
    %dma_wait3A_829 = arith.constant 6 : i32
    %dma_wait3A_830 = arith.constant 0 : i32
    %dma_wait3A_831 = arith.constant 0 : i32
    %dma_wait3A_832 = arith.constant 1 : i32
    %dma_wait3A_833 = arith.constant 0 : i32
    %dma_wait3A_834 = arith.constant 0 : i32
    %dma_wait3A_835 = tpu.memref_slice %arg11[%dma_wait3A_830, %dma_wait3A_833, %dma_wait3A_834] : memref<2x128x128xf32, #tpu.memory_space<vmem>> -> memref<1x128x128xf32, #tpu.memory_space<vmem>>
    %dma_wait3A_836 = tpu.memref_squeeze %dma_wait3A_835 : memref<1x128x128xf32, #tpu.memory_space<vmem>> -> memref<128x128xf32, #tpu.memory_space<vmem>>
    %dma_wait3A_837 = arith.constant 0 : i32
    %dma_wait3A_838 = tpu.memref_slice %arg9[%dma_wait3A_829, %dma_wait3A_837] : memref<8x128xi32, #tpu.memory_space<vmem>> -> memref<1x128xi32, #tpu.memory_space<vmem>>
    %dma_wait3A_839 = tpu.memref_squeeze %dma_wait3A_838 : memref<1x128xi32, #tpu.memory_space<vmem>> -> memref<128xi32, #tpu.memory_space<vmem>>
    %dma_wait3A_840 = arith.constant 0 : i32
    %dma_wait3A_841 = arith.constant 0 : i32
    %dma_wait3A_842 = tpu.memref_slice %arg3[%dma_wait3A_840, %dma_wait3A_841] : memref<784x128xf32, #tpu.memory_space<hbm>> -> memref<784x128xf32, #tpu.memory_space<hbm>>
    %dma_wait3A_843 = tpu.memref_slice %arg12[%dma_wait3A_831, %dma_wait3A_832] : memref<2x2x!tpu.dma_semaphore, #tpu.memory_space<semaphore_mem>> -> memref<1x1x!tpu.dma_semaphore, #tpu.memory_space<semaphore_mem>>
    %dma_wait3A_844 = tpu.memref_squeeze %dma_wait3A_843 : memref<1x1x!tpu.dma_semaphore, #tpu.memory_space<semaphore_mem>> -> memref<!tpu.dma_semaphore, #tpu.memory_space<semaphore_mem>>
    tpu.wait_indirect_dma semaphore(%dma_wait3A_844 : memref<!tpu.dma_semaphore, #tpu.memory_space<semaphore_mem>>) src(%dma_wait3A_842 : memref<784x128xf32, #tpu.memory_space<hbm>>) dst(%dma_wait3A_836 : memref<128x128xf32, #tpu.memory_space<vmem>>)
    %mul3A_845 = arith.constant 1024 : i32
    %mul3A_846 = arith.muli %add3A, %mul3A_845 : i32
    %add3A_847 = arith.constant 768 : i32
    %add3A_848 = arith.addi %mul3A_846, %add3A_847 : i32
    %dma_start3A_849 = arith.constant 0 : i32
    %dma_start3A_850 = arith.constant 0 : i32
    %dma_start3A_851 = arith.constant 0 : i32
    %dma_start3A_852 = arith.constant 0 : i32
    %dma_start3A_853 = arith.constant 0 : i32
    %dma_start3A_854 = tpu.memref_slice %arg10[%dma_start3A_849, %dma_start3A_852, %dma_start3A_853] : memref<2x128x128xf32, #tpu.memory_space<vmem>> -> memref<1x128x128xf32, #tpu.memory_space<vmem>>
    %dma_start3A_855 = tpu.memref_squeeze %dma_start3A_854 : memref<1x128x128xf32, #tpu.memory_space<vmem>> -> memref<128x128xf32, #tpu.memory_space<vmem>>
    %dma_start3A_856 = arith.constant 0 : i32
    %dma_start3A_857 = tpu.memref_slice %arg6[%add3A_848, %dma_start3A_856] : memref<32768x128xf32, #tpu.memory_space<hbm>> -> memref<128x128xf32, #tpu.memory_space<hbm>>
    %dma_start3A_858 = tpu.memref_slice %arg13[%dma_start3A_850, %dma_start3A_851] : memref<2x2x!tpu.dma_semaphore, #tpu.memory_space<semaphore_mem>> -> memref<1x1x!tpu.dma_semaphore, #tpu.memory_space<semaphore_mem>>
    %dma_start3A_859 = tpu.memref_squeeze %dma_start3A_858 : memref<1x1x!tpu.dma_semaphore, #tpu.memory_space<semaphore_mem>> -> memref<!tpu.dma_semaphore, #tpu.memory_space<semaphore_mem>>
    %dma_start3A_860 = arith.constant 0 : i32
    %dma_start3A_861 = tpu.memref_slice %arg6[%add3A_848, %dma_start3A_860] : memref<32768x128xf32, #tpu.memory_space<hbm>> -> memref<128x128xf32, #tpu.memory_space<hbm>>
    %dma_start3A_862 = arith.constant 0 : i32
    %dma_start3A_863 = arith.constant 0 : i32
    %dma_start3A_864 = tpu.memref_slice %arg10[%dma_start3A_849, %dma_start3A_862, %dma_start3A_863] : memref<2x128x128xf32, #tpu.memory_space<vmem>> -> memref<1x128x128xf32, #tpu.memory_space<vmem>>
    %dma_start3A_865 = tpu.memref_squeeze %dma_start3A_864 : memref<1x128x128xf32, #tpu.memory_space<vmem>> -> memref<128x128xf32, #tpu.memory_space<vmem>>
    tpu.enqueue_dma source(%dma_start3A_865 : memref<128x128xf32, #tpu.memory_space<vmem>>) target(%dma_start3A_861 : memref<128x128xf32, #tpu.memory_space<hbm>>) target_semaphore(%dma_start3A_859 : memref<!tpu.dma_semaphore, #tpu.memory_space<semaphore_mem>>)
    %dma_start3A_866 = arith.constant 0 : i32
    %dma_start3A_867 = arith.constant 0 : i32
    %dma_start3A_868 = arith.constant 1 : i32
    %dma_start3A_869 = arith.constant 0 : i32
    %dma_start3A_870 = arith.constant 0 : i32
    %dma_start3A_871 = tpu.memref_slice %arg11[%dma_start3A_866, %dma_start3A_869, %dma_start3A_870] : memref<2x128x128xf32, #tpu.memory_space<vmem>> -> memref<1x128x128xf32, #tpu.memory_space<vmem>>
    %dma_start3A_872 = tpu.memref_squeeze %dma_start3A_871 : memref<1x128x128xf32, #tpu.memory_space<vmem>> -> memref<128x128xf32, #tpu.memory_space<vmem>>
    %dma_start3A_873 = arith.constant 0 : i32
    %dma_start3A_874 = tpu.memref_slice %arg7[%add3A_848, %dma_start3A_873] : memref<32768x128xf32, #tpu.memory_space<hbm>> -> memref<128x128xf32, #tpu.memory_space<hbm>>
    %dma_start3A_875 = tpu.memref_slice %arg13[%dma_start3A_867, %dma_start3A_868] : memref<2x2x!tpu.dma_semaphore, #tpu.memory_space<semaphore_mem>> -> memref<1x1x!tpu.dma_semaphore, #tpu.memory_space<semaphore_mem>>
    %dma_start3A_876 = tpu.memref_squeeze %dma_start3A_875 : memref<1x1x!tpu.dma_semaphore, #tpu.memory_space<semaphore_mem>> -> memref<!tpu.dma_semaphore, #tpu.memory_space<semaphore_mem>>
    %dma_start3A_877 = arith.constant 0 : i32
    %dma_start3A_878 = tpu.memref_slice %arg7[%add3A_848, %dma_start3A_877] : memref<32768x128xf32, #tpu.memory_space<hbm>> -> memref<128x128xf32, #tpu.memory_space<hbm>>
    %dma_start3A_879 = arith.constant 0 : i32
    %dma_start3A_880 = arith.constant 0 : i32
    %dma_start3A_881 = tpu.memref_slice %arg11[%dma_start3A_866, %dma_start3A_879, %dma_start3A_880] : memref<2x128x128xf32, #tpu.memory_space<vmem>> -> memref<1x128x128xf32, #tpu.memory_space<vmem>>
    %dma_start3A_882 = tpu.memref_squeeze %dma_start3A_881 : memref<1x128x128xf32, #tpu.memory_space<vmem>> -> memref<128x128xf32, #tpu.memory_space<vmem>>
    tpu.enqueue_dma source(%dma_start3A_882 : memref<128x128xf32, #tpu.memory_space<vmem>>) target(%dma_start3A_878 : memref<128x128xf32, #tpu.memory_space<hbm>>) target_semaphore(%dma_start3A_876 : memref<!tpu.dma_semaphore, #tpu.memory_space<semaphore_mem>>)
    %dma_start3A_883 = arith.constant 7 : i32
    %dma_start3A_884 = arith.constant 1 : i32
    %dma_start3A_885 = arith.constant 1 : i32
    %dma_start3A_886 = arith.constant 0 : i32
    %dma_start3A_887 = arith.constant 0 : i32
    %dma_start3A_888 = arith.constant 0 : i32
    %dma_start3A_889 = tpu.memref_slice %arg10[%dma_start3A_884, %dma_start3A_887, %dma_start3A_888] : memref<2x128x128xf32, #tpu.memory_space<vmem>> -> memref<1x128x128xf32, #tpu.memory_space<vmem>>
    %dma_start3A_890 = tpu.memref_squeeze %dma_start3A_889 : memref<1x128x128xf32, #tpu.memory_space<vmem>> -> memref<128x128xf32, #tpu.memory_space<vmem>>
    %dma_start3A_891 = arith.constant 0 : i32
    %dma_start3A_892 = tpu.memref_slice %arg8[%dma_start3A_883, %dma_start3A_891] : memref<8x128xi32, #tpu.memory_space<vmem>> -> memref<1x128xi32, #tpu.memory_space<vmem>>
    %dma_start3A_893 = tpu.memref_squeeze %dma_start3A_892 : memref<1x128xi32, #tpu.memory_space<vmem>> -> memref<128xi32, #tpu.memory_space<vmem>>
    %dma_start3A_894 = arith.constant 0 : i32
    %dma_start3A_895 = arith.constant 0 : i32
    %dma_start3A_896 = tpu.memref_slice %arg2[%dma_start3A_894, %dma_start3A_895] : memref<802816x128xf32, #tpu.memory_space<hbm>> -> memref<802816x128xf32, #tpu.memory_space<hbm>>
    %dma_start3A_897 = tpu.memref_slice %arg12[%dma_start3A_885, %dma_start3A_886] : memref<2x2x!tpu.dma_semaphore, #tpu.memory_space<semaphore_mem>> -> memref<1x1x!tpu.dma_semaphore, #tpu.memory_space<semaphore_mem>>
    %dma_start3A_898 = tpu.memref_squeeze %dma_start3A_897 : memref<1x1x!tpu.dma_semaphore, #tpu.memory_space<semaphore_mem>> -> memref<!tpu.dma_semaphore, #tpu.memory_space<semaphore_mem>>
    tpu.enqueue_indirect_dma source(%dma_start3A_896 : memref<802816x128xf32, #tpu.memory_space<hbm>>) target(%dma_start3A_890 : memref<128x128xf32, #tpu.memory_space<vmem>>) offsets(%dma_start3A_893 : memref<128xi32, #tpu.memory_space<vmem>>) semaphore(%dma_start3A_898 : memref<!tpu.dma_semaphore, #tpu.memory_space<semaphore_mem>>)
    %dma_start3A_899 = arith.constant 7 : i32
    %dma_start3A_900 = arith.constant 1 : i32
    %dma_start3A_901 = arith.constant 1 : i32
    %dma_start3A_902 = arith.constant 1 : i32
    %dma_start3A_903 = arith.constant 0 : i32
    %dma_start3A_904 = arith.constant 0 : i32
    %dma_start3A_905 = tpu.memref_slice %arg11[%dma_start3A_900, %dma_start3A_903, %dma_start3A_904] : memref<2x128x128xf32, #tpu.memory_space<vmem>> -> memref<1x128x128xf32, #tpu.memory_space<vmem>>
    %dma_start3A_906 = tpu.memref_squeeze %dma_start3A_905 : memref<1x128x128xf32, #tpu.memory_space<vmem>> -> memref<128x128xf32, #tpu.memory_space<vmem>>
    %dma_start3A_907 = arith.constant 0 : i32
    %dma_start3A_908 = tpu.memref_slice %arg9[%dma_start3A_899, %dma_start3A_907] : memref<8x128xi32, #tpu.memory_space<vmem>> -> memref<1x128xi32, #tpu.memory_space<vmem>>
    %dma_start3A_909 = tpu.memref_squeeze %dma_start3A_908 : memref<1x128xi32, #tpu.memory_space<vmem>> -> memref<128xi32, #tpu.memory_space<vmem>>
    %dma_start3A_910 = arith.constant 0 : i32
    %dma_start3A_911 = arith.constant 0 : i32
    %dma_start3A_912 = tpu.memref_slice %arg3[%dma_start3A_910, %dma_start3A_911] : memref<784x128xf32, #tpu.memory_space<hbm>> -> memref<784x128xf32, #tpu.memory_space<hbm>>
    %dma_start3A_913 = tpu.memref_slice %arg12[%dma_start3A_901, %dma_start3A_902] : memref<2x2x!tpu.dma_semaphore, #tpu.memory_space<semaphore_mem>> -> memref<1x1x!tpu.dma_semaphore, #tpu.memory_space<semaphore_mem>>
    %dma_start3A_914 = tpu.memref_squeeze %dma_start3A_913 : memref<1x1x!tpu.dma_semaphore, #tpu.memory_space<semaphore_mem>> -> memref<!tpu.dma_semaphore, #tpu.memory_space<semaphore_mem>>
    tpu.enqueue_indirect_dma source(%dma_start3A_912 : memref<784x128xf32, #tpu.memory_space<hbm>>) target(%dma_start3A_906 : memref<128x128xf32, #tpu.memory_space<vmem>>) offsets(%dma_start3A_909 : memref<128xi32, #tpu.memory_space<vmem>>) semaphore(%dma_start3A_914 : memref<!tpu.dma_semaphore, #tpu.memory_space<semaphore_mem>>)
    %dma_wait3A_915 = arith.constant 1 : i32
    %dma_wait3A_916 = arith.constant 1 : i32
    %dma_wait3A_917 = arith.constant 0 : i32
    %dma_wait3A_918 = arith.constant 0 : i32
    %dma_wait3A_919 = arith.constant 0 : i32
    %dma_wait3A_920 = tpu.memref_slice %arg10[%dma_wait3A_915, %dma_wait3A_918, %dma_wait3A_919] : memref<2x128x128xf32, #tpu.memory_space<vmem>> -> memref<1x128x128xf32, #tpu.memory_space<vmem>>
    %dma_wait3A_921 = tpu.memref_squeeze %dma_wait3A_920 : memref<1x128x128xf32, #tpu.memory_space<vmem>> -> memref<128x128xf32, #tpu.memory_space<vmem>>
    %dma_wait3A_922 = arith.constant 0 : i32
    %dma_wait3A_923 = tpu.memref_slice %arg6[%add3A_712, %dma_wait3A_922] : memref<32768x128xf32, #tpu.memory_space<hbm>> -> memref<128x128xf32, #tpu.memory_space<hbm>>
    %dma_wait3A_924 = tpu.memref_slice %arg13[%dma_wait3A_916, %dma_wait3A_917] : memref<2x2x!tpu.dma_semaphore, #tpu.memory_space<semaphore_mem>> -> memref<1x1x!tpu.dma_semaphore, #tpu.memory_space<semaphore_mem>>
    %dma_wait3A_925 = tpu.memref_squeeze %dma_wait3A_924 : memref<1x1x!tpu.dma_semaphore, #tpu.memory_space<semaphore_mem>> -> memref<!tpu.dma_semaphore, #tpu.memory_space<semaphore_mem>>
    %dma_wait3A_926 = arith.constant 0 : i32
    %dma_wait3A_927 = tpu.memref_slice %arg6[%add3A_712, %dma_wait3A_926] : memref<32768x128xf32, #tpu.memory_space<hbm>> -> memref<128x128xf32, #tpu.memory_space<hbm>>
    %dma_wait3A_928 = arith.constant 0 : i32
    %dma_wait3A_929 = arith.constant 0 : i32
    %dma_wait3A_930 = tpu.memref_slice %arg10[%dma_wait3A_915, %dma_wait3A_928, %dma_wait3A_929] : memref<2x128x128xf32, #tpu.memory_space<vmem>> -> memref<1x128x128xf32, #tpu.memory_space<vmem>>
    %dma_wait3A_931 = tpu.memref_squeeze %dma_wait3A_930 : memref<1x128x128xf32, #tpu.memory_space<vmem>> -> memref<128x128xf32, #tpu.memory_space<vmem>>
    tpu.wait_dma2 semaphore(%dma_wait3A_925 : memref<!tpu.dma_semaphore, #tpu.memory_space<semaphore_mem>>) src(%dma_wait3A_931 : memref<128x128xf32, #tpu.memory_space<vmem>>) dst(%dma_wait3A_927 : memref<128x128xf32, #tpu.memory_space<hbm>>)
    %dma_wait3A_932 = arith.constant 1 : i32
    %dma_wait3A_933 = arith.constant 1 : i32
    %dma_wait3A_934 = arith.constant 1 : i32
    %dma_wait3A_935 = arith.constant 0 : i32
    %dma_wait3A_936 = arith.constant 0 : i32
    %dma_wait3A_937 = tpu.memref_slice %arg11[%dma_wait3A_932, %dma_wait3A_935, %dma_wait3A_936] : memref<2x128x128xf32, #tpu.memory_space<vmem>> -> memref<1x128x128xf32, #tpu.memory_space<vmem>>
    %dma_wait3A_938 = tpu.memref_squeeze %dma_wait3A_937 : memref<1x128x128xf32, #tpu.memory_space<vmem>> -> memref<128x128xf32, #tpu.memory_space<vmem>>
    %dma_wait3A_939 = arith.constant 0 : i32
    %dma_wait3A_940 = tpu.memref_slice %arg7[%add3A_712, %dma_wait3A_939] : memref<32768x128xf32, #tpu.memory_space<hbm>> -> memref<128x128xf32, #tpu.memory_space<hbm>>
    %dma_wait3A_941 = tpu.memref_slice %arg13[%dma_wait3A_933, %dma_wait3A_934] : memref<2x2x!tpu.dma_semaphore, #tpu.memory_space<semaphore_mem>> -> memref<1x1x!tpu.dma_semaphore, #tpu.memory_space<semaphore_mem>>
    %dma_wait3A_942 = tpu.memref_squeeze %dma_wait3A_941 : memref<1x1x!tpu.dma_semaphore, #tpu.memory_space<semaphore_mem>> -> memref<!tpu.dma_semaphore, #tpu.memory_space<semaphore_mem>>
    %dma_wait3A_943 = arith.constant 0 : i32
    %dma_wait3A_944 = tpu.memref_slice %arg7[%add3A_712, %dma_wait3A_943] : memref<32768x128xf32, #tpu.memory_space<hbm>> -> memref<128x128xf32, #tpu.memory_space<hbm>>
    %dma_wait3A_945 = arith.constant 0 : i32
    %dma_wait3A_946 = arith.constant 0 : i32
    %dma_wait3A_947 = tpu.memref_slice %arg11[%dma_wait3A_932, %dma_wait3A_945, %dma_wait3A_946] : memref<2x128x128xf32, #tpu.memory_space<vmem>> -> memref<1x128x128xf32, #tpu.memory_space<vmem>>
    %dma_wait3A_948 = tpu.memref_squeeze %dma_wait3A_947 : memref<1x128x128xf32, #tpu.memory_space<vmem>> -> memref<128x128xf32, #tpu.memory_space<vmem>>
    tpu.wait_dma2 semaphore(%dma_wait3A_942 : memref<!tpu.dma_semaphore, #tpu.memory_space<semaphore_mem>>) src(%dma_wait3A_948 : memref<128x128xf32, #tpu.memory_space<vmem>>) dst(%dma_wait3A_944 : memref<128x128xf32, #tpu.memory_space<hbm>>)
    %dma_wait3A_949 = arith.constant 7 : i32
    %dma_wait3A_950 = arith.constant 1 : i32
    %dma_wait3A_951 = arith.constant 1 : i32
    %dma_wait3A_952 = arith.constant 0 : i32
    %dma_wait3A_953 = arith.constant 0 : i32
    %dma_wait3A_954 = arith.constant 0 : i32
    %dma_wait3A_955 = tpu.memref_slice %arg10[%dma_wait3A_950, %dma_wait3A_953, %dma_wait3A_954] : memref<2x128x128xf32, #tpu.memory_space<vmem>> -> memref<1x128x128xf32, #tpu.memory_space<vmem>>
    %dma_wait3A_956 = tpu.memref_squeeze %dma_wait3A_955 : memref<1x128x128xf32, #tpu.memory_space<vmem>> -> memref<128x128xf32, #tpu.memory_space<vmem>>
    %dma_wait3A_957 = arith.constant 0 : i32
    %dma_wait3A_958 = tpu.memref_slice %arg8[%dma_wait3A_949, %dma_wait3A_957] : memref<8x128xi32, #tpu.memory_space<vmem>> -> memref<1x128xi32, #tpu.memory_space<vmem>>
    %dma_wait3A_959 = tpu.memref_squeeze %dma_wait3A_958 : memref<1x128xi32, #tpu.memory_space<vmem>> -> memref<128xi32, #tpu.memory_space<vmem>>
    %dma_wait3A_960 = arith.constant 0 : i32
    %dma_wait3A_961 = arith.constant 0 : i32
    %dma_wait3A_962 = tpu.memref_slice %arg2[%dma_wait3A_960, %dma_wait3A_961] : memref<802816x128xf32, #tpu.memory_space<hbm>> -> memref<802816x128xf32, #tpu.memory_space<hbm>>
    %dma_wait3A_963 = tpu.memref_slice %arg12[%dma_wait3A_951, %dma_wait3A_952] : memref<2x2x!tpu.dma_semaphore, #tpu.memory_space<semaphore_mem>> -> memref<1x1x!tpu.dma_semaphore, #tpu.memory_space<semaphore_mem>>
    %dma_wait3A_964 = tpu.memref_squeeze %dma_wait3A_963 : memref<1x1x!tpu.dma_semaphore, #tpu.memory_space<semaphore_mem>> -> memref<!tpu.dma_semaphore, #tpu.memory_space<semaphore_mem>>
    tpu.wait_indirect_dma semaphore(%dma_wait3A_964 : memref<!tpu.dma_semaphore, #tpu.memory_space<semaphore_mem>>) src(%dma_wait3A_962 : memref<802816x128xf32, #tpu.memory_space<hbm>>) dst(%dma_wait3A_956 : memref<128x128xf32, #tpu.memory_space<vmem>>)
    %dma_wait3A_965 = arith.constant 7 : i32
    %dma_wait3A_966 = arith.constant 1 : i32
    %dma_wait3A_967 = arith.constant 1 : i32
    %dma_wait3A_968 = arith.constant 1 : i32
    %dma_wait3A_969 = arith.constant 0 : i32
    %dma_wait3A_970 = arith.constant 0 : i32
    %dma_wait3A_971 = tpu.memref_slice %arg11[%dma_wait3A_966, %dma_wait3A_969, %dma_wait3A_970] : memref<2x128x128xf32, #tpu.memory_space<vmem>> -> memref<1x128x128xf32, #tpu.memory_space<vmem>>
    %dma_wait3A_972 = tpu.memref_squeeze %dma_wait3A_971 : memref<1x128x128xf32, #tpu.memory_space<vmem>> -> memref<128x128xf32, #tpu.memory_space<vmem>>
    %dma_wait3A_973 = arith.constant 0 : i32
    %dma_wait3A_974 = tpu.memref_slice %arg9[%dma_wait3A_965, %dma_wait3A_973] : memref<8x128xi32, #tpu.memory_space<vmem>> -> memref<1x128xi32, #tpu.memory_space<vmem>>
    %dma_wait3A_975 = tpu.memref_squeeze %dma_wait3A_974 : memref<1x128xi32, #tpu.memory_space<vmem>> -> memref<128xi32, #tpu.memory_space<vmem>>
    %dma_wait3A_976 = arith.constant 0 : i32
    %dma_wait3A_977 = arith.constant 0 : i32
    %dma_wait3A_978 = tpu.memref_slice %arg3[%dma_wait3A_976, %dma_wait3A_977] : memref<784x128xf32, #tpu.memory_space<hbm>> -> memref<784x128xf32, #tpu.memory_space<hbm>>
    %dma_wait3A_979 = tpu.memref_slice %arg12[%dma_wait3A_967, %dma_wait3A_968] : memref<2x2x!tpu.dma_semaphore, #tpu.memory_space<semaphore_mem>> -> memref<1x1x!tpu.dma_semaphore, #tpu.memory_space<semaphore_mem>>
    %dma_wait3A_980 = tpu.memref_squeeze %dma_wait3A_979 : memref<1x1x!tpu.dma_semaphore, #tpu.memory_space<semaphore_mem>> -> memref<!tpu.dma_semaphore, #tpu.memory_space<semaphore_mem>>
    tpu.wait_indirect_dma semaphore(%dma_wait3A_980 : memref<!tpu.dma_semaphore, #tpu.memory_space<semaphore_mem>>) src(%dma_wait3A_978 : memref<784x128xf32, #tpu.memory_space<hbm>>) dst(%dma_wait3A_972 : memref<128x128xf32, #tpu.memory_space<vmem>>)
    %mul3A_981 = arith.constant 1024 : i32
    %mul3A_982 = arith.muli %add3A, %mul3A_981 : i32
    %add3A_983 = arith.constant 896 : i32
    %add3A_984 = arith.addi %mul3A_982, %add3A_983 : i32
    %dma_start3A_985 = arith.constant 1 : i32
    %dma_start3A_986 = arith.constant 1 : i32
    %dma_start3A_987 = arith.constant 0 : i32
    %dma_start3A_988 = arith.constant 0 : i32
    %dma_start3A_989 = arith.constant 0 : i32
    %dma_start3A_990 = tpu.memref_slice %arg10[%dma_start3A_985, %dma_start3A_988, %dma_start3A_989] : memref<2x128x128xf32, #tpu.memory_space<vmem>> -> memref<1x128x128xf32, #tpu.memory_space<vmem>>
    %dma_start3A_991 = tpu.memref_squeeze %dma_start3A_990 : memref<1x128x128xf32, #tpu.memory_space<vmem>> -> memref<128x128xf32, #tpu.memory_space<vmem>>
    %dma_start3A_992 = arith.constant 0 : i32
    %dma_start3A_993 = tpu.memref_slice %arg6[%add3A_984, %dma_start3A_992] : memref<32768x128xf32, #tpu.memory_space<hbm>> -> memref<128x128xf32, #tpu.memory_space<hbm>>
    %dma_start3A_994 = tpu.memref_slice %arg13[%dma_start3A_986, %dma_start3A_987] : memref<2x2x!tpu.dma_semaphore, #tpu.memory_space<semaphore_mem>> -> memref<1x1x!tpu.dma_semaphore, #tpu.memory_space<semaphore_mem>>
    %dma_start3A_995 = tpu.memref_squeeze %dma_start3A_994 : memref<1x1x!tpu.dma_semaphore, #tpu.memory_space<semaphore_mem>> -> memref<!tpu.dma_semaphore, #tpu.memory_space<semaphore_mem>>
    %dma_start3A_996 = arith.constant 0 : i32
    %dma_start3A_997 = tpu.memref_slice %arg6[%add3A_984, %dma_start3A_996] : memref<32768x128xf32, #tpu.memory_space<hbm>> -> memref<128x128xf32, #tpu.memory_space<hbm>>
    %dma_start3A_998 = arith.constant 0 : i32
    %dma_start3A_999 = arith.constant 0 : i32
    %dma_start3A_1000 = tpu.memref_slice %arg10[%dma_start3A_985, %dma_start3A_998, %dma_start3A_999] : memref<2x128x128xf32, #tpu.memory_space<vmem>> -> memref<1x128x128xf32, #tpu.memory_space<vmem>>
    %dma_start3A_1001 = tpu.memref_squeeze %dma_start3A_1000 : memref<1x128x128xf32, #tpu.memory_space<vmem>> -> memref<128x128xf32, #tpu.memory_space<vmem>>
    tpu.enqueue_dma source(%dma_start3A_1001 : memref<128x128xf32, #tpu.memory_space<vmem>>) target(%dma_start3A_997 : memref<128x128xf32, #tpu.memory_space<hbm>>) target_semaphore(%dma_start3A_995 : memref<!tpu.dma_semaphore, #tpu.memory_space<semaphore_mem>>)
    %dma_start3A_1002 = arith.constant 1 : i32
    %dma_start3A_1003 = arith.constant 1 : i32
    %dma_start3A_1004 = arith.constant 1 : i32
    %dma_start3A_1005 = arith.constant 0 : i32
    %dma_start3A_1006 = arith.constant 0 : i32
    %dma_start3A_1007 = tpu.memref_slice %arg11[%dma_start3A_1002, %dma_start3A_1005, %dma_start3A_1006] : memref<2x128x128xf32, #tpu.memory_space<vmem>> -> memref<1x128x128xf32, #tpu.memory_space<vmem>>
    %dma_start3A_1008 = tpu.memref_squeeze %dma_start3A_1007 : memref<1x128x128xf32, #tpu.memory_space<vmem>> -> memref<128x128xf32, #tpu.memory_space<vmem>>
    %dma_start3A_1009 = arith.constant 0 : i32
    %dma_start3A_1010 = tpu.memref_slice %arg7[%add3A_984, %dma_start3A_1009] : memref<32768x128xf32, #tpu.memory_space<hbm>> -> memref<128x128xf32, #tpu.memory_space<hbm>>
    %dma_start3A_1011 = tpu.memref_slice %arg13[%dma_start3A_1003, %dma_start3A_1004] : memref<2x2x!tpu.dma_semaphore, #tpu.memory_space<semaphore_mem>> -> memref<1x1x!tpu.dma_semaphore, #tpu.memory_space<semaphore_mem>>
    %dma_start3A_1012 = tpu.memref_squeeze %dma_start3A_1011 : memref<1x1x!tpu.dma_semaphore, #tpu.memory_space<semaphore_mem>> -> memref<!tpu.dma_semaphore, #tpu.memory_space<semaphore_mem>>
    %dma_start3A_1013 = arith.constant 0 : i32
    %dma_start3A_1014 = tpu.memref_slice %arg7[%add3A_984, %dma_start3A_1013] : memref<32768x128xf32, #tpu.memory_space<hbm>> -> memref<128x128xf32, #tpu.memory_space<hbm>>
    %dma_start3A_1015 = arith.constant 0 : i32
    %dma_start3A_1016 = arith.constant 0 : i32
    %dma_start3A_1017 = tpu.memref_slice %arg11[%dma_start3A_1002, %dma_start3A_1015, %dma_start3A_1016] : memref<2x128x128xf32, #tpu.memory_space<vmem>> -> memref<1x128x128xf32, #tpu.memory_space<vmem>>
    %dma_start3A_1018 = tpu.memref_squeeze %dma_start3A_1017 : memref<1x128x128xf32, #tpu.memory_space<vmem>> -> memref<128x128xf32, #tpu.memory_space<vmem>>
    tpu.enqueue_dma source(%dma_start3A_1018 : memref<128x128xf32, #tpu.memory_space<vmem>>) target(%dma_start3A_1014 : memref<128x128xf32, #tpu.memory_space<hbm>>) target_semaphore(%dma_start3A_1012 : memref<!tpu.dma_semaphore, #tpu.memory_space<semaphore_mem>>)
    %dma_wait3A_1019 = arith.constant 0 : i32
    %dma_wait3A_1020 = arith.constant 0 : i32
    %dma_wait3A_1021 = arith.constant 0 : i32
    %dma_wait3A_1022 = arith.constant 0 : i32
    %dma_wait3A_1023 = arith.constant 0 : i32
    %dma_wait3A_1024 = tpu.memref_slice %arg10[%dma_wait3A_1019, %dma_wait3A_1022, %dma_wait3A_1023] : memref<2x128x128xf32, #tpu.memory_space<vmem>> -> memref<1x128x128xf32, #tpu.memory_space<vmem>>
    %dma_wait3A_1025 = tpu.memref_squeeze %dma_wait3A_1024 : memref<1x128x128xf32, #tpu.memory_space<vmem>> -> memref<128x128xf32, #tpu.memory_space<vmem>>
    %dma_wait3A_1026 = arith.constant 0 : i32
    %dma_wait3A_1027 = tpu.memref_slice %arg6[%add3A_848, %dma_wait3A_1026] : memref<32768x128xf32, #tpu.memory_space<hbm>> -> memref<128x128xf32, #tpu.memory_space<hbm>>
    %dma_wait3A_1028 = tpu.memref_slice %arg13[%dma_wait3A_1020, %dma_wait3A_1021] : memref<2x2x!tpu.dma_semaphore, #tpu.memory_space<semaphore_mem>> -> memref<1x1x!tpu.dma_semaphore, #tpu.memory_space<semaphore_mem>>
    %dma_wait3A_1029 = tpu.memref_squeeze %dma_wait3A_1028 : memref<1x1x!tpu.dma_semaphore, #tpu.memory_space<semaphore_mem>> -> memref<!tpu.dma_semaphore, #tpu.memory_space<semaphore_mem>>
    %dma_wait3A_1030 = arith.constant 0 : i32
    %dma_wait3A_1031 = tpu.memref_slice %arg6[%add3A_848, %dma_wait3A_1030] : memref<32768x128xf32, #tpu.memory_space<hbm>> -> memref<128x128xf32, #tpu.memory_space<hbm>>
    %dma_wait3A_1032 = arith.constant 0 : i32
    %dma_wait3A_1033 = arith.constant 0 : i32
    %dma_wait3A_1034 = tpu.memref_slice %arg10[%dma_wait3A_1019, %dma_wait3A_1032, %dma_wait3A_1033] : memref<2x128x128xf32, #tpu.memory_space<vmem>> -> memref<1x128x128xf32, #tpu.memory_space<vmem>>
    %dma_wait3A_1035 = tpu.memref_squeeze %dma_wait3A_1034 : memref<1x128x128xf32, #tpu.memory_space<vmem>> -> memref<128x128xf32, #tpu.memory_space<vmem>>
    tpu.wait_dma2 semaphore(%dma_wait3A_1029 : memref<!tpu.dma_semaphore, #tpu.memory_space<semaphore_mem>>) src(%dma_wait3A_1035 : memref<128x128xf32, #tpu.memory_space<vmem>>) dst(%dma_wait3A_1031 : memref<128x128xf32, #tpu.memory_space<hbm>>)
    %dma_wait3A_1036 = arith.constant 0 : i32
    %dma_wait3A_1037 = arith.constant 0 : i32
    %dma_wait3A_1038 = arith.constant 1 : i32
    %dma_wait3A_1039 = arith.constant 0 : i32
    %dma_wait3A_1040 = arith.constant 0 : i32
    %dma_wait3A_1041 = tpu.memref_slice %arg11[%dma_wait3A_1036, %dma_wait3A_1039, %dma_wait3A_1040] : memref<2x128x128xf32, #tpu.memory_space<vmem>> -> memref<1x128x128xf32, #tpu.memory_space<vmem>>
    %dma_wait3A_1042 = tpu.memref_squeeze %dma_wait3A_1041 : memref<1x128x128xf32, #tpu.memory_space<vmem>> -> memref<128x128xf32, #tpu.memory_space<vmem>>
    %dma_wait3A_1043 = arith.constant 0 : i32
    %dma_wait3A_1044 = tpu.memref_slice %arg7[%add3A_848, %dma_wait3A_1043] : memref<32768x128xf32, #tpu.memory_space<hbm>> -> memref<128x128xf32, #tpu.memory_space<hbm>>
    %dma_wait3A_1045 = tpu.memref_slice %arg13[%dma_wait3A_1037, %dma_wait3A_1038] : memref<2x2x!tpu.dma_semaphore, #tpu.memory_space<semaphore_mem>> -> memref<1x1x!tpu.dma_semaphore, #tpu.memory_space<semaphore_mem>>
    %dma_wait3A_1046 = tpu.memref_squeeze %dma_wait3A_1045 : memref<1x1x!tpu.dma_semaphore, #tpu.memory_space<semaphore_mem>> -> memref<!tpu.dma_semaphore, #tpu.memory_space<semaphore_mem>>
    %dma_wait3A_1047 = arith.constant 0 : i32
    %dma_wait3A_1048 = tpu.memref_slice %arg7[%add3A_848, %dma_wait3A_1047] : memref<32768x128xf32, #tpu.memory_space<hbm>> -> memref<128x128xf32, #tpu.memory_space<hbm>>
    %dma_wait3A_1049 = arith.constant 0 : i32
    %dma_wait3A_1050 = arith.constant 0 : i32
    %dma_wait3A_1051 = tpu.memref_slice %arg11[%dma_wait3A_1036, %dma_wait3A_1049, %dma_wait3A_1050] : memref<2x128x128xf32, #tpu.memory_space<vmem>> -> memref<1x128x128xf32, #tpu.memory_space<vmem>>
    %dma_wait3A_1052 = tpu.memref_squeeze %dma_wait3A_1051 : memref<1x128x128xf32, #tpu.memory_space<vmem>> -> memref<128x128xf32, #tpu.memory_space<vmem>>
    tpu.wait_dma2 semaphore(%dma_wait3A_1046 : memref<!tpu.dma_semaphore, #tpu.memory_space<semaphore_mem>>) src(%dma_wait3A_1052 : memref<128x128xf32, #tpu.memory_space<vmem>>) dst(%dma_wait3A_1048 : memref<128x128xf32, #tpu.memory_space<hbm>>)
    %dma_wait3A_1053 = arith.constant 1 : i32
    %dma_wait3A_1054 = arith.constant 1 : i32
    %dma_wait3A_1055 = arith.constant 0 : i32
    %dma_wait3A_1056 = arith.constant 0 : i32
    %dma_wait3A_1057 = arith.constant 0 : i32
    %dma_wait3A_1058 = tpu.memref_slice %arg10[%dma_wait3A_1053, %dma_wait3A_1056, %dma_wait3A_1057] : memref<2x128x128xf32, #tpu.memory_space<vmem>> -> memref<1x128x128xf32, #tpu.memory_space<vmem>>
    %dma_wait3A_1059 = tpu.memref_squeeze %dma_wait3A_1058 : memref<1x128x128xf32, #tpu.memory_space<vmem>> -> memref<128x128xf32, #tpu.memory_space<vmem>>
    %dma_wait3A_1060 = arith.constant 0 : i32
    %dma_wait3A_1061 = tpu.memref_slice %arg6[%add3A_984, %dma_wait3A_1060] : memref<32768x128xf32, #tpu.memory_space<hbm>> -> memref<128x128xf32, #tpu.memory_space<hbm>>
    %dma_wait3A_1062 = tpu.memref_slice %arg13[%dma_wait3A_1054, %dma_wait3A_1055] : memref<2x2x!tpu.dma_semaphore, #tpu.memory_space<semaphore_mem>> -> memref<1x1x!tpu.dma_semaphore, #tpu.memory_space<semaphore_mem>>
    %dma_wait3A_1063 = tpu.memref_squeeze %dma_wait3A_1062 : memref<1x1x!tpu.dma_semaphore, #tpu.memory_space<semaphore_mem>> -> memref<!tpu.dma_semaphore, #tpu.memory_space<semaphore_mem>>
    %dma_wait3A_1064 = arith.constant 0 : i32
    %dma_wait3A_1065 = tpu.memref_slice %arg6[%add3A_984, %dma_wait3A_1064] : memref<32768x128xf32, #tpu.memory_space<hbm>> -> memref<128x128xf32, #tpu.memory_space<hbm>>
    %dma_wait3A_1066 = arith.constant 0 : i32
    %dma_wait3A_1067 = arith.constant 0 : i32
    %dma_wait3A_1068 = tpu.memref_slice %arg10[%dma_wait3A_1053, %dma_wait3A_1066, %dma_wait3A_1067] : memref<2x128x128xf32, #tpu.memory_space<vmem>> -> memref<1x128x128xf32, #tpu.memory_space<vmem>>
    %dma_wait3A_1069 = tpu.memref_squeeze %dma_wait3A_1068 : memref<1x128x128xf32, #tpu.memory_space<vmem>> -> memref<128x128xf32, #tpu.memory_space<vmem>>
    tpu.wait_dma2 semaphore(%dma_wait3A_1063 : memref<!tpu.dma_semaphore, #tpu.memory_space<semaphore_mem>>) src(%dma_wait3A_1069 : memref<128x128xf32, #tpu.memory_space<vmem>>) dst(%dma_wait3A_1065 : memref<128x128xf32, #tpu.memory_space<hbm>>)
    %dma_wait3A_1070 = arith.constant 1 : i32
    %dma_wait3A_1071 = arith.constant 1 : i32
    %dma_wait3A_1072 = arith.constant 1 : i32
    %dma_wait3A_1073 = arith.constant 0 : i32
    %dma_wait3A_1074 = arith.constant 0 : i32
    %dma_wait3A_1075 = tpu.memref_slice %arg11[%dma_wait3A_1070, %dma_wait3A_1073, %dma_wait3A_1074] : memref<2x128x128xf32, #tpu.memory_space<vmem>> -> memref<1x128x128xf32, #tpu.memory_space<vmem>>
    %dma_wait3A_1076 = tpu.memref_squeeze %dma_wait3A_1075 : memref<1x128x128xf32, #tpu.memory_space<vmem>> -> memref<128x128xf32, #tpu.memory_space<vmem>>
    %dma_wait3A_1077 = arith.constant 0 : i32
    %dma_wait3A_1078 = tpu.memref_slice %arg7[%add3A_984, %dma_wait3A_1077] : memref<32768x128xf32, #tpu.memory_space<hbm>> -> memref<128x128xf32, #tpu.memory_space<hbm>>
    %dma_wait3A_1079 = tpu.memref_slice %arg13[%dma_wait3A_1071, %dma_wait3A_1072] : memref<2x2x!tpu.dma_semaphore, #tpu.memory_space<semaphore_mem>> -> memref<1x1x!tpu.dma_semaphore, #tpu.memory_space<semaphore_mem>>
    %dma_wait3A_1080 = tpu.memref_squeeze %dma_wait3A_1079 : memref<1x1x!tpu.dma_semaphore, #tpu.memory_space<semaphore_mem>> -> memref<!tpu.dma_semaphore, #tpu.memory_space<semaphore_mem>>
    %dma_wait3A_1081 = arith.constant 0 : i32
    %dma_wait3A_1082 = tpu.memref_slice %arg7[%add3A_984, %dma_wait3A_1081] : memref<32768x128xf32, #tpu.memory_space<hbm>> -> memref<128x128xf32, #tpu.memory_space<hbm>>
    %dma_wait3A_1083 = arith.constant 0 : i32
    %dma_wait3A_1084 = arith.constant 0 : i32
    %dma_wait3A_1085 = tpu.memref_slice %arg11[%dma_wait3A_1070, %dma_wait3A_1083, %dma_wait3A_1084] : memref<2x128x128xf32, #tpu.memory_space<vmem>> -> memref<1x128x128xf32, #tpu.memory_space<vmem>>
    %dma_wait3A_1086 = tpu.memref_squeeze %dma_wait3A_1085 : memref<1x128x128xf32, #tpu.memory_space<vmem>> -> memref<128x128xf32, #tpu.memory_space<vmem>>
    tpu.wait_dma2 semaphore(%dma_wait3A_1080 : memref<!tpu.dma_semaphore, #tpu.memory_space<semaphore_mem>>) src(%dma_wait3A_1086 : memref<128x128xf32, #tpu.memory_space<vmem>>) dst(%dma_wait3A_1082 : memref<128x128xf32, #tpu.memory_space<hbm>>)
    return
  }
}

module attributes {stable_mosaic.version = 14 : i64} {
  func.func @_dist_body(%arg0: i32, %arg1: i32, %arg2: memref<1024x1xf32, #tpu.memory_space<vmem>>, %arg3: memref<1x2048xf32, #tpu.memory_space<vmem>>, %arg4: memref<1024x128xf32, #tpu.memory_space<vmem>>, %arg5: memref<2048x128xf32, #tpu.memory_space<vmem>>, %arg6: memref<1024x16x128xf32, #tpu.memory_space<vmem>>, %arg7: memref<1x1024x16xf32, #tpu.memory_space<vmem>>) attributes {dimension_semantics = [#tpu.dimension_semantics<arbitrary>, #tpu.dimension_semantics<arbitrary>], iteration_bounds = array<i64: 49, 1>, scalar_prefetch = 0 : i64, scratch_operands = 0 : i64, tpu.core_type = #tpu.core_type<tc>, window_params = [{transform_indices = @transform_0, window_bounds = array<i64: 1024, 1>}, {transform_indices = @transform_1, window_bounds = array<i64: 1, 2048>}, {transform_indices = @transform_2, window_bounds = array<i64: 1024, 128>}, {transform_indices = @transform_3, window_bounds = array<i64: 2048, 128>}, {transform_indices = @transform_4, window_bounds = array<i64: 1024, 16, 128>}, {transform_indices = @transform_5, window_bounds = array<i64: 1, 1024, 16>}]} {
    %get3A = arith.constant 0 : index
    %get3A_0 = arith.constant 0 : index
    %get3A_1 = vector.load %arg4[%get3A, %get3A_0] : memref<1024x128xf32, #tpu.memory_space<vmem>>, vector<1024x128xf32>
    %get3A_2 = arith.constant 0 : index
    %get3A_3 = arith.constant 0 : index
    %get3A_4 = vector.load %arg5[%get3A_2, %get3A_3] : memref<2048x128xf32, #tpu.memory_space<vmem>>, vector<2048x128xf32>
    %dot_general3A = arith.constant dense<0.000000e+00> : vector<1024x2048xf32>
    %dot_general3A_5 = tpu.matmul %get3A_1, %get3A_4, %dot_general3A {dimension_numbers = #tpu.dot_dimension_numbers<[1], [1], [0], [0], [0, 0, 1, 0], [], []>, transpose_lhs_hint = false} : vector<1024x128xf32>, vector<2048x128xf32>, vector<1024x2048xf32> -> vector<1024x2048xf32>
    %get3A_6 = arith.constant 0 : index
    %get3A_7 = arith.constant 0 : index
    %get3A_8 = vector.load %arg2[%get3A_6, %get3A_7] : memref<1024x1xf32, #tpu.memory_space<vmem>>, vector<1024x1xf32>
    %mul3A = arith.constant 2.000000e+00 : f32
    %mul3A_9 = vector.broadcast %mul3A : f32 to vector<1024x2048xf32>
    %mul3A_10 = arith.mulf %mul3A_9, %dot_general3A_5 : vector<1024x2048xf32>
    %sub3A = vector.broadcast %get3A_8 : vector<1024x1xf32> to vector<1024x2048xf32>
    %sub3A_11 = arith.subf %sub3A, %mul3A_10 : vector<1024x2048xf32>
    %get3A_12 = arith.constant 0 : index
    %get3A_13 = arith.constant 0 : index
    %get3A_14 = vector.load %arg3[%get3A_12, %get3A_13] : memref<1x2048xf32, #tpu.memory_space<vmem>>, vector<1x2048xf32>
    %add3A = vector.broadcast %get3A_14 : vector<1x2048xf32> to vector<1024x2048xf32>
    %add3A_15 = arith.addf %sub3A_11, %add3A : vector<1024x2048xf32>
    %mul3A_16 = arith.constant 2048 : i32
    %mul3A_17 = arith.muli %arg0, %mul3A_16 : i32
    %iota3A = tpu.iota {dimensions = array<i32: 1>} : vector<1x2048xi32>
    %add3A_18 = vector.broadcast %mul3A_17 : i32 to vector<1x2048xi32>
    %add3A_19 = arith.addi %add3A_18, %iota3A : vector<1x2048xi32>
    %ge3A = arith.constant 100000 : i32
    %ge3A_20 = vector.broadcast %ge3A : i32 to vector<1x2048xi32>
    %ge3A_21 = arith.cmpi sge, %add3A_19, %ge3A_20 : vector<1x2048xi32>
    %jit3A = arith.constant 1.000000e+30 : f32
    %broadcast_in_dim3A = vector.shape_cast %ge3A_21 : vector<1x2048xi1> to vector<1x2048xi1>
    %broadcast_in_dim3A_22 = vector.broadcast %broadcast_in_dim3A : vector<1x2048xi1> to vector<1024x2048xi1>
    %broadcast_in_dim3A_23 = vector.broadcast %jit3A : f32 to vector<1024x2048xf32>
    %select_n3A = arith.select %broadcast_in_dim3A_22, %broadcast_in_dim3A_23, %add3A_15 : vector<1024x2048xi1>, vector<1024x2048xf32>
    %slice3A = vector.extract_strided_slice %select_n3A {offsets = [0, 0], sizes = [1024, 128], strides = [1, 1]} : vector<1024x2048xf32> to vector<1024x128xf32>
    %swap3A = arith.constant 0 : index
    %swap3A_24 = arith.constant 0 : index
    %swap3A_25 = arith.constant 0 : index
    %swap3A_26 = vector.load %arg6[%swap3A, %swap3A_24, %swap3A_25] : memref<1024x16x128xf32, #tpu.memory_space<vmem>>, vector<1024x1x128xf32>
    %swap3A_27 = vector.shape_cast %swap3A_26 : vector<1024x1x128xf32> to vector<1024x128xf32>
    %swap3A_28 = vector.shape_cast %slice3A : vector<1024x128xf32> to vector<1024x1x128xf32>
    tpu.vector_store %arg6[%swap3A, %swap3A_24, %swap3A_25], %swap3A_28 {strides = array<i32>} : memref<1024x16x128xf32, #tpu.memory_space<vmem>>, vector<1024x1x128xf32>,
    %reduce_min3A = arith.constant dense<0x7F800000> : vector<1024xf32>
    %reduce_min3A_29 = vector.multi_reduction <minimumf>, %slice3A, %reduce_min3A [1] : vector<1024x128xf32> to vector<1024xf32>
    %broadcast_in_dim3A_30 = vector.shape_cast %reduce_min3A_29 : vector<1024xf32> to vector<1024x1xf32>
    %slice3A_31 = vector.extract_strided_slice %select_n3A {offsets = [0, 128], sizes = [1024, 128], strides = [1, 1]} : vector<1024x2048xf32> to vector<1024x128xf32>
    %swap3A_32 = arith.constant 0 : index
    %swap3A_33 = arith.constant 1 : index
    %swap3A_34 = arith.constant 0 : index
    %swap3A_35 = vector.load %arg6[%swap3A_32, %swap3A_33, %swap3A_34] : memref<1024x16x128xf32, #tpu.memory_space<vmem>>, vector<1024x1x128xf32>
    %swap3A_36 = vector.shape_cast %swap3A_35 : vector<1024x1x128xf32> to vector<1024x128xf32>
    %swap3A_37 = vector.shape_cast %slice3A_31 : vector<1024x128xf32> to vector<1024x1x128xf32>
    tpu.vector_store %arg6[%swap3A_32, %swap3A_33, %swap3A_34], %swap3A_37 {strides = array<i32>} : memref<1024x16x128xf32, #tpu.memory_space<vmem>>, vector<1024x1x128xf32>,
    %reduce_min3A_38 = arith.constant dense<0x7F800000> : vector<1024xf32>
    %reduce_min3A_39 = vector.multi_reduction <minimumf>, %slice3A_31, %reduce_min3A_38 [1] : vector<1024x128xf32> to vector<1024xf32>
    %broadcast_in_dim3A_40 = vector.shape_cast %reduce_min3A_39 : vector<1024xf32> to vector<1024x1xf32>
    %slice3A_41 = vector.extract_strided_slice %select_n3A {offsets = [0, 256], sizes = [1024, 128], strides = [1, 1]} : vector<1024x2048xf32> to vector<1024x128xf32>
    %swap3A_42 = arith.constant 0 : index
    %swap3A_43 = arith.constant 2 : index
    %swap3A_44 = arith.constant 0 : index
    %swap3A_45 = vector.load %arg6[%swap3A_42, %swap3A_43, %swap3A_44] : memref<1024x16x128xf32, #tpu.memory_space<vmem>>, vector<1024x1x128xf32>
    %swap3A_46 = vector.shape_cast %swap3A_45 : vector<1024x1x128xf32> to vector<1024x128xf32>
    %swap3A_47 = vector.shape_cast %slice3A_41 : vector<1024x128xf32> to vector<1024x1x128xf32>
    tpu.vector_store %arg6[%swap3A_42, %swap3A_43, %swap3A_44], %swap3A_47 {strides = array<i32>} : memref<1024x16x128xf32, #tpu.memory_space<vmem>>, vector<1024x1x128xf32>,
    %reduce_min3A_48 = arith.constant dense<0x7F800000> : vector<1024xf32>
    %reduce_min3A_49 = vector.multi_reduction <minimumf>, %slice3A_41, %reduce_min3A_48 [1] : vector<1024x128xf32> to vector<1024xf32>
    %broadcast_in_dim3A_50 = vector.shape_cast %reduce_min3A_49 : vector<1024xf32> to vector<1024x1xf32>
    %slice3A_51 = vector.extract_strided_slice %select_n3A {offsets = [0, 384], sizes = [1024, 128], strides = [1, 1]} : vector<1024x2048xf32> to vector<1024x128xf32>
    %swap3A_52 = arith.constant 0 : index
    %swap3A_53 = arith.constant 3 : index
    %swap3A_54 = arith.constant 0 : index
    %swap3A_55 = vector.load %arg6[%swap3A_52, %swap3A_53, %swap3A_54] : memref<1024x16x128xf32, #tpu.memory_space<vmem>>, vector<1024x1x128xf32>
    %swap3A_56 = vector.shape_cast %swap3A_55 : vector<1024x1x128xf32> to vector<1024x128xf32>
    %swap3A_57 = vector.shape_cast %slice3A_51 : vector<1024x128xf32> to vector<1024x1x128xf32>
    tpu.vector_store %arg6[%swap3A_52, %swap3A_53, %swap3A_54], %swap3A_57 {strides = array<i32>} : memref<1024x16x128xf32, #tpu.memory_space<vmem>>, vector<1024x1x128xf32>,
    %reduce_min3A_58 = arith.constant dense<0x7F800000> : vector<1024xf32>
    %reduce_min3A_59 = vector.multi_reduction <minimumf>, %slice3A_51, %reduce_min3A_58 [1] : vector<1024x128xf32> to vector<1024xf32>
    %broadcast_in_dim3A_60 = vector.shape_cast %reduce_min3A_59 : vector<1024xf32> to vector<1024x1xf32>
    %slice3A_61 = vector.extract_strided_slice %select_n3A {offsets = [0, 512], sizes = [1024, 128], strides = [1, 1]} : vector<1024x2048xf32> to vector<1024x128xf32>
    %swap3A_62 = arith.constant 0 : index
    %swap3A_63 = arith.constant 4 : index
    %swap3A_64 = arith.constant 0 : index
    %swap3A_65 = vector.load %arg6[%swap3A_62, %swap3A_63, %swap3A_64] : memref<1024x16x128xf32, #tpu.memory_space<vmem>>, vector<1024x1x128xf32>
    %swap3A_66 = vector.shape_cast %swap3A_65 : vector<1024x1x128xf32> to vector<1024x128xf32>
    %swap3A_67 = vector.shape_cast %slice3A_61 : vector<1024x128xf32> to vector<1024x1x128xf32>
    tpu.vector_store %arg6[%swap3A_62, %swap3A_63, %swap3A_64], %swap3A_67 {strides = array<i32>} : memref<1024x16x128xf32, #tpu.memory_space<vmem>>, vector<1024x1x128xf32>,
    %reduce_min3A_68 = arith.constant dense<0x7F800000> : vector<1024xf32>
    %reduce_min3A_69 = vector.multi_reduction <minimumf>, %slice3A_61, %reduce_min3A_68 [1] : vector<1024x128xf32> to vector<1024xf32>
    %broadcast_in_dim3A_70 = vector.shape_cast %reduce_min3A_69 : vector<1024xf32> to vector<1024x1xf32>
    %slice3A_71 = vector.extract_strided_slice %select_n3A {offsets = [0, 640], sizes = [1024, 128], strides = [1, 1]} : vector<1024x2048xf32> to vector<1024x128xf32>
    %swap3A_72 = arith.constant 0 : index
    %swap3A_73 = arith.constant 5 : index
    %swap3A_74 = arith.constant 0 : index
    %swap3A_75 = vector.load %arg6[%swap3A_72, %swap3A_73, %swap3A_74] : memref<1024x16x128xf32, #tpu.memory_space<vmem>>, vector<1024x1x128xf32>
    %swap3A_76 = vector.shape_cast %swap3A_75 : vector<1024x1x128xf32> to vector<1024x128xf32>
    %swap3A_77 = vector.shape_cast %slice3A_71 : vector<1024x128xf32> to vector<1024x1x128xf32>
    tpu.vector_store %arg6[%swap3A_72, %swap3A_73, %swap3A_74], %swap3A_77 {strides = array<i32>} : memref<1024x16x128xf32, #tpu.memory_space<vmem>>, vector<1024x1x128xf32>,
    %reduce_min3A_78 = arith.constant dense<0x7F800000> : vector<1024xf32>
    %reduce_min3A_79 = vector.multi_reduction <minimumf>, %slice3A_71, %reduce_min3A_78 [1] : vector<1024x128xf32> to vector<1024xf32>
    %broadcast_in_dim3A_80 = vector.shape_cast %reduce_min3A_79 : vector<1024xf32> to vector<1024x1xf32>
    %slice3A_81 = vector.extract_strided_slice %select_n3A {offsets = [0, 768], sizes = [1024, 128], strides = [1, 1]} : vector<1024x2048xf32> to vector<1024x128xf32>
    %swap3A_82 = arith.constant 0 : index
    %swap3A_83 = arith.constant 6 : index
    %swap3A_84 = arith.constant 0 : index
    %swap3A_85 = vector.load %arg6[%swap3A_82, %swap3A_83, %swap3A_84] : memref<1024x16x128xf32, #tpu.memory_space<vmem>>, vector<1024x1x128xf32>
    %swap3A_86 = vector.shape_cast %swap3A_85 : vector<1024x1x128xf32> to vector<1024x128xf32>
    %swap3A_87 = vector.shape_cast %slice3A_81 : vector<1024x128xf32> to vector<1024x1x128xf32>
    tpu.vector_store %arg6[%swap3A_82, %swap3A_83, %swap3A_84], %swap3A_87 {strides = array<i32>} : memref<1024x16x128xf32, #tpu.memory_space<vmem>>, vector<1024x1x128xf32>,
    %reduce_min3A_88 = arith.constant dense<0x7F800000> : vector<1024xf32>
    %reduce_min3A_89 = vector.multi_reduction <minimumf>, %slice3A_81, %reduce_min3A_88 [1] : vector<1024x128xf32> to vector<1024xf32>
    %broadcast_in_dim3A_90 = vector.shape_cast %reduce_min3A_89 : vector<1024xf32> to vector<1024x1xf32>
    %slice3A_91 = vector.extract_strided_slice %select_n3A {offsets = [0, 896], sizes = [1024, 128], strides = [1, 1]} : vector<1024x2048xf32> to vector<1024x128xf32>
    %swap3A_92 = arith.constant 0 : index
    %swap3A_93 = arith.constant 7 : index
    %swap3A_94 = arith.constant 0 : index
    %swap3A_95 = vector.load %arg6[%swap3A_92, %swap3A_93, %swap3A_94] : memref<1024x16x128xf32, #tpu.memory_space<vmem>>, vector<1024x1x128xf32>
    %swap3A_96 = vector.shape_cast %swap3A_95 : vector<1024x1x128xf32> to vector<1024x128xf32>
    %swap3A_97 = vector.shape_cast %slice3A_91 : vector<1024x128xf32> to vector<1024x1x128xf32>
    tpu.vector_store %arg6[%swap3A_92, %swap3A_93, %swap3A_94], %swap3A_97 {strides = array<i32>} : memref<1024x16x128xf32, #tpu.memory_space<vmem>>, vector<1024x1x128xf32>,
    %reduce_min3A_98 = arith.constant dense<0x7F800000> : vector<1024xf32>
    %reduce_min3A_99 = vector.multi_reduction <minimumf>, %slice3A_91, %reduce_min3A_98 [1] : vector<1024x128xf32> to vector<1024xf32>
    %broadcast_in_dim3A_100 = vector.shape_cast %reduce_min3A_99 : vector<1024xf32> to vector<1024x1xf32>
    %slice3A_101 = vector.extract_strided_slice %select_n3A {offsets = [0, 1024], sizes = [1024, 128], strides = [1, 1]} : vector<1024x2048xf32> to vector<1024x128xf32>
    %swap3A_102 = arith.constant 0 : index
    %swap3A_103 = arith.constant 8 : index
    %swap3A_104 = arith.constant 0 : index
    %swap3A_105 = vector.load %arg6[%swap3A_102, %swap3A_103, %swap3A_104] : memref<1024x16x128xf32, #tpu.memory_space<vmem>>, vector<1024x1x128xf32>
    %swap3A_106 = vector.shape_cast %swap3A_105 : vector<1024x1x128xf32> to vector<1024x128xf32>
    %swap3A_107 = vector.shape_cast %slice3A_101 : vector<1024x128xf32> to vector<1024x1x128xf32>
    tpu.vector_store %arg6[%swap3A_102, %swap3A_103, %swap3A_104], %swap3A_107 {strides = array<i32>} : memref<1024x16x128xf32, #tpu.memory_space<vmem>>, vector<1024x1x128xf32>,
    %reduce_min3A_108 = arith.constant dense<0x7F800000> : vector<1024xf32>
    %reduce_min3A_109 = vector.multi_reduction <minimumf>, %slice3A_101, %reduce_min3A_108 [1] : vector<1024x128xf32> to vector<1024xf32>
    %broadcast_in_dim3A_110 = vector.shape_cast %reduce_min3A_109 : vector<1024xf32> to vector<1024x1xf32>
    %slice3A_111 = vector.extract_strided_slice %select_n3A {offsets = [0, 1152], sizes = [1024, 128], strides = [1, 1]} : vector<1024x2048xf32> to vector<1024x128xf32>
    %swap3A_112 = arith.constant 0 : index
    %swap3A_113 = arith.constant 9 : index
    %swap3A_114 = arith.constant 0 : index
    %swap3A_115 = vector.load %arg6[%swap3A_112, %swap3A_113, %swap3A_114] : memref<1024x16x128xf32, #tpu.memory_space<vmem>>, vector<1024x1x128xf32>
    %swap3A_116 = vector.shape_cast %swap3A_115 : vector<1024x1x128xf32> to vector<1024x128xf32>
    %swap3A_117 = vector.shape_cast %slice3A_111 : vector<1024x128xf32> to vector<1024x1x128xf32>
    tpu.vector_store %arg6[%swap3A_112, %swap3A_113, %swap3A_114], %swap3A_117 {strides = array<i32>} : memref<1024x16x128xf32, #tpu.memory_space<vmem>>, vector<1024x1x128xf32>,
    %reduce_min3A_118 = arith.constant dense<0x7F800000> : vector<1024xf32>
    %reduce_min3A_119 = vector.multi_reduction <minimumf>, %slice3A_111, %reduce_min3A_118 [1] : vector<1024x128xf32> to vector<1024xf32>
    %broadcast_in_dim3A_120 = vector.shape_cast %reduce_min3A_119 : vector<1024xf32> to vector<1024x1xf32>
    %slice3A_121 = vector.extract_strided_slice %select_n3A {offsets = [0, 1280], sizes = [1024, 128], strides = [1, 1]} : vector<1024x2048xf32> to vector<1024x128xf32>
    %swap3A_122 = arith.constant 0 : index
    %swap3A_123 = arith.constant 10 : index
    %swap3A_124 = arith.constant 0 : index
    %swap3A_125 = vector.load %arg6[%swap3A_122, %swap3A_123, %swap3A_124] : memref<1024x16x128xf32, #tpu.memory_space<vmem>>, vector<1024x1x128xf32>
    %swap3A_126 = vector.shape_cast %swap3A_125 : vector<1024x1x128xf32> to vector<1024x128xf32>
    %swap3A_127 = vector.shape_cast %slice3A_121 : vector<1024x128xf32> to vector<1024x1x128xf32>
    tpu.vector_store %arg6[%swap3A_122, %swap3A_123, %swap3A_124], %swap3A_127 {strides = array<i32>} : memref<1024x16x128xf32, #tpu.memory_space<vmem>>, vector<1024x1x128xf32>,
    %reduce_min3A_128 = arith.constant dense<0x7F800000> : vector<1024xf32>
    %reduce_min3A_129 = vector.multi_reduction <minimumf>, %slice3A_121, %reduce_min3A_128 [1] : vector<1024x128xf32> to vector<1024xf32>
    %broadcast_in_dim3A_130 = vector.shape_cast %reduce_min3A_129 : vector<1024xf32> to vector<1024x1xf32>
    %slice3A_131 = vector.extract_strided_slice %select_n3A {offsets = [0, 1408], sizes = [1024, 128], strides = [1, 1]} : vector<1024x2048xf32> to vector<1024x128xf32>
    %swap3A_132 = arith.constant 0 : index
    %swap3A_133 = arith.constant 11 : index
    %swap3A_134 = arith.constant 0 : index
    %swap3A_135 = vector.load %arg6[%swap3A_132, %swap3A_133, %swap3A_134] : memref<1024x16x128xf32, #tpu.memory_space<vmem>>, vector<1024x1x128xf32>
    %swap3A_136 = vector.shape_cast %swap3A_135 : vector<1024x1x128xf32> to vector<1024x128xf32>
    %swap3A_137 = vector.shape_cast %slice3A_131 : vector<1024x128xf32> to vector<1024x1x128xf32>
    tpu.vector_store %arg6[%swap3A_132, %swap3A_133, %swap3A_134], %swap3A_137 {strides = array<i32>} : memref<1024x16x128xf32, #tpu.memory_space<vmem>>, vector<1024x1x128xf32>,
    %reduce_min3A_138 = arith.constant dense<0x7F800000> : vector<1024xf32>
    %reduce_min3A_139 = vector.multi_reduction <minimumf>, %slice3A_131, %reduce_min3A_138 [1] : vector<1024x128xf32> to vector<1024xf32>
    %broadcast_in_dim3A_140 = vector.shape_cast %reduce_min3A_139 : vector<1024xf32> to vector<1024x1xf32>
    %slice3A_141 = vector.extract_strided_slice %select_n3A {offsets = [0, 1536], sizes = [1024, 128], strides = [1, 1]} : vector<1024x2048xf32> to vector<1024x128xf32>
    %swap3A_142 = arith.constant 0 : index
    %swap3A_143 = arith.constant 12 : index
    %swap3A_144 = arith.constant 0 : index
    %swap3A_145 = vector.load %arg6[%swap3A_142, %swap3A_143, %swap3A_144] : memref<1024x16x128xf32, #tpu.memory_space<vmem>>, vector<1024x1x128xf32>
    %swap3A_146 = vector.shape_cast %swap3A_145 : vector<1024x1x128xf32> to vector<1024x128xf32>
    %swap3A_147 = vector.shape_cast %slice3A_141 : vector<1024x128xf32> to vector<1024x1x128xf32>
    tpu.vector_store %arg6[%swap3A_142, %swap3A_143, %swap3A_144], %swap3A_147 {strides = array<i32>} : memref<1024x16x128xf32, #tpu.memory_space<vmem>>, vector<1024x1x128xf32>,
    %reduce_min3A_148 = arith.constant dense<0x7F800000> : vector<1024xf32>
    %reduce_min3A_149 = vector.multi_reduction <minimumf>, %slice3A_141, %reduce_min3A_148 [1] : vector<1024x128xf32> to vector<1024xf32>
    %broadcast_in_dim3A_150 = vector.shape_cast %reduce_min3A_149 : vector<1024xf32> to vector<1024x1xf32>
    %slice3A_151 = vector.extract_strided_slice %select_n3A {offsets = [0, 1664], sizes = [1024, 128], strides = [1, 1]} : vector<1024x2048xf32> to vector<1024x128xf32>
    %swap3A_152 = arith.constant 0 : index
    %swap3A_153 = arith.constant 13 : index
    %swap3A_154 = arith.constant 0 : index
    %swap3A_155 = vector.load %arg6[%swap3A_152, %swap3A_153, %swap3A_154] : memref<1024x16x128xf32, #tpu.memory_space<vmem>>, vector<1024x1x128xf32>
    %swap3A_156 = vector.shape_cast %swap3A_155 : vector<1024x1x128xf32> to vector<1024x128xf32>
    %swap3A_157 = vector.shape_cast %slice3A_151 : vector<1024x128xf32> to vector<1024x1x128xf32>
    tpu.vector_store %arg6[%swap3A_152, %swap3A_153, %swap3A_154], %swap3A_157 {strides = array<i32>} : memref<1024x16x128xf32, #tpu.memory_space<vmem>>, vector<1024x1x128xf32>,
    %reduce_min3A_158 = arith.constant dense<0x7F800000> : vector<1024xf32>
    %reduce_min3A_159 = vector.multi_reduction <minimumf>, %slice3A_151, %reduce_min3A_158 [1] : vector<1024x128xf32> to vector<1024xf32>
    %broadcast_in_dim3A_160 = vector.shape_cast %reduce_min3A_159 : vector<1024xf32> to vector<1024x1xf32>
    %slice3A_161 = vector.extract_strided_slice %select_n3A {offsets = [0, 1792], sizes = [1024, 128], strides = [1, 1]} : vector<1024x2048xf32> to vector<1024x128xf32>
    %swap3A_162 = arith.constant 0 : index
    %swap3A_163 = arith.constant 14 : index
    %swap3A_164 = arith.constant 0 : index
    %swap3A_165 = vector.load %arg6[%swap3A_162, %swap3A_163, %swap3A_164] : memref<1024x16x128xf32, #tpu.memory_space<vmem>>, vector<1024x1x128xf32>
    %swap3A_166 = vector.shape_cast %swap3A_165 : vector<1024x1x128xf32> to vector<1024x128xf32>
    %swap3A_167 = vector.shape_cast %slice3A_161 : vector<1024x128xf32> to vector<1024x1x128xf32>
    tpu.vector_store %arg6[%swap3A_162, %swap3A_163, %swap3A_164], %swap3A_167 {strides = array<i32>} : memref<1024x16x128xf32, #tpu.memory_space<vmem>>, vector<1024x1x128xf32>,
    %reduce_min3A_168 = arith.constant dense<0x7F800000> : vector<1024xf32>
    %reduce_min3A_169 = vector.multi_reduction <minimumf>, %slice3A_161, %reduce_min3A_168 [1] : vector<1024x128xf32> to vector<1024xf32>
    %broadcast_in_dim3A_170 = vector.shape_cast %reduce_min3A_169 : vector<1024xf32> to vector<1024x1xf32>
    %slice3A_171 = vector.extract_strided_slice %select_n3A {offsets = [0, 1920], sizes = [1024, 128], strides = [1, 1]} : vector<1024x2048xf32> to vector<1024x128xf32>
    %swap3A_172 = arith.constant 0 : index
    %swap3A_173 = arith.constant 15 : index
    %swap3A_174 = arith.constant 0 : index
    %swap3A_175 = vector.load %arg6[%swap3A_172, %swap3A_173, %swap3A_174] : memref<1024x16x128xf32, #tpu.memory_space<vmem>>, vector<1024x1x128xf32>
    %swap3A_176 = vector.shape_cast %swap3A_175 : vector<1024x1x128xf32> to vector<1024x128xf32>
    %swap3A_177 = vector.shape_cast %slice3A_171 : vector<1024x128xf32> to vector<1024x1x128xf32>
    tpu.vector_store %arg6[%swap3A_172, %swap3A_173, %swap3A_174], %swap3A_177 {strides = array<i32>} : memref<1024x16x128xf32, #tpu.memory_space<vmem>>, vector<1024x1x128xf32>,
    %reduce_min3A_178 = arith.constant dense<0x7F800000> : vector<1024xf32>
    %reduce_min3A_179 = vector.multi_reduction <minimumf>, %slice3A_171, %reduce_min3A_178 [1] : vector<1024x128xf32> to vector<1024xf32>
    %broadcast_in_dim3A_180 = vector.shape_cast %reduce_min3A_179 : vector<1024xf32> to vector<1024x1xf32>
    %concatenate3A = tpu.concatenate %broadcast_in_dim3A_30, %broadcast_in_dim3A_40, %broadcast_in_dim3A_50, %broadcast_in_dim3A_60, %broadcast_in_dim3A_70, %broadcast_in_dim3A_80, %broadcast_in_dim3A_90, %broadcast_in_dim3A_100, %broadcast_in_dim3A_110, %broadcast_in_dim3A_120, %broadcast_in_dim3A_130, %broadcast_in_dim3A_140, %broadcast_in_dim3A_150, %broadcast_in_dim3A_160, %broadcast_in_dim3A_170, %broadcast_in_dim3A_180 in 1 : vector<1024x1xf32>, vector<1024x1xf32>, vector<1024x1xf32>, vector<1024x1xf32>, vector<1024x1xf32>, vector<1024x1xf32>, vector<1024x1xf32>, vector<1024x1xf32>, vector<1024x1xf32>, vector<1024x1xf32>, vector<1024x1xf32>, vector<1024x1xf32>, vector<1024x1xf32>, vector<1024x1xf32>, vector<1024x1xf32>, vector<1024x1xf32> -> vector<1024x16xf32>
    %broadcast_in_dim3A_181 = vector.shape_cast %concatenate3A : vector<1024x16xf32> to vector<1x1024x16xf32>
    %swap3A_182 = arith.constant 0 : index
    %swap3A_183 = arith.constant 0 : index
    %swap3A_184 = arith.constant 0 : index
    %swap3A_185 = vector.load %arg7[%swap3A_182, %swap3A_183, %swap3A_184] : memref<1x1024x16xf32, #tpu.memory_space<vmem>>, vector<1x1024x16xf32>
    tpu.vector_store %arg7[%swap3A_182, %swap3A_183, %swap3A_184], %broadcast_in_dim3A_181 {strides = array<i32>} : memref<1x1024x16xf32, #tpu.memory_space<vmem>>, vector<1x1024x16xf32>,
    return
  }
  func.func @transform_0(%arg0: i32, %arg1: i32) -> (i32, i32) {
    %c0_i32 = arith.constant 0 : i32
    %c0_i32_0 = arith.constant 0 : i32
    return %arg1, %c0_i32 : i32, i32
  }
  func.func @transform_1(%arg0: i32, %arg1: i32) -> (i32, i32) {
    %c0_i32 = arith.constant 0 : i32
    %c0_i32_0 = arith.constant 0 : i32
    return %c0_i32, %arg0 : i32, i32
  }
  func.func @transform_2(%arg0: i32, %arg1: i32) -> (i32, i32) {
    %c0_i32 = arith.constant 0 : i32
    %c0_i32_0 = arith.constant 0 : i32
    return %arg1, %c0_i32 : i32, i32
  }
  func.func @transform_3(%arg0: i32, %arg1: i32) -> (i32, i32) {
    %c0_i32 = arith.constant 0 : i32
    %c0_i32_0 = arith.constant 0 : i32
    return %arg0, %c0_i32 : i32, i32
  }
  func.func @transform_4(%arg0: i32, %arg1: i32) -> (i32, i32, i32) {
    %c0_i32 = arith.constant 0 : i32
    %c0_i32_0 = arith.constant 0 : i32
    return %arg1, %arg0, %c0_i32 : i32, i32, i32
  }
  func.func @transform_5(%arg0: i32, %arg1: i32) -> (i32, i32, i32) {
    %c0_i32 = arith.constant 0 : i32
    %c0_i32_0 = arith.constant 0 : i32
    return %arg0, %arg1, %c0_i32 : i32, i32, i32
  }
}

module attributes {stable_mosaic.version = 14 : i64} {
  func.func @_select_body(%arg0: i32, %arg1: memref<128x784xf32, #tpu.memory_space<vmem>>, %arg2: memref<128x32xi32, #tpu.memory_space<vmem>>, %arg3: memref<128x32xi32, #tpu.memory_space<vmem>>, %arg4: memref<128x784xf32, #tpu.memory_space<vmem>>) attributes {dimension_semantics = [#tpu.dimension_semantics<arbitrary>], iteration_bounds = array<i64: 8>, scalar_prefetch = 0 : i64, scratch_operands = 1 : i64, tpu.core_type = #tpu.core_type<tc>, window_params = [{transform_indices = @transform_0, window_bounds = array<i64: 128, 784>}, {transform_indices = @transform_1, window_bounds = array<i64: 128, 32>}, {transform_indices = @transform_2, window_bounds = array<i64: 128, 32>}]} {
    %get3A = arith.constant 0 : index
    %get3A_0 = arith.constant 0 : index
    %get3A_1 = vector.load %arg1[%get3A, %get3A_0] : memref<128x784xf32, #tpu.memory_space<vmem>>, vector<128x784xf32>
    %swap3A = arith.constant 0 : index
    %swap3A_2 = arith.constant 0 : index
    %swap3A_3 = vector.load %arg4[%swap3A, %swap3A_2] : memref<128x784xf32, #tpu.memory_space<vmem>>, vector<128x784xf32>
    tpu.vector_store %arg4[%swap3A, %swap3A_2], %get3A_1 {strides = array<i32>} : memref<128x784xf32, #tpu.memory_space<vmem>>, vector<128x784xf32>,
    %iota3A = tpu.iota {dimensions = array<i32: 1>} : vector<128x784xi32>
    %mul3A = arith.constant 128 : i32
    %mul3A_4 = arith.muli %arg0, %mul3A : i32
    %iota3A_5 = tpu.iota {dimensions = array<i32: 0>} : vector<128x1xi32>
    %add3A = vector.broadcast %mul3A_4 : i32 to vector<128x1xi32>
    %add3A_6 = arith.addi %add3A, %iota3A_5 : vector<128x1xi32>
    %get3A_7 = arith.constant 0 : index
    %get3A_8 = arith.constant 0 : index
    %get3A_9 = vector.load %arg4[%get3A_7, %get3A_8] : memref<128x784xf32, #tpu.memory_space<vmem>>, vector<128x784xf32>
    %reduce_min3A = arith.constant dense<0x7F800000> : vector<128xf32>
    %reduce_min3A_10 = vector.multi_reduction <minimumf>, %get3A_9, %reduce_min3A [1] : vector<128x784xf32> to vector<128xf32>
    %broadcast_in_dim3A = vector.shape_cast %reduce_min3A_10 : vector<128xf32> to vector<128x1xf32>
    %eq3A = vector.broadcast %broadcast_in_dim3A : vector<128x1xf32> to vector<128x784xf32>
    %eq3A_11 = arith.cmpf oeq, %get3A_9, %eq3A : vector<128x784xf32>
    %jit3A = arith.constant 784 : i32
    %broadcast_in_dim3A_12 = vector.broadcast %jit3A : i32 to vector<128x784xi32>
    %select_n3A = arith.select %eq3A_11, %iota3A, %broadcast_in_dim3A_12 : vector<128x784xi1>, vector<128x784xi32>
    %reduce_min3A_13 = arith.constant dense<2147483647> : vector<128xi32>
    %reduce_min3A_14 = vector.multi_reduction <minsi>, %select_n3A, %reduce_min3A_13 [1] : vector<128x784xi32> to vector<128xi32>
    %broadcast_in_dim3A_15 = vector.shape_cast %reduce_min3A_14 : vector<128xi32> to vector<128x1xi32>
    %mul3A_16 = arith.constant 784 : i32
    %mul3A_17 = vector.broadcast %mul3A_16 : i32 to vector<128x1xi32>
    %mul3A_18 = arith.muli %add3A_6, %mul3A_17 : vector<128x1xi32>
    %add3A_19 = arith.addi %mul3A_18, %broadcast_in_dim3A_15 : vector<128x1xi32>
    %eq3A_20 = vector.broadcast %broadcast_in_dim3A_15 : vector<128x1xi32> to vector<128x784xi32>
    %eq3A_21 = arith.cmpi eq, %iota3A, %eq3A_20 : vector<128x784xi32>
    %jit3A_22 = arith.constant 1.000000e+30 : f32
    %broadcast_in_dim3A_23 = vector.broadcast %jit3A_22 : f32 to vector<128x784xf32>
    %select_n3A_24 = arith.select %eq3A_21, %broadcast_in_dim3A_23, %get3A_9 : vector<128x784xi1>, vector<128x784xf32>
    %swap3A_25 = arith.constant 0 : index
    %swap3A_26 = arith.constant 0 : index
    %swap3A_27 = vector.load %arg4[%swap3A_25, %swap3A_26] : memref<128x784xf32, #tpu.memory_space<vmem>>, vector<128x784xf32>
    tpu.vector_store %arg4[%swap3A_25, %swap3A_26], %select_n3A_24 {strides = array<i32>} : memref<128x784xf32, #tpu.memory_space<vmem>>, vector<128x784xf32>,
    %get3A_28 = arith.constant 0 : index
    %get3A_29 = arith.constant 0 : index
    %get3A_30 = vector.load %arg4[%get3A_28, %get3A_29] : memref<128x784xf32, #tpu.memory_space<vmem>>, vector<128x784xf32>
    %reduce_min3A_31 = arith.constant dense<0x7F800000> : vector<128xf32>
    %reduce_min3A_32 = vector.multi_reduction <minimumf>, %get3A_30, %reduce_min3A_31 [1] : vector<128x784xf32> to vector<128xf32>
    %broadcast_in_dim3A_33 = vector.shape_cast %reduce_min3A_32 : vector<128xf32> to vector<128x1xf32>
    %eq3A_34 = vector.broadcast %broadcast_in_dim3A_33 : vector<128x1xf32> to vector<128x784xf32>
    %eq3A_35 = arith.cmpf oeq, %get3A_30, %eq3A_34 : vector<128x784xf32>
    %jit3A_36 = arith.constant 784 : i32
    %broadcast_in_dim3A_37 = vector.broadcast %jit3A_36 : i32 to vector<128x784xi32>
    %select_n3A_38 = arith.select %eq3A_35, %iota3A, %broadcast_in_dim3A_37 : vector<128x784xi1>, vector<128x784xi32>
    %reduce_min3A_39 = arith.constant dense<2147483647> : vector<128xi32>
    %reduce_min3A_40 = vector.multi_reduction <minsi>, %select_n3A_38, %reduce_min3A_39 [1] : vector<128x784xi32> to vector<128xi32>
    %broadcast_in_dim3A_41 = vector.shape_cast %reduce_min3A_40 : vector<128xi32> to vector<128x1xi32>
    %mul3A_42 = arith.constant 784 : i32
    %mul3A_43 = vector.broadcast %mul3A_42 : i32 to vector<128x1xi32>
    %mul3A_44 = arith.muli %add3A_6, %mul3A_43 : vector<128x1xi32>
    %add3A_45 = arith.addi %mul3A_44, %broadcast_in_dim3A_41 : vector<128x1xi32>
    %eq3A_46 = vector.broadcast %broadcast_in_dim3A_41 : vector<128x1xi32> to vector<128x784xi32>
    %eq3A_47 = arith.cmpi eq, %iota3A, %eq3A_46 : vector<128x784xi32>
    %jit3A_48 = arith.constant 1.000000e+30 : f32
    %broadcast_in_dim3A_49 = vector.broadcast %jit3A_48 : f32 to vector<128x784xf32>
    %select_n3A_50 = arith.select %eq3A_47, %broadcast_in_dim3A_49, %get3A_30 : vector<128x784xi1>, vector<128x784xf32>
    %swap3A_51 = arith.constant 0 : index
    %swap3A_52 = arith.constant 0 : index
    %swap3A_53 = vector.load %arg4[%swap3A_51, %swap3A_52] : memref<128x784xf32, #tpu.memory_space<vmem>>, vector<128x784xf32>
    tpu.vector_store %arg4[%swap3A_51, %swap3A_52], %select_n3A_50 {strides = array<i32>} : memref<128x784xf32, #tpu.memory_space<vmem>>, vector<128x784xf32>,
    %get3A_54 = arith.constant 0 : index
    %get3A_55 = arith.constant 0 : index
    %get3A_56 = vector.load %arg4[%get3A_54, %get3A_55] : memref<128x784xf32, #tpu.memory_space<vmem>>, vector<128x784xf32>
    %reduce_min3A_57 = arith.constant dense<0x7F800000> : vector<128xf32>
    %reduce_min3A_58 = vector.multi_reduction <minimumf>, %get3A_56, %reduce_min3A_57 [1] : vector<128x784xf32> to vector<128xf32>
    %broadcast_in_dim3A_59 = vector.shape_cast %reduce_min3A_58 : vector<128xf32> to vector<128x1xf32>
    %eq3A_60 = vector.broadcast %broadcast_in_dim3A_59 : vector<128x1xf32> to vector<128x784xf32>
    %eq3A_61 = arith.cmpf oeq, %get3A_56, %eq3A_60 : vector<128x784xf32>
    %jit3A_62 = arith.constant 784 : i32
    %broadcast_in_dim3A_63 = vector.broadcast %jit3A_62 : i32 to vector<128x784xi32>
    %select_n3A_64 = arith.select %eq3A_61, %iota3A, %broadcast_in_dim3A_63 : vector<128x784xi1>, vector<128x784xi32>
    %reduce_min3A_65 = arith.constant dense<2147483647> : vector<128xi32>
    %reduce_min3A_66 = vector.multi_reduction <minsi>, %select_n3A_64, %reduce_min3A_65 [1] : vector<128x784xi32> to vector<128xi32>
    %broadcast_in_dim3A_67 = vector.shape_cast %reduce_min3A_66 : vector<128xi32> to vector<128x1xi32>
    %mul3A_68 = arith.constant 784 : i32
    %mul3A_69 = vector.broadcast %mul3A_68 : i32 to vector<128x1xi32>
    %mul3A_70 = arith.muli %add3A_6, %mul3A_69 : vector<128x1xi32>
    %add3A_71 = arith.addi %mul3A_70, %broadcast_in_dim3A_67 : vector<128x1xi32>
    %eq3A_72 = vector.broadcast %broadcast_in_dim3A_67 : vector<128x1xi32> to vector<128x784xi32>
    %eq3A_73 = arith.cmpi eq, %iota3A, %eq3A_72 : vector<128x784xi32>
    %jit3A_74 = arith.constant 1.000000e+30 : f32
    %broadcast_in_dim3A_75 = vector.broadcast %jit3A_74 : f32 to vector<128x784xf32>
    %select_n3A_76 = arith.select %eq3A_73, %broadcast_in_dim3A_75, %get3A_56 : vector<128x784xi1>, vector<128x784xf32>
    %swap3A_77 = arith.constant 0 : index
    %swap3A_78 = arith.constant 0 : index
    %swap3A_79 = vector.load %arg4[%swap3A_77, %swap3A_78] : memref<128x784xf32, #tpu.memory_space<vmem>>, vector<128x784xf32>
    tpu.vector_store %arg4[%swap3A_77, %swap3A_78], %select_n3A_76 {strides = array<i32>} : memref<128x784xf32, #tpu.memory_space<vmem>>, vector<128x784xf32>,
    %get3A_80 = arith.constant 0 : index
    %get3A_81 = arith.constant 0 : index
    %get3A_82 = vector.load %arg4[%get3A_80, %get3A_81] : memref<128x784xf32, #tpu.memory_space<vmem>>, vector<128x784xf32>
    %reduce_min3A_83 = arith.constant dense<0x7F800000> : vector<128xf32>
    %reduce_min3A_84 = vector.multi_reduction <minimumf>, %get3A_82, %reduce_min3A_83 [1] : vector<128x784xf32> to vector<128xf32>
    %broadcast_in_dim3A_85 = vector.shape_cast %reduce_min3A_84 : vector<128xf32> to vector<128x1xf32>
    %eq3A_86 = vector.broadcast %broadcast_in_dim3A_85 : vector<128x1xf32> to vector<128x784xf32>
    %eq3A_87 = arith.cmpf oeq, %get3A_82, %eq3A_86 : vector<128x784xf32>
    %jit3A_88 = arith.constant 784 : i32
    %broadcast_in_dim3A_89 = vector.broadcast %jit3A_88 : i32 to vector<128x784xi32>
    %select_n3A_90 = arith.select %eq3A_87, %iota3A, %broadcast_in_dim3A_89 : vector<128x784xi1>, vector<128x784xi32>
    %reduce_min3A_91 = arith.constant dense<2147483647> : vector<128xi32>
    %reduce_min3A_92 = vector.multi_reduction <minsi>, %select_n3A_90, %reduce_min3A_91 [1] : vector<128x784xi32> to vector<128xi32>
    %broadcast_in_dim3A_93 = vector.shape_cast %reduce_min3A_92 : vector<128xi32> to vector<128x1xi32>
    %mul3A_94 = arith.constant 784 : i32
    %mul3A_95 = vector.broadcast %mul3A_94 : i32 to vector<128x1xi32>
    %mul3A_96 = arith.muli %add3A_6, %mul3A_95 : vector<128x1xi32>
    %add3A_97 = arith.addi %mul3A_96, %broadcast_in_dim3A_93 : vector<128x1xi32>
    %eq3A_98 = vector.broadcast %broadcast_in_dim3A_93 : vector<128x1xi32> to vector<128x784xi32>
    %eq3A_99 = arith.cmpi eq, %iota3A, %eq3A_98 : vector<128x784xi32>
    %jit3A_100 = arith.constant 1.000000e+30 : f32
    %broadcast_in_dim3A_101 = vector.broadcast %jit3A_100 : f32 to vector<128x784xf32>
    %select_n3A_102 = arith.select %eq3A_99, %broadcast_in_dim3A_101, %get3A_82 : vector<128x784xi1>, vector<128x784xf32>
    %swap3A_103 = arith.constant 0 : index
    %swap3A_104 = arith.constant 0 : index
    %swap3A_105 = vector.load %arg4[%swap3A_103, %swap3A_104] : memref<128x784xf32, #tpu.memory_space<vmem>>, vector<128x784xf32>
    tpu.vector_store %arg4[%swap3A_103, %swap3A_104], %select_n3A_102 {strides = array<i32>} : memref<128x784xf32, #tpu.memory_space<vmem>>, vector<128x784xf32>,
    %get3A_106 = arith.constant 0 : index
    %get3A_107 = arith.constant 0 : index
    %get3A_108 = vector.load %arg4[%get3A_106, %get3A_107] : memref<128x784xf32, #tpu.memory_space<vmem>>, vector<128x784xf32>
    %reduce_min3A_109 = arith.constant dense<0x7F800000> : vector<128xf32>
    %reduce_min3A_110 = vector.multi_reduction <minimumf>, %get3A_108, %reduce_min3A_109 [1] : vector<128x784xf32> to vector<128xf32>
    %broadcast_in_dim3A_111 = vector.shape_cast %reduce_min3A_110 : vector<128xf32> to vector<128x1xf32>
    %eq3A_112 = vector.broadcast %broadcast_in_dim3A_111 : vector<128x1xf32> to vector<128x784xf32>
    %eq3A_113 = arith.cmpf oeq, %get3A_108, %eq3A_112 : vector<128x784xf32>
    %jit3A_114 = arith.constant 784 : i32
    %broadcast_in_dim3A_115 = vector.broadcast %jit3A_114 : i32 to vector<128x784xi32>
    %select_n3A_116 = arith.select %eq3A_113, %iota3A, %broadcast_in_dim3A_115 : vector<128x784xi1>, vector<128x784xi32>
    %reduce_min3A_117 = arith.constant dense<2147483647> : vector<128xi32>
    %reduce_min3A_118 = vector.multi_reduction <minsi>, %select_n3A_116, %reduce_min3A_117 [1] : vector<128x784xi32> to vector<128xi32>
    %broadcast_in_dim3A_119 = vector.shape_cast %reduce_min3A_118 : vector<128xi32> to vector<128x1xi32>
    %mul3A_120 = arith.constant 784 : i32
    %mul3A_121 = vector.broadcast %mul3A_120 : i32 to vector<128x1xi32>
    %mul3A_122 = arith.muli %add3A_6, %mul3A_121 : vector<128x1xi32>
    %add3A_123 = arith.addi %mul3A_122, %broadcast_in_dim3A_119 : vector<128x1xi32>
    %eq3A_124 = vector.broadcast %broadcast_in_dim3A_119 : vector<128x1xi32> to vector<128x784xi32>
    %eq3A_125 = arith.cmpi eq, %iota3A, %eq3A_124 : vector<128x784xi32>
    %jit3A_126 = arith.constant 1.000000e+30 : f32
    %broadcast_in_dim3A_127 = vector.broadcast %jit3A_126 : f32 to vector<128x784xf32>
    %select_n3A_128 = arith.select %eq3A_125, %broadcast_in_dim3A_127, %get3A_108 : vector<128x784xi1>, vector<128x784xf32>
    %swap3A_129 = arith.constant 0 : index
    %swap3A_130 = arith.constant 0 : index
    %swap3A_131 = vector.load %arg4[%swap3A_129, %swap3A_130] : memref<128x784xf32, #tpu.memory_space<vmem>>, vector<128x784xf32>
    tpu.vector_store %arg4[%swap3A_129, %swap3A_130], %select_n3A_128 {strides = array<i32>} : memref<128x784xf32, #tpu.memory_space<vmem>>, vector<128x784xf32>,
    %get3A_132 = arith.constant 0 : index
    %get3A_133 = arith.constant 0 : index
    %get3A_134 = vector.load %arg4[%get3A_132, %get3A_133] : memref<128x784xf32, #tpu.memory_space<vmem>>, vector<128x784xf32>
    %reduce_min3A_135 = arith.constant dense<0x7F800000> : vector<128xf32>
    %reduce_min3A_136 = vector.multi_reduction <minimumf>, %get3A_134, %reduce_min3A_135 [1] : vector<128x784xf32> to vector<128xf32>
    %broadcast_in_dim3A_137 = vector.shape_cast %reduce_min3A_136 : vector<128xf32> to vector<128x1xf32>
    %eq3A_138 = vector.broadcast %broadcast_in_dim3A_137 : vector<128x1xf32> to vector<128x784xf32>
    %eq3A_139 = arith.cmpf oeq, %get3A_134, %eq3A_138 : vector<128x784xf32>
    %jit3A_140 = arith.constant 784 : i32
    %broadcast_in_dim3A_141 = vector.broadcast %jit3A_140 : i32 to vector<128x784xi32>
    %select_n3A_142 = arith.select %eq3A_139, %iota3A, %broadcast_in_dim3A_141 : vector<128x784xi1>, vector<128x784xi32>
    %reduce_min3A_143 = arith.constant dense<2147483647> : vector<128xi32>
    %reduce_min3A_144 = vector.multi_reduction <minsi>, %select_n3A_142, %reduce_min3A_143 [1] : vector<128x784xi32> to vector<128xi32>
    %broadcast_in_dim3A_145 = vector.shape_cast %reduce_min3A_144 : vector<128xi32> to vector<128x1xi32>
    %mul3A_146 = arith.constant 784 : i32
    %mul3A_147 = vector.broadcast %mul3A_146 : i32 to vector<128x1xi32>
    %mul3A_148 = arith.muli %add3A_6, %mul3A_147 : vector<128x1xi32>
    %add3A_149 = arith.addi %mul3A_148, %broadcast_in_dim3A_145 : vector<128x1xi32>
    %eq3A_150 = vector.broadcast %broadcast_in_dim3A_145 : vector<128x1xi32> to vector<128x784xi32>
    %eq3A_151 = arith.cmpi eq, %iota3A, %eq3A_150 : vector<128x784xi32>
    %jit3A_152 = arith.constant 1.000000e+30 : f32
    %broadcast_in_dim3A_153 = vector.broadcast %jit3A_152 : f32 to vector<128x784xf32>
    %select_n3A_154 = arith.select %eq3A_151, %broadcast_in_dim3A_153, %get3A_134 : vector<128x784xi1>, vector<128x784xf32>
    %swap3A_155 = arith.constant 0 : index
    %swap3A_156 = arith.constant 0 : index
    %swap3A_157 = vector.load %arg4[%swap3A_155, %swap3A_156] : memref<128x784xf32, #tpu.memory_space<vmem>>, vector<128x784xf32>
    tpu.vector_store %arg4[%swap3A_155, %swap3A_156], %select_n3A_154 {strides = array<i32>} : memref<128x784xf32, #tpu.memory_space<vmem>>, vector<128x784xf32>,
    %get3A_158 = arith.constant 0 : index
    %get3A_159 = arith.constant 0 : index
    %get3A_160 = vector.load %arg4[%get3A_158, %get3A_159] : memref<128x784xf32, #tpu.memory_space<vmem>>, vector<128x784xf32>
    %reduce_min3A_161 = arith.constant dense<0x7F800000> : vector<128xf32>
    %reduce_min3A_162 = vector.multi_reduction <minimumf>, %get3A_160, %reduce_min3A_161 [1] : vector<128x784xf32> to vector<128xf32>
    %broadcast_in_dim3A_163 = vector.shape_cast %reduce_min3A_162 : vector<128xf32> to vector<128x1xf32>
    %eq3A_164 = vector.broadcast %broadcast_in_dim3A_163 : vector<128x1xf32> to vector<128x784xf32>
    %eq3A_165 = arith.cmpf oeq, %get3A_160, %eq3A_164 : vector<128x784xf32>
    %jit3A_166 = arith.constant 784 : i32
    %broadcast_in_dim3A_167 = vector.broadcast %jit3A_166 : i32 to vector<128x784xi32>
    %select_n3A_168 = arith.select %eq3A_165, %iota3A, %broadcast_in_dim3A_167 : vector<128x784xi1>, vector<128x784xi32>
    %reduce_min3A_169 = arith.constant dense<2147483647> : vector<128xi32>
    %reduce_min3A_170 = vector.multi_reduction <minsi>, %select_n3A_168, %reduce_min3A_169 [1] : vector<128x784xi32> to vector<128xi32>
    %broadcast_in_dim3A_171 = vector.shape_cast %reduce_min3A_170 : vector<128xi32> to vector<128x1xi32>
    %mul3A_172 = arith.constant 784 : i32
    %mul3A_173 = vector.broadcast %mul3A_172 : i32 to vector<128x1xi32>
    %mul3A_174 = arith.muli %add3A_6, %mul3A_173 : vector<128x1xi32>
    %add3A_175 = arith.addi %mul3A_174, %broadcast_in_dim3A_171 : vector<128x1xi32>
    %eq3A_176 = vector.broadcast %broadcast_in_dim3A_171 : vector<128x1xi32> to vector<128x784xi32>
    %eq3A_177 = arith.cmpi eq, %iota3A, %eq3A_176 : vector<128x784xi32>
    %jit3A_178 = arith.constant 1.000000e+30 : f32
    %broadcast_in_dim3A_179 = vector.broadcast %jit3A_178 : f32 to vector<128x784xf32>
    %select_n3A_180 = arith.select %eq3A_177, %broadcast_in_dim3A_179, %get3A_160 : vector<128x784xi1>, vector<128x784xf32>
    %swap3A_181 = arith.constant 0 : index
    %swap3A_182 = arith.constant 0 : index
    %swap3A_183 = vector.load %arg4[%swap3A_181, %swap3A_182] : memref<128x784xf32, #tpu.memory_space<vmem>>, vector<128x784xf32>
    tpu.vector_store %arg4[%swap3A_181, %swap3A_182], %select_n3A_180 {strides = array<i32>} : memref<128x784xf32, #tpu.memory_space<vmem>>, vector<128x784xf32>,
    %get3A_184 = arith.constant 0 : index
    %get3A_185 = arith.constant 0 : index
    %get3A_186 = vector.load %arg4[%get3A_184, %get3A_185] : memref<128x784xf32, #tpu.memory_space<vmem>>, vector<128x784xf32>
    %reduce_min3A_187 = arith.constant dense<0x7F800000> : vector<128xf32>
    %reduce_min3A_188 = vector.multi_reduction <minimumf>, %get3A_186, %reduce_min3A_187 [1] : vector<128x784xf32> to vector<128xf32>
    %broadcast_in_dim3A_189 = vector.shape_cast %reduce_min3A_188 : vector<128xf32> to vector<128x1xf32>
    %eq3A_190 = vector.broadcast %broadcast_in_dim3A_189 : vector<128x1xf32> to vector<128x784xf32>
    %eq3A_191 = arith.cmpf oeq, %get3A_186, %eq3A_190 : vector<128x784xf32>
    %jit3A_192 = arith.constant 784 : i32
    %broadcast_in_dim3A_193 = vector.broadcast %jit3A_192 : i32 to vector<128x784xi32>
    %select_n3A_194 = arith.select %eq3A_191, %iota3A, %broadcast_in_dim3A_193 : vector<128x784xi1>, vector<128x784xi32>
    %reduce_min3A_195 = arith.constant dense<2147483647> : vector<128xi32>
    %reduce_min3A_196 = vector.multi_reduction <minsi>, %select_n3A_194, %reduce_min3A_195 [1] : vector<128x784xi32> to vector<128xi32>
    %broadcast_in_dim3A_197 = vector.shape_cast %reduce_min3A_196 : vector<128xi32> to vector<128x1xi32>
    %mul3A_198 = arith.constant 784 : i32
    %mul3A_199 = vector.broadcast %mul3A_198 : i32 to vector<128x1xi32>
    %mul3A_200 = arith.muli %add3A_6, %mul3A_199 : vector<128x1xi32>
    %add3A_201 = arith.addi %mul3A_200, %broadcast_in_dim3A_197 : vector<128x1xi32>
    %eq3A_202 = vector.broadcast %broadcast_in_dim3A_197 : vector<128x1xi32> to vector<128x784xi32>
    %eq3A_203 = arith.cmpi eq, %iota3A, %eq3A_202 : vector<128x784xi32>
    %jit3A_204 = arith.constant 1.000000e+30 : f32
    %broadcast_in_dim3A_205 = vector.broadcast %jit3A_204 : f32 to vector<128x784xf32>
    %select_n3A_206 = arith.select %eq3A_203, %broadcast_in_dim3A_205, %get3A_186 : vector<128x784xi1>, vector<128x784xf32>
    %swap3A_207 = arith.constant 0 : index
    %swap3A_208 = arith.constant 0 : index
    %swap3A_209 = vector.load %arg4[%swap3A_207, %swap3A_208] : memref<128x784xf32, #tpu.memory_space<vmem>>, vector<128x784xf32>
    tpu.vector_store %arg4[%swap3A_207, %swap3A_208], %select_n3A_206 {strides = array<i32>} : memref<128x784xf32, #tpu.memory_space<vmem>>, vector<128x784xf32>,
    %get3A_210 = arith.constant 0 : index
    %get3A_211 = arith.constant 0 : index
    %get3A_212 = vector.load %arg4[%get3A_210, %get3A_211] : memref<128x784xf32, #tpu.memory_space<vmem>>, vector<128x784xf32>
    %reduce_min3A_213 = arith.constant dense<0x7F800000> : vector<128xf32>
    %reduce_min3A_214 = vector.multi_reduction <minimumf>, %get3A_212, %reduce_min3A_213 [1] : vector<128x784xf32> to vector<128xf32>
    %broadcast_in_dim3A_215 = vector.shape_cast %reduce_min3A_214 : vector<128xf32> to vector<128x1xf32>
    %eq3A_216 = vector.broadcast %broadcast_in_dim3A_215 : vector<128x1xf32> to vector<128x784xf32>
    %eq3A_217 = arith.cmpf oeq, %get3A_212, %eq3A_216 : vector<128x784xf32>
    %jit3A_218 = arith.constant 784 : i32
    %broadcast_in_dim3A_219 = vector.broadcast %jit3A_218 : i32 to vector<128x784xi32>
    %select_n3A_220 = arith.select %eq3A_217, %iota3A, %broadcast_in_dim3A_219 : vector<128x784xi1>, vector<128x784xi32>
    %reduce_min3A_221 = arith.constant dense<2147483647> : vector<128xi32>
    %reduce_min3A_222 = vector.multi_reduction <minsi>, %select_n3A_220, %reduce_min3A_221 [1] : vector<128x784xi32> to vector<128xi32>
    %broadcast_in_dim3A_223 = vector.shape_cast %reduce_min3A_222 : vector<128xi32> to vector<128x1xi32>
    %mul3A_224 = arith.constant 784 : i32
    %mul3A_225 = vector.broadcast %mul3A_224 : i32 to vector<128x1xi32>
    %mul3A_226 = arith.muli %add3A_6, %mul3A_225 : vector<128x1xi32>
    %add3A_227 = arith.addi %mul3A_226, %broadcast_in_dim3A_223 : vector<128x1xi32>
    %eq3A_228 = vector.broadcast %broadcast_in_dim3A_223 : vector<128x1xi32> to vector<128x784xi32>
    %eq3A_229 = arith.cmpi eq, %iota3A, %eq3A_228 : vector<128x784xi32>
    %jit3A_230 = arith.constant 1.000000e+30 : f32
    %broadcast_in_dim3A_231 = vector.broadcast %jit3A_230 : f32 to vector<128x784xf32>
    %select_n3A_232 = arith.select %eq3A_229, %broadcast_in_dim3A_231, %get3A_212 : vector<128x784xi1>, vector<128x784xf32>
    %swap3A_233 = arith.constant 0 : index
    %swap3A_234 = arith.constant 0 : index
    %swap3A_235 = vector.load %arg4[%swap3A_233, %swap3A_234] : memref<128x784xf32, #tpu.memory_space<vmem>>, vector<128x784xf32>
    tpu.vector_store %arg4[%swap3A_233, %swap3A_234], %select_n3A_232 {strides = array<i32>} : memref<128x784xf32, #tpu.memory_space<vmem>>, vector<128x784xf32>,
    %get3A_236 = arith.constant 0 : index
    %get3A_237 = arith.constant 0 : index
    %get3A_238 = vector.load %arg4[%get3A_236, %get3A_237] : memref<128x784xf32, #tpu.memory_space<vmem>>, vector<128x784xf32>
    %reduce_min3A_239 = arith.constant dense<0x7F800000> : vector<128xf32>
    %reduce_min3A_240 = vector.multi_reduction <minimumf>, %get3A_238, %reduce_min3A_239 [1] : vector<128x784xf32> to vector<128xf32>
    %broadcast_in_dim3A_241 = vector.shape_cast %reduce_min3A_240 : vector<128xf32> to vector<128x1xf32>
    %eq3A_242 = vector.broadcast %broadcast_in_dim3A_241 : vector<128x1xf32> to vector<128x784xf32>
    %eq3A_243 = arith.cmpf oeq, %get3A_238, %eq3A_242 : vector<128x784xf32>
    %jit3A_244 = arith.constant 784 : i32
    %broadcast_in_dim3A_245 = vector.broadcast %jit3A_244 : i32 to vector<128x784xi32>
    %select_n3A_246 = arith.select %eq3A_243, %iota3A, %broadcast_in_dim3A_245 : vector<128x784xi1>, vector<128x784xi32>
    %reduce_min3A_247 = arith.constant dense<2147483647> : vector<128xi32>
    %reduce_min3A_248 = vector.multi_reduction <minsi>, %select_n3A_246, %reduce_min3A_247 [1] : vector<128x784xi32> to vector<128xi32>
    %broadcast_in_dim3A_249 = vector.shape_cast %reduce_min3A_248 : vector<128xi32> to vector<128x1xi32>
    %mul3A_250 = arith.constant 784 : i32
    %mul3A_251 = vector.broadcast %mul3A_250 : i32 to vector<128x1xi32>
    %mul3A_252 = arith.muli %add3A_6, %mul3A_251 : vector<128x1xi32>
    %add3A_253 = arith.addi %mul3A_252, %broadcast_in_dim3A_249 : vector<128x1xi32>
    %eq3A_254 = vector.broadcast %broadcast_in_dim3A_249 : vector<128x1xi32> to vector<128x784xi32>
    %eq3A_255 = arith.cmpi eq, %iota3A, %eq3A_254 : vector<128x784xi32>
    %jit3A_256 = arith.constant 1.000000e+30 : f32
    %broadcast_in_dim3A_257 = vector.broadcast %jit3A_256 : f32 to vector<128x784xf32>
    %select_n3A_258 = arith.select %eq3A_255, %broadcast_in_dim3A_257, %get3A_238 : vector<128x784xi1>, vector<128x784xf32>
    %swap3A_259 = arith.constant 0 : index
    %swap3A_260 = arith.constant 0 : index
    %swap3A_261 = vector.load %arg4[%swap3A_259, %swap3A_260] : memref<128x784xf32, #tpu.memory_space<vmem>>, vector<128x784xf32>
    tpu.vector_store %arg4[%swap3A_259, %swap3A_260], %select_n3A_258 {strides = array<i32>} : memref<128x784xf32, #tpu.memory_space<vmem>>, vector<128x784xf32>,
    %get3A_262 = arith.constant 0 : index
    %get3A_263 = arith.constant 0 : index
    %get3A_264 = vector.load %arg4[%get3A_262, %get3A_263] : memref<128x784xf32, #tpu.memory_space<vmem>>, vector<128x784xf32>
    %reduce_min3A_265 = arith.constant dense<0x7F800000> : vector<128xf32>
    %reduce_min3A_266 = vector.multi_reduction <minimumf>, %get3A_264, %reduce_min3A_265 [1] : vector<128x784xf32> to vector<128xf32>
    %broadcast_in_dim3A_267 = vector.shape_cast %reduce_min3A_266 : vector<128xf32> to vector<128x1xf32>
    %eq3A_268 = vector.broadcast %broadcast_in_dim3A_267 : vector<128x1xf32> to vector<128x784xf32>
    %eq3A_269 = arith.cmpf oeq, %get3A_264, %eq3A_268 : vector<128x784xf32>
    %jit3A_270 = arith.constant 784 : i32
    %broadcast_in_dim3A_271 = vector.broadcast %jit3A_270 : i32 to vector<128x784xi32>
    %select_n3A_272 = arith.select %eq3A_269, %iota3A, %broadcast_in_dim3A_271 : vector<128x784xi1>, vector<128x784xi32>
    %reduce_min3A_273 = arith.constant dense<2147483647> : vector<128xi32>
    %reduce_min3A_274 = vector.multi_reduction <minsi>, %select_n3A_272, %reduce_min3A_273 [1] : vector<128x784xi32> to vector<128xi32>
    %broadcast_in_dim3A_275 = vector.shape_cast %reduce_min3A_274 : vector<128xi32> to vector<128x1xi32>
    %mul3A_276 = arith.constant 784 : i32
    %mul3A_277 = vector.broadcast %mul3A_276 : i32 to vector<128x1xi32>
    %mul3A_278 = arith.muli %add3A_6, %mul3A_277 : vector<128x1xi32>
    %add3A_279 = arith.addi %mul3A_278, %broadcast_in_dim3A_275 : vector<128x1xi32>
    %eq3A_280 = vector.broadcast %broadcast_in_dim3A_275 : vector<128x1xi32> to vector<128x784xi32>
    %eq3A_281 = arith.cmpi eq, %iota3A, %eq3A_280 : vector<128x784xi32>
    %jit3A_282 = arith.constant 1.000000e+30 : f32
    %broadcast_in_dim3A_283 = vector.broadcast %jit3A_282 : f32 to vector<128x784xf32>
    %select_n3A_284 = arith.select %eq3A_281, %broadcast_in_dim3A_283, %get3A_264 : vector<128x784xi1>, vector<128x784xf32>
    %swap3A_285 = arith.constant 0 : index
    %swap3A_286 = arith.constant 0 : index
    %swap3A_287 = vector.load %arg4[%swap3A_285, %swap3A_286] : memref<128x784xf32, #tpu.memory_space<vmem>>, vector<128x784xf32>
    tpu.vector_store %arg4[%swap3A_285, %swap3A_286], %select_n3A_284 {strides = array<i32>} : memref<128x784xf32, #tpu.memory_space<vmem>>, vector<128x784xf32>,
    %get3A_288 = arith.constant 0 : index
    %get3A_289 = arith.constant 0 : index
    %get3A_290 = vector.load %arg4[%get3A_288, %get3A_289] : memref<128x784xf32, #tpu.memory_space<vmem>>, vector<128x784xf32>
    %reduce_min3A_291 = arith.constant dense<0x7F800000> : vector<128xf32>
    %reduce_min3A_292 = vector.multi_reduction <minimumf>, %get3A_290, %reduce_min3A_291 [1] : vector<128x784xf32> to vector<128xf32>
    %broadcast_in_dim3A_293 = vector.shape_cast %reduce_min3A_292 : vector<128xf32> to vector<128x1xf32>
    %eq3A_294 = vector.broadcast %broadcast_in_dim3A_293 : vector<128x1xf32> to vector<128x784xf32>
    %eq3A_295 = arith.cmpf oeq, %get3A_290, %eq3A_294 : vector<128x784xf32>
    %jit3A_296 = arith.constant 784 : i32
    %broadcast_in_dim3A_297 = vector.broadcast %jit3A_296 : i32 to vector<128x784xi32>
    %select_n3A_298 = arith.select %eq3A_295, %iota3A, %broadcast_in_dim3A_297 : vector<128x784xi1>, vector<128x784xi32>
    %reduce_min3A_299 = arith.constant dense<2147483647> : vector<128xi32>
    %reduce_min3A_300 = vector.multi_reduction <minsi>, %select_n3A_298, %reduce_min3A_299 [1] : vector<128x784xi32> to vector<128xi32>
    %broadcast_in_dim3A_301 = vector.shape_cast %reduce_min3A_300 : vector<128xi32> to vector<128x1xi32>
    %mul3A_302 = arith.constant 784 : i32
    %mul3A_303 = vector.broadcast %mul3A_302 : i32 to vector<128x1xi32>
    %mul3A_304 = arith.muli %add3A_6, %mul3A_303 : vector<128x1xi32>
    %add3A_305 = arith.addi %mul3A_304, %broadcast_in_dim3A_301 : vector<128x1xi32>
    %eq3A_306 = vector.broadcast %broadcast_in_dim3A_301 : vector<128x1xi32> to vector<128x784xi32>
    %eq3A_307 = arith.cmpi eq, %iota3A, %eq3A_306 : vector<128x784xi32>
    %jit3A_308 = arith.constant 1.000000e+30 : f32
    %broadcast_in_dim3A_309 = vector.broadcast %jit3A_308 : f32 to vector<128x784xf32>
    %select_n3A_310 = arith.select %eq3A_307, %broadcast_in_dim3A_309, %get3A_290 : vector<128x784xi1>, vector<128x784xf32>
    %swap3A_311 = arith.constant 0 : index
    %swap3A_312 = arith.constant 0 : index
    %swap3A_313 = vector.load %arg4[%swap3A_311, %swap3A_312] : memref<128x784xf32, #tpu.memory_space<vmem>>, vector<128x784xf32>
    tpu.vector_store %arg4[%swap3A_311, %swap3A_312], %select_n3A_310 {strides = array<i32>} : memref<128x784xf32, #tpu.memory_space<vmem>>, vector<128x784xf32>,
    %get3A_314 = arith.constant 0 : index
    %get3A_315 = arith.constant 0 : index
    %get3A_316 = vector.load %arg4[%get3A_314, %get3A_315] : memref<128x784xf32, #tpu.memory_space<vmem>>, vector<128x784xf32>
    %reduce_min3A_317 = arith.constant dense<0x7F800000> : vector<128xf32>
    %reduce_min3A_318 = vector.multi_reduction <minimumf>, %get3A_316, %reduce_min3A_317 [1] : vector<128x784xf32> to vector<128xf32>
    %broadcast_in_dim3A_319 = vector.shape_cast %reduce_min3A_318 : vector<128xf32> to vector<128x1xf32>
    %eq3A_320 = vector.broadcast %broadcast_in_dim3A_319 : vector<128x1xf32> to vector<128x784xf32>
    %eq3A_321 = arith.cmpf oeq, %get3A_316, %eq3A_320 : vector<128x784xf32>
    %jit3A_322 = arith.constant 784 : i32
    %broadcast_in_dim3A_323 = vector.broadcast %jit3A_322 : i32 to vector<128x784xi32>
    %select_n3A_324 = arith.select %eq3A_321, %iota3A, %broadcast_in_dim3A_323 : vector<128x784xi1>, vector<128x784xi32>
    %reduce_min3A_325 = arith.constant dense<2147483647> : vector<128xi32>
    %reduce_min3A_326 = vector.multi_reduction <minsi>, %select_n3A_324, %reduce_min3A_325 [1] : vector<128x784xi32> to vector<128xi32>
    %broadcast_in_dim3A_327 = vector.shape_cast %reduce_min3A_326 : vector<128xi32> to vector<128x1xi32>
    %mul3A_328 = arith.constant 784 : i32
    %mul3A_329 = vector.broadcast %mul3A_328 : i32 to vector<128x1xi32>
    %mul3A_330 = arith.muli %add3A_6, %mul3A_329 : vector<128x1xi32>
    %add3A_331 = arith.addi %mul3A_330, %broadcast_in_dim3A_327 : vector<128x1xi32>
    %eq3A_332 = vector.broadcast %broadcast_in_dim3A_327 : vector<128x1xi32> to vector<128x784xi32>
    %eq3A_333 = arith.cmpi eq, %iota3A, %eq3A_332 : vector<128x784xi32>
    %jit3A_334 = arith.constant 1.000000e+30 : f32
    %broadcast_in_dim3A_335 = vector.broadcast %jit3A_334 : f32 to vector<128x784xf32>
    %select_n3A_336 = arith.select %eq3A_333, %broadcast_in_dim3A_335, %get3A_316 : vector<128x784xi1>, vector<128x784xf32>
    %swap3A_337 = arith.constant 0 : index
    %swap3A_338 = arith.constant 0 : index
    %swap3A_339 = vector.load %arg4[%swap3A_337, %swap3A_338] : memref<128x784xf32, #tpu.memory_space<vmem>>, vector<128x784xf32>
    tpu.vector_store %arg4[%swap3A_337, %swap3A_338], %select_n3A_336 {strides = array<i32>} : memref<128x784xf32, #tpu.memory_space<vmem>>, vector<128x784xf32>,
    %get3A_340 = arith.constant 0 : index
    %get3A_341 = arith.constant 0 : index
    %get3A_342 = vector.load %arg4[%get3A_340, %get3A_341] : memref<128x784xf32, #tpu.memory_space<vmem>>, vector<128x784xf32>
    %reduce_min3A_343 = arith.constant dense<0x7F800000> : vector<128xf32>
    %reduce_min3A_344 = vector.multi_reduction <minimumf>, %get3A_342, %reduce_min3A_343 [1] : vector<128x784xf32> to vector<128xf32>
    %broadcast_in_dim3A_345 = vector.shape_cast %reduce_min3A_344 : vector<128xf32> to vector<128x1xf32>
    %eq3A_346 = vector.broadcast %broadcast_in_dim3A_345 : vector<128x1xf32> to vector<128x784xf32>
    %eq3A_347 = arith.cmpf oeq, %get3A_342, %eq3A_346 : vector<128x784xf32>
    %jit3A_348 = arith.constant 784 : i32
    %broadcast_in_dim3A_349 = vector.broadcast %jit3A_348 : i32 to vector<128x784xi32>
    %select_n3A_350 = arith.select %eq3A_347, %iota3A, %broadcast_in_dim3A_349 : vector<128x784xi1>, vector<128x784xi32>
    %reduce_min3A_351 = arith.constant dense<2147483647> : vector<128xi32>
    %reduce_min3A_352 = vector.multi_reduction <minsi>, %select_n3A_350, %reduce_min3A_351 [1] : vector<128x784xi32> to vector<128xi32>
    %broadcast_in_dim3A_353 = vector.shape_cast %reduce_min3A_352 : vector<128xi32> to vector<128x1xi32>
    %mul3A_354 = arith.constant 784 : i32
    %mul3A_355 = vector.broadcast %mul3A_354 : i32 to vector<128x1xi32>
    %mul3A_356 = arith.muli %add3A_6, %mul3A_355 : vector<128x1xi32>
    %add3A_357 = arith.addi %mul3A_356, %broadcast_in_dim3A_353 : vector<128x1xi32>
    %eq3A_358 = vector.broadcast %broadcast_in_dim3A_353 : vector<128x1xi32> to vector<128x784xi32>
    %eq3A_359 = arith.cmpi eq, %iota3A, %eq3A_358 : vector<128x784xi32>
    %jit3A_360 = arith.constant 1.000000e+30 : f32
    %broadcast_in_dim3A_361 = vector.broadcast %jit3A_360 : f32 to vector<128x784xf32>
    %select_n3A_362 = arith.select %eq3A_359, %broadcast_in_dim3A_361, %get3A_342 : vector<128x784xi1>, vector<128x784xf32>
    %swap3A_363 = arith.constant 0 : index
    %swap3A_364 = arith.constant 0 : index
    %swap3A_365 = vector.load %arg4[%swap3A_363, %swap3A_364] : memref<128x784xf32, #tpu.memory_space<vmem>>, vector<128x784xf32>
    tpu.vector_store %arg4[%swap3A_363, %swap3A_364], %select_n3A_362 {strides = array<i32>} : memref<128x784xf32, #tpu.memory_space<vmem>>, vector<128x784xf32>,
    %get3A_366 = arith.constant 0 : index
    %get3A_367 = arith.constant 0 : index
    %get3A_368 = vector.load %arg4[%get3A_366, %get3A_367] : memref<128x784xf32, #tpu.memory_space<vmem>>, vector<128x784xf32>
    %reduce_min3A_369 = arith.constant dense<0x7F800000> : vector<128xf32>
    %reduce_min3A_370 = vector.multi_reduction <minimumf>, %get3A_368, %reduce_min3A_369 [1] : vector<128x784xf32> to vector<128xf32>
    %broadcast_in_dim3A_371 = vector.shape_cast %reduce_min3A_370 : vector<128xf32> to vector<128x1xf32>
    %eq3A_372 = vector.broadcast %broadcast_in_dim3A_371 : vector<128x1xf32> to vector<128x784xf32>
    %eq3A_373 = arith.cmpf oeq, %get3A_368, %eq3A_372 : vector<128x784xf32>
    %jit3A_374 = arith.constant 784 : i32
    %broadcast_in_dim3A_375 = vector.broadcast %jit3A_374 : i32 to vector<128x784xi32>
    %select_n3A_376 = arith.select %eq3A_373, %iota3A, %broadcast_in_dim3A_375 : vector<128x784xi1>, vector<128x784xi32>
    %reduce_min3A_377 = arith.constant dense<2147483647> : vector<128xi32>
    %reduce_min3A_378 = vector.multi_reduction <minsi>, %select_n3A_376, %reduce_min3A_377 [1] : vector<128x784xi32> to vector<128xi32>
    %broadcast_in_dim3A_379 = vector.shape_cast %reduce_min3A_378 : vector<128xi32> to vector<128x1xi32>
    %mul3A_380 = arith.constant 784 : i32
    %mul3A_381 = vector.broadcast %mul3A_380 : i32 to vector<128x1xi32>
    %mul3A_382 = arith.muli %add3A_6, %mul3A_381 : vector<128x1xi32>
    %add3A_383 = arith.addi %mul3A_382, %broadcast_in_dim3A_379 : vector<128x1xi32>
    %eq3A_384 = vector.broadcast %broadcast_in_dim3A_379 : vector<128x1xi32> to vector<128x784xi32>
    %eq3A_385 = arith.cmpi eq, %iota3A, %eq3A_384 : vector<128x784xi32>
    %jit3A_386 = arith.constant 1.000000e+30 : f32
    %broadcast_in_dim3A_387 = vector.broadcast %jit3A_386 : f32 to vector<128x784xf32>
    %select_n3A_388 = arith.select %eq3A_385, %broadcast_in_dim3A_387, %get3A_368 : vector<128x784xi1>, vector<128x784xf32>
    %swap3A_389 = arith.constant 0 : index
    %swap3A_390 = arith.constant 0 : index
    %swap3A_391 = vector.load %arg4[%swap3A_389, %swap3A_390] : memref<128x784xf32, #tpu.memory_space<vmem>>, vector<128x784xf32>
    tpu.vector_store %arg4[%swap3A_389, %swap3A_390], %select_n3A_388 {strides = array<i32>} : memref<128x784xf32, #tpu.memory_space<vmem>>, vector<128x784xf32>,
    %get3A_392 = arith.constant 0 : index
    %get3A_393 = arith.constant 0 : index
    %get3A_394 = vector.load %arg4[%get3A_392, %get3A_393] : memref<128x784xf32, #tpu.memory_space<vmem>>, vector<128x784xf32>
    %reduce_min3A_395 = arith.constant dense<0x7F800000> : vector<128xf32>
    %reduce_min3A_396 = vector.multi_reduction <minimumf>, %get3A_394, %reduce_min3A_395 [1] : vector<128x784xf32> to vector<128xf32>
    %broadcast_in_dim3A_397 = vector.shape_cast %reduce_min3A_396 : vector<128xf32> to vector<128x1xf32>
    %eq3A_398 = vector.broadcast %broadcast_in_dim3A_397 : vector<128x1xf32> to vector<128x784xf32>
    %eq3A_399 = arith.cmpf oeq, %get3A_394, %eq3A_398 : vector<128x784xf32>
    %jit3A_400 = arith.constant 784 : i32
    %broadcast_in_dim3A_401 = vector.broadcast %jit3A_400 : i32 to vector<128x784xi32>
    %select_n3A_402 = arith.select %eq3A_399, %iota3A, %broadcast_in_dim3A_401 : vector<128x784xi1>, vector<128x784xi32>
    %reduce_min3A_403 = arith.constant dense<2147483647> : vector<128xi32>
    %reduce_min3A_404 = vector.multi_reduction <minsi>, %select_n3A_402, %reduce_min3A_403 [1] : vector<128x784xi32> to vector<128xi32>
    %broadcast_in_dim3A_405 = vector.shape_cast %reduce_min3A_404 : vector<128xi32> to vector<128x1xi32>
    %mul3A_406 = arith.constant 784 : i32
    %mul3A_407 = vector.broadcast %mul3A_406 : i32 to vector<128x1xi32>
    %mul3A_408 = arith.muli %add3A_6, %mul3A_407 : vector<128x1xi32>
    %add3A_409 = arith.addi %mul3A_408, %broadcast_in_dim3A_405 : vector<128x1xi32>
    %eq3A_410 = vector.broadcast %broadcast_in_dim3A_405 : vector<128x1xi32> to vector<128x784xi32>
    %eq3A_411 = arith.cmpi eq, %iota3A, %eq3A_410 : vector<128x784xi32>
    %jit3A_412 = arith.constant 1.000000e+30 : f32
    %broadcast_in_dim3A_413 = vector.broadcast %jit3A_412 : f32 to vector<128x784xf32>
    %select_n3A_414 = arith.select %eq3A_411, %broadcast_in_dim3A_413, %get3A_394 : vector<128x784xi1>, vector<128x784xf32>
    %swap3A_415 = arith.constant 0 : index
    %swap3A_416 = arith.constant 0 : index
    %swap3A_417 = vector.load %arg4[%swap3A_415, %swap3A_416] : memref<128x784xf32, #tpu.memory_space<vmem>>, vector<128x784xf32>
    tpu.vector_store %arg4[%swap3A_415, %swap3A_416], %select_n3A_414 {strides = array<i32>} : memref<128x784xf32, #tpu.memory_space<vmem>>, vector<128x784xf32>,
    %get3A_418 = arith.constant 0 : index
    %get3A_419 = arith.constant 0 : index
    %get3A_420 = vector.load %arg4[%get3A_418, %get3A_419] : memref<128x784xf32, #tpu.memory_space<vmem>>, vector<128x784xf32>
    %reduce_min3A_421 = arith.constant dense<0x7F800000> : vector<128xf32>
    %reduce_min3A_422 = vector.multi_reduction <minimumf>, %get3A_420, %reduce_min3A_421 [1] : vector<128x784xf32> to vector<128xf32>
    %broadcast_in_dim3A_423 = vector.shape_cast %reduce_min3A_422 : vector<128xf32> to vector<128x1xf32>
    %eq3A_424 = vector.broadcast %broadcast_in_dim3A_423 : vector<128x1xf32> to vector<128x784xf32>
    %eq3A_425 = arith.cmpf oeq, %get3A_420, %eq3A_424 : vector<128x784xf32>
    %jit3A_426 = arith.constant 784 : i32
    %broadcast_in_dim3A_427 = vector.broadcast %jit3A_426 : i32 to vector<128x784xi32>
    %select_n3A_428 = arith.select %eq3A_425, %iota3A, %broadcast_in_dim3A_427 : vector<128x784xi1>, vector<128x784xi32>
    %reduce_min3A_429 = arith.constant dense<2147483647> : vector<128xi32>
    %reduce_min3A_430 = vector.multi_reduction <minsi>, %select_n3A_428, %reduce_min3A_429 [1] : vector<128x784xi32> to vector<128xi32>
    %broadcast_in_dim3A_431 = vector.shape_cast %reduce_min3A_430 : vector<128xi32> to vector<128x1xi32>
    %mul3A_432 = arith.constant 784 : i32
    %mul3A_433 = vector.broadcast %mul3A_432 : i32 to vector<128x1xi32>
    %mul3A_434 = arith.muli %add3A_6, %mul3A_433 : vector<128x1xi32>
    %add3A_435 = arith.addi %mul3A_434, %broadcast_in_dim3A_431 : vector<128x1xi32>
    %eq3A_436 = vector.broadcast %broadcast_in_dim3A_431 : vector<128x1xi32> to vector<128x784xi32>
    %eq3A_437 = arith.cmpi eq, %iota3A, %eq3A_436 : vector<128x784xi32>
    %jit3A_438 = arith.constant 1.000000e+30 : f32
    %broadcast_in_dim3A_439 = vector.broadcast %jit3A_438 : f32 to vector<128x784xf32>
    %select_n3A_440 = arith.select %eq3A_437, %broadcast_in_dim3A_439, %get3A_420 : vector<128x784xi1>, vector<128x784xf32>
    %swap3A_441 = arith.constant 0 : index
    %swap3A_442 = arith.constant 0 : index
    %swap3A_443 = vector.load %arg4[%swap3A_441, %swap3A_442] : memref<128x784xf32, #tpu.memory_space<vmem>>, vector<128x784xf32>
    tpu.vector_store %arg4[%swap3A_441, %swap3A_442], %select_n3A_440 {strides = array<i32>} : memref<128x784xf32, #tpu.memory_space<vmem>>, vector<128x784xf32>,
    %get3A_444 = arith.constant 0 : index
    %get3A_445 = arith.constant 0 : index
    %get3A_446 = vector.load %arg4[%get3A_444, %get3A_445] : memref<128x784xf32, #tpu.memory_space<vmem>>, vector<128x784xf32>
    %reduce_min3A_447 = arith.constant dense<0x7F800000> : vector<128xf32>
    %reduce_min3A_448 = vector.multi_reduction <minimumf>, %get3A_446, %reduce_min3A_447 [1] : vector<128x784xf32> to vector<128xf32>
    %broadcast_in_dim3A_449 = vector.shape_cast %reduce_min3A_448 : vector<128xf32> to vector<128x1xf32>
    %eq3A_450 = vector.broadcast %broadcast_in_dim3A_449 : vector<128x1xf32> to vector<128x784xf32>
    %eq3A_451 = arith.cmpf oeq, %get3A_446, %eq3A_450 : vector<128x784xf32>
    %jit3A_452 = arith.constant 784 : i32
    %broadcast_in_dim3A_453 = vector.broadcast %jit3A_452 : i32 to vector<128x784xi32>
    %select_n3A_454 = arith.select %eq3A_451, %iota3A, %broadcast_in_dim3A_453 : vector<128x784xi1>, vector<128x784xi32>
    %reduce_min3A_455 = arith.constant dense<2147483647> : vector<128xi32>
    %reduce_min3A_456 = vector.multi_reduction <minsi>, %select_n3A_454, %reduce_min3A_455 [1] : vector<128x784xi32> to vector<128xi32>
    %broadcast_in_dim3A_457 = vector.shape_cast %reduce_min3A_456 : vector<128xi32> to vector<128x1xi32>
    %mul3A_458 = arith.constant 784 : i32
    %mul3A_459 = vector.broadcast %mul3A_458 : i32 to vector<128x1xi32>
    %mul3A_460 = arith.muli %add3A_6, %mul3A_459 : vector<128x1xi32>
    %add3A_461 = arith.addi %mul3A_460, %broadcast_in_dim3A_457 : vector<128x1xi32>
    %eq3A_462 = vector.broadcast %broadcast_in_dim3A_457 : vector<128x1xi32> to vector<128x784xi32>
    %eq3A_463 = arith.cmpi eq, %iota3A, %eq3A_462 : vector<128x784xi32>
    %jit3A_464 = arith.constant 1.000000e+30 : f32
    %broadcast_in_dim3A_465 = vector.broadcast %jit3A_464 : f32 to vector<128x784xf32>
    %select_n3A_466 = arith.select %eq3A_463, %broadcast_in_dim3A_465, %get3A_446 : vector<128x784xi1>, vector<128x784xf32>
    %swap3A_467 = arith.constant 0 : index
    %swap3A_468 = arith.constant 0 : index
    %swap3A_469 = vector.load %arg4[%swap3A_467, %swap3A_468] : memref<128x784xf32, #tpu.memory_space<vmem>>, vector<128x784xf32>
    tpu.vector_store %arg4[%swap3A_467, %swap3A_468], %select_n3A_466 {strides = array<i32>} : memref<128x784xf32, #tpu.memory_space<vmem>>, vector<128x784xf32>,
    %get3A_470 = arith.constant 0 : index
    %get3A_471 = arith.constant 0 : index
    %get3A_472 = vector.load %arg4[%get3A_470, %get3A_471] : memref<128x784xf32, #tpu.memory_space<vmem>>, vector<128x784xf32>
    %reduce_min3A_473 = arith.constant dense<0x7F800000> : vector<128xf32>
    %reduce_min3A_474 = vector.multi_reduction <minimumf>, %get3A_472, %reduce_min3A_473 [1] : vector<128x784xf32> to vector<128xf32>
    %broadcast_in_dim3A_475 = vector.shape_cast %reduce_min3A_474 : vector<128xf32> to vector<128x1xf32>
    %eq3A_476 = vector.broadcast %broadcast_in_dim3A_475 : vector<128x1xf32> to vector<128x784xf32>
    %eq3A_477 = arith.cmpf oeq, %get3A_472, %eq3A_476 : vector<128x784xf32>
    %jit3A_478 = arith.constant 784 : i32
    %broadcast_in_dim3A_479 = vector.broadcast %jit3A_478 : i32 to vector<128x784xi32>
    %select_n3A_480 = arith.select %eq3A_477, %iota3A, %broadcast_in_dim3A_479 : vector<128x784xi1>, vector<128x784xi32>
    %reduce_min3A_481 = arith.constant dense<2147483647> : vector<128xi32>
    %reduce_min3A_482 = vector.multi_reduction <minsi>, %select_n3A_480, %reduce_min3A_481 [1] : vector<128x784xi32> to vector<128xi32>
    %broadcast_in_dim3A_483 = vector.shape_cast %reduce_min3A_482 : vector<128xi32> to vector<128x1xi32>
    %mul3A_484 = arith.constant 784 : i32
    %mul3A_485 = vector.broadcast %mul3A_484 : i32 to vector<128x1xi32>
    %mul3A_486 = arith.muli %add3A_6, %mul3A_485 : vector<128x1xi32>
    %add3A_487 = arith.addi %mul3A_486, %broadcast_in_dim3A_483 : vector<128x1xi32>
    %eq3A_488 = vector.broadcast %broadcast_in_dim3A_483 : vector<128x1xi32> to vector<128x784xi32>
    %eq3A_489 = arith.cmpi eq, %iota3A, %eq3A_488 : vector<128x784xi32>
    %jit3A_490 = arith.constant 1.000000e+30 : f32
    %broadcast_in_dim3A_491 = vector.broadcast %jit3A_490 : f32 to vector<128x784xf32>
    %select_n3A_492 = arith.select %eq3A_489, %broadcast_in_dim3A_491, %get3A_472 : vector<128x784xi1>, vector<128x784xf32>
    %swap3A_493 = arith.constant 0 : index
    %swap3A_494 = arith.constant 0 : index
    %swap3A_495 = vector.load %arg4[%swap3A_493, %swap3A_494] : memref<128x784xf32, #tpu.memory_space<vmem>>, vector<128x784xf32>
    tpu.vector_store %arg4[%swap3A_493, %swap3A_494], %select_n3A_492 {strides = array<i32>} : memref<128x784xf32, #tpu.memory_space<vmem>>, vector<128x784xf32>,
    %get3A_496 = arith.constant 0 : index
    %get3A_497 = arith.constant 0 : index
    %get3A_498 = vector.load %arg4[%get3A_496, %get3A_497] : memref<128x784xf32, #tpu.memory_space<vmem>>, vector<128x784xf32>
    %reduce_min3A_499 = arith.constant dense<0x7F800000> : vector<128xf32>
    %reduce_min3A_500 = vector.multi_reduction <minimumf>, %get3A_498, %reduce_min3A_499 [1] : vector<128x784xf32> to vector<128xf32>
    %broadcast_in_dim3A_501 = vector.shape_cast %reduce_min3A_500 : vector<128xf32> to vector<128x1xf32>
    %eq3A_502 = vector.broadcast %broadcast_in_dim3A_501 : vector<128x1xf32> to vector<128x784xf32>
    %eq3A_503 = arith.cmpf oeq, %get3A_498, %eq3A_502 : vector<128x784xf32>
    %jit3A_504 = arith.constant 784 : i32
    %broadcast_in_dim3A_505 = vector.broadcast %jit3A_504 : i32 to vector<128x784xi32>
    %select_n3A_506 = arith.select %eq3A_503, %iota3A, %broadcast_in_dim3A_505 : vector<128x784xi1>, vector<128x784xi32>
    %reduce_min3A_507 = arith.constant dense<2147483647> : vector<128xi32>
    %reduce_min3A_508 = vector.multi_reduction <minsi>, %select_n3A_506, %reduce_min3A_507 [1] : vector<128x784xi32> to vector<128xi32>
    %broadcast_in_dim3A_509 = vector.shape_cast %reduce_min3A_508 : vector<128xi32> to vector<128x1xi32>
    %mul3A_510 = arith.constant 784 : i32
    %mul3A_511 = vector.broadcast %mul3A_510 : i32 to vector<128x1xi32>
    %mul3A_512 = arith.muli %add3A_6, %mul3A_511 : vector<128x1xi32>
    %add3A_513 = arith.addi %mul3A_512, %broadcast_in_dim3A_509 : vector<128x1xi32>
    %eq3A_514 = vector.broadcast %broadcast_in_dim3A_509 : vector<128x1xi32> to vector<128x784xi32>
    %eq3A_515 = arith.cmpi eq, %iota3A, %eq3A_514 : vector<128x784xi32>
    %jit3A_516 = arith.constant 1.000000e+30 : f32
    %broadcast_in_dim3A_517 = vector.broadcast %jit3A_516 : f32 to vector<128x784xf32>
    %select_n3A_518 = arith.select %eq3A_515, %broadcast_in_dim3A_517, %get3A_498 : vector<128x784xi1>, vector<128x784xf32>
    %swap3A_519 = arith.constant 0 : index
    %swap3A_520 = arith.constant 0 : index
    %swap3A_521 = vector.load %arg4[%swap3A_519, %swap3A_520] : memref<128x784xf32, #tpu.memory_space<vmem>>, vector<128x784xf32>
    tpu.vector_store %arg4[%swap3A_519, %swap3A_520], %select_n3A_518 {strides = array<i32>} : memref<128x784xf32, #tpu.memory_space<vmem>>, vector<128x784xf32>,
    %get3A_522 = arith.constant 0 : index
    %get3A_523 = arith.constant 0 : index
    %get3A_524 = vector.load %arg4[%get3A_522, %get3A_523] : memref<128x784xf32, #tpu.memory_space<vmem>>, vector<128x784xf32>
    %reduce_min3A_525 = arith.constant dense<0x7F800000> : vector<128xf32>
    %reduce_min3A_526 = vector.multi_reduction <minimumf>, %get3A_524, %reduce_min3A_525 [1] : vector<128x784xf32> to vector<128xf32>
    %broadcast_in_dim3A_527 = vector.shape_cast %reduce_min3A_526 : vector<128xf32> to vector<128x1xf32>
    %eq3A_528 = vector.broadcast %broadcast_in_dim3A_527 : vector<128x1xf32> to vector<128x784xf32>
    %eq3A_529 = arith.cmpf oeq, %get3A_524, %eq3A_528 : vector<128x784xf32>
    %jit3A_530 = arith.constant 784 : i32
    %broadcast_in_dim3A_531 = vector.broadcast %jit3A_530 : i32 to vector<128x784xi32>
    %select_n3A_532 = arith.select %eq3A_529, %iota3A, %broadcast_in_dim3A_531 : vector<128x784xi1>, vector<128x784xi32>
    %reduce_min3A_533 = arith.constant dense<2147483647> : vector<128xi32>
    %reduce_min3A_534 = vector.multi_reduction <minsi>, %select_n3A_532, %reduce_min3A_533 [1] : vector<128x784xi32> to vector<128xi32>
    %broadcast_in_dim3A_535 = vector.shape_cast %reduce_min3A_534 : vector<128xi32> to vector<128x1xi32>
    %mul3A_536 = arith.constant 784 : i32
    %mul3A_537 = vector.broadcast %mul3A_536 : i32 to vector<128x1xi32>
    %mul3A_538 = arith.muli %add3A_6, %mul3A_537 : vector<128x1xi32>
    %add3A_539 = arith.addi %mul3A_538, %broadcast_in_dim3A_535 : vector<128x1xi32>
    %eq3A_540 = vector.broadcast %broadcast_in_dim3A_535 : vector<128x1xi32> to vector<128x784xi32>
    %eq3A_541 = arith.cmpi eq, %iota3A, %eq3A_540 : vector<128x784xi32>
    %jit3A_542 = arith.constant 1.000000e+30 : f32
    %broadcast_in_dim3A_543 = vector.broadcast %jit3A_542 : f32 to vector<128x784xf32>
    %select_n3A_544 = arith.select %eq3A_541, %broadcast_in_dim3A_543, %get3A_524 : vector<128x784xi1>, vector<128x784xf32>
    %swap3A_545 = arith.constant 0 : index
    %swap3A_546 = arith.constant 0 : index
    %swap3A_547 = vector.load %arg4[%swap3A_545, %swap3A_546] : memref<128x784xf32, #tpu.memory_space<vmem>>, vector<128x784xf32>
    tpu.vector_store %arg4[%swap3A_545, %swap3A_546], %select_n3A_544 {strides = array<i32>} : memref<128x784xf32, #tpu.memory_space<vmem>>, vector<128x784xf32>,
    %get3A_548 = arith.constant 0 : index
    %get3A_549 = arith.constant 0 : index
    %get3A_550 = vector.load %arg4[%get3A_548, %get3A_549] : memref<128x784xf32, #tpu.memory_space<vmem>>, vector<128x784xf32>
    %reduce_min3A_551 = arith.constant dense<0x7F800000> : vector<128xf32>
    %reduce_min3A_552 = vector.multi_reduction <minimumf>, %get3A_550, %reduce_min3A_551 [1] : vector<128x784xf32> to vector<128xf32>
    %broadcast_in_dim3A_553 = vector.shape_cast %reduce_min3A_552 : vector<128xf32> to vector<128x1xf32>
    %eq3A_554 = vector.broadcast %broadcast_in_dim3A_553 : vector<128x1xf32> to vector<128x784xf32>
    %eq3A_555 = arith.cmpf oeq, %get3A_550, %eq3A_554 : vector<128x784xf32>
    %jit3A_556 = arith.constant 784 : i32
    %broadcast_in_dim3A_557 = vector.broadcast %jit3A_556 : i32 to vector<128x784xi32>
    %select_n3A_558 = arith.select %eq3A_555, %iota3A, %broadcast_in_dim3A_557 : vector<128x784xi1>, vector<128x784xi32>
    %reduce_min3A_559 = arith.constant dense<2147483647> : vector<128xi32>
    %reduce_min3A_560 = vector.multi_reduction <minsi>, %select_n3A_558, %reduce_min3A_559 [1] : vector<128x784xi32> to vector<128xi32>
    %broadcast_in_dim3A_561 = vector.shape_cast %reduce_min3A_560 : vector<128xi32> to vector<128x1xi32>
    %mul3A_562 = arith.constant 784 : i32
    %mul3A_563 = vector.broadcast %mul3A_562 : i32 to vector<128x1xi32>
    %mul3A_564 = arith.muli %add3A_6, %mul3A_563 : vector<128x1xi32>
    %add3A_565 = arith.addi %mul3A_564, %broadcast_in_dim3A_561 : vector<128x1xi32>
    %eq3A_566 = vector.broadcast %broadcast_in_dim3A_561 : vector<128x1xi32> to vector<128x784xi32>
    %eq3A_567 = arith.cmpi eq, %iota3A, %eq3A_566 : vector<128x784xi32>
    %jit3A_568 = arith.constant 1.000000e+30 : f32
    %broadcast_in_dim3A_569 = vector.broadcast %jit3A_568 : f32 to vector<128x784xf32>
    %select_n3A_570 = arith.select %eq3A_567, %broadcast_in_dim3A_569, %get3A_550 : vector<128x784xi1>, vector<128x784xf32>
    %swap3A_571 = arith.constant 0 : index
    %swap3A_572 = arith.constant 0 : index
    %swap3A_573 = vector.load %arg4[%swap3A_571, %swap3A_572] : memref<128x784xf32, #tpu.memory_space<vmem>>, vector<128x784xf32>
    tpu.vector_store %arg4[%swap3A_571, %swap3A_572], %select_n3A_570 {strides = array<i32>} : memref<128x784xf32, #tpu.memory_space<vmem>>, vector<128x784xf32>,
    %get3A_574 = arith.constant 0 : index
    %get3A_575 = arith.constant 0 : index
    %get3A_576 = vector.load %arg4[%get3A_574, %get3A_575] : memref<128x784xf32, #tpu.memory_space<vmem>>, vector<128x784xf32>
    %reduce_min3A_577 = arith.constant dense<0x7F800000> : vector<128xf32>
    %reduce_min3A_578 = vector.multi_reduction <minimumf>, %get3A_576, %reduce_min3A_577 [1] : vector<128x784xf32> to vector<128xf32>
    %broadcast_in_dim3A_579 = vector.shape_cast %reduce_min3A_578 : vector<128xf32> to vector<128x1xf32>
    %eq3A_580 = vector.broadcast %broadcast_in_dim3A_579 : vector<128x1xf32> to vector<128x784xf32>
    %eq3A_581 = arith.cmpf oeq, %get3A_576, %eq3A_580 : vector<128x784xf32>
    %jit3A_582 = arith.constant 784 : i32
    %broadcast_in_dim3A_583 = vector.broadcast %jit3A_582 : i32 to vector<128x784xi32>
    %select_n3A_584 = arith.select %eq3A_581, %iota3A, %broadcast_in_dim3A_583 : vector<128x784xi1>, vector<128x784xi32>
    %reduce_min3A_585 = arith.constant dense<2147483647> : vector<128xi32>
    %reduce_min3A_586 = vector.multi_reduction <minsi>, %select_n3A_584, %reduce_min3A_585 [1] : vector<128x784xi32> to vector<128xi32>
    %broadcast_in_dim3A_587 = vector.shape_cast %reduce_min3A_586 : vector<128xi32> to vector<128x1xi32>
    %mul3A_588 = arith.constant 784 : i32
    %mul3A_589 = vector.broadcast %mul3A_588 : i32 to vector<128x1xi32>
    %mul3A_590 = arith.muli %add3A_6, %mul3A_589 : vector<128x1xi32>
    %add3A_591 = arith.addi %mul3A_590, %broadcast_in_dim3A_587 : vector<128x1xi32>
    %eq3A_592 = vector.broadcast %broadcast_in_dim3A_587 : vector<128x1xi32> to vector<128x784xi32>
    %eq3A_593 = arith.cmpi eq, %iota3A, %eq3A_592 : vector<128x784xi32>
    %jit3A_594 = arith.constant 1.000000e+30 : f32
    %broadcast_in_dim3A_595 = vector.broadcast %jit3A_594 : f32 to vector<128x784xf32>
    %select_n3A_596 = arith.select %eq3A_593, %broadcast_in_dim3A_595, %get3A_576 : vector<128x784xi1>, vector<128x784xf32>
    %swap3A_597 = arith.constant 0 : index
    %swap3A_598 = arith.constant 0 : index
    %swap3A_599 = vector.load %arg4[%swap3A_597, %swap3A_598] : memref<128x784xf32, #tpu.memory_space<vmem>>, vector<128x784xf32>
    tpu.vector_store %arg4[%swap3A_597, %swap3A_598], %select_n3A_596 {strides = array<i32>} : memref<128x784xf32, #tpu.memory_space<vmem>>, vector<128x784xf32>,
    %get3A_600 = arith.constant 0 : index
    %get3A_601 = arith.constant 0 : index
    %get3A_602 = vector.load %arg4[%get3A_600, %get3A_601] : memref<128x784xf32, #tpu.memory_space<vmem>>, vector<128x784xf32>
    %reduce_min3A_603 = arith.constant dense<0x7F800000> : vector<128xf32>
    %reduce_min3A_604 = vector.multi_reduction <minimumf>, %get3A_602, %reduce_min3A_603 [1] : vector<128x784xf32> to vector<128xf32>
    %broadcast_in_dim3A_605 = vector.shape_cast %reduce_min3A_604 : vector<128xf32> to vector<128x1xf32>
    %eq3A_606 = vector.broadcast %broadcast_in_dim3A_605 : vector<128x1xf32> to vector<128x784xf32>
    %eq3A_607 = arith.cmpf oeq, %get3A_602, %eq3A_606 : vector<128x784xf32>
    %jit3A_608 = arith.constant 784 : i32
    %broadcast_in_dim3A_609 = vector.broadcast %jit3A_608 : i32 to vector<128x784xi32>
    %select_n3A_610 = arith.select %eq3A_607, %iota3A, %broadcast_in_dim3A_609 : vector<128x784xi1>, vector<128x784xi32>
    %reduce_min3A_611 = arith.constant dense<2147483647> : vector<128xi32>
    %reduce_min3A_612 = vector.multi_reduction <minsi>, %select_n3A_610, %reduce_min3A_611 [1] : vector<128x784xi32> to vector<128xi32>
    %broadcast_in_dim3A_613 = vector.shape_cast %reduce_min3A_612 : vector<128xi32> to vector<128x1xi32>
    %mul3A_614 = arith.constant 784 : i32
    %mul3A_615 = vector.broadcast %mul3A_614 : i32 to vector<128x1xi32>
    %mul3A_616 = arith.muli %add3A_6, %mul3A_615 : vector<128x1xi32>
    %add3A_617 = arith.addi %mul3A_616, %broadcast_in_dim3A_613 : vector<128x1xi32>
    %eq3A_618 = vector.broadcast %broadcast_in_dim3A_613 : vector<128x1xi32> to vector<128x784xi32>
    %eq3A_619 = arith.cmpi eq, %iota3A, %eq3A_618 : vector<128x784xi32>
    %jit3A_620 = arith.constant 1.000000e+30 : f32
    %broadcast_in_dim3A_621 = vector.broadcast %jit3A_620 : f32 to vector<128x784xf32>
    %select_n3A_622 = arith.select %eq3A_619, %broadcast_in_dim3A_621, %get3A_602 : vector<128x784xi1>, vector<128x784xf32>
    %swap3A_623 = arith.constant 0 : index
    %swap3A_624 = arith.constant 0 : index
    %swap3A_625 = vector.load %arg4[%swap3A_623, %swap3A_624] : memref<128x784xf32, #tpu.memory_space<vmem>>, vector<128x784xf32>
    tpu.vector_store %arg4[%swap3A_623, %swap3A_624], %select_n3A_622 {strides = array<i32>} : memref<128x784xf32, #tpu.memory_space<vmem>>, vector<128x784xf32>,
    %get3A_626 = arith.constant 0 : index
    %get3A_627 = arith.constant 0 : index
    %get3A_628 = vector.load %arg4[%get3A_626, %get3A_627] : memref<128x784xf32, #tpu.memory_space<vmem>>, vector<128x784xf32>
    %reduce_min3A_629 = arith.constant dense<0x7F800000> : vector<128xf32>
    %reduce_min3A_630 = vector.multi_reduction <minimumf>, %get3A_628, %reduce_min3A_629 [1] : vector<128x784xf32> to vector<128xf32>
    %broadcast_in_dim3A_631 = vector.shape_cast %reduce_min3A_630 : vector<128xf32> to vector<128x1xf32>
    %eq3A_632 = vector.broadcast %broadcast_in_dim3A_631 : vector<128x1xf32> to vector<128x784xf32>
    %eq3A_633 = arith.cmpf oeq, %get3A_628, %eq3A_632 : vector<128x784xf32>
    %jit3A_634 = arith.constant 784 : i32
    %broadcast_in_dim3A_635 = vector.broadcast %jit3A_634 : i32 to vector<128x784xi32>
    %select_n3A_636 = arith.select %eq3A_633, %iota3A, %broadcast_in_dim3A_635 : vector<128x784xi1>, vector<128x784xi32>
    %reduce_min3A_637 = arith.constant dense<2147483647> : vector<128xi32>
    %reduce_min3A_638 = vector.multi_reduction <minsi>, %select_n3A_636, %reduce_min3A_637 [1] : vector<128x784xi32> to vector<128xi32>
    %broadcast_in_dim3A_639 = vector.shape_cast %reduce_min3A_638 : vector<128xi32> to vector<128x1xi32>
    %mul3A_640 = arith.constant 784 : i32
    %mul3A_641 = vector.broadcast %mul3A_640 : i32 to vector<128x1xi32>
    %mul3A_642 = arith.muli %add3A_6, %mul3A_641 : vector<128x1xi32>
    %add3A_643 = arith.addi %mul3A_642, %broadcast_in_dim3A_639 : vector<128x1xi32>
    %eq3A_644 = vector.broadcast %broadcast_in_dim3A_639 : vector<128x1xi32> to vector<128x784xi32>
    %eq3A_645 = arith.cmpi eq, %iota3A, %eq3A_644 : vector<128x784xi32>
    %jit3A_646 = arith.constant 1.000000e+30 : f32
    %broadcast_in_dim3A_647 = vector.broadcast %jit3A_646 : f32 to vector<128x784xf32>
    %select_n3A_648 = arith.select %eq3A_645, %broadcast_in_dim3A_647, %get3A_628 : vector<128x784xi1>, vector<128x784xf32>
    %swap3A_649 = arith.constant 0 : index
    %swap3A_650 = arith.constant 0 : index
    %swap3A_651 = vector.load %arg4[%swap3A_649, %swap3A_650] : memref<128x784xf32, #tpu.memory_space<vmem>>, vector<128x784xf32>
    tpu.vector_store %arg4[%swap3A_649, %swap3A_650], %select_n3A_648 {strides = array<i32>} : memref<128x784xf32, #tpu.memory_space<vmem>>, vector<128x784xf32>,
    %get3A_652 = arith.constant 0 : index
    %get3A_653 = arith.constant 0 : index
    %get3A_654 = vector.load %arg4[%get3A_652, %get3A_653] : memref<128x784xf32, #tpu.memory_space<vmem>>, vector<128x784xf32>
    %reduce_min3A_655 = arith.constant dense<0x7F800000> : vector<128xf32>
    %reduce_min3A_656 = vector.multi_reduction <minimumf>, %get3A_654, %reduce_min3A_655 [1] : vector<128x784xf32> to vector<128xf32>
    %broadcast_in_dim3A_657 = vector.shape_cast %reduce_min3A_656 : vector<128xf32> to vector<128x1xf32>
    %eq3A_658 = vector.broadcast %broadcast_in_dim3A_657 : vector<128x1xf32> to vector<128x784xf32>
    %eq3A_659 = arith.cmpf oeq, %get3A_654, %eq3A_658 : vector<128x784xf32>
    %jit3A_660 = arith.constant 784 : i32
    %broadcast_in_dim3A_661 = vector.broadcast %jit3A_660 : i32 to vector<128x784xi32>
    %select_n3A_662 = arith.select %eq3A_659, %iota3A, %broadcast_in_dim3A_661 : vector<128x784xi1>, vector<128x784xi32>
    %reduce_min3A_663 = arith.constant dense<2147483647> : vector<128xi32>
    %reduce_min3A_664 = vector.multi_reduction <minsi>, %select_n3A_662, %reduce_min3A_663 [1] : vector<128x784xi32> to vector<128xi32>
    %broadcast_in_dim3A_665 = vector.shape_cast %reduce_min3A_664 : vector<128xi32> to vector<128x1xi32>
    %mul3A_666 = arith.constant 784 : i32
    %mul3A_667 = vector.broadcast %mul3A_666 : i32 to vector<128x1xi32>
    %mul3A_668 = arith.muli %add3A_6, %mul3A_667 : vector<128x1xi32>
    %add3A_669 = arith.addi %mul3A_668, %broadcast_in_dim3A_665 : vector<128x1xi32>
    %eq3A_670 = vector.broadcast %broadcast_in_dim3A_665 : vector<128x1xi32> to vector<128x784xi32>
    %eq3A_671 = arith.cmpi eq, %iota3A, %eq3A_670 : vector<128x784xi32>
    %jit3A_672 = arith.constant 1.000000e+30 : f32
    %broadcast_in_dim3A_673 = vector.broadcast %jit3A_672 : f32 to vector<128x784xf32>
    %select_n3A_674 = arith.select %eq3A_671, %broadcast_in_dim3A_673, %get3A_654 : vector<128x784xi1>, vector<128x784xf32>
    %swap3A_675 = arith.constant 0 : index
    %swap3A_676 = arith.constant 0 : index
    %swap3A_677 = vector.load %arg4[%swap3A_675, %swap3A_676] : memref<128x784xf32, #tpu.memory_space<vmem>>, vector<128x784xf32>
    tpu.vector_store %arg4[%swap3A_675, %swap3A_676], %select_n3A_674 {strides = array<i32>} : memref<128x784xf32, #tpu.memory_space<vmem>>, vector<128x784xf32>,
    %get3A_678 = arith.constant 0 : index
    %get3A_679 = arith.constant 0 : index
    %get3A_680 = vector.load %arg4[%get3A_678, %get3A_679] : memref<128x784xf32, #tpu.memory_space<vmem>>, vector<128x784xf32>
    %reduce_min3A_681 = arith.constant dense<0x7F800000> : vector<128xf32>
    %reduce_min3A_682 = vector.multi_reduction <minimumf>, %get3A_680, %reduce_min3A_681 [1] : vector<128x784xf32> to vector<128xf32>
    %broadcast_in_dim3A_683 = vector.shape_cast %reduce_min3A_682 : vector<128xf32> to vector<128x1xf32>
    %eq3A_684 = vector.broadcast %broadcast_in_dim3A_683 : vector<128x1xf32> to vector<128x784xf32>
    %eq3A_685 = arith.cmpf oeq, %get3A_680, %eq3A_684 : vector<128x784xf32>
    %jit3A_686 = arith.constant 784 : i32
    %broadcast_in_dim3A_687 = vector.broadcast %jit3A_686 : i32 to vector<128x784xi32>
    %select_n3A_688 = arith.select %eq3A_685, %iota3A, %broadcast_in_dim3A_687 : vector<128x784xi1>, vector<128x784xi32>
    %reduce_min3A_689 = arith.constant dense<2147483647> : vector<128xi32>
    %reduce_min3A_690 = vector.multi_reduction <minsi>, %select_n3A_688, %reduce_min3A_689 [1] : vector<128x784xi32> to vector<128xi32>
    %broadcast_in_dim3A_691 = vector.shape_cast %reduce_min3A_690 : vector<128xi32> to vector<128x1xi32>
    %mul3A_692 = arith.constant 784 : i32
    %mul3A_693 = vector.broadcast %mul3A_692 : i32 to vector<128x1xi32>
    %mul3A_694 = arith.muli %add3A_6, %mul3A_693 : vector<128x1xi32>
    %add3A_695 = arith.addi %mul3A_694, %broadcast_in_dim3A_691 : vector<128x1xi32>
    %eq3A_696 = vector.broadcast %broadcast_in_dim3A_691 : vector<128x1xi32> to vector<128x784xi32>
    %eq3A_697 = arith.cmpi eq, %iota3A, %eq3A_696 : vector<128x784xi32>
    %jit3A_698 = arith.constant 1.000000e+30 : f32
    %broadcast_in_dim3A_699 = vector.broadcast %jit3A_698 : f32 to vector<128x784xf32>
    %select_n3A_700 = arith.select %eq3A_697, %broadcast_in_dim3A_699, %get3A_680 : vector<128x784xi1>, vector<128x784xf32>
    %swap3A_701 = arith.constant 0 : index
    %swap3A_702 = arith.constant 0 : index
    %swap3A_703 = vector.load %arg4[%swap3A_701, %swap3A_702] : memref<128x784xf32, #tpu.memory_space<vmem>>, vector<128x784xf32>
    tpu.vector_store %arg4[%swap3A_701, %swap3A_702], %select_n3A_700 {strides = array<i32>} : memref<128x784xf32, #tpu.memory_space<vmem>>, vector<128x784xf32>,
    %get3A_704 = arith.constant 0 : index
    %get3A_705 = arith.constant 0 : index
    %get3A_706 = vector.load %arg4[%get3A_704, %get3A_705] : memref<128x784xf32, #tpu.memory_space<vmem>>, vector<128x784xf32>
    %reduce_min3A_707 = arith.constant dense<0x7F800000> : vector<128xf32>
    %reduce_min3A_708 = vector.multi_reduction <minimumf>, %get3A_706, %reduce_min3A_707 [1] : vector<128x784xf32> to vector<128xf32>
    %broadcast_in_dim3A_709 = vector.shape_cast %reduce_min3A_708 : vector<128xf32> to vector<128x1xf32>
    %eq3A_710 = vector.broadcast %broadcast_in_dim3A_709 : vector<128x1xf32> to vector<128x784xf32>
    %eq3A_711 = arith.cmpf oeq, %get3A_706, %eq3A_710 : vector<128x784xf32>
    %jit3A_712 = arith.constant 784 : i32
    %broadcast_in_dim3A_713 = vector.broadcast %jit3A_712 : i32 to vector<128x784xi32>
    %select_n3A_714 = arith.select %eq3A_711, %iota3A, %broadcast_in_dim3A_713 : vector<128x784xi1>, vector<128x784xi32>
    %reduce_min3A_715 = arith.constant dense<2147483647> : vector<128xi32>
    %reduce_min3A_716 = vector.multi_reduction <minsi>, %select_n3A_714, %reduce_min3A_715 [1] : vector<128x784xi32> to vector<128xi32>
    %broadcast_in_dim3A_717 = vector.shape_cast %reduce_min3A_716 : vector<128xi32> to vector<128x1xi32>
    %mul3A_718 = arith.constant 784 : i32
    %mul3A_719 = vector.broadcast %mul3A_718 : i32 to vector<128x1xi32>
    %mul3A_720 = arith.muli %add3A_6, %mul3A_719 : vector<128x1xi32>
    %add3A_721 = arith.addi %mul3A_720, %broadcast_in_dim3A_717 : vector<128x1xi32>
    %eq3A_722 = vector.broadcast %broadcast_in_dim3A_717 : vector<128x1xi32> to vector<128x784xi32>
    %eq3A_723 = arith.cmpi eq, %iota3A, %eq3A_722 : vector<128x784xi32>
    %jit3A_724 = arith.constant 1.000000e+30 : f32
    %broadcast_in_dim3A_725 = vector.broadcast %jit3A_724 : f32 to vector<128x784xf32>
    %select_n3A_726 = arith.select %eq3A_723, %broadcast_in_dim3A_725, %get3A_706 : vector<128x784xi1>, vector<128x784xf32>
    %swap3A_727 = arith.constant 0 : index
    %swap3A_728 = arith.constant 0 : index
    %swap3A_729 = vector.load %arg4[%swap3A_727, %swap3A_728] : memref<128x784xf32, #tpu.memory_space<vmem>>, vector<128x784xf32>
    tpu.vector_store %arg4[%swap3A_727, %swap3A_728], %select_n3A_726 {strides = array<i32>} : memref<128x784xf32, #tpu.memory_space<vmem>>, vector<128x784xf32>,
    %get3A_730 = arith.constant 0 : index
    %get3A_731 = arith.constant 0 : index
    %get3A_732 = vector.load %arg4[%get3A_730, %get3A_731] : memref<128x784xf32, #tpu.memory_space<vmem>>, vector<128x784xf32>
    %reduce_min3A_733 = arith.constant dense<0x7F800000> : vector<128xf32>
    %reduce_min3A_734 = vector.multi_reduction <minimumf>, %get3A_732, %reduce_min3A_733 [1] : vector<128x784xf32> to vector<128xf32>
    %broadcast_in_dim3A_735 = vector.shape_cast %reduce_min3A_734 : vector<128xf32> to vector<128x1xf32>
    %eq3A_736 = vector.broadcast %broadcast_in_dim3A_735 : vector<128x1xf32> to vector<128x784xf32>
    %eq3A_737 = arith.cmpf oeq, %get3A_732, %eq3A_736 : vector<128x784xf32>
    %jit3A_738 = arith.constant 784 : i32
    %broadcast_in_dim3A_739 = vector.broadcast %jit3A_738 : i32 to vector<128x784xi32>
    %select_n3A_740 = arith.select %eq3A_737, %iota3A, %broadcast_in_dim3A_739 : vector<128x784xi1>, vector<128x784xi32>
    %reduce_min3A_741 = arith.constant dense<2147483647> : vector<128xi32>
    %reduce_min3A_742 = vector.multi_reduction <minsi>, %select_n3A_740, %reduce_min3A_741 [1] : vector<128x784xi32> to vector<128xi32>
    %broadcast_in_dim3A_743 = vector.shape_cast %reduce_min3A_742 : vector<128xi32> to vector<128x1xi32>
    %mul3A_744 = arith.constant 784 : i32
    %mul3A_745 = vector.broadcast %mul3A_744 : i32 to vector<128x1xi32>
    %mul3A_746 = arith.muli %add3A_6, %mul3A_745 : vector<128x1xi32>
    %add3A_747 = arith.addi %mul3A_746, %broadcast_in_dim3A_743 : vector<128x1xi32>
    %eq3A_748 = vector.broadcast %broadcast_in_dim3A_743 : vector<128x1xi32> to vector<128x784xi32>
    %eq3A_749 = arith.cmpi eq, %iota3A, %eq3A_748 : vector<128x784xi32>
    %jit3A_750 = arith.constant 1.000000e+30 : f32
    %broadcast_in_dim3A_751 = vector.broadcast %jit3A_750 : f32 to vector<128x784xf32>
    %select_n3A_752 = arith.select %eq3A_749, %broadcast_in_dim3A_751, %get3A_732 : vector<128x784xi1>, vector<128x784xf32>
    %swap3A_753 = arith.constant 0 : index
    %swap3A_754 = arith.constant 0 : index
    %swap3A_755 = vector.load %arg4[%swap3A_753, %swap3A_754] : memref<128x784xf32, #tpu.memory_space<vmem>>, vector<128x784xf32>
    tpu.vector_store %arg4[%swap3A_753, %swap3A_754], %select_n3A_752 {strides = array<i32>} : memref<128x784xf32, #tpu.memory_space<vmem>>, vector<128x784xf32>,
    %get3A_756 = arith.constant 0 : index
    %get3A_757 = arith.constant 0 : index
    %get3A_758 = vector.load %arg4[%get3A_756, %get3A_757] : memref<128x784xf32, #tpu.memory_space<vmem>>, vector<128x784xf32>
    %reduce_min3A_759 = arith.constant dense<0x7F800000> : vector<128xf32>
    %reduce_min3A_760 = vector.multi_reduction <minimumf>, %get3A_758, %reduce_min3A_759 [1] : vector<128x784xf32> to vector<128xf32>
    %broadcast_in_dim3A_761 = vector.shape_cast %reduce_min3A_760 : vector<128xf32> to vector<128x1xf32>
    %eq3A_762 = vector.broadcast %broadcast_in_dim3A_761 : vector<128x1xf32> to vector<128x784xf32>
    %eq3A_763 = arith.cmpf oeq, %get3A_758, %eq3A_762 : vector<128x784xf32>
    %jit3A_764 = arith.constant 784 : i32
    %broadcast_in_dim3A_765 = vector.broadcast %jit3A_764 : i32 to vector<128x784xi32>
    %select_n3A_766 = arith.select %eq3A_763, %iota3A, %broadcast_in_dim3A_765 : vector<128x784xi1>, vector<128x784xi32>
    %reduce_min3A_767 = arith.constant dense<2147483647> : vector<128xi32>
    %reduce_min3A_768 = vector.multi_reduction <minsi>, %select_n3A_766, %reduce_min3A_767 [1] : vector<128x784xi32> to vector<128xi32>
    %broadcast_in_dim3A_769 = vector.shape_cast %reduce_min3A_768 : vector<128xi32> to vector<128x1xi32>
    %mul3A_770 = arith.constant 784 : i32
    %mul3A_771 = vector.broadcast %mul3A_770 : i32 to vector<128x1xi32>
    %mul3A_772 = arith.muli %add3A_6, %mul3A_771 : vector<128x1xi32>
    %add3A_773 = arith.addi %mul3A_772, %broadcast_in_dim3A_769 : vector<128x1xi32>
    %eq3A_774 = vector.broadcast %broadcast_in_dim3A_769 : vector<128x1xi32> to vector<128x784xi32>
    %eq3A_775 = arith.cmpi eq, %iota3A, %eq3A_774 : vector<128x784xi32>
    %jit3A_776 = arith.constant 1.000000e+30 : f32
    %broadcast_in_dim3A_777 = vector.broadcast %jit3A_776 : f32 to vector<128x784xf32>
    %select_n3A_778 = arith.select %eq3A_775, %broadcast_in_dim3A_777, %get3A_758 : vector<128x784xi1>, vector<128x784xf32>
    %swap3A_779 = arith.constant 0 : index
    %swap3A_780 = arith.constant 0 : index
    %swap3A_781 = vector.load %arg4[%swap3A_779, %swap3A_780] : memref<128x784xf32, #tpu.memory_space<vmem>>, vector<128x784xf32>
    tpu.vector_store %arg4[%swap3A_779, %swap3A_780], %select_n3A_778 {strides = array<i32>} : memref<128x784xf32, #tpu.memory_space<vmem>>, vector<128x784xf32>,
    %get3A_782 = arith.constant 0 : index
    %get3A_783 = arith.constant 0 : index
    %get3A_784 = vector.load %arg4[%get3A_782, %get3A_783] : memref<128x784xf32, #tpu.memory_space<vmem>>, vector<128x784xf32>
    %reduce_min3A_785 = arith.constant dense<0x7F800000> : vector<128xf32>
    %reduce_min3A_786 = vector.multi_reduction <minimumf>, %get3A_784, %reduce_min3A_785 [1] : vector<128x784xf32> to vector<128xf32>
    %broadcast_in_dim3A_787 = vector.shape_cast %reduce_min3A_786 : vector<128xf32> to vector<128x1xf32>
    %eq3A_788 = vector.broadcast %broadcast_in_dim3A_787 : vector<128x1xf32> to vector<128x784xf32>
    %eq3A_789 = arith.cmpf oeq, %get3A_784, %eq3A_788 : vector<128x784xf32>
    %jit3A_790 = arith.constant 784 : i32
    %broadcast_in_dim3A_791 = vector.broadcast %jit3A_790 : i32 to vector<128x784xi32>
    %select_n3A_792 = arith.select %eq3A_789, %iota3A, %broadcast_in_dim3A_791 : vector<128x784xi1>, vector<128x784xi32>
    %reduce_min3A_793 = arith.constant dense<2147483647> : vector<128xi32>
    %reduce_min3A_794 = vector.multi_reduction <minsi>, %select_n3A_792, %reduce_min3A_793 [1] : vector<128x784xi32> to vector<128xi32>
    %broadcast_in_dim3A_795 = vector.shape_cast %reduce_min3A_794 : vector<128xi32> to vector<128x1xi32>
    %mul3A_796 = arith.constant 784 : i32
    %mul3A_797 = vector.broadcast %mul3A_796 : i32 to vector<128x1xi32>
    %mul3A_798 = arith.muli %add3A_6, %mul3A_797 : vector<128x1xi32>
    %add3A_799 = arith.addi %mul3A_798, %broadcast_in_dim3A_795 : vector<128x1xi32>
    %eq3A_800 = vector.broadcast %broadcast_in_dim3A_795 : vector<128x1xi32> to vector<128x784xi32>
    %eq3A_801 = arith.cmpi eq, %iota3A, %eq3A_800 : vector<128x784xi32>
    %jit3A_802 = arith.constant 1.000000e+30 : f32
    %broadcast_in_dim3A_803 = vector.broadcast %jit3A_802 : f32 to vector<128x784xf32>
    %select_n3A_804 = arith.select %eq3A_801, %broadcast_in_dim3A_803, %get3A_784 : vector<128x784xi1>, vector<128x784xf32>
    %swap3A_805 = arith.constant 0 : index
    %swap3A_806 = arith.constant 0 : index
    %swap3A_807 = vector.load %arg4[%swap3A_805, %swap3A_806] : memref<128x784xf32, #tpu.memory_space<vmem>>, vector<128x784xf32>
    tpu.vector_store %arg4[%swap3A_805, %swap3A_806], %select_n3A_804 {strides = array<i32>} : memref<128x784xf32, #tpu.memory_space<vmem>>, vector<128x784xf32>,
    %get3A_808 = arith.constant 0 : index
    %get3A_809 = arith.constant 0 : index
    %get3A_810 = vector.load %arg4[%get3A_808, %get3A_809] : memref<128x784xf32, #tpu.memory_space<vmem>>, vector<128x784xf32>
    %reduce_min3A_811 = arith.constant dense<0x7F800000> : vector<128xf32>
    %reduce_min3A_812 = vector.multi_reduction <minimumf>, %get3A_810, %reduce_min3A_811 [1] : vector<128x784xf32> to vector<128xf32>
    %broadcast_in_dim3A_813 = vector.shape_cast %reduce_min3A_812 : vector<128xf32> to vector<128x1xf32>
    %eq3A_814 = vector.broadcast %broadcast_in_dim3A_813 : vector<128x1xf32> to vector<128x784xf32>
    %eq3A_815 = arith.cmpf oeq, %get3A_810, %eq3A_814 : vector<128x784xf32>
    %jit3A_816 = arith.constant 784 : i32
    %broadcast_in_dim3A_817 = vector.broadcast %jit3A_816 : i32 to vector<128x784xi32>
    %select_n3A_818 = arith.select %eq3A_815, %iota3A, %broadcast_in_dim3A_817 : vector<128x784xi1>, vector<128x784xi32>
    %reduce_min3A_819 = arith.constant dense<2147483647> : vector<128xi32>
    %reduce_min3A_820 = vector.multi_reduction <minsi>, %select_n3A_818, %reduce_min3A_819 [1] : vector<128x784xi32> to vector<128xi32>
    %broadcast_in_dim3A_821 = vector.shape_cast %reduce_min3A_820 : vector<128xi32> to vector<128x1xi32>
    %mul3A_822 = arith.constant 784 : i32
    %mul3A_823 = vector.broadcast %mul3A_822 : i32 to vector<128x1xi32>
    %mul3A_824 = arith.muli %add3A_6, %mul3A_823 : vector<128x1xi32>
    %add3A_825 = arith.addi %mul3A_824, %broadcast_in_dim3A_821 : vector<128x1xi32>
    %eq3A_826 = vector.broadcast %broadcast_in_dim3A_821 : vector<128x1xi32> to vector<128x784xi32>
    %eq3A_827 = arith.cmpi eq, %iota3A, %eq3A_826 : vector<128x784xi32>
    %jit3A_828 = arith.constant 1.000000e+30 : f32
    %broadcast_in_dim3A_829 = vector.broadcast %jit3A_828 : f32 to vector<128x784xf32>
    %select_n3A_830 = arith.select %eq3A_827, %broadcast_in_dim3A_829, %get3A_810 : vector<128x784xi1>, vector<128x784xf32>
    %swap3A_831 = arith.constant 0 : index
    %swap3A_832 = arith.constant 0 : index
    %swap3A_833 = vector.load %arg4[%swap3A_831, %swap3A_832] : memref<128x784xf32, #tpu.memory_space<vmem>>, vector<128x784xf32>
    tpu.vector_store %arg4[%swap3A_831, %swap3A_832], %select_n3A_830 {strides = array<i32>} : memref<128x784xf32, #tpu.memory_space<vmem>>, vector<128x784xf32>,
    %concatenate3A = tpu.concatenate %add3A_19, %add3A_45, %add3A_71, %add3A_97, %add3A_123, %add3A_149, %add3A_175, %add3A_201, %add3A_227, %add3A_253, %add3A_279, %add3A_305, %add3A_331, %add3A_357, %add3A_383, %add3A_409, %add3A_435, %add3A_461, %add3A_487, %add3A_513, %add3A_539, %add3A_565, %add3A_591, %add3A_617, %add3A_643, %add3A_669, %add3A_695, %add3A_721, %add3A_747, %add3A_773, %add3A_799, %add3A_825 in 1 : vector<128x1xi32>, vector<128x1xi32>, vector<128x1xi32>, vector<128x1xi32>, vector<128x1xi32>, vector<128x1xi32>, vector<128x1xi32>, vector<128x1xi32>, vector<128x1xi32>, vector<128x1xi32>, vector<128x1xi32>, vector<128x1xi32>, vector<128x1xi32>, vector<128x1xi32>, vector<128x1xi32>, vector<128x1xi32>, vector<128x1xi32>, vector<128x1xi32>, vector<128x1xi32>, vector<128x1xi32>, vector<128x1xi32>, vector<128x1xi32>, vector<128x1xi32>, vector<128x1xi32>, vector<128x1xi32>, vector<128x1xi32>, vector<128x1xi32>, vector<128x1xi32>, vector<128x1xi32>, vector<128x1xi32>, vector<128x1xi32>, vector<128x1xi32> -> vector<128x32xi32>
    %swap3A_834 = arith.constant 0 : index
    %swap3A_835 = arith.constant 0 : index
    %swap3A_836 = vector.load %arg2[%swap3A_834, %swap3A_835] : memref<128x32xi32, #tpu.memory_space<vmem>>, vector<128x32xi32>
    tpu.vector_store %arg2[%swap3A_834, %swap3A_835], %concatenate3A {strides = array<i32>} : memref<128x32xi32, #tpu.memory_space<vmem>>, vector<128x32xi32>,
    %concatenate3A_837 = tpu.concatenate %broadcast_in_dim3A_15, %broadcast_in_dim3A_41, %broadcast_in_dim3A_67, %broadcast_in_dim3A_93, %broadcast_in_dim3A_119, %broadcast_in_dim3A_145, %broadcast_in_dim3A_171, %broadcast_in_dim3A_197, %broadcast_in_dim3A_223, %broadcast_in_dim3A_249, %broadcast_in_dim3A_275, %broadcast_in_dim3A_301, %broadcast_in_dim3A_327, %broadcast_in_dim3A_353, %broadcast_in_dim3A_379, %broadcast_in_dim3A_405, %broadcast_in_dim3A_431, %broadcast_in_dim3A_457, %broadcast_in_dim3A_483, %broadcast_in_dim3A_509, %broadcast_in_dim3A_535, %broadcast_in_dim3A_561, %broadcast_in_dim3A_587, %broadcast_in_dim3A_613, %broadcast_in_dim3A_639, %broadcast_in_dim3A_665, %broadcast_in_dim3A_691, %broadcast_in_dim3A_717, %broadcast_in_dim3A_743, %broadcast_in_dim3A_769, %broadcast_in_dim3A_795, %broadcast_in_dim3A_821 in 1 : vector<128x1xi32>, vector<128x1xi32>, vector<128x1xi32>, vector<128x1xi32>, vector<128x1xi32>, vector<128x1xi32>, vector<128x1xi32>, vector<128x1xi32>, vector<128x1xi32>, vector<128x1xi32>, vector<128x1xi32>, vector<128x1xi32>, vector<128x1xi32>, vector<128x1xi32>, vector<128x1xi32>, vector<128x1xi32>, vector<128x1xi32>, vector<128x1xi32>, vector<128x1xi32>, vector<128x1xi32>, vector<128x1xi32>, vector<128x1xi32>, vector<128x1xi32>, vector<128x1xi32>, vector<128x1xi32>, vector<128x1xi32>, vector<128x1xi32>, vector<128x1xi32>, vector<128x1xi32>, vector<128x1xi32>, vector<128x1xi32>, vector<128x1xi32> -> vector<128x32xi32>
    %swap3A_838 = arith.constant 0 : index
    %swap3A_839 = arith.constant 0 : index
    %swap3A_840 = vector.load %arg3[%swap3A_838, %swap3A_839] : memref<128x32xi32, #tpu.memory_space<vmem>>, vector<128x32xi32>
    tpu.vector_store %arg3[%swap3A_838, %swap3A_839], %concatenate3A_837 {strides = array<i32>} : memref<128x32xi32, #tpu.memory_space<vmem>>, vector<128x32xi32>,
    return
  }
  func.func @transform_0(%arg0: i32) -> (i32, i32) {
    %c0_i32 = arith.constant 0 : i32
    %c0_i32_0 = arith.constant 0 : i32
    return %arg0, %c0_i32 : i32, i32
  }
  func.func @transform_1(%arg0: i32) -> (i32, i32) {
    %c0_i32 = arith.constant 0 : i32
    %c0_i32_0 = arith.constant 0 : i32
    return %arg0, %c0_i32 : i32, i32
  }
  func.func @transform_2(%arg0: i32) -> (i32, i32) {
    %c0_i32 = arith.constant 0 : i32
    %c0_i32_0 = arith.constant 0 : i32
    return %arg0, %c0_i32 : i32, i32
  }
}

module attributes {stable_mosaic.version = 14 : i64} {
  func.func @_mean_body(%arg0: i32, %arg1: memref<128x32xi32, #tpu.memory_space<vmem>>, %arg2: memref<128x4096xf32, #tpu.memory_space<vmem>>, %arg3: memref<128x4096xf32, #tpu.memory_space<vmem>>, %arg4: memref<128x1xf32, #tpu.memory_space<vmem>>, %arg5: memref<128x4096xf32, #tpu.memory_space<vmem>>) attributes {dimension_semantics = [#tpu.dimension_semantics<arbitrary>], iteration_bounds = array<i64: 8>, scalar_prefetch = 0 : i64, scratch_operands = 1 : i64, tpu.core_type = #tpu.core_type<tc>, window_params = [{transform_indices = @transform_0, window_bounds = array<i64: 128, 32>}, {transform_indices = @transform_1, window_bounds = array<i64: 128, 4096>}, {transform_indices = @transform_2, window_bounds = array<i64: 128, 4096>}, {transform_indices = @transform_3, window_bounds = array<i64: 128, 1>}]} {
    %get3A = arith.constant 0 : index
    %get3A_0 = arith.constant 0 : index
    %get3A_1 = vector.load %arg2[%get3A, %get3A_0] : memref<128x4096xf32, #tpu.memory_space<vmem>>, vector<128x4096xf32>
    %swap3A = arith.constant 0 : index
    %swap3A_2 = arith.constant 0 : index
    %swap3A_3 = vector.load %arg5[%swap3A, %swap3A_2] : memref<128x4096xf32, #tpu.memory_space<vmem>>, vector<128x4096xf32>
    tpu.vector_store %arg5[%swap3A, %swap3A_2], %get3A_1 {strides = array<i32>} : memref<128x4096xf32, #tpu.memory_space<vmem>>, vector<128x4096xf32>,
    %get3A_4 = arith.constant 0 : index
    %get3A_5 = arith.constant 0 : index
    %get3A_6 = vector.load %arg3[%get3A_4, %get3A_5] : memref<128x4096xf32, #tpu.memory_space<vmem>>, vector<128x4096xf32>
    %iota3A = tpu.iota {dimensions = array<i32: 1>} : vector<128x128xi32>
    %get3A_7 = arith.constant 0 : index
    %get3A_8 = arith.constant 0 : index
    %get3A_9 = vector.load %arg1[%get3A_7, %get3A_8] : memref<128x32xi32, #tpu.memory_space<vmem>>, vector<128x1xi32>
    %mul3A = arith.constant 128 : i32
    %mul3A_10 = vector.broadcast %mul3A : i32 to vector<128x1xi32>
    %mul3A_11 = arith.muli %get3A_9, %mul3A_10 : vector<128x1xi32>
    %add3A = vector.broadcast %mul3A_11 : vector<128x1xi32> to vector<128x128xi32>
    %add3A_12 = arith.addi %add3A, %iota3A : vector<128x128xi32>
    %get3A_13 = arith.constant 0 : index
    %get3A_14 = arith.constant 1 : index
    %get3A_15 = vector.load %arg1[%get3A_13, %get3A_14] : memref<128x32xi32, #tpu.memory_space<vmem>>, vector<128x1xi32>
    %mul3A_16 = arith.constant 128 : i32
    %mul3A_17 = vector.broadcast %mul3A_16 : i32 to vector<128x1xi32>
    %mul3A_18 = arith.muli %get3A_15, %mul3A_17 : vector<128x1xi32>
    %add3A_19 = vector.broadcast %mul3A_18 : vector<128x1xi32> to vector<128x128xi32>
    %add3A_20 = arith.addi %add3A_19, %iota3A : vector<128x128xi32>
    %get3A_21 = arith.constant 0 : index
    %get3A_22 = arith.constant 2 : index
    %get3A_23 = vector.load %arg1[%get3A_21, %get3A_22] : memref<128x32xi32, #tpu.memory_space<vmem>>, vector<128x1xi32>
    %mul3A_24 = arith.constant 128 : i32
    %mul3A_25 = vector.broadcast %mul3A_24 : i32 to vector<128x1xi32>
    %mul3A_26 = arith.muli %get3A_23, %mul3A_25 : vector<128x1xi32>
    %add3A_27 = vector.broadcast %mul3A_26 : vector<128x1xi32> to vector<128x128xi32>
    %add3A_28 = arith.addi %add3A_27, %iota3A : vector<128x128xi32>
    %get3A_29 = arith.constant 0 : index
    %get3A_30 = arith.constant 3 : index
    %get3A_31 = vector.load %arg1[%get3A_29, %get3A_30] : memref<128x32xi32, #tpu.memory_space<vmem>>, vector<128x1xi32>
    %mul3A_32 = arith.constant 128 : i32
    %mul3A_33 = vector.broadcast %mul3A_32 : i32 to vector<128x1xi32>
    %mul3A_34 = arith.muli %get3A_31, %mul3A_33 : vector<128x1xi32>
    %add3A_35 = vector.broadcast %mul3A_34 : vector<128x1xi32> to vector<128x128xi32>
    %add3A_36 = arith.addi %add3A_35, %iota3A : vector<128x128xi32>
    %get3A_37 = arith.constant 0 : index
    %get3A_38 = arith.constant 4 : index
    %get3A_39 = vector.load %arg1[%get3A_37, %get3A_38] : memref<128x32xi32, #tpu.memory_space<vmem>>, vector<128x1xi32>
    %mul3A_40 = arith.constant 128 : i32
    %mul3A_41 = vector.broadcast %mul3A_40 : i32 to vector<128x1xi32>
    %mul3A_42 = arith.muli %get3A_39, %mul3A_41 : vector<128x1xi32>
    %add3A_43 = vector.broadcast %mul3A_42 : vector<128x1xi32> to vector<128x128xi32>
    %add3A_44 = arith.addi %add3A_43, %iota3A : vector<128x128xi32>
    %get3A_45 = arith.constant 0 : index
    %get3A_46 = arith.constant 5 : index
    %get3A_47 = vector.load %arg1[%get3A_45, %get3A_46] : memref<128x32xi32, #tpu.memory_space<vmem>>, vector<128x1xi32>
    %mul3A_48 = arith.constant 128 : i32
    %mul3A_49 = vector.broadcast %mul3A_48 : i32 to vector<128x1xi32>
    %mul3A_50 = arith.muli %get3A_47, %mul3A_49 : vector<128x1xi32>
    %add3A_51 = vector.broadcast %mul3A_50 : vector<128x1xi32> to vector<128x128xi32>
    %add3A_52 = arith.addi %add3A_51, %iota3A : vector<128x128xi32>
    %get3A_53 = arith.constant 0 : index
    %get3A_54 = arith.constant 6 : index
    %get3A_55 = vector.load %arg1[%get3A_53, %get3A_54] : memref<128x32xi32, #tpu.memory_space<vmem>>, vector<128x1xi32>
    %mul3A_56 = arith.constant 128 : i32
    %mul3A_57 = vector.broadcast %mul3A_56 : i32 to vector<128x1xi32>
    %mul3A_58 = arith.muli %get3A_55, %mul3A_57 : vector<128x1xi32>
    %add3A_59 = vector.broadcast %mul3A_58 : vector<128x1xi32> to vector<128x128xi32>
    %add3A_60 = arith.addi %add3A_59, %iota3A : vector<128x128xi32>
    %get3A_61 = arith.constant 0 : index
    %get3A_62 = arith.constant 7 : index
    %get3A_63 = vector.load %arg1[%get3A_61, %get3A_62] : memref<128x32xi32, #tpu.memory_space<vmem>>, vector<128x1xi32>
    %mul3A_64 = arith.constant 128 : i32
    %mul3A_65 = vector.broadcast %mul3A_64 : i32 to vector<128x1xi32>
    %mul3A_66 = arith.muli %get3A_63, %mul3A_65 : vector<128x1xi32>
    %add3A_67 = vector.broadcast %mul3A_66 : vector<128x1xi32> to vector<128x128xi32>
    %add3A_68 = arith.addi %add3A_67, %iota3A : vector<128x128xi32>
    %get3A_69 = arith.constant 0 : index
    %get3A_70 = arith.constant 8 : index
    %get3A_71 = vector.load %arg1[%get3A_69, %get3A_70] : memref<128x32xi32, #tpu.memory_space<vmem>>, vector<128x1xi32>
    %mul3A_72 = arith.constant 128 : i32
    %mul3A_73 = vector.broadcast %mul3A_72 : i32 to vector<128x1xi32>
    %mul3A_74 = arith.muli %get3A_71, %mul3A_73 : vector<128x1xi32>
    %add3A_75 = vector.broadcast %mul3A_74 : vector<128x1xi32> to vector<128x128xi32>
    %add3A_76 = arith.addi %add3A_75, %iota3A : vector<128x128xi32>
    %get3A_77 = arith.constant 0 : index
    %get3A_78 = arith.constant 9 : index
    %get3A_79 = vector.load %arg1[%get3A_77, %get3A_78] : memref<128x32xi32, #tpu.memory_space<vmem>>, vector<128x1xi32>
    %mul3A_80 = arith.constant 128 : i32
    %mul3A_81 = vector.broadcast %mul3A_80 : i32 to vector<128x1xi32>
    %mul3A_82 = arith.muli %get3A_79, %mul3A_81 : vector<128x1xi32>
    %add3A_83 = vector.broadcast %mul3A_82 : vector<128x1xi32> to vector<128x128xi32>
    %add3A_84 = arith.addi %add3A_83, %iota3A : vector<128x128xi32>
    %get3A_85 = arith.constant 0 : index
    %get3A_86 = arith.constant 10 : index
    %get3A_87 = vector.load %arg1[%get3A_85, %get3A_86] : memref<128x32xi32, #tpu.memory_space<vmem>>, vector<128x1xi32>
    %mul3A_88 = arith.constant 128 : i32
    %mul3A_89 = vector.broadcast %mul3A_88 : i32 to vector<128x1xi32>
    %mul3A_90 = arith.muli %get3A_87, %mul3A_89 : vector<128x1xi32>
    %add3A_91 = vector.broadcast %mul3A_90 : vector<128x1xi32> to vector<128x128xi32>
    %add3A_92 = arith.addi %add3A_91, %iota3A : vector<128x128xi32>
    %get3A_93 = arith.constant 0 : index
    %get3A_94 = arith.constant 11 : index
    %get3A_95 = vector.load %arg1[%get3A_93, %get3A_94] : memref<128x32xi32, #tpu.memory_space<vmem>>, vector<128x1xi32>
    %mul3A_96 = arith.constant 128 : i32
    %mul3A_97 = vector.broadcast %mul3A_96 : i32 to vector<128x1xi32>
    %mul3A_98 = arith.muli %get3A_95, %mul3A_97 : vector<128x1xi32>
    %add3A_99 = vector.broadcast %mul3A_98 : vector<128x1xi32> to vector<128x128xi32>
    %add3A_100 = arith.addi %add3A_99, %iota3A : vector<128x128xi32>
    %get3A_101 = arith.constant 0 : index
    %get3A_102 = arith.constant 12 : index
    %get3A_103 = vector.load %arg1[%get3A_101, %get3A_102] : memref<128x32xi32, #tpu.memory_space<vmem>>, vector<128x1xi32>
    %mul3A_104 = arith.constant 128 : i32
    %mul3A_105 = vector.broadcast %mul3A_104 : i32 to vector<128x1xi32>
    %mul3A_106 = arith.muli %get3A_103, %mul3A_105 : vector<128x1xi32>
    %add3A_107 = vector.broadcast %mul3A_106 : vector<128x1xi32> to vector<128x128xi32>
    %add3A_108 = arith.addi %add3A_107, %iota3A : vector<128x128xi32>
    %get3A_109 = arith.constant 0 : index
    %get3A_110 = arith.constant 13 : index
    %get3A_111 = vector.load %arg1[%get3A_109, %get3A_110] : memref<128x32xi32, #tpu.memory_space<vmem>>, vector<128x1xi32>
    %mul3A_112 = arith.constant 128 : i32
    %mul3A_113 = vector.broadcast %mul3A_112 : i32 to vector<128x1xi32>
    %mul3A_114 = arith.muli %get3A_111, %mul3A_113 : vector<128x1xi32>
    %add3A_115 = vector.broadcast %mul3A_114 : vector<128x1xi32> to vector<128x128xi32>
    %add3A_116 = arith.addi %add3A_115, %iota3A : vector<128x128xi32>
    %get3A_117 = arith.constant 0 : index
    %get3A_118 = arith.constant 14 : index
    %get3A_119 = vector.load %arg1[%get3A_117, %get3A_118] : memref<128x32xi32, #tpu.memory_space<vmem>>, vector<128x1xi32>
    %mul3A_120 = arith.constant 128 : i32
    %mul3A_121 = vector.broadcast %mul3A_120 : i32 to vector<128x1xi32>
    %mul3A_122 = arith.muli %get3A_119, %mul3A_121 : vector<128x1xi32>
    %add3A_123 = vector.broadcast %mul3A_122 : vector<128x1xi32> to vector<128x128xi32>
    %add3A_124 = arith.addi %add3A_123, %iota3A : vector<128x128xi32>
    %get3A_125 = arith.constant 0 : index
    %get3A_126 = arith.constant 15 : index
    %get3A_127 = vector.load %arg1[%get3A_125, %get3A_126] : memref<128x32xi32, #tpu.memory_space<vmem>>, vector<128x1xi32>
    %mul3A_128 = arith.constant 128 : i32
    %mul3A_129 = vector.broadcast %mul3A_128 : i32 to vector<128x1xi32>
    %mul3A_130 = arith.muli %get3A_127, %mul3A_129 : vector<128x1xi32>
    %add3A_131 = vector.broadcast %mul3A_130 : vector<128x1xi32> to vector<128x128xi32>
    %add3A_132 = arith.addi %add3A_131, %iota3A : vector<128x128xi32>
    %get3A_133 = arith.constant 0 : index
    %get3A_134 = arith.constant 16 : index
    %get3A_135 = vector.load %arg1[%get3A_133, %get3A_134] : memref<128x32xi32, #tpu.memory_space<vmem>>, vector<128x1xi32>
    %mul3A_136 = arith.constant 128 : i32
    %mul3A_137 = vector.broadcast %mul3A_136 : i32 to vector<128x1xi32>
    %mul3A_138 = arith.muli %get3A_135, %mul3A_137 : vector<128x1xi32>
    %add3A_139 = vector.broadcast %mul3A_138 : vector<128x1xi32> to vector<128x128xi32>
    %add3A_140 = arith.addi %add3A_139, %iota3A : vector<128x128xi32>
    %get3A_141 = arith.constant 0 : index
    %get3A_142 = arith.constant 17 : index
    %get3A_143 = vector.load %arg1[%get3A_141, %get3A_142] : memref<128x32xi32, #tpu.memory_space<vmem>>, vector<128x1xi32>
    %mul3A_144 = arith.constant 128 : i32
    %mul3A_145 = vector.broadcast %mul3A_144 : i32 to vector<128x1xi32>
    %mul3A_146 = arith.muli %get3A_143, %mul3A_145 : vector<128x1xi32>
    %add3A_147 = vector.broadcast %mul3A_146 : vector<128x1xi32> to vector<128x128xi32>
    %add3A_148 = arith.addi %add3A_147, %iota3A : vector<128x128xi32>
    %get3A_149 = arith.constant 0 : index
    %get3A_150 = arith.constant 18 : index
    %get3A_151 = vector.load %arg1[%get3A_149, %get3A_150] : memref<128x32xi32, #tpu.memory_space<vmem>>, vector<128x1xi32>
    %mul3A_152 = arith.constant 128 : i32
    %mul3A_153 = vector.broadcast %mul3A_152 : i32 to vector<128x1xi32>
    %mul3A_154 = arith.muli %get3A_151, %mul3A_153 : vector<128x1xi32>
    %add3A_155 = vector.broadcast %mul3A_154 : vector<128x1xi32> to vector<128x128xi32>
    %add3A_156 = arith.addi %add3A_155, %iota3A : vector<128x128xi32>
    %get3A_157 = arith.constant 0 : index
    %get3A_158 = arith.constant 19 : index
    %get3A_159 = vector.load %arg1[%get3A_157, %get3A_158] : memref<128x32xi32, #tpu.memory_space<vmem>>, vector<128x1xi32>
    %mul3A_160 = arith.constant 128 : i32
    %mul3A_161 = vector.broadcast %mul3A_160 : i32 to vector<128x1xi32>
    %mul3A_162 = arith.muli %get3A_159, %mul3A_161 : vector<128x1xi32>
    %add3A_163 = vector.broadcast %mul3A_162 : vector<128x1xi32> to vector<128x128xi32>
    %add3A_164 = arith.addi %add3A_163, %iota3A : vector<128x128xi32>
    %get3A_165 = arith.constant 0 : index
    %get3A_166 = arith.constant 20 : index
    %get3A_167 = vector.load %arg1[%get3A_165, %get3A_166] : memref<128x32xi32, #tpu.memory_space<vmem>>, vector<128x1xi32>
    %mul3A_168 = arith.constant 128 : i32
    %mul3A_169 = vector.broadcast %mul3A_168 : i32 to vector<128x1xi32>
    %mul3A_170 = arith.muli %get3A_167, %mul3A_169 : vector<128x1xi32>
    %add3A_171 = vector.broadcast %mul3A_170 : vector<128x1xi32> to vector<128x128xi32>
    %add3A_172 = arith.addi %add3A_171, %iota3A : vector<128x128xi32>
    %get3A_173 = arith.constant 0 : index
    %get3A_174 = arith.constant 21 : index
    %get3A_175 = vector.load %arg1[%get3A_173, %get3A_174] : memref<128x32xi32, #tpu.memory_space<vmem>>, vector<128x1xi32>
    %mul3A_176 = arith.constant 128 : i32
    %mul3A_177 = vector.broadcast %mul3A_176 : i32 to vector<128x1xi32>
    %mul3A_178 = arith.muli %get3A_175, %mul3A_177 : vector<128x1xi32>
    %add3A_179 = vector.broadcast %mul3A_178 : vector<128x1xi32> to vector<128x128xi32>
    %add3A_180 = arith.addi %add3A_179, %iota3A : vector<128x128xi32>
    %get3A_181 = arith.constant 0 : index
    %get3A_182 = arith.constant 22 : index
    %get3A_183 = vector.load %arg1[%get3A_181, %get3A_182] : memref<128x32xi32, #tpu.memory_space<vmem>>, vector<128x1xi32>
    %mul3A_184 = arith.constant 128 : i32
    %mul3A_185 = vector.broadcast %mul3A_184 : i32 to vector<128x1xi32>
    %mul3A_186 = arith.muli %get3A_183, %mul3A_185 : vector<128x1xi32>
    %add3A_187 = vector.broadcast %mul3A_186 : vector<128x1xi32> to vector<128x128xi32>
    %add3A_188 = arith.addi %add3A_187, %iota3A : vector<128x128xi32>
    %get3A_189 = arith.constant 0 : index
    %get3A_190 = arith.constant 23 : index
    %get3A_191 = vector.load %arg1[%get3A_189, %get3A_190] : memref<128x32xi32, #tpu.memory_space<vmem>>, vector<128x1xi32>
    %mul3A_192 = arith.constant 128 : i32
    %mul3A_193 = vector.broadcast %mul3A_192 : i32 to vector<128x1xi32>
    %mul3A_194 = arith.muli %get3A_191, %mul3A_193 : vector<128x1xi32>
    %add3A_195 = vector.broadcast %mul3A_194 : vector<128x1xi32> to vector<128x128xi32>
    %add3A_196 = arith.addi %add3A_195, %iota3A : vector<128x128xi32>
    %get3A_197 = arith.constant 0 : index
    %get3A_198 = arith.constant 24 : index
    %get3A_199 = vector.load %arg1[%get3A_197, %get3A_198] : memref<128x32xi32, #tpu.memory_space<vmem>>, vector<128x1xi32>
    %mul3A_200 = arith.constant 128 : i32
    %mul3A_201 = vector.broadcast %mul3A_200 : i32 to vector<128x1xi32>
    %mul3A_202 = arith.muli %get3A_199, %mul3A_201 : vector<128x1xi32>
    %add3A_203 = vector.broadcast %mul3A_202 : vector<128x1xi32> to vector<128x128xi32>
    %add3A_204 = arith.addi %add3A_203, %iota3A : vector<128x128xi32>
    %get3A_205 = arith.constant 0 : index
    %get3A_206 = arith.constant 25 : index
    %get3A_207 = vector.load %arg1[%get3A_205, %get3A_206] : memref<128x32xi32, #tpu.memory_space<vmem>>, vector<128x1xi32>
    %mul3A_208 = arith.constant 128 : i32
    %mul3A_209 = vector.broadcast %mul3A_208 : i32 to vector<128x1xi32>
    %mul3A_210 = arith.muli %get3A_207, %mul3A_209 : vector<128x1xi32>
    %add3A_211 = vector.broadcast %mul3A_210 : vector<128x1xi32> to vector<128x128xi32>
    %add3A_212 = arith.addi %add3A_211, %iota3A : vector<128x128xi32>
    %get3A_213 = arith.constant 0 : index
    %get3A_214 = arith.constant 26 : index
    %get3A_215 = vector.load %arg1[%get3A_213, %get3A_214] : memref<128x32xi32, #tpu.memory_space<vmem>>, vector<128x1xi32>
    %mul3A_216 = arith.constant 128 : i32
    %mul3A_217 = vector.broadcast %mul3A_216 : i32 to vector<128x1xi32>
    %mul3A_218 = arith.muli %get3A_215, %mul3A_217 : vector<128x1xi32>
    %add3A_219 = vector.broadcast %mul3A_218 : vector<128x1xi32> to vector<128x128xi32>
    %add3A_220 = arith.addi %add3A_219, %iota3A : vector<128x128xi32>
    %get3A_221 = arith.constant 0 : index
    %get3A_222 = arith.constant 27 : index
    %get3A_223 = vector.load %arg1[%get3A_221, %get3A_222] : memref<128x32xi32, #tpu.memory_space<vmem>>, vector<128x1xi32>
    %mul3A_224 = arith.constant 128 : i32
    %mul3A_225 = vector.broadcast %mul3A_224 : i32 to vector<128x1xi32>
    %mul3A_226 = arith.muli %get3A_223, %mul3A_225 : vector<128x1xi32>
    %add3A_227 = vector.broadcast %mul3A_226 : vector<128x1xi32> to vector<128x128xi32>
    %add3A_228 = arith.addi %add3A_227, %iota3A : vector<128x128xi32>
    %get3A_229 = arith.constant 0 : index
    %get3A_230 = arith.constant 28 : index
    %get3A_231 = vector.load %arg1[%get3A_229, %get3A_230] : memref<128x32xi32, #tpu.memory_space<vmem>>, vector<128x1xi32>
    %mul3A_232 = arith.constant 128 : i32
    %mul3A_233 = vector.broadcast %mul3A_232 : i32 to vector<128x1xi32>
    %mul3A_234 = arith.muli %get3A_231, %mul3A_233 : vector<128x1xi32>
    %add3A_235 = vector.broadcast %mul3A_234 : vector<128x1xi32> to vector<128x128xi32>
    %add3A_236 = arith.addi %add3A_235, %iota3A : vector<128x128xi32>
    %get3A_237 = arith.constant 0 : index
    %get3A_238 = arith.constant 29 : index
    %get3A_239 = vector.load %arg1[%get3A_237, %get3A_238] : memref<128x32xi32, #tpu.memory_space<vmem>>, vector<128x1xi32>
    %mul3A_240 = arith.constant 128 : i32
    %mul3A_241 = vector.broadcast %mul3A_240 : i32 to vector<128x1xi32>
    %mul3A_242 = arith.muli %get3A_239, %mul3A_241 : vector<128x1xi32>
    %add3A_243 = vector.broadcast %mul3A_242 : vector<128x1xi32> to vector<128x128xi32>
    %add3A_244 = arith.addi %add3A_243, %iota3A : vector<128x128xi32>
    %get3A_245 = arith.constant 0 : index
    %get3A_246 = arith.constant 30 : index
    %get3A_247 = vector.load %arg1[%get3A_245, %get3A_246] : memref<128x32xi32, #tpu.memory_space<vmem>>, vector<128x1xi32>
    %mul3A_248 = arith.constant 128 : i32
    %mul3A_249 = vector.broadcast %mul3A_248 : i32 to vector<128x1xi32>
    %mul3A_250 = arith.muli %get3A_247, %mul3A_249 : vector<128x1xi32>
    %add3A_251 = vector.broadcast %mul3A_250 : vector<128x1xi32> to vector<128x128xi32>
    %add3A_252 = arith.addi %add3A_251, %iota3A : vector<128x128xi32>
    %get3A_253 = arith.constant 0 : index
    %get3A_254 = arith.constant 31 : index
    %get3A_255 = vector.load %arg1[%get3A_253, %get3A_254] : memref<128x32xi32, #tpu.memory_space<vmem>>, vector<128x1xi32>
    %mul3A_256 = arith.constant 128 : i32
    %mul3A_257 = vector.broadcast %mul3A_256 : i32 to vector<128x1xi32>
    %mul3A_258 = arith.muli %get3A_255, %mul3A_257 : vector<128x1xi32>
    %add3A_259 = vector.broadcast %mul3A_258 : vector<128x1xi32> to vector<128x128xi32>
    %add3A_260 = arith.addi %add3A_259, %iota3A : vector<128x128xi32>
    %concatenate3A = tpu.concatenate %add3A_12, %add3A_20, %add3A_28, %add3A_36, %add3A_44, %add3A_52, %add3A_60, %add3A_68, %add3A_76, %add3A_84, %add3A_92, %add3A_100, %add3A_108, %add3A_116, %add3A_124, %add3A_132, %add3A_140, %add3A_148, %add3A_156, %add3A_164, %add3A_172, %add3A_180, %add3A_188, %add3A_196, %add3A_204, %add3A_212, %add3A_220, %add3A_228, %add3A_236, %add3A_244, %add3A_252, %add3A_260 in 1 : vector<128x128xi32>, vector<128x128xi32>, vector<128x128xi32>, vector<128x128xi32>, vector<128x128xi32>, vector<128x128xi32>, vector<128x128xi32>, vector<128x128xi32>, vector<128x128xi32>, vector<128x128xi32>, vector<128x128xi32>, vector<128x128xi32>, vector<128x128xi32>, vector<128x128xi32>, vector<128x128xi32>, vector<128x128xi32>, vector<128x128xi32>, vector<128x128xi32>, vector<128x128xi32>, vector<128x128xi32>, vector<128x128xi32>, vector<128x128xi32>, vector<128x128xi32>, vector<128x128xi32>, vector<128x128xi32>, vector<128x128xi32>, vector<128x128xi32>, vector<128x128xi32>, vector<128x128xi32>, vector<128x128xi32>, vector<128x128xi32>, vector<128x128xi32> -> vector<128x4096xi32>
    %broadcast_in_dim3A = arith.constant 0.000000e+00 : f32
    %broadcast_in_dim3A_261 = vector.broadcast %broadcast_in_dim3A : f32 to vector<128x1xf32>
    %get3A_262 = arith.constant 0 : index
    %get3A_263 = arith.constant 0 : index
    %get3A_264 = vector.load %arg5[%get3A_262, %get3A_263] : memref<128x4096xf32, #tpu.memory_space<vmem>>, vector<128x4096xf32>
    %reduce_min3A = arith.constant dense<0x7F800000> : vector<128xf32>
    %reduce_min3A_265 = vector.multi_reduction <minimumf>, %get3A_264, %reduce_min3A [1] : vector<128x4096xf32> to vector<128xf32>
    %broadcast_in_dim3A_266 = vector.shape_cast %reduce_min3A_265 : vector<128xf32> to vector<128x1xf32>
    %eq3A = vector.broadcast %broadcast_in_dim3A_266 : vector<128x1xf32> to vector<128x4096xf32>
    %eq3A_267 = arith.cmpf oeq, %get3A_264, %eq3A : vector<128x4096xf32>
    %jit3A = arith.constant 100352 : i32
    %broadcast_in_dim3A_268 = vector.broadcast %jit3A : i32 to vector<128x4096xi32>
    %select_n3A = arith.select %eq3A_267, %concatenate3A, %broadcast_in_dim3A_268 : vector<128x4096xi1>, vector<128x4096xi32>
    %reduce_min3A_269 = arith.constant dense<2147483647> : vector<128xi32>
    %reduce_min3A_270 = vector.multi_reduction <minsi>, %select_n3A, %reduce_min3A_269 [1] : vector<128x4096xi32> to vector<128xi32>
    %broadcast_in_dim3A_271 = vector.shape_cast %reduce_min3A_270 : vector<128xi32> to vector<128x1xi32>
    %eq3A_272 = vector.broadcast %broadcast_in_dim3A_271 : vector<128x1xi32> to vector<128x4096xi32>
    %eq3A_273 = arith.cmpi eq, %concatenate3A, %eq3A_272 : vector<128x4096xi32>
    %jit3A_274 = arith.constant 0.000000e+00 : f32
    %broadcast_in_dim3A_275 = vector.broadcast %jit3A_274 : f32 to vector<128x4096xf32>
    %select_n3A_276 = arith.select %eq3A_273, %get3A_6, %broadcast_in_dim3A_275 : vector<128x4096xi1>, vector<128x4096xf32>
    %reduce_sum3A = arith.constant dense<0.000000e+00> : vector<128xf32>
    %reduce_sum3A_277 = vector.multi_reduction <add>, %select_n3A_276, %reduce_sum3A [1] : vector<128x4096xf32> to vector<128xf32>
    %broadcast_in_dim3A_278 = vector.shape_cast %reduce_sum3A_277 : vector<128xf32> to vector<128x1xf32>
    %add3A_279 = arith.addf %broadcast_in_dim3A_261, %broadcast_in_dim3A_278 : vector<128x1xf32>
    %jit3A_280 = arith.constant 1.000000e+30 : f32
    %broadcast_in_dim3A_281 = vector.broadcast %jit3A_280 : f32 to vector<128x4096xf32>
    %select_n3A_282 = arith.select %eq3A_273, %broadcast_in_dim3A_281, %get3A_264 : vector<128x4096xi1>, vector<128x4096xf32>
    %swap3A_283 = arith.constant 0 : index
    %swap3A_284 = arith.constant 0 : index
    %swap3A_285 = vector.load %arg5[%swap3A_283, %swap3A_284] : memref<128x4096xf32, #tpu.memory_space<vmem>>, vector<128x4096xf32>
    tpu.vector_store %arg5[%swap3A_283, %swap3A_284], %select_n3A_282 {strides = array<i32>} : memref<128x4096xf32, #tpu.memory_space<vmem>>, vector<128x4096xf32>,
    %get3A_286 = arith.constant 0 : index
    %get3A_287 = arith.constant 0 : index
    %get3A_288 = vector.load %arg5[%get3A_286, %get3A_287] : memref<128x4096xf32, #tpu.memory_space<vmem>>, vector<128x4096xf32>
    %reduce_min3A_289 = arith.constant dense<0x7F800000> : vector<128xf32>
    %reduce_min3A_290 = vector.multi_reduction <minimumf>, %get3A_288, %reduce_min3A_289 [1] : vector<128x4096xf32> to vector<128xf32>
    %broadcast_in_dim3A_291 = vector.shape_cast %reduce_min3A_290 : vector<128xf32> to vector<128x1xf32>
    %eq3A_292 = vector.broadcast %broadcast_in_dim3A_291 : vector<128x1xf32> to vector<128x4096xf32>
    %eq3A_293 = arith.cmpf oeq, %get3A_288, %eq3A_292 : vector<128x4096xf32>
    %jit3A_294 = arith.constant 100352 : i32
    %broadcast_in_dim3A_295 = vector.broadcast %jit3A_294 : i32 to vector<128x4096xi32>
    %select_n3A_296 = arith.select %eq3A_293, %concatenate3A, %broadcast_in_dim3A_295 : vector<128x4096xi1>, vector<128x4096xi32>
    %reduce_min3A_297 = arith.constant dense<2147483647> : vector<128xi32>
    %reduce_min3A_298 = vector.multi_reduction <minsi>, %select_n3A_296, %reduce_min3A_297 [1] : vector<128x4096xi32> to vector<128xi32>
    %broadcast_in_dim3A_299 = vector.shape_cast %reduce_min3A_298 : vector<128xi32> to vector<128x1xi32>
    %eq3A_300 = vector.broadcast %broadcast_in_dim3A_299 : vector<128x1xi32> to vector<128x4096xi32>
    %eq3A_301 = arith.cmpi eq, %concatenate3A, %eq3A_300 : vector<128x4096xi32>
    %jit3A_302 = arith.constant 0.000000e+00 : f32
    %broadcast_in_dim3A_303 = vector.broadcast %jit3A_302 : f32 to vector<128x4096xf32>
    %select_n3A_304 = arith.select %eq3A_301, %get3A_6, %broadcast_in_dim3A_303 : vector<128x4096xi1>, vector<128x4096xf32>
    %reduce_sum3A_305 = arith.constant dense<0.000000e+00> : vector<128xf32>
    %reduce_sum3A_306 = vector.multi_reduction <add>, %select_n3A_304, %reduce_sum3A_305 [1] : vector<128x4096xf32> to vector<128xf32>
    %broadcast_in_dim3A_307 = vector.shape_cast %reduce_sum3A_306 : vector<128xf32> to vector<128x1xf32>
    %add3A_308 = arith.addf %add3A_279, %broadcast_in_dim3A_307 : vector<128x1xf32>
    %jit3A_309 = arith.constant 1.000000e+30 : f32
    %broadcast_in_dim3A_310 = vector.broadcast %jit3A_309 : f32 to vector<128x4096xf32>
    %select_n3A_311 = arith.select %eq3A_301, %broadcast_in_dim3A_310, %get3A_288 : vector<128x4096xi1>, vector<128x4096xf32>
    %swap3A_312 = arith.constant 0 : index
    %swap3A_313 = arith.constant 0 : index
    %swap3A_314 = vector.load %arg5[%swap3A_312, %swap3A_313] : memref<128x4096xf32, #tpu.memory_space<vmem>>, vector<128x4096xf32>
    tpu.vector_store %arg5[%swap3A_312, %swap3A_313], %select_n3A_311 {strides = array<i32>} : memref<128x4096xf32, #tpu.memory_space<vmem>>, vector<128x4096xf32>,
    %get3A_315 = arith.constant 0 : index
    %get3A_316 = arith.constant 0 : index
    %get3A_317 = vector.load %arg5[%get3A_315, %get3A_316] : memref<128x4096xf32, #tpu.memory_space<vmem>>, vector<128x4096xf32>
    %reduce_min3A_318 = arith.constant dense<0x7F800000> : vector<128xf32>
    %reduce_min3A_319 = vector.multi_reduction <minimumf>, %get3A_317, %reduce_min3A_318 [1] : vector<128x4096xf32> to vector<128xf32>
    %broadcast_in_dim3A_320 = vector.shape_cast %reduce_min3A_319 : vector<128xf32> to vector<128x1xf32>
    %eq3A_321 = vector.broadcast %broadcast_in_dim3A_320 : vector<128x1xf32> to vector<128x4096xf32>
    %eq3A_322 = arith.cmpf oeq, %get3A_317, %eq3A_321 : vector<128x4096xf32>
    %jit3A_323 = arith.constant 100352 : i32
    %broadcast_in_dim3A_324 = vector.broadcast %jit3A_323 : i32 to vector<128x4096xi32>
    %select_n3A_325 = arith.select %eq3A_322, %concatenate3A, %broadcast_in_dim3A_324 : vector<128x4096xi1>, vector<128x4096xi32>
    %reduce_min3A_326 = arith.constant dense<2147483647> : vector<128xi32>
    %reduce_min3A_327 = vector.multi_reduction <minsi>, %select_n3A_325, %reduce_min3A_326 [1] : vector<128x4096xi32> to vector<128xi32>
    %broadcast_in_dim3A_328 = vector.shape_cast %reduce_min3A_327 : vector<128xi32> to vector<128x1xi32>
    %eq3A_329 = vector.broadcast %broadcast_in_dim3A_328 : vector<128x1xi32> to vector<128x4096xi32>
    %eq3A_330 = arith.cmpi eq, %concatenate3A, %eq3A_329 : vector<128x4096xi32>
    %jit3A_331 = arith.constant 0.000000e+00 : f32
    %broadcast_in_dim3A_332 = vector.broadcast %jit3A_331 : f32 to vector<128x4096xf32>
    %select_n3A_333 = arith.select %eq3A_330, %get3A_6, %broadcast_in_dim3A_332 : vector<128x4096xi1>, vector<128x4096xf32>
    %reduce_sum3A_334 = arith.constant dense<0.000000e+00> : vector<128xf32>
    %reduce_sum3A_335 = vector.multi_reduction <add>, %select_n3A_333, %reduce_sum3A_334 [1] : vector<128x4096xf32> to vector<128xf32>
    %broadcast_in_dim3A_336 = vector.shape_cast %reduce_sum3A_335 : vector<128xf32> to vector<128x1xf32>
    %add3A_337 = arith.addf %add3A_308, %broadcast_in_dim3A_336 : vector<128x1xf32>
    %jit3A_338 = arith.constant 1.000000e+30 : f32
    %broadcast_in_dim3A_339 = vector.broadcast %jit3A_338 : f32 to vector<128x4096xf32>
    %select_n3A_340 = arith.select %eq3A_330, %broadcast_in_dim3A_339, %get3A_317 : vector<128x4096xi1>, vector<128x4096xf32>
    %swap3A_341 = arith.constant 0 : index
    %swap3A_342 = arith.constant 0 : index
    %swap3A_343 = vector.load %arg5[%swap3A_341, %swap3A_342] : memref<128x4096xf32, #tpu.memory_space<vmem>>, vector<128x4096xf32>
    tpu.vector_store %arg5[%swap3A_341, %swap3A_342], %select_n3A_340 {strides = array<i32>} : memref<128x4096xf32, #tpu.memory_space<vmem>>, vector<128x4096xf32>,
    %get3A_344 = arith.constant 0 : index
    %get3A_345 = arith.constant 0 : index
    %get3A_346 = vector.load %arg5[%get3A_344, %get3A_345] : memref<128x4096xf32, #tpu.memory_space<vmem>>, vector<128x4096xf32>
    %reduce_min3A_347 = arith.constant dense<0x7F800000> : vector<128xf32>
    %reduce_min3A_348 = vector.multi_reduction <minimumf>, %get3A_346, %reduce_min3A_347 [1] : vector<128x4096xf32> to vector<128xf32>
    %broadcast_in_dim3A_349 = vector.shape_cast %reduce_min3A_348 : vector<128xf32> to vector<128x1xf32>
    %eq3A_350 = vector.broadcast %broadcast_in_dim3A_349 : vector<128x1xf32> to vector<128x4096xf32>
    %eq3A_351 = arith.cmpf oeq, %get3A_346, %eq3A_350 : vector<128x4096xf32>
    %jit3A_352 = arith.constant 100352 : i32
    %broadcast_in_dim3A_353 = vector.broadcast %jit3A_352 : i32 to vector<128x4096xi32>
    %select_n3A_354 = arith.select %eq3A_351, %concatenate3A, %broadcast_in_dim3A_353 : vector<128x4096xi1>, vector<128x4096xi32>
    %reduce_min3A_355 = arith.constant dense<2147483647> : vector<128xi32>
    %reduce_min3A_356 = vector.multi_reduction <minsi>, %select_n3A_354, %reduce_min3A_355 [1] : vector<128x4096xi32> to vector<128xi32>
    %broadcast_in_dim3A_357 = vector.shape_cast %reduce_min3A_356 : vector<128xi32> to vector<128x1xi32>
    %eq3A_358 = vector.broadcast %broadcast_in_dim3A_357 : vector<128x1xi32> to vector<128x4096xi32>
    %eq3A_359 = arith.cmpi eq, %concatenate3A, %eq3A_358 : vector<128x4096xi32>
    %jit3A_360 = arith.constant 0.000000e+00 : f32
    %broadcast_in_dim3A_361 = vector.broadcast %jit3A_360 : f32 to vector<128x4096xf32>
    %select_n3A_362 = arith.select %eq3A_359, %get3A_6, %broadcast_in_dim3A_361 : vector<128x4096xi1>, vector<128x4096xf32>
    %reduce_sum3A_363 = arith.constant dense<0.000000e+00> : vector<128xf32>
    %reduce_sum3A_364 = vector.multi_reduction <add>, %select_n3A_362, %reduce_sum3A_363 [1] : vector<128x4096xf32> to vector<128xf32>
    %broadcast_in_dim3A_365 = vector.shape_cast %reduce_sum3A_364 : vector<128xf32> to vector<128x1xf32>
    %add3A_366 = arith.addf %add3A_337, %broadcast_in_dim3A_365 : vector<128x1xf32>
    %jit3A_367 = arith.constant 1.000000e+30 : f32
    %broadcast_in_dim3A_368 = vector.broadcast %jit3A_367 : f32 to vector<128x4096xf32>
    %select_n3A_369 = arith.select %eq3A_359, %broadcast_in_dim3A_368, %get3A_346 : vector<128x4096xi1>, vector<128x4096xf32>
    %swap3A_370 = arith.constant 0 : index
    %swap3A_371 = arith.constant 0 : index
    %swap3A_372 = vector.load %arg5[%swap3A_370, %swap3A_371] : memref<128x4096xf32, #tpu.memory_space<vmem>>, vector<128x4096xf32>
    tpu.vector_store %arg5[%swap3A_370, %swap3A_371], %select_n3A_369 {strides = array<i32>} : memref<128x4096xf32, #tpu.memory_space<vmem>>, vector<128x4096xf32>,
    %get3A_373 = arith.constant 0 : index
    %get3A_374 = arith.constant 0 : index
    %get3A_375 = vector.load %arg5[%get3A_373, %get3A_374] : memref<128x4096xf32, #tpu.memory_space<vmem>>, vector<128x4096xf32>
    %reduce_min3A_376 = arith.constant dense<0x7F800000> : vector<128xf32>
    %reduce_min3A_377 = vector.multi_reduction <minimumf>, %get3A_375, %reduce_min3A_376 [1] : vector<128x4096xf32> to vector<128xf32>
    %broadcast_in_dim3A_378 = vector.shape_cast %reduce_min3A_377 : vector<128xf32> to vector<128x1xf32>
    %eq3A_379 = vector.broadcast %broadcast_in_dim3A_378 : vector<128x1xf32> to vector<128x4096xf32>
    %eq3A_380 = arith.cmpf oeq, %get3A_375, %eq3A_379 : vector<128x4096xf32>
    %jit3A_381 = arith.constant 100352 : i32
    %broadcast_in_dim3A_382 = vector.broadcast %jit3A_381 : i32 to vector<128x4096xi32>
    %select_n3A_383 = arith.select %eq3A_380, %concatenate3A, %broadcast_in_dim3A_382 : vector<128x4096xi1>, vector<128x4096xi32>
    %reduce_min3A_384 = arith.constant dense<2147483647> : vector<128xi32>
    %reduce_min3A_385 = vector.multi_reduction <minsi>, %select_n3A_383, %reduce_min3A_384 [1] : vector<128x4096xi32> to vector<128xi32>
    %broadcast_in_dim3A_386 = vector.shape_cast %reduce_min3A_385 : vector<128xi32> to vector<128x1xi32>
    %eq3A_387 = vector.broadcast %broadcast_in_dim3A_386 : vector<128x1xi32> to vector<128x4096xi32>
    %eq3A_388 = arith.cmpi eq, %concatenate3A, %eq3A_387 : vector<128x4096xi32>
    %jit3A_389 = arith.constant 0.000000e+00 : f32
    %broadcast_in_dim3A_390 = vector.broadcast %jit3A_389 : f32 to vector<128x4096xf32>
    %select_n3A_391 = arith.select %eq3A_388, %get3A_6, %broadcast_in_dim3A_390 : vector<128x4096xi1>, vector<128x4096xf32>
    %reduce_sum3A_392 = arith.constant dense<0.000000e+00> : vector<128xf32>
    %reduce_sum3A_393 = vector.multi_reduction <add>, %select_n3A_391, %reduce_sum3A_392 [1] : vector<128x4096xf32> to vector<128xf32>
    %broadcast_in_dim3A_394 = vector.shape_cast %reduce_sum3A_393 : vector<128xf32> to vector<128x1xf32>
    %add3A_395 = arith.addf %add3A_366, %broadcast_in_dim3A_394 : vector<128x1xf32>
    %jit3A_396 = arith.constant 1.000000e+30 : f32
    %broadcast_in_dim3A_397 = vector.broadcast %jit3A_396 : f32 to vector<128x4096xf32>
    %select_n3A_398 = arith.select %eq3A_388, %broadcast_in_dim3A_397, %get3A_375 : vector<128x4096xi1>, vector<128x4096xf32>
    %swap3A_399 = arith.constant 0 : index
    %swap3A_400 = arith.constant 0 : index
    %swap3A_401 = vector.load %arg5[%swap3A_399, %swap3A_400] : memref<128x4096xf32, #tpu.memory_space<vmem>>, vector<128x4096xf32>
    tpu.vector_store %arg5[%swap3A_399, %swap3A_400], %select_n3A_398 {strides = array<i32>} : memref<128x4096xf32, #tpu.memory_space<vmem>>, vector<128x4096xf32>,
    %get3A_402 = arith.constant 0 : index
    %get3A_403 = arith.constant 0 : index
    %get3A_404 = vector.load %arg5[%get3A_402, %get3A_403] : memref<128x4096xf32, #tpu.memory_space<vmem>>, vector<128x4096xf32>
    %reduce_min3A_405 = arith.constant dense<0x7F800000> : vector<128xf32>
    %reduce_min3A_406 = vector.multi_reduction <minimumf>, %get3A_404, %reduce_min3A_405 [1] : vector<128x4096xf32> to vector<128xf32>
    %broadcast_in_dim3A_407 = vector.shape_cast %reduce_min3A_406 : vector<128xf32> to vector<128x1xf32>
    %eq3A_408 = vector.broadcast %broadcast_in_dim3A_407 : vector<128x1xf32> to vector<128x4096xf32>
    %eq3A_409 = arith.cmpf oeq, %get3A_404, %eq3A_408 : vector<128x4096xf32>
    %jit3A_410 = arith.constant 100352 : i32
    %broadcast_in_dim3A_411 = vector.broadcast %jit3A_410 : i32 to vector<128x4096xi32>
    %select_n3A_412 = arith.select %eq3A_409, %concatenate3A, %broadcast_in_dim3A_411 : vector<128x4096xi1>, vector<128x4096xi32>
    %reduce_min3A_413 = arith.constant dense<2147483647> : vector<128xi32>
    %reduce_min3A_414 = vector.multi_reduction <minsi>, %select_n3A_412, %reduce_min3A_413 [1] : vector<128x4096xi32> to vector<128xi32>
    %broadcast_in_dim3A_415 = vector.shape_cast %reduce_min3A_414 : vector<128xi32> to vector<128x1xi32>
    %eq3A_416 = vector.broadcast %broadcast_in_dim3A_415 : vector<128x1xi32> to vector<128x4096xi32>
    %eq3A_417 = arith.cmpi eq, %concatenate3A, %eq3A_416 : vector<128x4096xi32>
    %jit3A_418 = arith.constant 0.000000e+00 : f32
    %broadcast_in_dim3A_419 = vector.broadcast %jit3A_418 : f32 to vector<128x4096xf32>
    %select_n3A_420 = arith.select %eq3A_417, %get3A_6, %broadcast_in_dim3A_419 : vector<128x4096xi1>, vector<128x4096xf32>
    %reduce_sum3A_421 = arith.constant dense<0.000000e+00> : vector<128xf32>
    %reduce_sum3A_422 = vector.multi_reduction <add>, %select_n3A_420, %reduce_sum3A_421 [1] : vector<128x4096xf32> to vector<128xf32>
    %broadcast_in_dim3A_423 = vector.shape_cast %reduce_sum3A_422 : vector<128xf32> to vector<128x1xf32>
    %add3A_424 = arith.addf %add3A_395, %broadcast_in_dim3A_423 : vector<128x1xf32>
    %jit3A_425 = arith.constant 1.000000e+30 : f32
    %broadcast_in_dim3A_426 = vector.broadcast %jit3A_425 : f32 to vector<128x4096xf32>
    %select_n3A_427 = arith.select %eq3A_417, %broadcast_in_dim3A_426, %get3A_404 : vector<128x4096xi1>, vector<128x4096xf32>
    %swap3A_428 = arith.constant 0 : index
    %swap3A_429 = arith.constant 0 : index
    %swap3A_430 = vector.load %arg5[%swap3A_428, %swap3A_429] : memref<128x4096xf32, #tpu.memory_space<vmem>>, vector<128x4096xf32>
    tpu.vector_store %arg5[%swap3A_428, %swap3A_429], %select_n3A_427 {strides = array<i32>} : memref<128x4096xf32, #tpu.memory_space<vmem>>, vector<128x4096xf32>,
    %get3A_431 = arith.constant 0 : index
    %get3A_432 = arith.constant 0 : index
    %get3A_433 = vector.load %arg5[%get3A_431, %get3A_432] : memref<128x4096xf32, #tpu.memory_space<vmem>>, vector<128x4096xf32>
    %reduce_min3A_434 = arith.constant dense<0x7F800000> : vector<128xf32>
    %reduce_min3A_435 = vector.multi_reduction <minimumf>, %get3A_433, %reduce_min3A_434 [1] : vector<128x4096xf32> to vector<128xf32>
    %broadcast_in_dim3A_436 = vector.shape_cast %reduce_min3A_435 : vector<128xf32> to vector<128x1xf32>
    %eq3A_437 = vector.broadcast %broadcast_in_dim3A_436 : vector<128x1xf32> to vector<128x4096xf32>
    %eq3A_438 = arith.cmpf oeq, %get3A_433, %eq3A_437 : vector<128x4096xf32>
    %jit3A_439 = arith.constant 100352 : i32
    %broadcast_in_dim3A_440 = vector.broadcast %jit3A_439 : i32 to vector<128x4096xi32>
    %select_n3A_441 = arith.select %eq3A_438, %concatenate3A, %broadcast_in_dim3A_440 : vector<128x4096xi1>, vector<128x4096xi32>
    %reduce_min3A_442 = arith.constant dense<2147483647> : vector<128xi32>
    %reduce_min3A_443 = vector.multi_reduction <minsi>, %select_n3A_441, %reduce_min3A_442 [1] : vector<128x4096xi32> to vector<128xi32>
    %broadcast_in_dim3A_444 = vector.shape_cast %reduce_min3A_443 : vector<128xi32> to vector<128x1xi32>
    %eq3A_445 = vector.broadcast %broadcast_in_dim3A_444 : vector<128x1xi32> to vector<128x4096xi32>
    %eq3A_446 = arith.cmpi eq, %concatenate3A, %eq3A_445 : vector<128x4096xi32>
    %jit3A_447 = arith.constant 0.000000e+00 : f32
    %broadcast_in_dim3A_448 = vector.broadcast %jit3A_447 : f32 to vector<128x4096xf32>
    %select_n3A_449 = arith.select %eq3A_446, %get3A_6, %broadcast_in_dim3A_448 : vector<128x4096xi1>, vector<128x4096xf32>
    %reduce_sum3A_450 = arith.constant dense<0.000000e+00> : vector<128xf32>
    %reduce_sum3A_451 = vector.multi_reduction <add>, %select_n3A_449, %reduce_sum3A_450 [1] : vector<128x4096xf32> to vector<128xf32>
    %broadcast_in_dim3A_452 = vector.shape_cast %reduce_sum3A_451 : vector<128xf32> to vector<128x1xf32>
    %add3A_453 = arith.addf %add3A_424, %broadcast_in_dim3A_452 : vector<128x1xf32>
    %jit3A_454 = arith.constant 1.000000e+30 : f32
    %broadcast_in_dim3A_455 = vector.broadcast %jit3A_454 : f32 to vector<128x4096xf32>
    %select_n3A_456 = arith.select %eq3A_446, %broadcast_in_dim3A_455, %get3A_433 : vector<128x4096xi1>, vector<128x4096xf32>
    %swap3A_457 = arith.constant 0 : index
    %swap3A_458 = arith.constant 0 : index
    %swap3A_459 = vector.load %arg5[%swap3A_457, %swap3A_458] : memref<128x4096xf32, #tpu.memory_space<vmem>>, vector<128x4096xf32>
    tpu.vector_store %arg5[%swap3A_457, %swap3A_458], %select_n3A_456 {strides = array<i32>} : memref<128x4096xf32, #tpu.memory_space<vmem>>, vector<128x4096xf32>,
    %get3A_460 = arith.constant 0 : index
    %get3A_461 = arith.constant 0 : index
    %get3A_462 = vector.load %arg5[%get3A_460, %get3A_461] : memref<128x4096xf32, #tpu.memory_space<vmem>>, vector<128x4096xf32>
    %reduce_min3A_463 = arith.constant dense<0x7F800000> : vector<128xf32>
    %reduce_min3A_464 = vector.multi_reduction <minimumf>, %get3A_462, %reduce_min3A_463 [1] : vector<128x4096xf32> to vector<128xf32>
    %broadcast_in_dim3A_465 = vector.shape_cast %reduce_min3A_464 : vector<128xf32> to vector<128x1xf32>
    %eq3A_466 = vector.broadcast %broadcast_in_dim3A_465 : vector<128x1xf32> to vector<128x4096xf32>
    %eq3A_467 = arith.cmpf oeq, %get3A_462, %eq3A_466 : vector<128x4096xf32>
    %jit3A_468 = arith.constant 100352 : i32
    %broadcast_in_dim3A_469 = vector.broadcast %jit3A_468 : i32 to vector<128x4096xi32>
    %select_n3A_470 = arith.select %eq3A_467, %concatenate3A, %broadcast_in_dim3A_469 : vector<128x4096xi1>, vector<128x4096xi32>
    %reduce_min3A_471 = arith.constant dense<2147483647> : vector<128xi32>
    %reduce_min3A_472 = vector.multi_reduction <minsi>, %select_n3A_470, %reduce_min3A_471 [1] : vector<128x4096xi32> to vector<128xi32>
    %broadcast_in_dim3A_473 = vector.shape_cast %reduce_min3A_472 : vector<128xi32> to vector<128x1xi32>
    %eq3A_474 = vector.broadcast %broadcast_in_dim3A_473 : vector<128x1xi32> to vector<128x4096xi32>
    %eq3A_475 = arith.cmpi eq, %concatenate3A, %eq3A_474 : vector<128x4096xi32>
    %jit3A_476 = arith.constant 0.000000e+00 : f32
    %broadcast_in_dim3A_477 = vector.broadcast %jit3A_476 : f32 to vector<128x4096xf32>
    %select_n3A_478 = arith.select %eq3A_475, %get3A_6, %broadcast_in_dim3A_477 : vector<128x4096xi1>, vector<128x4096xf32>
    %reduce_sum3A_479 = arith.constant dense<0.000000e+00> : vector<128xf32>
    %reduce_sum3A_480 = vector.multi_reduction <add>, %select_n3A_478, %reduce_sum3A_479 [1] : vector<128x4096xf32> to vector<128xf32>
    %broadcast_in_dim3A_481 = vector.shape_cast %reduce_sum3A_480 : vector<128xf32> to vector<128x1xf32>
    %add3A_482 = arith.addf %add3A_453, %broadcast_in_dim3A_481 : vector<128x1xf32>
    %jit3A_483 = arith.constant 1.000000e+30 : f32
    %broadcast_in_dim3A_484 = vector.broadcast %jit3A_483 : f32 to vector<128x4096xf32>
    %select_n3A_485 = arith.select %eq3A_475, %broadcast_in_dim3A_484, %get3A_462 : vector<128x4096xi1>, vector<128x4096xf32>
    %swap3A_486 = arith.constant 0 : index
    %swap3A_487 = arith.constant 0 : index
    %swap3A_488 = vector.load %arg5[%swap3A_486, %swap3A_487] : memref<128x4096xf32, #tpu.memory_space<vmem>>, vector<128x4096xf32>
    tpu.vector_store %arg5[%swap3A_486, %swap3A_487], %select_n3A_485 {strides = array<i32>} : memref<128x4096xf32, #tpu.memory_space<vmem>>, vector<128x4096xf32>,
    %get3A_489 = arith.constant 0 : index
    %get3A_490 = arith.constant 0 : index
    %get3A_491 = vector.load %arg5[%get3A_489, %get3A_490] : memref<128x4096xf32, #tpu.memory_space<vmem>>, vector<128x4096xf32>
    %reduce_min3A_492 = arith.constant dense<0x7F800000> : vector<128xf32>
    %reduce_min3A_493 = vector.multi_reduction <minimumf>, %get3A_491, %reduce_min3A_492 [1] : vector<128x4096xf32> to vector<128xf32>
    %broadcast_in_dim3A_494 = vector.shape_cast %reduce_min3A_493 : vector<128xf32> to vector<128x1xf32>
    %eq3A_495 = vector.broadcast %broadcast_in_dim3A_494 : vector<128x1xf32> to vector<128x4096xf32>
    %eq3A_496 = arith.cmpf oeq, %get3A_491, %eq3A_495 : vector<128x4096xf32>
    %jit3A_497 = arith.constant 100352 : i32
    %broadcast_in_dim3A_498 = vector.broadcast %jit3A_497 : i32 to vector<128x4096xi32>
    %select_n3A_499 = arith.select %eq3A_496, %concatenate3A, %broadcast_in_dim3A_498 : vector<128x4096xi1>, vector<128x4096xi32>
    %reduce_min3A_500 = arith.constant dense<2147483647> : vector<128xi32>
    %reduce_min3A_501 = vector.multi_reduction <minsi>, %select_n3A_499, %reduce_min3A_500 [1] : vector<128x4096xi32> to vector<128xi32>
    %broadcast_in_dim3A_502 = vector.shape_cast %reduce_min3A_501 : vector<128xi32> to vector<128x1xi32>
    %eq3A_503 = vector.broadcast %broadcast_in_dim3A_502 : vector<128x1xi32> to vector<128x4096xi32>
    %eq3A_504 = arith.cmpi eq, %concatenate3A, %eq3A_503 : vector<128x4096xi32>
    %jit3A_505 = arith.constant 0.000000e+00 : f32
    %broadcast_in_dim3A_506 = vector.broadcast %jit3A_505 : f32 to vector<128x4096xf32>
    %select_n3A_507 = arith.select %eq3A_504, %get3A_6, %broadcast_in_dim3A_506 : vector<128x4096xi1>, vector<128x4096xf32>
    %reduce_sum3A_508 = arith.constant dense<0.000000e+00> : vector<128xf32>
    %reduce_sum3A_509 = vector.multi_reduction <add>, %select_n3A_507, %reduce_sum3A_508 [1] : vector<128x4096xf32> to vector<128xf32>
    %broadcast_in_dim3A_510 = vector.shape_cast %reduce_sum3A_509 : vector<128xf32> to vector<128x1xf32>
    %add3A_511 = arith.addf %add3A_482, %broadcast_in_dim3A_510 : vector<128x1xf32>
    %jit3A_512 = arith.constant 1.000000e+30 : f32
    %broadcast_in_dim3A_513 = vector.broadcast %jit3A_512 : f32 to vector<128x4096xf32>
    %select_n3A_514 = arith.select %eq3A_504, %broadcast_in_dim3A_513, %get3A_491 : vector<128x4096xi1>, vector<128x4096xf32>
    %swap3A_515 = arith.constant 0 : index
    %swap3A_516 = arith.constant 0 : index
    %swap3A_517 = vector.load %arg5[%swap3A_515, %swap3A_516] : memref<128x4096xf32, #tpu.memory_space<vmem>>, vector<128x4096xf32>
    tpu.vector_store %arg5[%swap3A_515, %swap3A_516], %select_n3A_514 {strides = array<i32>} : memref<128x4096xf32, #tpu.memory_space<vmem>>, vector<128x4096xf32>,
    %get3A_518 = arith.constant 0 : index
    %get3A_519 = arith.constant 0 : index
    %get3A_520 = vector.load %arg5[%get3A_518, %get3A_519] : memref<128x4096xf32, #tpu.memory_space<vmem>>, vector<128x4096xf32>
    %reduce_min3A_521 = arith.constant dense<0x7F800000> : vector<128xf32>
    %reduce_min3A_522 = vector.multi_reduction <minimumf>, %get3A_520, %reduce_min3A_521 [1] : vector<128x4096xf32> to vector<128xf32>
    %broadcast_in_dim3A_523 = vector.shape_cast %reduce_min3A_522 : vector<128xf32> to vector<128x1xf32>
    %eq3A_524 = vector.broadcast %broadcast_in_dim3A_523 : vector<128x1xf32> to vector<128x4096xf32>
    %eq3A_525 = arith.cmpf oeq, %get3A_520, %eq3A_524 : vector<128x4096xf32>
    %jit3A_526 = arith.constant 100352 : i32
    %broadcast_in_dim3A_527 = vector.broadcast %jit3A_526 : i32 to vector<128x4096xi32>
    %select_n3A_528 = arith.select %eq3A_525, %concatenate3A, %broadcast_in_dim3A_527 : vector<128x4096xi1>, vector<128x4096xi32>
    %reduce_min3A_529 = arith.constant dense<2147483647> : vector<128xi32>
    %reduce_min3A_530 = vector.multi_reduction <minsi>, %select_n3A_528, %reduce_min3A_529 [1] : vector<128x4096xi32> to vector<128xi32>
    %broadcast_in_dim3A_531 = vector.shape_cast %reduce_min3A_530 : vector<128xi32> to vector<128x1xi32>
    %eq3A_532 = vector.broadcast %broadcast_in_dim3A_531 : vector<128x1xi32> to vector<128x4096xi32>
    %eq3A_533 = arith.cmpi eq, %concatenate3A, %eq3A_532 : vector<128x4096xi32>
    %jit3A_534 = arith.constant 0.000000e+00 : f32
    %broadcast_in_dim3A_535 = vector.broadcast %jit3A_534 : f32 to vector<128x4096xf32>
    %select_n3A_536 = arith.select %eq3A_533, %get3A_6, %broadcast_in_dim3A_535 : vector<128x4096xi1>, vector<128x4096xf32>
    %reduce_sum3A_537 = arith.constant dense<0.000000e+00> : vector<128xf32>
    %reduce_sum3A_538 = vector.multi_reduction <add>, %select_n3A_536, %reduce_sum3A_537 [1] : vector<128x4096xf32> to vector<128xf32>
    %broadcast_in_dim3A_539 = vector.shape_cast %reduce_sum3A_538 : vector<128xf32> to vector<128x1xf32>
    %add3A_540 = arith.addf %add3A_511, %broadcast_in_dim3A_539 : vector<128x1xf32>
    %jit3A_541 = arith.constant 1.000000e+30 : f32
    %broadcast_in_dim3A_542 = vector.broadcast %jit3A_541 : f32 to vector<128x4096xf32>
    %select_n3A_543 = arith.select %eq3A_533, %broadcast_in_dim3A_542, %get3A_520 : vector<128x4096xi1>, vector<128x4096xf32>
    %swap3A_544 = arith.constant 0 : index
    %swap3A_545 = arith.constant 0 : index
    %swap3A_546 = vector.load %arg5[%swap3A_544, %swap3A_545] : memref<128x4096xf32, #tpu.memory_space<vmem>>, vector<128x4096xf32>
    tpu.vector_store %arg5[%swap3A_544, %swap3A_545], %select_n3A_543 {strides = array<i32>} : memref<128x4096xf32, #tpu.memory_space<vmem>>, vector<128x4096xf32>,
    %get3A_547 = arith.constant 0 : index
    %get3A_548 = arith.constant 0 : index
    %get3A_549 = vector.load %arg5[%get3A_547, %get3A_548] : memref<128x4096xf32, #tpu.memory_space<vmem>>, vector<128x4096xf32>
    %reduce_min3A_550 = arith.constant dense<0x7F800000> : vector<128xf32>
    %reduce_min3A_551 = vector.multi_reduction <minimumf>, %get3A_549, %reduce_min3A_550 [1] : vector<128x4096xf32> to vector<128xf32>
    %broadcast_in_dim3A_552 = vector.shape_cast %reduce_min3A_551 : vector<128xf32> to vector<128x1xf32>
    %eq3A_553 = vector.broadcast %broadcast_in_dim3A_552 : vector<128x1xf32> to vector<128x4096xf32>
    %eq3A_554 = arith.cmpf oeq, %get3A_549, %eq3A_553 : vector<128x4096xf32>
    %jit3A_555 = arith.constant 100352 : i32
    %broadcast_in_dim3A_556 = vector.broadcast %jit3A_555 : i32 to vector<128x4096xi32>
    %select_n3A_557 = arith.select %eq3A_554, %concatenate3A, %broadcast_in_dim3A_556 : vector<128x4096xi1>, vector<128x4096xi32>
    %reduce_min3A_558 = arith.constant dense<2147483647> : vector<128xi32>
    %reduce_min3A_559 = vector.multi_reduction <minsi>, %select_n3A_557, %reduce_min3A_558 [1] : vector<128x4096xi32> to vector<128xi32>
    %broadcast_in_dim3A_560 = vector.shape_cast %reduce_min3A_559 : vector<128xi32> to vector<128x1xi32>
    %eq3A_561 = vector.broadcast %broadcast_in_dim3A_560 : vector<128x1xi32> to vector<128x4096xi32>
    %eq3A_562 = arith.cmpi eq, %concatenate3A, %eq3A_561 : vector<128x4096xi32>
    %jit3A_563 = arith.constant 0.000000e+00 : f32
    %broadcast_in_dim3A_564 = vector.broadcast %jit3A_563 : f32 to vector<128x4096xf32>
    %select_n3A_565 = arith.select %eq3A_562, %get3A_6, %broadcast_in_dim3A_564 : vector<128x4096xi1>, vector<128x4096xf32>
    %reduce_sum3A_566 = arith.constant dense<0.000000e+00> : vector<128xf32>
    %reduce_sum3A_567 = vector.multi_reduction <add>, %select_n3A_565, %reduce_sum3A_566 [1] : vector<128x4096xf32> to vector<128xf32>
    %broadcast_in_dim3A_568 = vector.shape_cast %reduce_sum3A_567 : vector<128xf32> to vector<128x1xf32>
    %add3A_569 = arith.addf %add3A_540, %broadcast_in_dim3A_568 : vector<128x1xf32>
    %jit3A_570 = arith.constant 1.000000e+30 : f32
    %broadcast_in_dim3A_571 = vector.broadcast %jit3A_570 : f32 to vector<128x4096xf32>
    %select_n3A_572 = arith.select %eq3A_562, %broadcast_in_dim3A_571, %get3A_549 : vector<128x4096xi1>, vector<128x4096xf32>
    %swap3A_573 = arith.constant 0 : index
    %swap3A_574 = arith.constant 0 : index
    %swap3A_575 = vector.load %arg5[%swap3A_573, %swap3A_574] : memref<128x4096xf32, #tpu.memory_space<vmem>>, vector<128x4096xf32>
    tpu.vector_store %arg5[%swap3A_573, %swap3A_574], %select_n3A_572 {strides = array<i32>} : memref<128x4096xf32, #tpu.memory_space<vmem>>, vector<128x4096xf32>,
    %get3A_576 = arith.constant 0 : index
    %get3A_577 = arith.constant 0 : index
    %get3A_578 = vector.load %arg5[%get3A_576, %get3A_577] : memref<128x4096xf32, #tpu.memory_space<vmem>>, vector<128x4096xf32>
    %reduce_min3A_579 = arith.constant dense<0x7F800000> : vector<128xf32>
    %reduce_min3A_580 = vector.multi_reduction <minimumf>, %get3A_578, %reduce_min3A_579 [1] : vector<128x4096xf32> to vector<128xf32>
    %broadcast_in_dim3A_581 = vector.shape_cast %reduce_min3A_580 : vector<128xf32> to vector<128x1xf32>
    %eq3A_582 = vector.broadcast %broadcast_in_dim3A_581 : vector<128x1xf32> to vector<128x4096xf32>
    %eq3A_583 = arith.cmpf oeq, %get3A_578, %eq3A_582 : vector<128x4096xf32>
    %jit3A_584 = arith.constant 100352 : i32
    %broadcast_in_dim3A_585 = vector.broadcast %jit3A_584 : i32 to vector<128x4096xi32>
    %select_n3A_586 = arith.select %eq3A_583, %concatenate3A, %broadcast_in_dim3A_585 : vector<128x4096xi1>, vector<128x4096xi32>
    %reduce_min3A_587 = arith.constant dense<2147483647> : vector<128xi32>
    %reduce_min3A_588 = vector.multi_reduction <minsi>, %select_n3A_586, %reduce_min3A_587 [1] : vector<128x4096xi32> to vector<128xi32>
    %broadcast_in_dim3A_589 = vector.shape_cast %reduce_min3A_588 : vector<128xi32> to vector<128x1xi32>
    %eq3A_590 = vector.broadcast %broadcast_in_dim3A_589 : vector<128x1xi32> to vector<128x4096xi32>
    %eq3A_591 = arith.cmpi eq, %concatenate3A, %eq3A_590 : vector<128x4096xi32>
    %jit3A_592 = arith.constant 0.000000e+00 : f32
    %broadcast_in_dim3A_593 = vector.broadcast %jit3A_592 : f32 to vector<128x4096xf32>
    %select_n3A_594 = arith.select %eq3A_591, %get3A_6, %broadcast_in_dim3A_593 : vector<128x4096xi1>, vector<128x4096xf32>
    %reduce_sum3A_595 = arith.constant dense<0.000000e+00> : vector<128xf32>
    %reduce_sum3A_596 = vector.multi_reduction <add>, %select_n3A_594, %reduce_sum3A_595 [1] : vector<128x4096xf32> to vector<128xf32>
    %broadcast_in_dim3A_597 = vector.shape_cast %reduce_sum3A_596 : vector<128xf32> to vector<128x1xf32>
    %add3A_598 = arith.addf %add3A_569, %broadcast_in_dim3A_597 : vector<128x1xf32>
    %jit3A_599 = arith.constant 1.000000e+30 : f32
    %broadcast_in_dim3A_600 = vector.broadcast %jit3A_599 : f32 to vector<128x4096xf32>
    %select_n3A_601 = arith.select %eq3A_591, %broadcast_in_dim3A_600, %get3A_578 : vector<128x4096xi1>, vector<128x4096xf32>
    %swap3A_602 = arith.constant 0 : index
    %swap3A_603 = arith.constant 0 : index
    %swap3A_604 = vector.load %arg5[%swap3A_602, %swap3A_603] : memref<128x4096xf32, #tpu.memory_space<vmem>>, vector<128x4096xf32>
    tpu.vector_store %arg5[%swap3A_602, %swap3A_603], %select_n3A_601 {strides = array<i32>} : memref<128x4096xf32, #tpu.memory_space<vmem>>, vector<128x4096xf32>,
    %get3A_605 = arith.constant 0 : index
    %get3A_606 = arith.constant 0 : index
    %get3A_607 = vector.load %arg5[%get3A_605, %get3A_606] : memref<128x4096xf32, #tpu.memory_space<vmem>>, vector<128x4096xf32>
    %reduce_min3A_608 = arith.constant dense<0x7F800000> : vector<128xf32>
    %reduce_min3A_609 = vector.multi_reduction <minimumf>, %get3A_607, %reduce_min3A_608 [1] : vector<128x4096xf32> to vector<128xf32>
    %broadcast_in_dim3A_610 = vector.shape_cast %reduce_min3A_609 : vector<128xf32> to vector<128x1xf32>
    %eq3A_611 = vector.broadcast %broadcast_in_dim3A_610 : vector<128x1xf32> to vector<128x4096xf32>
    %eq3A_612 = arith.cmpf oeq, %get3A_607, %eq3A_611 : vector<128x4096xf32>
    %jit3A_613 = arith.constant 100352 : i32
    %broadcast_in_dim3A_614 = vector.broadcast %jit3A_613 : i32 to vector<128x4096xi32>
    %select_n3A_615 = arith.select %eq3A_612, %concatenate3A, %broadcast_in_dim3A_614 : vector<128x4096xi1>, vector<128x4096xi32>
    %reduce_min3A_616 = arith.constant dense<2147483647> : vector<128xi32>
    %reduce_min3A_617 = vector.multi_reduction <minsi>, %select_n3A_615, %reduce_min3A_616 [1] : vector<128x4096xi32> to vector<128xi32>
    %broadcast_in_dim3A_618 = vector.shape_cast %reduce_min3A_617 : vector<128xi32> to vector<128x1xi32>
    %eq3A_619 = vector.broadcast %broadcast_in_dim3A_618 : vector<128x1xi32> to vector<128x4096xi32>
    %eq3A_620 = arith.cmpi eq, %concatenate3A, %eq3A_619 : vector<128x4096xi32>
    %jit3A_621 = arith.constant 0.000000e+00 : f32
    %broadcast_in_dim3A_622 = vector.broadcast %jit3A_621 : f32 to vector<128x4096xf32>
    %select_n3A_623 = arith.select %eq3A_620, %get3A_6, %broadcast_in_dim3A_622 : vector<128x4096xi1>, vector<128x4096xf32>
    %reduce_sum3A_624 = arith.constant dense<0.000000e+00> : vector<128xf32>
    %reduce_sum3A_625 = vector.multi_reduction <add>, %select_n3A_623, %reduce_sum3A_624 [1] : vector<128x4096xf32> to vector<128xf32>
    %broadcast_in_dim3A_626 = vector.shape_cast %reduce_sum3A_625 : vector<128xf32> to vector<128x1xf32>
    %add3A_627 = arith.addf %add3A_598, %broadcast_in_dim3A_626 : vector<128x1xf32>
    %jit3A_628 = arith.constant 1.000000e+30 : f32
    %broadcast_in_dim3A_629 = vector.broadcast %jit3A_628 : f32 to vector<128x4096xf32>
    %select_n3A_630 = arith.select %eq3A_620, %broadcast_in_dim3A_629, %get3A_607 : vector<128x4096xi1>, vector<128x4096xf32>
    %swap3A_631 = arith.constant 0 : index
    %swap3A_632 = arith.constant 0 : index
    %swap3A_633 = vector.load %arg5[%swap3A_631, %swap3A_632] : memref<128x4096xf32, #tpu.memory_space<vmem>>, vector<128x4096xf32>
    tpu.vector_store %arg5[%swap3A_631, %swap3A_632], %select_n3A_630 {strides = array<i32>} : memref<128x4096xf32, #tpu.memory_space<vmem>>, vector<128x4096xf32>,
    %get3A_634 = arith.constant 0 : index
    %get3A_635 = arith.constant 0 : index
    %get3A_636 = vector.load %arg5[%get3A_634, %get3A_635] : memref<128x4096xf32, #tpu.memory_space<vmem>>, vector<128x4096xf32>
    %reduce_min3A_637 = arith.constant dense<0x7F800000> : vector<128xf32>
    %reduce_min3A_638 = vector.multi_reduction <minimumf>, %get3A_636, %reduce_min3A_637 [1] : vector<128x4096xf32> to vector<128xf32>
    %broadcast_in_dim3A_639 = vector.shape_cast %reduce_min3A_638 : vector<128xf32> to vector<128x1xf32>
    %eq3A_640 = vector.broadcast %broadcast_in_dim3A_639 : vector<128x1xf32> to vector<128x4096xf32>
    %eq3A_641 = arith.cmpf oeq, %get3A_636, %eq3A_640 : vector<128x4096xf32>
    %jit3A_642 = arith.constant 100352 : i32
    %broadcast_in_dim3A_643 = vector.broadcast %jit3A_642 : i32 to vector<128x4096xi32>
    %select_n3A_644 = arith.select %eq3A_641, %concatenate3A, %broadcast_in_dim3A_643 : vector<128x4096xi1>, vector<128x4096xi32>
    %reduce_min3A_645 = arith.constant dense<2147483647> : vector<128xi32>
    %reduce_min3A_646 = vector.multi_reduction <minsi>, %select_n3A_644, %reduce_min3A_645 [1] : vector<128x4096xi32> to vector<128xi32>
    %broadcast_in_dim3A_647 = vector.shape_cast %reduce_min3A_646 : vector<128xi32> to vector<128x1xi32>
    %eq3A_648 = vector.broadcast %broadcast_in_dim3A_647 : vector<128x1xi32> to vector<128x4096xi32>
    %eq3A_649 = arith.cmpi eq, %concatenate3A, %eq3A_648 : vector<128x4096xi32>
    %jit3A_650 = arith.constant 0.000000e+00 : f32
    %broadcast_in_dim3A_651 = vector.broadcast %jit3A_650 : f32 to vector<128x4096xf32>
    %select_n3A_652 = arith.select %eq3A_649, %get3A_6, %broadcast_in_dim3A_651 : vector<128x4096xi1>, vector<128x4096xf32>
    %reduce_sum3A_653 = arith.constant dense<0.000000e+00> : vector<128xf32>
    %reduce_sum3A_654 = vector.multi_reduction <add>, %select_n3A_652, %reduce_sum3A_653 [1] : vector<128x4096xf32> to vector<128xf32>
    %broadcast_in_dim3A_655 = vector.shape_cast %reduce_sum3A_654 : vector<128xf32> to vector<128x1xf32>
    %add3A_656 = arith.addf %add3A_627, %broadcast_in_dim3A_655 : vector<128x1xf32>
    %jit3A_657 = arith.constant 1.000000e+30 : f32
    %broadcast_in_dim3A_658 = vector.broadcast %jit3A_657 : f32 to vector<128x4096xf32>
    %select_n3A_659 = arith.select %eq3A_649, %broadcast_in_dim3A_658, %get3A_636 : vector<128x4096xi1>, vector<128x4096xf32>
    %swap3A_660 = arith.constant 0 : index
    %swap3A_661 = arith.constant 0 : index
    %swap3A_662 = vector.load %arg5[%swap3A_660, %swap3A_661] : memref<128x4096xf32, #tpu.memory_space<vmem>>, vector<128x4096xf32>
    tpu.vector_store %arg5[%swap3A_660, %swap3A_661], %select_n3A_659 {strides = array<i32>} : memref<128x4096xf32, #tpu.memory_space<vmem>>, vector<128x4096xf32>,
    %get3A_663 = arith.constant 0 : index
    %get3A_664 = arith.constant 0 : index
    %get3A_665 = vector.load %arg5[%get3A_663, %get3A_664] : memref<128x4096xf32, #tpu.memory_space<vmem>>, vector<128x4096xf32>
    %reduce_min3A_666 = arith.constant dense<0x7F800000> : vector<128xf32>
    %reduce_min3A_667 = vector.multi_reduction <minimumf>, %get3A_665, %reduce_min3A_666 [1] : vector<128x4096xf32> to vector<128xf32>
    %broadcast_in_dim3A_668 = vector.shape_cast %reduce_min3A_667 : vector<128xf32> to vector<128x1xf32>
    %eq3A_669 = vector.broadcast %broadcast_in_dim3A_668 : vector<128x1xf32> to vector<128x4096xf32>
    %eq3A_670 = arith.cmpf oeq, %get3A_665, %eq3A_669 : vector<128x4096xf32>
    %jit3A_671 = arith.constant 100352 : i32
    %broadcast_in_dim3A_672 = vector.broadcast %jit3A_671 : i32 to vector<128x4096xi32>
    %select_n3A_673 = arith.select %eq3A_670, %concatenate3A, %broadcast_in_dim3A_672 : vector<128x4096xi1>, vector<128x4096xi32>
    %reduce_min3A_674 = arith.constant dense<2147483647> : vector<128xi32>
    %reduce_min3A_675 = vector.multi_reduction <minsi>, %select_n3A_673, %reduce_min3A_674 [1] : vector<128x4096xi32> to vector<128xi32>
    %broadcast_in_dim3A_676 = vector.shape_cast %reduce_min3A_675 : vector<128xi32> to vector<128x1xi32>
    %eq3A_677 = vector.broadcast %broadcast_in_dim3A_676 : vector<128x1xi32> to vector<128x4096xi32>
    %eq3A_678 = arith.cmpi eq, %concatenate3A, %eq3A_677 : vector<128x4096xi32>
    %jit3A_679 = arith.constant 0.000000e+00 : f32
    %broadcast_in_dim3A_680 = vector.broadcast %jit3A_679 : f32 to vector<128x4096xf32>
    %select_n3A_681 = arith.select %eq3A_678, %get3A_6, %broadcast_in_dim3A_680 : vector<128x4096xi1>, vector<128x4096xf32>
    %reduce_sum3A_682 = arith.constant dense<0.000000e+00> : vector<128xf32>
    %reduce_sum3A_683 = vector.multi_reduction <add>, %select_n3A_681, %reduce_sum3A_682 [1] : vector<128x4096xf32> to vector<128xf32>
    %broadcast_in_dim3A_684 = vector.shape_cast %reduce_sum3A_683 : vector<128xf32> to vector<128x1xf32>
    %add3A_685 = arith.addf %add3A_656, %broadcast_in_dim3A_684 : vector<128x1xf32>
    %jit3A_686 = arith.constant 1.000000e+30 : f32
    %broadcast_in_dim3A_687 = vector.broadcast %jit3A_686 : f32 to vector<128x4096xf32>
    %select_n3A_688 = arith.select %eq3A_678, %broadcast_in_dim3A_687, %get3A_665 : vector<128x4096xi1>, vector<128x4096xf32>
    %swap3A_689 = arith.constant 0 : index
    %swap3A_690 = arith.constant 0 : index
    %swap3A_691 = vector.load %arg5[%swap3A_689, %swap3A_690] : memref<128x4096xf32, #tpu.memory_space<vmem>>, vector<128x4096xf32>
    tpu.vector_store %arg5[%swap3A_689, %swap3A_690], %select_n3A_688 {strides = array<i32>} : memref<128x4096xf32, #tpu.memory_space<vmem>>, vector<128x4096xf32>,
    %get3A_692 = arith.constant 0 : index
    %get3A_693 = arith.constant 0 : index
    %get3A_694 = vector.load %arg5[%get3A_692, %get3A_693] : memref<128x4096xf32, #tpu.memory_space<vmem>>, vector<128x4096xf32>
    %reduce_min3A_695 = arith.constant dense<0x7F800000> : vector<128xf32>
    %reduce_min3A_696 = vector.multi_reduction <minimumf>, %get3A_694, %reduce_min3A_695 [1] : vector<128x4096xf32> to vector<128xf32>
    %broadcast_in_dim3A_697 = vector.shape_cast %reduce_min3A_696 : vector<128xf32> to vector<128x1xf32>
    %eq3A_698 = vector.broadcast %broadcast_in_dim3A_697 : vector<128x1xf32> to vector<128x4096xf32>
    %eq3A_699 = arith.cmpf oeq, %get3A_694, %eq3A_698 : vector<128x4096xf32>
    %jit3A_700 = arith.constant 100352 : i32
    %broadcast_in_dim3A_701 = vector.broadcast %jit3A_700 : i32 to vector<128x4096xi32>
    %select_n3A_702 = arith.select %eq3A_699, %concatenate3A, %broadcast_in_dim3A_701 : vector<128x4096xi1>, vector<128x4096xi32>
    %reduce_min3A_703 = arith.constant dense<2147483647> : vector<128xi32>
    %reduce_min3A_704 = vector.multi_reduction <minsi>, %select_n3A_702, %reduce_min3A_703 [1] : vector<128x4096xi32> to vector<128xi32>
    %broadcast_in_dim3A_705 = vector.shape_cast %reduce_min3A_704 : vector<128xi32> to vector<128x1xi32>
    %eq3A_706 = vector.broadcast %broadcast_in_dim3A_705 : vector<128x1xi32> to vector<128x4096xi32>
    %eq3A_707 = arith.cmpi eq, %concatenate3A, %eq3A_706 : vector<128x4096xi32>
    %jit3A_708 = arith.constant 0.000000e+00 : f32
    %broadcast_in_dim3A_709 = vector.broadcast %jit3A_708 : f32 to vector<128x4096xf32>
    %select_n3A_710 = arith.select %eq3A_707, %get3A_6, %broadcast_in_dim3A_709 : vector<128x4096xi1>, vector<128x4096xf32>
    %reduce_sum3A_711 = arith.constant dense<0.000000e+00> : vector<128xf32>
    %reduce_sum3A_712 = vector.multi_reduction <add>, %select_n3A_710, %reduce_sum3A_711 [1] : vector<128x4096xf32> to vector<128xf32>
    %broadcast_in_dim3A_713 = vector.shape_cast %reduce_sum3A_712 : vector<128xf32> to vector<128x1xf32>
    %add3A_714 = arith.addf %add3A_685, %broadcast_in_dim3A_713 : vector<128x1xf32>
    %jit3A_715 = arith.constant 1.000000e+30 : f32
    %broadcast_in_dim3A_716 = vector.broadcast %jit3A_715 : f32 to vector<128x4096xf32>
    %select_n3A_717 = arith.select %eq3A_707, %broadcast_in_dim3A_716, %get3A_694 : vector<128x4096xi1>, vector<128x4096xf32>
    %swap3A_718 = arith.constant 0 : index
    %swap3A_719 = arith.constant 0 : index
    %swap3A_720 = vector.load %arg5[%swap3A_718, %swap3A_719] : memref<128x4096xf32, #tpu.memory_space<vmem>>, vector<128x4096xf32>
    tpu.vector_store %arg5[%swap3A_718, %swap3A_719], %select_n3A_717 {strides = array<i32>} : memref<128x4096xf32, #tpu.memory_space<vmem>>, vector<128x4096xf32>,
    %get3A_721 = arith.constant 0 : index
    %get3A_722 = arith.constant 0 : index
    %get3A_723 = vector.load %arg5[%get3A_721, %get3A_722] : memref<128x4096xf32, #tpu.memory_space<vmem>>, vector<128x4096xf32>
    %reduce_min3A_724 = arith.constant dense<0x7F800000> : vector<128xf32>
    %reduce_min3A_725 = vector.multi_reduction <minimumf>, %get3A_723, %reduce_min3A_724 [1] : vector<128x4096xf32> to vector<128xf32>
    %broadcast_in_dim3A_726 = vector.shape_cast %reduce_min3A_725 : vector<128xf32> to vector<128x1xf32>
    %eq3A_727 = vector.broadcast %broadcast_in_dim3A_726 : vector<128x1xf32> to vector<128x4096xf32>
    %eq3A_728 = arith.cmpf oeq, %get3A_723, %eq3A_727 : vector<128x4096xf32>
    %jit3A_729 = arith.constant 100352 : i32
    %broadcast_in_dim3A_730 = vector.broadcast %jit3A_729 : i32 to vector<128x4096xi32>
    %select_n3A_731 = arith.select %eq3A_728, %concatenate3A, %broadcast_in_dim3A_730 : vector<128x4096xi1>, vector<128x4096xi32>
    %reduce_min3A_732 = arith.constant dense<2147483647> : vector<128xi32>
    %reduce_min3A_733 = vector.multi_reduction <minsi>, %select_n3A_731, %reduce_min3A_732 [1] : vector<128x4096xi32> to vector<128xi32>
    %broadcast_in_dim3A_734 = vector.shape_cast %reduce_min3A_733 : vector<128xi32> to vector<128x1xi32>
    %eq3A_735 = vector.broadcast %broadcast_in_dim3A_734 : vector<128x1xi32> to vector<128x4096xi32>
    %eq3A_736 = arith.cmpi eq, %concatenate3A, %eq3A_735 : vector<128x4096xi32>
    %jit3A_737 = arith.constant 0.000000e+00 : f32
    %broadcast_in_dim3A_738 = vector.broadcast %jit3A_737 : f32 to vector<128x4096xf32>
    %select_n3A_739 = arith.select %eq3A_736, %get3A_6, %broadcast_in_dim3A_738 : vector<128x4096xi1>, vector<128x4096xf32>
    %reduce_sum3A_740 = arith.constant dense<0.000000e+00> : vector<128xf32>
    %reduce_sum3A_741 = vector.multi_reduction <add>, %select_n3A_739, %reduce_sum3A_740 [1] : vector<128x4096xf32> to vector<128xf32>
    %broadcast_in_dim3A_742 = vector.shape_cast %reduce_sum3A_741 : vector<128xf32> to vector<128x1xf32>
    %add3A_743 = arith.addf %add3A_714, %broadcast_in_dim3A_742 : vector<128x1xf32>
    %jit3A_744 = arith.constant 1.000000e+30 : f32
    %broadcast_in_dim3A_745 = vector.broadcast %jit3A_744 : f32 to vector<128x4096xf32>
    %select_n3A_746 = arith.select %eq3A_736, %broadcast_in_dim3A_745, %get3A_723 : vector<128x4096xi1>, vector<128x4096xf32>
    %swap3A_747 = arith.constant 0 : index
    %swap3A_748 = arith.constant 0 : index
    %swap3A_749 = vector.load %arg5[%swap3A_747, %swap3A_748] : memref<128x4096xf32, #tpu.memory_space<vmem>>, vector<128x4096xf32>
    tpu.vector_store %arg5[%swap3A_747, %swap3A_748], %select_n3A_746 {strides = array<i32>} : memref<128x4096xf32, #tpu.memory_space<vmem>>, vector<128x4096xf32>,
    %get3A_750 = arith.constant 0 : index
    %get3A_751 = arith.constant 0 : index
    %get3A_752 = vector.load %arg5[%get3A_750, %get3A_751] : memref<128x4096xf32, #tpu.memory_space<vmem>>, vector<128x4096xf32>
    %reduce_min3A_753 = arith.constant dense<0x7F800000> : vector<128xf32>
    %reduce_min3A_754 = vector.multi_reduction <minimumf>, %get3A_752, %reduce_min3A_753 [1] : vector<128x4096xf32> to vector<128xf32>
    %broadcast_in_dim3A_755 = vector.shape_cast %reduce_min3A_754 : vector<128xf32> to vector<128x1xf32>
    %eq3A_756 = vector.broadcast %broadcast_in_dim3A_755 : vector<128x1xf32> to vector<128x4096xf32>
    %eq3A_757 = arith.cmpf oeq, %get3A_752, %eq3A_756 : vector<128x4096xf32>
    %jit3A_758 = arith.constant 100352 : i32
    %broadcast_in_dim3A_759 = vector.broadcast %jit3A_758 : i32 to vector<128x4096xi32>
    %select_n3A_760 = arith.select %eq3A_757, %concatenate3A, %broadcast_in_dim3A_759 : vector<128x4096xi1>, vector<128x4096xi32>
    %reduce_min3A_761 = arith.constant dense<2147483647> : vector<128xi32>
    %reduce_min3A_762 = vector.multi_reduction <minsi>, %select_n3A_760, %reduce_min3A_761 [1] : vector<128x4096xi32> to vector<128xi32>
    %broadcast_in_dim3A_763 = vector.shape_cast %reduce_min3A_762 : vector<128xi32> to vector<128x1xi32>
    %eq3A_764 = vector.broadcast %broadcast_in_dim3A_763 : vector<128x1xi32> to vector<128x4096xi32>
    %eq3A_765 = arith.cmpi eq, %concatenate3A, %eq3A_764 : vector<128x4096xi32>
    %jit3A_766 = arith.constant 0.000000e+00 : f32
    %broadcast_in_dim3A_767 = vector.broadcast %jit3A_766 : f32 to vector<128x4096xf32>
    %select_n3A_768 = arith.select %eq3A_765, %get3A_6, %broadcast_in_dim3A_767 : vector<128x4096xi1>, vector<128x4096xf32>
    %reduce_sum3A_769 = arith.constant dense<0.000000e+00> : vector<128xf32>
    %reduce_sum3A_770 = vector.multi_reduction <add>, %select_n3A_768, %reduce_sum3A_769 [1] : vector<128x4096xf32> to vector<128xf32>
    %broadcast_in_dim3A_771 = vector.shape_cast %reduce_sum3A_770 : vector<128xf32> to vector<128x1xf32>
    %add3A_772 = arith.addf %add3A_743, %broadcast_in_dim3A_771 : vector<128x1xf32>
    %jit3A_773 = arith.constant 1.000000e+30 : f32
    %broadcast_in_dim3A_774 = vector.broadcast %jit3A_773 : f32 to vector<128x4096xf32>
    %select_n3A_775 = arith.select %eq3A_765, %broadcast_in_dim3A_774, %get3A_752 : vector<128x4096xi1>, vector<128x4096xf32>
    %swap3A_776 = arith.constant 0 : index
    %swap3A_777 = arith.constant 0 : index
    %swap3A_778 = vector.load %arg5[%swap3A_776, %swap3A_777] : memref<128x4096xf32, #tpu.memory_space<vmem>>, vector<128x4096xf32>
    tpu.vector_store %arg5[%swap3A_776, %swap3A_777], %select_n3A_775 {strides = array<i32>} : memref<128x4096xf32, #tpu.memory_space<vmem>>, vector<128x4096xf32>,
    %get3A_779 = arith.constant 0 : index
    %get3A_780 = arith.constant 0 : index
    %get3A_781 = vector.load %arg5[%get3A_779, %get3A_780] : memref<128x4096xf32, #tpu.memory_space<vmem>>, vector<128x4096xf32>
    %reduce_min3A_782 = arith.constant dense<0x7F800000> : vector<128xf32>
    %reduce_min3A_783 = vector.multi_reduction <minimumf>, %get3A_781, %reduce_min3A_782 [1] : vector<128x4096xf32> to vector<128xf32>
    %broadcast_in_dim3A_784 = vector.shape_cast %reduce_min3A_783 : vector<128xf32> to vector<128x1xf32>
    %eq3A_785 = vector.broadcast %broadcast_in_dim3A_784 : vector<128x1xf32> to vector<128x4096xf32>
    %eq3A_786 = arith.cmpf oeq, %get3A_781, %eq3A_785 : vector<128x4096xf32>
    %jit3A_787 = arith.constant 100352 : i32
    %broadcast_in_dim3A_788 = vector.broadcast %jit3A_787 : i32 to vector<128x4096xi32>
    %select_n3A_789 = arith.select %eq3A_786, %concatenate3A, %broadcast_in_dim3A_788 : vector<128x4096xi1>, vector<128x4096xi32>
    %reduce_min3A_790 = arith.constant dense<2147483647> : vector<128xi32>
    %reduce_min3A_791 = vector.multi_reduction <minsi>, %select_n3A_789, %reduce_min3A_790 [1] : vector<128x4096xi32> to vector<128xi32>
    %broadcast_in_dim3A_792 = vector.shape_cast %reduce_min3A_791 : vector<128xi32> to vector<128x1xi32>
    %eq3A_793 = vector.broadcast %broadcast_in_dim3A_792 : vector<128x1xi32> to vector<128x4096xi32>
    %eq3A_794 = arith.cmpi eq, %concatenate3A, %eq3A_793 : vector<128x4096xi32>
    %jit3A_795 = arith.constant 0.000000e+00 : f32
    %broadcast_in_dim3A_796 = vector.broadcast %jit3A_795 : f32 to vector<128x4096xf32>
    %select_n3A_797 = arith.select %eq3A_794, %get3A_6, %broadcast_in_dim3A_796 : vector<128x4096xi1>, vector<128x4096xf32>
    %reduce_sum3A_798 = arith.constant dense<0.000000e+00> : vector<128xf32>
    %reduce_sum3A_799 = vector.multi_reduction <add>, %select_n3A_797, %reduce_sum3A_798 [1] : vector<128x4096xf32> to vector<128xf32>
    %broadcast_in_dim3A_800 = vector.shape_cast %reduce_sum3A_799 : vector<128xf32> to vector<128x1xf32>
    %add3A_801 = arith.addf %add3A_772, %broadcast_in_dim3A_800 : vector<128x1xf32>
    %jit3A_802 = arith.constant 1.000000e+30 : f32
    %broadcast_in_dim3A_803 = vector.broadcast %jit3A_802 : f32 to vector<128x4096xf32>
    %select_n3A_804 = arith.select %eq3A_794, %broadcast_in_dim3A_803, %get3A_781 : vector<128x4096xi1>, vector<128x4096xf32>
    %swap3A_805 = arith.constant 0 : index
    %swap3A_806 = arith.constant 0 : index
    %swap3A_807 = vector.load %arg5[%swap3A_805, %swap3A_806] : memref<128x4096xf32, #tpu.memory_space<vmem>>, vector<128x4096xf32>
    tpu.vector_store %arg5[%swap3A_805, %swap3A_806], %select_n3A_804 {strides = array<i32>} : memref<128x4096xf32, #tpu.memory_space<vmem>>, vector<128x4096xf32>,
    %get3A_808 = arith.constant 0 : index
    %get3A_809 = arith.constant 0 : index
    %get3A_810 = vector.load %arg5[%get3A_808, %get3A_809] : memref<128x4096xf32, #tpu.memory_space<vmem>>, vector<128x4096xf32>
    %reduce_min3A_811 = arith.constant dense<0x7F800000> : vector<128xf32>
    %reduce_min3A_812 = vector.multi_reduction <minimumf>, %get3A_810, %reduce_min3A_811 [1] : vector<128x4096xf32> to vector<128xf32>
    %broadcast_in_dim3A_813 = vector.shape_cast %reduce_min3A_812 : vector<128xf32> to vector<128x1xf32>
    %eq3A_814 = vector.broadcast %broadcast_in_dim3A_813 : vector<128x1xf32> to vector<128x4096xf32>
    %eq3A_815 = arith.cmpf oeq, %get3A_810, %eq3A_814 : vector<128x4096xf32>
    %jit3A_816 = arith.constant 100352 : i32
    %broadcast_in_dim3A_817 = vector.broadcast %jit3A_816 : i32 to vector<128x4096xi32>
    %select_n3A_818 = arith.select %eq3A_815, %concatenate3A, %broadcast_in_dim3A_817 : vector<128x4096xi1>, vector<128x4096xi32>
    %reduce_min3A_819 = arith.constant dense<2147483647> : vector<128xi32>
    %reduce_min3A_820 = vector.multi_reduction <minsi>, %select_n3A_818, %reduce_min3A_819 [1] : vector<128x4096xi32> to vector<128xi32>
    %broadcast_in_dim3A_821 = vector.shape_cast %reduce_min3A_820 : vector<128xi32> to vector<128x1xi32>
    %eq3A_822 = vector.broadcast %broadcast_in_dim3A_821 : vector<128x1xi32> to vector<128x4096xi32>
    %eq3A_823 = arith.cmpi eq, %concatenate3A, %eq3A_822 : vector<128x4096xi32>
    %jit3A_824 = arith.constant 0.000000e+00 : f32
    %broadcast_in_dim3A_825 = vector.broadcast %jit3A_824 : f32 to vector<128x4096xf32>
    %select_n3A_826 = arith.select %eq3A_823, %get3A_6, %broadcast_in_dim3A_825 : vector<128x4096xi1>, vector<128x4096xf32>
    %reduce_sum3A_827 = arith.constant dense<0.000000e+00> : vector<128xf32>
    %reduce_sum3A_828 = vector.multi_reduction <add>, %select_n3A_826, %reduce_sum3A_827 [1] : vector<128x4096xf32> to vector<128xf32>
    %broadcast_in_dim3A_829 = vector.shape_cast %reduce_sum3A_828 : vector<128xf32> to vector<128x1xf32>
    %add3A_830 = arith.addf %add3A_801, %broadcast_in_dim3A_829 : vector<128x1xf32>
    %jit3A_831 = arith.constant 1.000000e+30 : f32
    %broadcast_in_dim3A_832 = vector.broadcast %jit3A_831 : f32 to vector<128x4096xf32>
    %select_n3A_833 = arith.select %eq3A_823, %broadcast_in_dim3A_832, %get3A_810 : vector<128x4096xi1>, vector<128x4096xf32>
    %swap3A_834 = arith.constant 0 : index
    %swap3A_835 = arith.constant 0 : index
    %swap3A_836 = vector.load %arg5[%swap3A_834, %swap3A_835] : memref<128x4096xf32, #tpu.memory_space<vmem>>, vector<128x4096xf32>
    tpu.vector_store %arg5[%swap3A_834, %swap3A_835], %select_n3A_833 {strides = array<i32>} : memref<128x4096xf32, #tpu.memory_space<vmem>>, vector<128x4096xf32>,
    %get3A_837 = arith.constant 0 : index
    %get3A_838 = arith.constant 0 : index
    %get3A_839 = vector.load %arg5[%get3A_837, %get3A_838] : memref<128x4096xf32, #tpu.memory_space<vmem>>, vector<128x4096xf32>
    %reduce_min3A_840 = arith.constant dense<0x7F800000> : vector<128xf32>
    %reduce_min3A_841 = vector.multi_reduction <minimumf>, %get3A_839, %reduce_min3A_840 [1] : vector<128x4096xf32> to vector<128xf32>
    %broadcast_in_dim3A_842 = vector.shape_cast %reduce_min3A_841 : vector<128xf32> to vector<128x1xf32>
    %eq3A_843 = vector.broadcast %broadcast_in_dim3A_842 : vector<128x1xf32> to vector<128x4096xf32>
    %eq3A_844 = arith.cmpf oeq, %get3A_839, %eq3A_843 : vector<128x4096xf32>
    %jit3A_845 = arith.constant 100352 : i32
    %broadcast_in_dim3A_846 = vector.broadcast %jit3A_845 : i32 to vector<128x4096xi32>
    %select_n3A_847 = arith.select %eq3A_844, %concatenate3A, %broadcast_in_dim3A_846 : vector<128x4096xi1>, vector<128x4096xi32>
    %reduce_min3A_848 = arith.constant dense<2147483647> : vector<128xi32>
    %reduce_min3A_849 = vector.multi_reduction <minsi>, %select_n3A_847, %reduce_min3A_848 [1] : vector<128x4096xi32> to vector<128xi32>
    %broadcast_in_dim3A_850 = vector.shape_cast %reduce_min3A_849 : vector<128xi32> to vector<128x1xi32>
    %eq3A_851 = vector.broadcast %broadcast_in_dim3A_850 : vector<128x1xi32> to vector<128x4096xi32>
    %eq3A_852 = arith.cmpi eq, %concatenate3A, %eq3A_851 : vector<128x4096xi32>
    %jit3A_853 = arith.constant 0.000000e+00 : f32
    %broadcast_in_dim3A_854 = vector.broadcast %jit3A_853 : f32 to vector<128x4096xf32>
    %select_n3A_855 = arith.select %eq3A_852, %get3A_6, %broadcast_in_dim3A_854 : vector<128x4096xi1>, vector<128x4096xf32>
    %reduce_sum3A_856 = arith.constant dense<0.000000e+00> : vector<128xf32>
    %reduce_sum3A_857 = vector.multi_reduction <add>, %select_n3A_855, %reduce_sum3A_856 [1] : vector<128x4096xf32> to vector<128xf32>
    %broadcast_in_dim3A_858 = vector.shape_cast %reduce_sum3A_857 : vector<128xf32> to vector<128x1xf32>
    %add3A_859 = arith.addf %add3A_830, %broadcast_in_dim3A_858 : vector<128x1xf32>
    %jit3A_860 = arith.constant 1.000000e+30 : f32
    %broadcast_in_dim3A_861 = vector.broadcast %jit3A_860 : f32 to vector<128x4096xf32>
    %select_n3A_862 = arith.select %eq3A_852, %broadcast_in_dim3A_861, %get3A_839 : vector<128x4096xi1>, vector<128x4096xf32>
    %swap3A_863 = arith.constant 0 : index
    %swap3A_864 = arith.constant 0 : index
    %swap3A_865 = vector.load %arg5[%swap3A_863, %swap3A_864] : memref<128x4096xf32, #tpu.memory_space<vmem>>, vector<128x4096xf32>
    tpu.vector_store %arg5[%swap3A_863, %swap3A_864], %select_n3A_862 {strides = array<i32>} : memref<128x4096xf32, #tpu.memory_space<vmem>>, vector<128x4096xf32>,
    %get3A_866 = arith.constant 0 : index
    %get3A_867 = arith.constant 0 : index
    %get3A_868 = vector.load %arg5[%get3A_866, %get3A_867] : memref<128x4096xf32, #tpu.memory_space<vmem>>, vector<128x4096xf32>
    %reduce_min3A_869 = arith.constant dense<0x7F800000> : vector<128xf32>
    %reduce_min3A_870 = vector.multi_reduction <minimumf>, %get3A_868, %reduce_min3A_869 [1] : vector<128x4096xf32> to vector<128xf32>
    %broadcast_in_dim3A_871 = vector.shape_cast %reduce_min3A_870 : vector<128xf32> to vector<128x1xf32>
    %eq3A_872 = vector.broadcast %broadcast_in_dim3A_871 : vector<128x1xf32> to vector<128x4096xf32>
    %eq3A_873 = arith.cmpf oeq, %get3A_868, %eq3A_872 : vector<128x4096xf32>
    %jit3A_874 = arith.constant 100352 : i32
    %broadcast_in_dim3A_875 = vector.broadcast %jit3A_874 : i32 to vector<128x4096xi32>
    %select_n3A_876 = arith.select %eq3A_873, %concatenate3A, %broadcast_in_dim3A_875 : vector<128x4096xi1>, vector<128x4096xi32>
    %reduce_min3A_877 = arith.constant dense<2147483647> : vector<128xi32>
    %reduce_min3A_878 = vector.multi_reduction <minsi>, %select_n3A_876, %reduce_min3A_877 [1] : vector<128x4096xi32> to vector<128xi32>
    %broadcast_in_dim3A_879 = vector.shape_cast %reduce_min3A_878 : vector<128xi32> to vector<128x1xi32>
    %eq3A_880 = vector.broadcast %broadcast_in_dim3A_879 : vector<128x1xi32> to vector<128x4096xi32>
    %eq3A_881 = arith.cmpi eq, %concatenate3A, %eq3A_880 : vector<128x4096xi32>
    %jit3A_882 = arith.constant 0.000000e+00 : f32
    %broadcast_in_dim3A_883 = vector.broadcast %jit3A_882 : f32 to vector<128x4096xf32>
    %select_n3A_884 = arith.select %eq3A_881, %get3A_6, %broadcast_in_dim3A_883 : vector<128x4096xi1>, vector<128x4096xf32>
    %reduce_sum3A_885 = arith.constant dense<0.000000e+00> : vector<128xf32>
    %reduce_sum3A_886 = vector.multi_reduction <add>, %select_n3A_884, %reduce_sum3A_885 [1] : vector<128x4096xf32> to vector<128xf32>
    %broadcast_in_dim3A_887 = vector.shape_cast %reduce_sum3A_886 : vector<128xf32> to vector<128x1xf32>
    %add3A_888 = arith.addf %add3A_859, %broadcast_in_dim3A_887 : vector<128x1xf32>
    %jit3A_889 = arith.constant 1.000000e+30 : f32
    %broadcast_in_dim3A_890 = vector.broadcast %jit3A_889 : f32 to vector<128x4096xf32>
    %select_n3A_891 = arith.select %eq3A_881, %broadcast_in_dim3A_890, %get3A_868 : vector<128x4096xi1>, vector<128x4096xf32>
    %swap3A_892 = arith.constant 0 : index
    %swap3A_893 = arith.constant 0 : index
    %swap3A_894 = vector.load %arg5[%swap3A_892, %swap3A_893] : memref<128x4096xf32, #tpu.memory_space<vmem>>, vector<128x4096xf32>
    tpu.vector_store %arg5[%swap3A_892, %swap3A_893], %select_n3A_891 {strides = array<i32>} : memref<128x4096xf32, #tpu.memory_space<vmem>>, vector<128x4096xf32>,
    %get3A_895 = arith.constant 0 : index
    %get3A_896 = arith.constant 0 : index
    %get3A_897 = vector.load %arg5[%get3A_895, %get3A_896] : memref<128x4096xf32, #tpu.memory_space<vmem>>, vector<128x4096xf32>
    %reduce_min3A_898 = arith.constant dense<0x7F800000> : vector<128xf32>
    %reduce_min3A_899 = vector.multi_reduction <minimumf>, %get3A_897, %reduce_min3A_898 [1] : vector<128x4096xf32> to vector<128xf32>
    %broadcast_in_dim3A_900 = vector.shape_cast %reduce_min3A_899 : vector<128xf32> to vector<128x1xf32>
    %eq3A_901 = vector.broadcast %broadcast_in_dim3A_900 : vector<128x1xf32> to vector<128x4096xf32>
    %eq3A_902 = arith.cmpf oeq, %get3A_897, %eq3A_901 : vector<128x4096xf32>
    %jit3A_903 = arith.constant 100352 : i32
    %broadcast_in_dim3A_904 = vector.broadcast %jit3A_903 : i32 to vector<128x4096xi32>
    %select_n3A_905 = arith.select %eq3A_902, %concatenate3A, %broadcast_in_dim3A_904 : vector<128x4096xi1>, vector<128x4096xi32>
    %reduce_min3A_906 = arith.constant dense<2147483647> : vector<128xi32>
    %reduce_min3A_907 = vector.multi_reduction <minsi>, %select_n3A_905, %reduce_min3A_906 [1] : vector<128x4096xi32> to vector<128xi32>
    %broadcast_in_dim3A_908 = vector.shape_cast %reduce_min3A_907 : vector<128xi32> to vector<128x1xi32>
    %eq3A_909 = vector.broadcast %broadcast_in_dim3A_908 : vector<128x1xi32> to vector<128x4096xi32>
    %eq3A_910 = arith.cmpi eq, %concatenate3A, %eq3A_909 : vector<128x4096xi32>
    %jit3A_911 = arith.constant 0.000000e+00 : f32
    %broadcast_in_dim3A_912 = vector.broadcast %jit3A_911 : f32 to vector<128x4096xf32>
    %select_n3A_913 = arith.select %eq3A_910, %get3A_6, %broadcast_in_dim3A_912 : vector<128x4096xi1>, vector<128x4096xf32>
    %reduce_sum3A_914 = arith.constant dense<0.000000e+00> : vector<128xf32>
    %reduce_sum3A_915 = vector.multi_reduction <add>, %select_n3A_913, %reduce_sum3A_914 [1] : vector<128x4096xf32> to vector<128xf32>
    %broadcast_in_dim3A_916 = vector.shape_cast %reduce_sum3A_915 : vector<128xf32> to vector<128x1xf32>
    %add3A_917 = arith.addf %add3A_888, %broadcast_in_dim3A_916 : vector<128x1xf32>
    %jit3A_918 = arith.constant 1.000000e+30 : f32
    %broadcast_in_dim3A_919 = vector.broadcast %jit3A_918 : f32 to vector<128x4096xf32>
    %select_n3A_920 = arith.select %eq3A_910, %broadcast_in_dim3A_919, %get3A_897 : vector<128x4096xi1>, vector<128x4096xf32>
    %swap3A_921 = arith.constant 0 : index
    %swap3A_922 = arith.constant 0 : index
    %swap3A_923 = vector.load %arg5[%swap3A_921, %swap3A_922] : memref<128x4096xf32, #tpu.memory_space<vmem>>, vector<128x4096xf32>
    tpu.vector_store %arg5[%swap3A_921, %swap3A_922], %select_n3A_920 {strides = array<i32>} : memref<128x4096xf32, #tpu.memory_space<vmem>>, vector<128x4096xf32>,
    %get3A_924 = arith.constant 0 : index
    %get3A_925 = arith.constant 0 : index
    %get3A_926 = vector.load %arg5[%get3A_924, %get3A_925] : memref<128x4096xf32, #tpu.memory_space<vmem>>, vector<128x4096xf32>
    %reduce_min3A_927 = arith.constant dense<0x7F800000> : vector<128xf32>
    %reduce_min3A_928 = vector.multi_reduction <minimumf>, %get3A_926, %reduce_min3A_927 [1] : vector<128x4096xf32> to vector<128xf32>
    %broadcast_in_dim3A_929 = vector.shape_cast %reduce_min3A_928 : vector<128xf32> to vector<128x1xf32>
    %eq3A_930 = vector.broadcast %broadcast_in_dim3A_929 : vector<128x1xf32> to vector<128x4096xf32>
    %eq3A_931 = arith.cmpf oeq, %get3A_926, %eq3A_930 : vector<128x4096xf32>
    %jit3A_932 = arith.constant 100352 : i32
    %broadcast_in_dim3A_933 = vector.broadcast %jit3A_932 : i32 to vector<128x4096xi32>
    %select_n3A_934 = arith.select %eq3A_931, %concatenate3A, %broadcast_in_dim3A_933 : vector<128x4096xi1>, vector<128x4096xi32>
    %reduce_min3A_935 = arith.constant dense<2147483647> : vector<128xi32>
    %reduce_min3A_936 = vector.multi_reduction <minsi>, %select_n3A_934, %reduce_min3A_935 [1] : vector<128x4096xi32> to vector<128xi32>
    %broadcast_in_dim3A_937 = vector.shape_cast %reduce_min3A_936 : vector<128xi32> to vector<128x1xi32>
    %eq3A_938 = vector.broadcast %broadcast_in_dim3A_937 : vector<128x1xi32> to vector<128x4096xi32>
    %eq3A_939 = arith.cmpi eq, %concatenate3A, %eq3A_938 : vector<128x4096xi32>
    %jit3A_940 = arith.constant 0.000000e+00 : f32
    %broadcast_in_dim3A_941 = vector.broadcast %jit3A_940 : f32 to vector<128x4096xf32>
    %select_n3A_942 = arith.select %eq3A_939, %get3A_6, %broadcast_in_dim3A_941 : vector<128x4096xi1>, vector<128x4096xf32>
    %reduce_sum3A_943 = arith.constant dense<0.000000e+00> : vector<128xf32>
    %reduce_sum3A_944 = vector.multi_reduction <add>, %select_n3A_942, %reduce_sum3A_943 [1] : vector<128x4096xf32> to vector<128xf32>
    %broadcast_in_dim3A_945 = vector.shape_cast %reduce_sum3A_944 : vector<128xf32> to vector<128x1xf32>
    %add3A_946 = arith.addf %add3A_917, %broadcast_in_dim3A_945 : vector<128x1xf32>
    %jit3A_947 = arith.constant 1.000000e+30 : f32
    %broadcast_in_dim3A_948 = vector.broadcast %jit3A_947 : f32 to vector<128x4096xf32>
    %select_n3A_949 = arith.select %eq3A_939, %broadcast_in_dim3A_948, %get3A_926 : vector<128x4096xi1>, vector<128x4096xf32>
    %swap3A_950 = arith.constant 0 : index
    %swap3A_951 = arith.constant 0 : index
    %swap3A_952 = vector.load %arg5[%swap3A_950, %swap3A_951] : memref<128x4096xf32, #tpu.memory_space<vmem>>, vector<128x4096xf32>
    tpu.vector_store %arg5[%swap3A_950, %swap3A_951], %select_n3A_949 {strides = array<i32>} : memref<128x4096xf32, #tpu.memory_space<vmem>>, vector<128x4096xf32>,
    %get3A_953 = arith.constant 0 : index
    %get3A_954 = arith.constant 0 : index
    %get3A_955 = vector.load %arg5[%get3A_953, %get3A_954] : memref<128x4096xf32, #tpu.memory_space<vmem>>, vector<128x4096xf32>
    %reduce_min3A_956 = arith.constant dense<0x7F800000> : vector<128xf32>
    %reduce_min3A_957 = vector.multi_reduction <minimumf>, %get3A_955, %reduce_min3A_956 [1] : vector<128x4096xf32> to vector<128xf32>
    %broadcast_in_dim3A_958 = vector.shape_cast %reduce_min3A_957 : vector<128xf32> to vector<128x1xf32>
    %eq3A_959 = vector.broadcast %broadcast_in_dim3A_958 : vector<128x1xf32> to vector<128x4096xf32>
    %eq3A_960 = arith.cmpf oeq, %get3A_955, %eq3A_959 : vector<128x4096xf32>
    %jit3A_961 = arith.constant 100352 : i32
    %broadcast_in_dim3A_962 = vector.broadcast %jit3A_961 : i32 to vector<128x4096xi32>
    %select_n3A_963 = arith.select %eq3A_960, %concatenate3A, %broadcast_in_dim3A_962 : vector<128x4096xi1>, vector<128x4096xi32>
    %reduce_min3A_964 = arith.constant dense<2147483647> : vector<128xi32>
    %reduce_min3A_965 = vector.multi_reduction <minsi>, %select_n3A_963, %reduce_min3A_964 [1] : vector<128x4096xi32> to vector<128xi32>
    %broadcast_in_dim3A_966 = vector.shape_cast %reduce_min3A_965 : vector<128xi32> to vector<128x1xi32>
    %eq3A_967 = vector.broadcast %broadcast_in_dim3A_966 : vector<128x1xi32> to vector<128x4096xi32>
    %eq3A_968 = arith.cmpi eq, %concatenate3A, %eq3A_967 : vector<128x4096xi32>
    %jit3A_969 = arith.constant 0.000000e+00 : f32
    %broadcast_in_dim3A_970 = vector.broadcast %jit3A_969 : f32 to vector<128x4096xf32>
    %select_n3A_971 = arith.select %eq3A_968, %get3A_6, %broadcast_in_dim3A_970 : vector<128x4096xi1>, vector<128x4096xf32>
    %reduce_sum3A_972 = arith.constant dense<0.000000e+00> : vector<128xf32>
    %reduce_sum3A_973 = vector.multi_reduction <add>, %select_n3A_971, %reduce_sum3A_972 [1] : vector<128x4096xf32> to vector<128xf32>
    %broadcast_in_dim3A_974 = vector.shape_cast %reduce_sum3A_973 : vector<128xf32> to vector<128x1xf32>
    %add3A_975 = arith.addf %add3A_946, %broadcast_in_dim3A_974 : vector<128x1xf32>
    %jit3A_976 = arith.constant 1.000000e+30 : f32
    %broadcast_in_dim3A_977 = vector.broadcast %jit3A_976 : f32 to vector<128x4096xf32>
    %select_n3A_978 = arith.select %eq3A_968, %broadcast_in_dim3A_977, %get3A_955 : vector<128x4096xi1>, vector<128x4096xf32>
    %swap3A_979 = arith.constant 0 : index
    %swap3A_980 = arith.constant 0 : index
    %swap3A_981 = vector.load %arg5[%swap3A_979, %swap3A_980] : memref<128x4096xf32, #tpu.memory_space<vmem>>, vector<128x4096xf32>
    tpu.vector_store %arg5[%swap3A_979, %swap3A_980], %select_n3A_978 {strides = array<i32>} : memref<128x4096xf32, #tpu.memory_space<vmem>>, vector<128x4096xf32>,
    %get3A_982 = arith.constant 0 : index
    %get3A_983 = arith.constant 0 : index
    %get3A_984 = vector.load %arg5[%get3A_982, %get3A_983] : memref<128x4096xf32, #tpu.memory_space<vmem>>, vector<128x4096xf32>
    %reduce_min3A_985 = arith.constant dense<0x7F800000> : vector<128xf32>
    %reduce_min3A_986 = vector.multi_reduction <minimumf>, %get3A_984, %reduce_min3A_985 [1] : vector<128x4096xf32> to vector<128xf32>
    %broadcast_in_dim3A_987 = vector.shape_cast %reduce_min3A_986 : vector<128xf32> to vector<128x1xf32>
    %eq3A_988 = vector.broadcast %broadcast_in_dim3A_987 : vector<128x1xf32> to vector<128x4096xf32>
    %eq3A_989 = arith.cmpf oeq, %get3A_984, %eq3A_988 : vector<128x4096xf32>
    %jit3A_990 = arith.constant 100352 : i32
    %broadcast_in_dim3A_991 = vector.broadcast %jit3A_990 : i32 to vector<128x4096xi32>
    %select_n3A_992 = arith.select %eq3A_989, %concatenate3A, %broadcast_in_dim3A_991 : vector<128x4096xi1>, vector<128x4096xi32>
    %reduce_min3A_993 = arith.constant dense<2147483647> : vector<128xi32>
    %reduce_min3A_994 = vector.multi_reduction <minsi>, %select_n3A_992, %reduce_min3A_993 [1] : vector<128x4096xi32> to vector<128xi32>
    %broadcast_in_dim3A_995 = vector.shape_cast %reduce_min3A_994 : vector<128xi32> to vector<128x1xi32>
    %eq3A_996 = vector.broadcast %broadcast_in_dim3A_995 : vector<128x1xi32> to vector<128x4096xi32>
    %eq3A_997 = arith.cmpi eq, %concatenate3A, %eq3A_996 : vector<128x4096xi32>
    %jit3A_998 = arith.constant 0.000000e+00 : f32
    %broadcast_in_dim3A_999 = vector.broadcast %jit3A_998 : f32 to vector<128x4096xf32>
    %select_n3A_1000 = arith.select %eq3A_997, %get3A_6, %broadcast_in_dim3A_999 : vector<128x4096xi1>, vector<128x4096xf32>
    %reduce_sum3A_1001 = arith.constant dense<0.000000e+00> : vector<128xf32>
    %reduce_sum3A_1002 = vector.multi_reduction <add>, %select_n3A_1000, %reduce_sum3A_1001 [1] : vector<128x4096xf32> to vector<128xf32>
    %broadcast_in_dim3A_1003 = vector.shape_cast %reduce_sum3A_1002 : vector<128xf32> to vector<128x1xf32>
    %add3A_1004 = arith.addf %add3A_975, %broadcast_in_dim3A_1003 : vector<128x1xf32>
    %jit3A_1005 = arith.constant 1.000000e+30 : f32
    %broadcast_in_dim3A_1006 = vector.broadcast %jit3A_1005 : f32 to vector<128x4096xf32>
    %select_n3A_1007 = arith.select %eq3A_997, %broadcast_in_dim3A_1006, %get3A_984 : vector<128x4096xi1>, vector<128x4096xf32>
    %swap3A_1008 = arith.constant 0 : index
    %swap3A_1009 = arith.constant 0 : index
    %swap3A_1010 = vector.load %arg5[%swap3A_1008, %swap3A_1009] : memref<128x4096xf32, #tpu.memory_space<vmem>>, vector<128x4096xf32>
    tpu.vector_store %arg5[%swap3A_1008, %swap3A_1009], %select_n3A_1007 {strides = array<i32>} : memref<128x4096xf32, #tpu.memory_space<vmem>>, vector<128x4096xf32>,
    %get3A_1011 = arith.constant 0 : index
    %get3A_1012 = arith.constant 0 : index
    %get3A_1013 = vector.load %arg5[%get3A_1011, %get3A_1012] : memref<128x4096xf32, #tpu.memory_space<vmem>>, vector<128x4096xf32>
    %reduce_min3A_1014 = arith.constant dense<0x7F800000> : vector<128xf32>
    %reduce_min3A_1015 = vector.multi_reduction <minimumf>, %get3A_1013, %reduce_min3A_1014 [1] : vector<128x4096xf32> to vector<128xf32>
    %broadcast_in_dim3A_1016 = vector.shape_cast %reduce_min3A_1015 : vector<128xf32> to vector<128x1xf32>
    %eq3A_1017 = vector.broadcast %broadcast_in_dim3A_1016 : vector<128x1xf32> to vector<128x4096xf32>
    %eq3A_1018 = arith.cmpf oeq, %get3A_1013, %eq3A_1017 : vector<128x4096xf32>
    %jit3A_1019 = arith.constant 100352 : i32
    %broadcast_in_dim3A_1020 = vector.broadcast %jit3A_1019 : i32 to vector<128x4096xi32>
    %select_n3A_1021 = arith.select %eq3A_1018, %concatenate3A, %broadcast_in_dim3A_1020 : vector<128x4096xi1>, vector<128x4096xi32>
    %reduce_min3A_1022 = arith.constant dense<2147483647> : vector<128xi32>
    %reduce_min3A_1023 = vector.multi_reduction <minsi>, %select_n3A_1021, %reduce_min3A_1022 [1] : vector<128x4096xi32> to vector<128xi32>
    %broadcast_in_dim3A_1024 = vector.shape_cast %reduce_min3A_1023 : vector<128xi32> to vector<128x1xi32>
    %eq3A_1025 = vector.broadcast %broadcast_in_dim3A_1024 : vector<128x1xi32> to vector<128x4096xi32>
    %eq3A_1026 = arith.cmpi eq, %concatenate3A, %eq3A_1025 : vector<128x4096xi32>
    %jit3A_1027 = arith.constant 0.000000e+00 : f32
    %broadcast_in_dim3A_1028 = vector.broadcast %jit3A_1027 : f32 to vector<128x4096xf32>
    %select_n3A_1029 = arith.select %eq3A_1026, %get3A_6, %broadcast_in_dim3A_1028 : vector<128x4096xi1>, vector<128x4096xf32>
    %reduce_sum3A_1030 = arith.constant dense<0.000000e+00> : vector<128xf32>
    %reduce_sum3A_1031 = vector.multi_reduction <add>, %select_n3A_1029, %reduce_sum3A_1030 [1] : vector<128x4096xf32> to vector<128xf32>
    %broadcast_in_dim3A_1032 = vector.shape_cast %reduce_sum3A_1031 : vector<128xf32> to vector<128x1xf32>
    %add3A_1033 = arith.addf %add3A_1004, %broadcast_in_dim3A_1032 : vector<128x1xf32>
    %jit3A_1034 = arith.constant 1.000000e+30 : f32
    %broadcast_in_dim3A_1035 = vector.broadcast %jit3A_1034 : f32 to vector<128x4096xf32>
    %select_n3A_1036 = arith.select %eq3A_1026, %broadcast_in_dim3A_1035, %get3A_1013 : vector<128x4096xi1>, vector<128x4096xf32>
    %swap3A_1037 = arith.constant 0 : index
    %swap3A_1038 = arith.constant 0 : index
    %swap3A_1039 = vector.load %arg5[%swap3A_1037, %swap3A_1038] : memref<128x4096xf32, #tpu.memory_space<vmem>>, vector<128x4096xf32>
    tpu.vector_store %arg5[%swap3A_1037, %swap3A_1038], %select_n3A_1036 {strides = array<i32>} : memref<128x4096xf32, #tpu.memory_space<vmem>>, vector<128x4096xf32>,
    %get3A_1040 = arith.constant 0 : index
    %get3A_1041 = arith.constant 0 : index
    %get3A_1042 = vector.load %arg5[%get3A_1040, %get3A_1041] : memref<128x4096xf32, #tpu.memory_space<vmem>>, vector<128x4096xf32>
    %reduce_min3A_1043 = arith.constant dense<0x7F800000> : vector<128xf32>
    %reduce_min3A_1044 = vector.multi_reduction <minimumf>, %get3A_1042, %reduce_min3A_1043 [1] : vector<128x4096xf32> to vector<128xf32>
    %broadcast_in_dim3A_1045 = vector.shape_cast %reduce_min3A_1044 : vector<128xf32> to vector<128x1xf32>
    %eq3A_1046 = vector.broadcast %broadcast_in_dim3A_1045 : vector<128x1xf32> to vector<128x4096xf32>
    %eq3A_1047 = arith.cmpf oeq, %get3A_1042, %eq3A_1046 : vector<128x4096xf32>
    %jit3A_1048 = arith.constant 100352 : i32
    %broadcast_in_dim3A_1049 = vector.broadcast %jit3A_1048 : i32 to vector<128x4096xi32>
    %select_n3A_1050 = arith.select %eq3A_1047, %concatenate3A, %broadcast_in_dim3A_1049 : vector<128x4096xi1>, vector<128x4096xi32>
    %reduce_min3A_1051 = arith.constant dense<2147483647> : vector<128xi32>
    %reduce_min3A_1052 = vector.multi_reduction <minsi>, %select_n3A_1050, %reduce_min3A_1051 [1] : vector<128x4096xi32> to vector<128xi32>
    %broadcast_in_dim3A_1053 = vector.shape_cast %reduce_min3A_1052 : vector<128xi32> to vector<128x1xi32>
    %eq3A_1054 = vector.broadcast %broadcast_in_dim3A_1053 : vector<128x1xi32> to vector<128x4096xi32>
    %eq3A_1055 = arith.cmpi eq, %concatenate3A, %eq3A_1054 : vector<128x4096xi32>
    %jit3A_1056 = arith.constant 0.000000e+00 : f32
    %broadcast_in_dim3A_1057 = vector.broadcast %jit3A_1056 : f32 to vector<128x4096xf32>
    %select_n3A_1058 = arith.select %eq3A_1055, %get3A_6, %broadcast_in_dim3A_1057 : vector<128x4096xi1>, vector<128x4096xf32>
    %reduce_sum3A_1059 = arith.constant dense<0.000000e+00> : vector<128xf32>
    %reduce_sum3A_1060 = vector.multi_reduction <add>, %select_n3A_1058, %reduce_sum3A_1059 [1] : vector<128x4096xf32> to vector<128xf32>
    %broadcast_in_dim3A_1061 = vector.shape_cast %reduce_sum3A_1060 : vector<128xf32> to vector<128x1xf32>
    %add3A_1062 = arith.addf %add3A_1033, %broadcast_in_dim3A_1061 : vector<128x1xf32>
    %jit3A_1063 = arith.constant 1.000000e+30 : f32
    %broadcast_in_dim3A_1064 = vector.broadcast %jit3A_1063 : f32 to vector<128x4096xf32>
    %select_n3A_1065 = arith.select %eq3A_1055, %broadcast_in_dim3A_1064, %get3A_1042 : vector<128x4096xi1>, vector<128x4096xf32>
    %swap3A_1066 = arith.constant 0 : index
    %swap3A_1067 = arith.constant 0 : index
    %swap3A_1068 = vector.load %arg5[%swap3A_1066, %swap3A_1067] : memref<128x4096xf32, #tpu.memory_space<vmem>>, vector<128x4096xf32>
    tpu.vector_store %arg5[%swap3A_1066, %swap3A_1067], %select_n3A_1065 {strides = array<i32>} : memref<128x4096xf32, #tpu.memory_space<vmem>>, vector<128x4096xf32>,
    %get3A_1069 = arith.constant 0 : index
    %get3A_1070 = arith.constant 0 : index
    %get3A_1071 = vector.load %arg5[%get3A_1069, %get3A_1070] : memref<128x4096xf32, #tpu.memory_space<vmem>>, vector<128x4096xf32>
    %reduce_min3A_1072 = arith.constant dense<0x7F800000> : vector<128xf32>
    %reduce_min3A_1073 = vector.multi_reduction <minimumf>, %get3A_1071, %reduce_min3A_1072 [1] : vector<128x4096xf32> to vector<128xf32>
    %broadcast_in_dim3A_1074 = vector.shape_cast %reduce_min3A_1073 : vector<128xf32> to vector<128x1xf32>
    %eq3A_1075 = vector.broadcast %broadcast_in_dim3A_1074 : vector<128x1xf32> to vector<128x4096xf32>
    %eq3A_1076 = arith.cmpf oeq, %get3A_1071, %eq3A_1075 : vector<128x4096xf32>
    %jit3A_1077 = arith.constant 100352 : i32
    %broadcast_in_dim3A_1078 = vector.broadcast %jit3A_1077 : i32 to vector<128x4096xi32>
    %select_n3A_1079 = arith.select %eq3A_1076, %concatenate3A, %broadcast_in_dim3A_1078 : vector<128x4096xi1>, vector<128x4096xi32>
    %reduce_min3A_1080 = arith.constant dense<2147483647> : vector<128xi32>
    %reduce_min3A_1081 = vector.multi_reduction <minsi>, %select_n3A_1079, %reduce_min3A_1080 [1] : vector<128x4096xi32> to vector<128xi32>
    %broadcast_in_dim3A_1082 = vector.shape_cast %reduce_min3A_1081 : vector<128xi32> to vector<128x1xi32>
    %eq3A_1083 = vector.broadcast %broadcast_in_dim3A_1082 : vector<128x1xi32> to vector<128x4096xi32>
    %eq3A_1084 = arith.cmpi eq, %concatenate3A, %eq3A_1083 : vector<128x4096xi32>
    %jit3A_1085 = arith.constant 0.000000e+00 : f32
    %broadcast_in_dim3A_1086 = vector.broadcast %jit3A_1085 : f32 to vector<128x4096xf32>
    %select_n3A_1087 = arith.select %eq3A_1084, %get3A_6, %broadcast_in_dim3A_1086 : vector<128x4096xi1>, vector<128x4096xf32>
    %reduce_sum3A_1088 = arith.constant dense<0.000000e+00> : vector<128xf32>
    %reduce_sum3A_1089 = vector.multi_reduction <add>, %select_n3A_1087, %reduce_sum3A_1088 [1] : vector<128x4096xf32> to vector<128xf32>
    %broadcast_in_dim3A_1090 = vector.shape_cast %reduce_sum3A_1089 : vector<128xf32> to vector<128x1xf32>
    %add3A_1091 = arith.addf %add3A_1062, %broadcast_in_dim3A_1090 : vector<128x1xf32>
    %jit3A_1092 = arith.constant 1.000000e+30 : f32
    %broadcast_in_dim3A_1093 = vector.broadcast %jit3A_1092 : f32 to vector<128x4096xf32>
    %select_n3A_1094 = arith.select %eq3A_1084, %broadcast_in_dim3A_1093, %get3A_1071 : vector<128x4096xi1>, vector<128x4096xf32>
    %swap3A_1095 = arith.constant 0 : index
    %swap3A_1096 = arith.constant 0 : index
    %swap3A_1097 = vector.load %arg5[%swap3A_1095, %swap3A_1096] : memref<128x4096xf32, #tpu.memory_space<vmem>>, vector<128x4096xf32>
    tpu.vector_store %arg5[%swap3A_1095, %swap3A_1096], %select_n3A_1094 {strides = array<i32>} : memref<128x4096xf32, #tpu.memory_space<vmem>>, vector<128x4096xf32>,
    %get3A_1098 = arith.constant 0 : index
    %get3A_1099 = arith.constant 0 : index
    %get3A_1100 = vector.load %arg5[%get3A_1098, %get3A_1099] : memref<128x4096xf32, #tpu.memory_space<vmem>>, vector<128x4096xf32>
    %reduce_min3A_1101 = arith.constant dense<0x7F800000> : vector<128xf32>
    %reduce_min3A_1102 = vector.multi_reduction <minimumf>, %get3A_1100, %reduce_min3A_1101 [1] : vector<128x4096xf32> to vector<128xf32>
    %broadcast_in_dim3A_1103 = vector.shape_cast %reduce_min3A_1102 : vector<128xf32> to vector<128x1xf32>
    %eq3A_1104 = vector.broadcast %broadcast_in_dim3A_1103 : vector<128x1xf32> to vector<128x4096xf32>
    %eq3A_1105 = arith.cmpf oeq, %get3A_1100, %eq3A_1104 : vector<128x4096xf32>
    %jit3A_1106 = arith.constant 100352 : i32
    %broadcast_in_dim3A_1107 = vector.broadcast %jit3A_1106 : i32 to vector<128x4096xi32>
    %select_n3A_1108 = arith.select %eq3A_1105, %concatenate3A, %broadcast_in_dim3A_1107 : vector<128x4096xi1>, vector<128x4096xi32>
    %reduce_min3A_1109 = arith.constant dense<2147483647> : vector<128xi32>
    %reduce_min3A_1110 = vector.multi_reduction <minsi>, %select_n3A_1108, %reduce_min3A_1109 [1] : vector<128x4096xi32> to vector<128xi32>
    %broadcast_in_dim3A_1111 = vector.shape_cast %reduce_min3A_1110 : vector<128xi32> to vector<128x1xi32>
    %eq3A_1112 = vector.broadcast %broadcast_in_dim3A_1111 : vector<128x1xi32> to vector<128x4096xi32>
    %eq3A_1113 = arith.cmpi eq, %concatenate3A, %eq3A_1112 : vector<128x4096xi32>
    %jit3A_1114 = arith.constant 0.000000e+00 : f32
    %broadcast_in_dim3A_1115 = vector.broadcast %jit3A_1114 : f32 to vector<128x4096xf32>
    %select_n3A_1116 = arith.select %eq3A_1113, %get3A_6, %broadcast_in_dim3A_1115 : vector<128x4096xi1>, vector<128x4096xf32>
    %reduce_sum3A_1117 = arith.constant dense<0.000000e+00> : vector<128xf32>
    %reduce_sum3A_1118 = vector.multi_reduction <add>, %select_n3A_1116, %reduce_sum3A_1117 [1] : vector<128x4096xf32> to vector<128xf32>
    %broadcast_in_dim3A_1119 = vector.shape_cast %reduce_sum3A_1118 : vector<128xf32> to vector<128x1xf32>
    %add3A_1120 = arith.addf %add3A_1091, %broadcast_in_dim3A_1119 : vector<128x1xf32>
    %jit3A_1121 = arith.constant 1.000000e+30 : f32
    %broadcast_in_dim3A_1122 = vector.broadcast %jit3A_1121 : f32 to vector<128x4096xf32>
    %select_n3A_1123 = arith.select %eq3A_1113, %broadcast_in_dim3A_1122, %get3A_1100 : vector<128x4096xi1>, vector<128x4096xf32>
    %swap3A_1124 = arith.constant 0 : index
    %swap3A_1125 = arith.constant 0 : index
    %swap3A_1126 = vector.load %arg5[%swap3A_1124, %swap3A_1125] : memref<128x4096xf32, #tpu.memory_space<vmem>>, vector<128x4096xf32>
    tpu.vector_store %arg5[%swap3A_1124, %swap3A_1125], %select_n3A_1123 {strides = array<i32>} : memref<128x4096xf32, #tpu.memory_space<vmem>>, vector<128x4096xf32>,
    %get3A_1127 = arith.constant 0 : index
    %get3A_1128 = arith.constant 0 : index
    %get3A_1129 = vector.load %arg5[%get3A_1127, %get3A_1128] : memref<128x4096xf32, #tpu.memory_space<vmem>>, vector<128x4096xf32>
    %reduce_min3A_1130 = arith.constant dense<0x7F800000> : vector<128xf32>
    %reduce_min3A_1131 = vector.multi_reduction <minimumf>, %get3A_1129, %reduce_min3A_1130 [1] : vector<128x4096xf32> to vector<128xf32>
    %broadcast_in_dim3A_1132 = vector.shape_cast %reduce_min3A_1131 : vector<128xf32> to vector<128x1xf32>
    %eq3A_1133 = vector.broadcast %broadcast_in_dim3A_1132 : vector<128x1xf32> to vector<128x4096xf32>
    %eq3A_1134 = arith.cmpf oeq, %get3A_1129, %eq3A_1133 : vector<128x4096xf32>
    %jit3A_1135 = arith.constant 100352 : i32
    %broadcast_in_dim3A_1136 = vector.broadcast %jit3A_1135 : i32 to vector<128x4096xi32>
    %select_n3A_1137 = arith.select %eq3A_1134, %concatenate3A, %broadcast_in_dim3A_1136 : vector<128x4096xi1>, vector<128x4096xi32>
    %reduce_min3A_1138 = arith.constant dense<2147483647> : vector<128xi32>
    %reduce_min3A_1139 = vector.multi_reduction <minsi>, %select_n3A_1137, %reduce_min3A_1138 [1] : vector<128x4096xi32> to vector<128xi32>
    %broadcast_in_dim3A_1140 = vector.shape_cast %reduce_min3A_1139 : vector<128xi32> to vector<128x1xi32>
    %eq3A_1141 = vector.broadcast %broadcast_in_dim3A_1140 : vector<128x1xi32> to vector<128x4096xi32>
    %eq3A_1142 = arith.cmpi eq, %concatenate3A, %eq3A_1141 : vector<128x4096xi32>
    %jit3A_1143 = arith.constant 0.000000e+00 : f32
    %broadcast_in_dim3A_1144 = vector.broadcast %jit3A_1143 : f32 to vector<128x4096xf32>
    %select_n3A_1145 = arith.select %eq3A_1142, %get3A_6, %broadcast_in_dim3A_1144 : vector<128x4096xi1>, vector<128x4096xf32>
    %reduce_sum3A_1146 = arith.constant dense<0.000000e+00> : vector<128xf32>
    %reduce_sum3A_1147 = vector.multi_reduction <add>, %select_n3A_1145, %reduce_sum3A_1146 [1] : vector<128x4096xf32> to vector<128xf32>
    %broadcast_in_dim3A_1148 = vector.shape_cast %reduce_sum3A_1147 : vector<128xf32> to vector<128x1xf32>
    %add3A_1149 = arith.addf %add3A_1120, %broadcast_in_dim3A_1148 : vector<128x1xf32>
    %jit3A_1150 = arith.constant 1.000000e+30 : f32
    %broadcast_in_dim3A_1151 = vector.broadcast %jit3A_1150 : f32 to vector<128x4096xf32>
    %select_n3A_1152 = arith.select %eq3A_1142, %broadcast_in_dim3A_1151, %get3A_1129 : vector<128x4096xi1>, vector<128x4096xf32>
    %swap3A_1153 = arith.constant 0 : index
    %swap3A_1154 = arith.constant 0 : index
    %swap3A_1155 = vector.load %arg5[%swap3A_1153, %swap3A_1154] : memref<128x4096xf32, #tpu.memory_space<vmem>>, vector<128x4096xf32>
    tpu.vector_store %arg5[%swap3A_1153, %swap3A_1154], %select_n3A_1152 {strides = array<i32>} : memref<128x4096xf32, #tpu.memory_space<vmem>>, vector<128x4096xf32>,
    %get3A_1156 = arith.constant 0 : index
    %get3A_1157 = arith.constant 0 : index
    %get3A_1158 = vector.load %arg5[%get3A_1156, %get3A_1157] : memref<128x4096xf32, #tpu.memory_space<vmem>>, vector<128x4096xf32>
    %reduce_min3A_1159 = arith.constant dense<0x7F800000> : vector<128xf32>
    %reduce_min3A_1160 = vector.multi_reduction <minimumf>, %get3A_1158, %reduce_min3A_1159 [1] : vector<128x4096xf32> to vector<128xf32>
    %broadcast_in_dim3A_1161 = vector.shape_cast %reduce_min3A_1160 : vector<128xf32> to vector<128x1xf32>
    %eq3A_1162 = vector.broadcast %broadcast_in_dim3A_1161 : vector<128x1xf32> to vector<128x4096xf32>
    %eq3A_1163 = arith.cmpf oeq, %get3A_1158, %eq3A_1162 : vector<128x4096xf32>
    %jit3A_1164 = arith.constant 100352 : i32
    %broadcast_in_dim3A_1165 = vector.broadcast %jit3A_1164 : i32 to vector<128x4096xi32>
    %select_n3A_1166 = arith.select %eq3A_1163, %concatenate3A, %broadcast_in_dim3A_1165 : vector<128x4096xi1>, vector<128x4096xi32>
    %reduce_min3A_1167 = arith.constant dense<2147483647> : vector<128xi32>
    %reduce_min3A_1168 = vector.multi_reduction <minsi>, %select_n3A_1166, %reduce_min3A_1167 [1] : vector<128x4096xi32> to vector<128xi32>
    %broadcast_in_dim3A_1169 = vector.shape_cast %reduce_min3A_1168 : vector<128xi32> to vector<128x1xi32>
    %eq3A_1170 = vector.broadcast %broadcast_in_dim3A_1169 : vector<128x1xi32> to vector<128x4096xi32>
    %eq3A_1171 = arith.cmpi eq, %concatenate3A, %eq3A_1170 : vector<128x4096xi32>
    %jit3A_1172 = arith.constant 0.000000e+00 : f32
    %broadcast_in_dim3A_1173 = vector.broadcast %jit3A_1172 : f32 to vector<128x4096xf32>
    %select_n3A_1174 = arith.select %eq3A_1171, %get3A_6, %broadcast_in_dim3A_1173 : vector<128x4096xi1>, vector<128x4096xf32>
    %reduce_sum3A_1175 = arith.constant dense<0.000000e+00> : vector<128xf32>
    %reduce_sum3A_1176 = vector.multi_reduction <add>, %select_n3A_1174, %reduce_sum3A_1175 [1] : vector<128x4096xf32> to vector<128xf32>
    %broadcast_in_dim3A_1177 = vector.shape_cast %reduce_sum3A_1176 : vector<128xf32> to vector<128x1xf32>
    %add3A_1178 = arith.addf %add3A_1149, %broadcast_in_dim3A_1177 : vector<128x1xf32>
    %jit3A_1179 = arith.constant 1.000000e+30 : f32
    %broadcast_in_dim3A_1180 = vector.broadcast %jit3A_1179 : f32 to vector<128x4096xf32>
    %select_n3A_1181 = arith.select %eq3A_1171, %broadcast_in_dim3A_1180, %get3A_1158 : vector<128x4096xi1>, vector<128x4096xf32>
    %swap3A_1182 = arith.constant 0 : index
    %swap3A_1183 = arith.constant 0 : index
    %swap3A_1184 = vector.load %arg5[%swap3A_1182, %swap3A_1183] : memref<128x4096xf32, #tpu.memory_space<vmem>>, vector<128x4096xf32>
    tpu.vector_store %arg5[%swap3A_1182, %swap3A_1183], %select_n3A_1181 {strides = array<i32>} : memref<128x4096xf32, #tpu.memory_space<vmem>>, vector<128x4096xf32>,
    %mul3A_1185 = arith.constant 3.125000e-02 : f32
    %mul3A_1186 = vector.broadcast %mul3A_1185 : f32 to vector<128x1xf32>
    %mul3A_1187 = arith.mulf %add3A_1178, %mul3A_1186 : vector<128x1xf32>
    %swap3A_1188 = arith.constant 0 : index
    %swap3A_1189 = arith.constant 0 : index
    %swap3A_1190 = vector.load %arg4[%swap3A_1188, %swap3A_1189] : memref<128x1xf32, #tpu.memory_space<vmem>>, vector<128x1xf32>
    tpu.vector_store %arg4[%swap3A_1188, %swap3A_1189], %mul3A_1187 {strides = array<i32>} : memref<128x1xf32, #tpu.memory_space<vmem>>, vector<128x1xf32>,
    return
  }
  func.func @transform_0(%arg0: i32) -> (i32, i32) {
    %c0_i32 = arith.constant 0 : i32
    %c0_i32_0 = arith.constant 0 : i32
    return %arg0, %c0_i32 : i32, i32
  }
  func.func @transform_1(%arg0: i32) -> (i32, i32) {
    %c0_i32 = arith.constant 0 : i32
    %c0_i32_0 = arith.constant 0 : i32
    return %arg0, %c0_i32 : i32, i32
  }
  func.func @transform_2(%arg0: i32) -> (i32, i32) {
    %c0_i32 = arith.constant 0 : i32
    %c0_i32_0 = arith.constant 0 : i32
    return %arg0, %c0_i32 : i32, i32
  }
  func.func @transform_3(%arg0: i32) -> (i32, i32) {
    %c0_i32 = arith.constant 0 : i32
    %c0_i32_0 = arith.constant 0 : i32
    return %arg0, %c0_i32 : i32, i32
  }
}

</mosaic_0001>

<sc_bundles>
// kernel: kernel.6.cloned.1.call-start
scs
__scs_entry_jumppad:
0x0: {  	(pc) =	sbr.rel $0x88, $3  }
0x1: {  	(tag) =	ssettag $0x0;
	lr =	simm.s32 $0x1  }
0x2: {  	[smem:$0x3F9E] =	sst lr;
	_ =	strace $0xD0000000  }
0x3: {  	_ = 	snop  }
0x4: {  	_ = 	snop  }
0x5: {  	_ = 	snop  }
0x6: {  	_ = 	snop  }
0x7: {  	_ = 	snop  }
__scs_overlays_trampoline_lowered:
0x8: {  	[smem:$0x3FAD] =	sst s0  }
0x9: {  	[smem:$0x3FAE] =	sst s1  }
0xa: {  	[smem:$0x3FAF] =	sst s2  }
0xb: {  	[smem:$0x3FB0] =	sst s3  }
0xc: {  	[smem:$0x3FB1] =	sst s4  }
0xd: {  	[smem:$0x3FB2] =	sst s5  }
0xe: {  	[smem:$0x3FB3] =	sst s6  }
0xf: {  	[smem:$0x3FB4] =	sst s7  }
0x10: {  	[smem:$0x3FB5] =	sst s8  }
0x11: {  	[smem:$0x3FB6] =	sst s9;
	s0 =	simm.s32 @!p0 $0x0  }
0x12: {  	s1 =	sld [smem:$0x3F9C];
	s0 =	simm.s32 @p0 $0x1  }
0x13: {  	[smem:$0x3FB7] =	sst s0;
	s0 =	simm.s32 @!p1 $0x0  }
0x14: {  	s2 =	sld [smem:$0x3F9B];
	s0 =	simm.s32 @p1 $0x1  }
0x15: {  	[smem:$0x3FB8] =	sst s0;
	s0 =	simm.s32 @!p2 $0x0  }
0x16: {  	s3 =	sld [smem:$0x3FDB];
	s0 =	simm.s32 @p2 $0x1  }
0x17: {  	s4 =	simm.s32 $0x1BF5;
	[smem:$0x3FBA] =	sst s0  }
0x18: {  	s0 =	sld [smem:$0x3F9D];
	_ =	swait.ge [sflag:s4], $0x0  }
0x19: {  	s7 =	sld [smem:$0x3F9E]  }
0x1a: {  	s8 =	sadd.s32 $0xFFFFE003, lr  }
0x1b: {  	s9 =	sadd.s32 $0xFFFFFEF7, lr;
	s5 =	simm.s32 $0xFFFFFFFF;
	p2 =	slt.u32 s8, $0xFFFFF086  }
0x1c: {  	p1 =	slt.u32 s9, $0xF7A;
	s5 =	simm.s32 @!p2 $0x0  }
0x1d: {  	s5 =	simm.s32 @p1 $0x1;
	p0 =	seq.s32 s7, s2  }
0x1e: {  	s7 =	smul.u32 @!p0 $0xF7A, s2;
	p2 =	seq.s32 @!p0 s5, $0x0  }
0x1f: {  	s9 =	smul.u32 $0xF7A, s1;
	s8 =	simm.s32 @!p0 $0x1BF5;
	p2 =	por !p2, p0  }
0x20: {  	[sflag:s8] =	ssyncset.s32 @!p0 $0xFFFFF086;
	s6 =	sadd.s32 @!p0 s3, s7;
	s7 =	simm.s32 @!p0 $0x108  }
0x21: {  	s3 =	sadd.s32 s3, s9;
	s6 =	sadd.s32 @!p0 $0x88, s6;
	s7 =	simm.s32 @p2 $0x1082  }
0x22: {  	[simem:s7], [sflag:s8] =	dma.local @!p0 [hbm:s6], $0xF7A  }
0x23: {  	s9 =	sor.u32 $0xD0000000, s2;
	s6 =	simm.s32 $0x108;
	_ =	swait.ge @!p0 [sflag:s8], $0x0  }
0x24: {  	s3 =	sadd.s32 $0x88, s3;
	s6 =	simm.s32 @!p1 $0x1082;
	[sflag:s4] =	ssyncset.s32 $0xFFFFF086  }
0x25: {  	[simem:s6], [sflag:s4] =	dma.local [hbm:s3], $0xF7A  }
0x26: {  	[smem:$0x3F9E] =	sst s1;
	(tag) =	ssettag s2;
	_ =	strace s9  }
0x27: {  	s1 =	sld [smem:$0x3FAE]  }
0x28: {  	s2 =	sld [smem:$0x3FAF]  }
0x29: {  	s4 =	sld [smem:$0x3FB1]  }
0x2a: {  	p0 =	seq.s32 s5, $0x0;
	s5 =	sld [smem:$0x3FB2]  }
0x2b: {  	s6 =	sld [smem:$0x3FB3]  }
0x2c: {  	s7 =	sld [smem:$0x3FB4]  }
0x2d: {  	s3 =	simm.s32 $0x108;
	s8 =	sld [smem:$0x3FB5]  }
0x2e: {  	s3 =	simm.s32 @!p0 $0x1082;
	s9 =	sld [smem:$0x3FB6]  }
0x2f: {  	lr =	sadd.s32 s0, s3;
	s0 =	sld [smem:$0x3FAD]  }
0x30: {  	s3 =	sld [smem:$0x3FB0]  }
0x31: {  	[smem:$0x3FB9] =	sst s10  }
0x32: {  	s10 =	sld [smem:$0x3FB7];
	_ =	sdelay $0x3  }
0x33: {  	p0 =	seq.s32 s10, $0x1;
	s10 =	sld [smem:$0x3FB9];
	_ =	sdelay $0x3  }
0x34: {  	[smem:$0x3FB9] =	sst s10  }
0x35: {  	s10 =	sld [smem:$0x3FB8];
	_ =	sdelay $0x3  }
0x36: {  	p1 =	seq.s32 s10, $0x1;
	s10 =	sld [smem:$0x3FB9];
	_ =	sdelay $0x3  }
0x37: {  	[smem:$0x3FB9] =	sst s10  }
0x38: {  	s10 =	sld [smem:$0x3FBA]  }
0x39: {  	_ = 	snop;
	(pc) =	sbr.ind lr, $3  }
0x3a: {  	_ = 	snop  }
0x3b: {  	_ = 	snop  }
0x3c: {  	p2 =	seq.s32 s10, $0x1;
	s10 =	sld [smem:$0x3FB9]  }
0x3d: {  	_ =	shalt  }
0x3e: {  	_ =	shalt  }
0x3f: {  	_ =	shalt  }
0x40: {  	_ =	shalt  }
0x41: {  	_ =	shalt  }
0x42: {  	_ =	shalt  }
0x43: {  	_ =	shalt  }
0x44: {  	_ =	shalt  }
0x45: {  	_ =	shalt  }
0x46: {  	_ =	shalt  }
0x47: {  	_ =	shalt  }
0x48: {  	_ =	shalt  }
0x49: {  	_ =	shalt  }
0x4a: {  	_ =	shalt  }
0x4b: {  	_ =	shalt  }
0x4c: {  	_ =	shalt  }
0x4d: {  	_ =	shalt  }
0x4e: {  	_ =	shalt  }
0x4f: {  	_ =	shalt  }
0x50: {  	_ =	shalt  }
0x51: {  	_ =	shalt  }
0x52: {  	_ =	shalt  }
0x53: {  	_ =	shalt  }
0x54: {  	_ =	shalt  }
0x55: {  	_ =	shalt  }
0x56: {  	_ =	shalt  }
0x57: {  	_ =	shalt  }
0x58: {  	_ =	shalt  }
0x59: {  	_ =	shalt  }
0x5a: {  	_ =	shalt  }
0x5b: {  	_ =	shalt  }
0x5c: {  	_ =	shalt  }
0x5d: {  	_ =	shalt  }
0x5e: {  	_ =	shalt  }
0x5f: {  	_ =	shalt  }
0x60: {  	_ =	shalt  }
0x61: {  	_ =	shalt  }
0x62: {  	_ =	shalt  }
0x63: {  	_ =	shalt  }
0x64: {  	_ =	shalt  }
0x65: {  	_ =	shalt  }
0x66: {  	_ =	shalt  }
0x67: {  	_ =	shalt  }
0x68: {  	_ =	shalt  }
0x69: {  	_ =	shalt  }
0x6a: {  	_ =	shalt  }
0x6b: {  	_ =	shalt  }
0x6c: {  	_ =	shalt  }
0x6d: {  	_ =	shalt  }
0x6e: {  	_ =	shalt  }
0x6f: {  	_ =	shalt  }
0x70: {  	_ =	shalt  }
0x71: {  	_ =	shalt  }
0x72: {  	_ =	shalt  }
0x73: {  	_ =	shalt  }
0x74: {  	_ =	shalt  }
0x75: {  	_ =	shalt  }
0x76: {  	_ =	shalt  }
0x77: {  	_ =	shalt  }
0x78: {  	_ =	shalt  }
0x79: {  	_ =	shalt  }
0x7a: {  	_ =	shalt  }
0x7b: {  	_ =	shalt  }
0x7c: {  	_ =	shalt  }
0x7d: {  	_ =	shalt  }
0x7e: {  	_ =	shalt  }
0x7f: {  	_ =	shalt  }
0x80: {  	_ =	shalt  }
0x81: {  	_ =	shalt  }
0x82: {  	_ =	shalt  }
0x83: {  	_ =	shalt  }
0x84: {  	_ =	shalt  }
0x85: {  	_ =	shalt  }
0x86: {  	_ =	shalt  }
0x87: {  	_ =	shalt  }
.Lfunc_end0:
.L_simem_size_0:
called_computation_lowered:
.L_overlay_start_0:
0x88: {  	s2 =	sld [smem:$0x3FD9]  }
0x89: {  	s3 =	sld [smem:$0x3FFE];
	_ =	sdelay $0x1  }
0x8a: {  	s1 =	srdreg.scid  }
0x8b: {  	s0 =	sand.u32 $0x1, s1  }
0x8c: {  	s16 =	sshll.u32 s0, $0xA;
	s2 =	sadd.s32 s3, s2  }
0x8d: {  	s2 =	sadd.s32 s2, s16  }
0x8e: {  	[smem:$0x3FC5] =	sst s2  }
0x8f: {  	_ = 	snop  }
0x90: {  	(tm) =	ssettm $0x1  }
0x91: {  	s17 =	sld [smem:$0x3FFB];
	_ =	sdelay $0x3  }
0x92: {  	_ =	strace s17  }
0x93: {  	s2 =	sld [smem:$0x3FFC];
	_ =	sdelay $0x3  }
0x94: {  	_ =	strace s2  }
0x95: {  	s2 =	sld [smem:$0x3FFD];
	_ =	sdelay $0x3  }
0x96: {  	_ =	strace s2  }
0x97: {  	_ =	strace $0x8FFFFFFF  }
0x98: {  	s18 =	sld [smem:$0x3FDB];
	_ =	sdelay $0x1  }
0x99: {  	s19 =	simm.s32 $_scs_section_size  }
0x9a: {  	s4 =	simm.s32 $_size__tile_overlayer_lowered;
	s5 =	simm.s32 $_tile_overlayer_lowered  }
0x9b: {  	s22 =	simm.s32 $0x1BFF;
	s21 =	sshll.u32 s5, $0x1;
	s2 =	sadd.s32 s19, s18  }
0x9c: {  	s6 =	simm.s32 $0x0;
	s20 =	sshll.u32 s4, $0x1;
	s4 =	sadd.s32 s21, s2  }
0x9d: {  	[timem:s6], [sflag:s22] =	dma.local [hbm:s4], s20  }
0x9e: {  	_ =	swait.ge [sflag:s22], s20  }
0x9f: {  	s3 =	ssub.s32 $0x0, s20;
	[sflag:s22] =	ssyncset.done $0x0  }
0xa0: {  	[sflag:s22] =	ssyncadd.s32 s3;
	_ =	sdelay $0x1  }
0xa1: {  	s23 =	simm.s32 $0x1B8B  }
0xa2: {  	_ =	swait.ge [sflag:s23], $0x1  }
0xa3: {  	[sflag:s23] =	ssyncset.done $0x0  }
0xa4: {  	s25 =	simm.s32 $0x1B8E;
	s24 =	sld [smem:$0x3FFE];
	[sflag:s23] =	ssyncadd.s32 $0xFFFFFFFF  }
0xa5: {  	s26 =	simm.s32 $execute0_lowered;
	[smem:$0x3FD2] =	sst s25  }
0xa6: {  	s4 =	sshll.u32 s26, $0x1;
	_ =	strace $0x80000046;
	[dreg:$0x1] =	wrdreg $0xFFFFFFFF  }
0xa7: {  	s28 =	simm.s32 $_size_execute0_lowered;
	s2 =	sadd.s32 s2, s4;
	[dreg:$0x0] =	wrdreg $0x0  }
0xa8: {  	s4 =	sshll.u32 s28, $0x1;
	[dreg:$0x2] =	wrdreg s2  }
0xa9: {  	[dreg:$0x3] =	wrdreg s4  }
0xaa: {  	[dreg:$0x4] =	wrdreg $0xC0  }
0xab: {  	_ =	task [dreg:s6], $0x5FFFF  }
0xac: {  	[dreg:$0x1] =	wrdreg $0xFFFFFFFF  }
0xad: {  	[dreg:$0x0] =	wrdreg $0x60  }
0xae: {  	[dreg:$0x2] =	wrdreg s24  }
0xaf: {  	[dreg:$0x3] =	wrdreg $0x9  }
0xb0: {  	_ =	task.clear_ibuf [dreg:s6], $0x4FFFF;
	_ =	strace $0x90000046  }
0xb1: {  	s29 =	simm.s32 $0x9;
	_ =	strace $0x80000048  }
0xb2: {  	_ =	swait.ge [sflag:s29], $0x1  }
0xb3: {  	[sflag:s29] =	ssyncadd.s32 $0xFFFFFFFF  }
0xb4: {  	_ =	strace $0x90000048  }
0xb5: {  	_ =	sfence  }
0xb6: {  	s30 =	sld [smem:$0x0];
	_ =	sdelay $0x2  }
0xb7: {  	s31 =	sshll.u32 s1, $0xD;
	s1 =	sshrl.u32 s1, $0x2  }
0xb8: {  	s3 =	sand.u32 $0x4000, s31;
	s1 =	sadd.s32 s1, s30  }
0xb9: {  	s0 =	sor.u32 s3, s0;
	s1 =	sshll.u32 s1, $0x11  }
0xba: {  	s0 =	sor.u32 s1, s0  }
0xbb: {  	s0 =	sadd.s32 $0x8F2B, s0  }
0xbc: {  	[sflag:s0] =	ssyncadd.remote.s32 $0x1  }
0xbd: {  	_ =	sfence.sel $0xFFFF  }
0xbe: {  	[dreg:$0x0] =	wrdreg $0xFFFFFFFF;
	(pc) =	sbr.abs _section_cstart, $3  }
0xbf: {  	[dreg:$0x1] =	wrdreg $0xFFFFFFFF  }
0xc0: {  	_ =	task.clear_ibuf [dreg:s6], $0x2FFFF;
	_ =	strace $0x9FFFFFFF  }
0xc1: {  	(tm) =	ssettm $0x7FFFFFFF  }
tec
execute0_lowered:
.L_overlay_start_1:
0x0: {  	(tag) =	ssettag $0x1  }
0x1: {  	s0 =	srdreg.scid;
	s18 =	stileid.u32  }
0x2: {  	s4 =	rddreg [dreg:$0x0];
	s31 =	simm.s32 $0x9;
	s30 =	simm.s32 $0x400  }
0x3: {  	s28 =	simm.s32 $0x180;
	s29 =	simm.s32 $0x580;
	s0 =	sand.u32 $0x1, s0  }
0x4: {  	p0 =	por $0x0, $0x0;
	s1 =	sshll.u32 s18, $0xB;
	s2 =	sshll.u32 s0, $0xA  }
0x5: {  	s5 =	sadd.s32 $0x9800, s4;
	s0 =	ssub.s32 $0x2, s0;
	s1 =	sor.u32 s2, s1  }
0x6: {  	s2 =	simm.s32 $0x0;
	s24 =	sshrl.u32 s0, $0x1;
	s3 =	sshrl.u32 s1, $0x3  }
0x7: {  	[smem:$0x7FF] =	sst s2;
	s1 =	sshll.u32 s1, $0x4;
	s0 =	ssub.s32 s0, s24  }
0x8: {  	s24 =	simm.s32 $0x680;
	s3 =	sadd.s32 s3, s4;
	_ =	strace $0x80000047  }
0x9: {  	s25 =	sadd.s32 s5, s1;
	s7 =	sor.u32 $0x800, s1;
	s10 =	sor.u32 $0x1000, s1  }
0xa: {  	s13 =	sor.u32 $0x1800, s1;
	s6 =	sadd.s32 $0x5600, s3;
	[dreg:$0x4] =	wrdreg s25  }
0xb: {  	s17 =	sor.u32 $0x2800, s1;
	s3 =	sadd.s32 $0x4600, s3;
	[dreg:$0x2] =	wrdreg s6  }
0xc: {  	s21 =	sor.u32 $0x3000, s1;
	s8 =	sadd.s32 s5, s7;
	[dreg:$0x3] =	wrdreg s3  }
0xd: {  	s0 =	smax.u32 s0, $0x1;
	s11 =	sadd.s32 s5, s10;
	[dreg:$0x6] =	wrdreg s8  }
0xe: {  	s14 =	sadd.s32 s5, s13;
	s19 =	sadd.s32 s5, s17;
	[dreg:$0x8] =	wrdreg s11  }
0xf: {  	s22 =	sadd.s32 s5, s21;
	s25 =	simm.s32 $0x480;
	[dreg:$0xa] =	wrdreg s14  }
0x10: {  	p1 =	sne.s32 s0, $0x1;
	s6 =	sadd.s32 $0x89800, s4;
	[dreg:$0xe] =	wrdreg s19  }
0x11: {  	s8 =	sor.u32 $0x2000, s1;
	s3 =	sadd.s32 $0x24C600, s4;
	[dreg:$0x10] =	wrdreg s22  }
0x12: {  	s4 =	sadd.s32 $0x6600, s4;
	s14 =	simm.s32 $0x800;
	[dreg:$0x14] =	wrdreg s25  }
0x13: {  	s11 =	simm.s32 $0x4;
	s25 =	simm.s32 $0x200;
	s26 =	sadd.s32 s6, s1  }
0x14: {  	s22 =	simm.s32 $0x700;
	s9 =	sadd.s32 s6, s7;
	[dreg:$0x5] =	wrdreg s26  }
0x15: {  	s19 =	simm.s32 $0x380;
	s12 =	sadd.s32 s6, s10;
	[dreg:$0x7] =	wrdreg s9  }
0x16: {  	s7 =	sadd.s32 s6, s13;
	s15 =	sadd.s32 s5, s8;
	[dreg:$0x9] =	wrdreg s12  }
0x17: {  	s16 =	sadd.s32 s6, s8;
	s20 =	sadd.s32 s6, s17;
	[dreg:$0xb] =	wrdreg s7  }
0x18: {  	s23 =	sadd.s32 s6, s21;
	s1 =	sor.u32 $0x3800, s1;
	[dreg:$0xc] =	wrdreg s15  }
0x19: {  	s17 =	simm.s32 $0x1;
	s13 =	simm.s32 $0x3;
	[dreg:$0xd] =	wrdreg s16  }
0x1a: {  	s10 =	simm.s32 $0x5;
	s8 =	simm.s32 $0x6;
	[dreg:$0xf] =	wrdreg s20  }
0x1b: {  	s21 =	simm.s32 $0x300;
	[dreg:$0x11] =	wrdreg s23;
	s5 =	sadd.s32 s5, s1  }
0x1c: {  	s1 =	sadd.s32 s6, s1;
	s12 =	simm.s32 $0x80;
	s15 =	simm.s32 $0x8800  }
.Ltmp0:
0x1d: {  	s16 =	simm.s32 $0x2;
	s7 =	simm.s32 $0xC800;
	(pc) =	sbr.rel @!p1 .LBB2_1-.Ltmp0, $4  }
0x1e: {  	s26 =	simm.s32 $0x100;
	s9 =	simm.s32 $0x7;
	[dreg:$0x12] =	wrdreg s5  }
0x1f: {  	s6 =	simm.s32 $0x8;
	s23 =	simm.s32 $0x280;
	[dreg:$0x13] =	wrdreg s1  }
0x20: {  	s20 =	simm.s32 $0x780;
	s5 =	simm.s32 $0x4800;
	[dreg:$0x15] =	wrdreg s26  }
0x21: {  	s26 =	simm.s32 $0x600;
	s1 =	sadd.s32 $0xFFFFFFFF, s0;
	s0 =	rddreg [dreg:$0x2]  }
0x22: {  	[tilespmem:s2], [sflag:$0x9] =	stream.linear.gather [hbm4b:s0+s2], $0x400, $0x38;
	[tilespmem:$0x10800] =	vst v63  }
0x23: {  	_ =	swait.ge [sflag:s31], $0x400  }
0x24: {  	[sflag:s31] =	ssyncset.done $0x0  }
0x25: {  	s18 =	rddreg [dreg:$0x3];
	[sflag:s31] =	ssyncadd.s32 $0xFFFFFC00  }
0x26: {  	[tilespmem:s30], [sflag:$0x9] =	stream.linear.gather [hbm4b:s18+s2], $0x400, $0x38;
	[tilespmem:$0x10800] =	vst v63  }
0x27: {  	_ =	swait.ge [sflag:s31], $0x400  }
0x28: {  	[sflag:s31] =	ssyncset.done $0x0  }
0x29: {  	[sflag:s31] =	ssyncadd.s32 $0xFFFFFC00  }
0x2a: {  	[tilespmem:s14], [sflag:$0x1] =	stream.indirect.gather [hbm4b:s3+s12], $0x80, s2, s12, $0xb8;
	[tilespmem:$0x10800] =	vst v63  }
0x2b: {  	_ = 	snop  }
0x2c: {  	[tilespmem:s15], [sflag:$0x2] =	stream.indirect.gather [hbm4b:s4+s12], $0x80, s30, s12, $0xb8;
	[tilespmem:$0x10800] =	vst v63  }
0x2d: {  	_ =	swait.ge [sflag:s17], $0x4000  }
0x2e: {  	[sflag:s17] =	ssyncset.done $0x0  }
0x2f: {  	[sflag:s17] =	ssyncadd.s32 $0xFFFFC000  }
0x30: {  	_ =	swait.ge [sflag:s16], $0x4000  }
0x31: {  	[sflag:s16] =	ssyncset.done $0x0  }
0x32: {  	s0 =	rddreg [dreg:$0x4];
	[sflag:s16] =	ssyncadd.s32 $0xFFFFC000  }
0x33: {  	[hbm4b:s0+s2] =	stream.linear.scatter [tilespmem:s14], [sflag:$0x5], $0x4000, $0x38;
	[tilespmem:$0x10800] =	vst v63  }
0x34: {  	s18 =	smov.u32 s1;
	s1 =	rddreg [dreg:$0x5]  }
0x35: {  	[hbm4b:s1+s2] =	stream.linear.scatter [tilespmem:s15], [sflag:$0x6], $0x4000, $0x38;
	[tilespmem:$0x10800] =	vst v63  }
0x36: {  	_ = 	snop  }
0x37: {  	[tilespmem:s5], [sflag:$0x3] =	stream.indirect.gather [hbm4b:s3+s12], $0x80, s12, s12, $0xb8;
	[tilespmem:$0x10800] =	vst v63  }
0x38: {  	s1 =	rddreg [dreg:$0x14]  }
0x39: {  	[tilespmem:s7], [sflag:$0x4] =	stream.indirect.gather [hbm4b:s4+s12], $0x80, s1, s12, $0xb8;
	[tilespmem:$0x10800] =	vst v63  }
0x3a: {  	_ =	swait.ge [sflag:s13], $0x4000  }
0x3b: {  	[sflag:s13] =	ssyncset.done $0x0  }
0x3c: {  	[sflag:s13] =	ssyncadd.s32 $0xFFFFC000  }
0x3d: {  	_ =	swait.ge [sflag:s11], $0x4000  }
0x3e: {  	[sflag:s11] =	ssyncset.done $0x0  }
0x3f: {  	s0 =	rddreg [dreg:$0x6];
	[sflag:s11] =	ssyncadd.s32 $0xFFFFC000  }
0x40: {  	[hbm4b:s0+s2] =	stream.linear.scatter [tilespmem:s5], [sflag:$0x7], $0x4000, $0x38;
	[tilespmem:$0x10800] =	vst v63  }
0x41: {  	s1 =	rddreg [dreg:$0x7]  }
0x42: {  	[hbm4b:s1+s2] =	stream.linear.scatter [tilespmem:s7], [sflag:$0x8], $0x4000, $0x38;
	[tilespmem:$0x10800] =	vst v63  }
0x43: {  	s0 =	rddreg [dreg:$0x15]  }
0x44: {  	[tilespmem:s14], [sflag:$0x1] =	stream.indirect.gather [hbm4b:s3+s12], $0x80, s0, s12, $0xb8;
	[tilespmem:$0x10800] =	vst v63  }
0x45: {  	s1 =	simm.s32 $0x500  }
0x46: {  	[tilespmem:s15], [sflag:$0x2] =	stream.indirect.gather [hbm4b:s4+s12], $0x80, s1, s12, $0xb8;
	[tilespmem:$0x10800] =	vst v63  }
0x47: {  	_ =	swait.ge [sflag:s10], $0x4000  }
0x48: {  	[sflag:s10] =	ssyncset.done $0x0  }
0x49: {  	[sflag:s10] =	ssyncadd.s32 $0xFFFFC000  }
0x4a: {  	_ =	swait.ge [sflag:s8], $0x4000  }
0x4b: {  	[sflag:s8] =	ssyncset.done $0x0  }
0x4c: {  	[sflag:s8] =	ssyncadd.s32 $0xFFFFC000  }
0x4d: {  	_ =	swait.ge [sflag:s17], $0x4000  }
0x4e: {  	[sflag:s17] =	ssyncset.done $0x0  }
0x4f: {  	[sflag:s17] =	ssyncadd.s32 $0xFFFFC000  }
0x50: {  	_ =	swait.ge [sflag:s16], $0x4000  }
0x51: {  	[sflag:s16] =	ssyncset.done $0x0  }
0x52: {  	s0 =	rddreg [dreg:$0x8];
	[sflag:s16] =	ssyncadd.s32 $0xFFFFC000  }
0x53: {  	[hbm4b:s0+s2] =	stream.linear.scatter [tilespmem:s14], [sflag:$0x5], $0x4000, $0x38;
	[tilespmem:$0x10800] =	vst v63  }
0x54: {  	s1 =	rddreg [dreg:$0x9]  }
0x55: {  	[hbm4b:s1+s2] =	stream.linear.scatter [tilespmem:s15], [sflag:$0x6], $0x4000, $0x38;
	[tilespmem:$0x10800] =	vst v63  }
0x56: {  	_ = 	snop  }
0x57: {  	[tilespmem:s5], [sflag:$0x3] =	stream.indirect.gather [hbm4b:s3+s12], $0x80, s28, s12, $0xb8;
	[tilespmem:$0x10800] =	vst v63  }
0x58: {  	_ = 	snop  }
0x59: {  	[tilespmem:s7], [sflag:$0x4] =	stream.indirect.gather [hbm4b:s4+s12], $0x80, s29, s12, $0xb8;
	[tilespmem:$0x10800] =	vst v63  }
0x5a: {  	_ =	swait.ge [sflag:s9], $0x4000  }
0x5b: {  	[sflag:s9] =	ssyncset.done $0x0  }
0x5c: {  	[sflag:s9] =	ssyncadd.s32 $0xFFFFC000  }
0x5d: {  	_ =	swait.ge [sflag:s6], $0x4000  }
0x5e: {  	[sflag:s6] =	ssyncset.done $0x0  }
0x5f: {  	[sflag:s6] =	ssyncadd.s32 $0xFFFFC000  }
0x60: {  	_ =	swait.ge [sflag:s13], $0x4000  }
0x61: {  	[sflag:s13] =	ssyncset.done $0x0  }
0x62: {  	[sflag:s13] =	ssyncadd.s32 $0xFFFFC000  }
0x63: {  	_ =	swait.ge [sflag:s11], $0x4000  }
0x64: {  	[sflag:s11] =	ssyncset.done $0x0  }
0x65: {  	s0 =	rddreg [dreg:$0xa];
	[sflag:s11] =	ssyncadd.s32 $0xFFFFC000  }
0x66: {  	[hbm4b:s0+s2] =	stream.linear.scatter [tilespmem:s5], [sflag:$0x7], $0x4000, $0x38;
	[tilespmem:$0x10800] =	vst v63  }
0x67: {  	s1 =	rddreg [dreg:$0xb]  }
0x68: {  	[hbm4b:s1+s2] =	stream.linear.scatter [tilespmem:s7], [sflag:$0x8], $0x4000, $0x38;
	[tilespmem:$0x10800] =	vst v63  }
0x69: {  	_ = 	snop  }
0x6a: {  	[tilespmem:s14], [sflag:$0x1] =	stream.indirect.gather [hbm4b:s3+s12], $0x80, s25, s12, $0xb8;
	[tilespmem:$0x10800] =	vst v63  }
0x6b: {  	_ = 	snop  }
0x6c: {  	[tilespmem:s15], [sflag:$0x2] =	stream.indirect.gather [hbm4b:s4+s12], $0x80, s26, s12, $0xb8;
	[tilespmem:$0x10800] =	vst v63  }
0x6d: {  	_ =	swait.ge [sflag:s10], $0x4000  }
0x6e: {  	[sflag:s10] =	ssyncset.done $0x0  }
0x6f: {  	[sflag:s10] =	ssyncadd.s32 $0xFFFFC000  }
0x70: {  	_ =	swait.ge [sflag:s8], $0x4000  }
0x71: {  	[sflag:s8] =	ssyncset.done $0x0  }
0x72: {  	[sflag:s8] =	ssyncadd.s32 $0xFFFFC000  }
0x73: {  	_ =	swait.ge [sflag:s17], $0x4000  }
0x74: {  	[sflag:s17] =	ssyncset.done $0x0  }
0x75: {  	[sflag:s17] =	ssyncadd.s32 $0xFFFFC000  }
0x76: {  	_ =	swait.ge [sflag:s16], $0x4000  }
0x77: {  	[sflag:s16] =	ssyncset.done $0x0  }
0x78: {  	s0 =	rddreg [dreg:$0xc];
	[sflag:s16] =	ssyncadd.s32 $0xFFFFC000  }
0x79: {  	[hbm4b:s0+s2] =	stream.linear.scatter [tilespmem:s14], [sflag:$0x5], $0x4000, $0x38;
	[tilespmem:$0x10800] =	vst v63  }
0x7a: {  	s1 =	rddreg [dreg:$0xd]  }
0x7b: {  	[hbm4b:s1+s2] =	stream.linear.scatter [tilespmem:s15], [sflag:$0x6], $0x4000, $0x38;
	[tilespmem:$0x10800] =	vst v63  }
0x7c: {  	_ = 	snop  }
0x7d: {  	[tilespmem:s5], [sflag:$0x3] =	stream.indirect.gather [hbm4b:s3+s12], $0x80, s23, s12, $0xb8;
	[tilespmem:$0x10800] =	vst v63  }
0x7e: {  	_ = 	snop  }
0x7f: {  	[tilespmem:s7], [sflag:$0x4] =	stream.indirect.gather [hbm4b:s4+s12], $0x80, s24, s12, $0xb8;
	[tilespmem:$0x10800] =	vst v63  }
0x80: {  	_ =	swait.ge [sflag:s9], $0x4000  }
0x81: {  	[sflag:s9] =	ssyncset.done $0x0  }
0x82: {  	[sflag:s9] =	ssyncadd.s32 $0xFFFFC000  }
0x83: {  	_ =	swait.ge [sflag:s6], $0x4000  }
0x84: {  	[sflag:s6] =	ssyncset.done $0x0  }
0x85: {  	[sflag:s6] =	ssyncadd.s32 $0xFFFFC000  }
0x86: {  	_ =	swait.ge [sflag:s13], $0x4000  }
0x87: {  	[sflag:s13] =	ssyncset.done $0x0  }
0x88: {  	[sflag:s13] =	ssyncadd.s32 $0xFFFFC000  }
0x89: {  	_ =	swait.ge [sflag:s11], $0x4000  }
0x8a: {  	[sflag:s11] =	ssyncset.done $0x0  }
0x8b: {  	s0 =	rddreg [dreg:$0xe];
	[sflag:s11] =	ssyncadd.s32 $0xFFFFC000  }
0x8c: {  	[hbm4b:s0+s2] =	stream.linear.scatter [tilespmem:s5], [sflag:$0x7], $0x4000, $0x38;
	[tilespmem:$0x10800] =	vst v63  }
0x8d: {  	s1 =	rddreg [dreg:$0xf]  }
0x8e: {  	[hbm4b:s1+s2] =	stream.linear.scatter [tilespmem:s7], [sflag:$0x8], $0x4000, $0x38;
	[tilespmem:$0x10800] =	vst v63  }
0x8f: {  	_ = 	snop  }
0x90: {  	[tilespmem:s14], [sflag:$0x1] =	stream.indirect.gather [hbm4b:s3+s12], $0x80, s21, s12, $0xb8;
	[tilespmem:$0x10800] =	vst v63  }
0x91: {  	_ = 	snop  }
0x92: {  	[tilespmem:s15], [sflag:$0x2] =	stream.indirect.gather [hbm4b:s4+s12], $0x80, s22, s12, $0xb8;
	[tilespmem:$0x10800] =	vst v63  }
0x93: {  	_ =	swait.ge [sflag:s10], $0x4000  }
0x94: {  	[sflag:s10] =	ssyncset.done $0x0  }
0x95: {  	[sflag:s10] =	ssyncadd.s32 $0xFFFFC000  }
0x96: {  	_ =	swait.ge [sflag:s8], $0x4000  }
0x97: {  	[sflag:s8] =	ssyncset.done $0x0  }
0x98: {  	[sflag:s8] =	ssyncadd.s32 $0xFFFFC000  }
0x99: {  	_ =	swait.ge [sflag:s17], $0x4000  }
0x9a: {  	[sflag:s17] =	ssyncset.done $0x0  }
0x9b: {  	[sflag:s17] =	ssyncadd.s32 $0xFFFFC000  }
0x9c: {  	_ =	swait.ge [sflag:s16], $0x4000  }
0x9d: {  	[sflag:s16] =	ssyncset.done $0x0  }
0x9e: {  	s0 =	rddreg [dreg:$0x10];
	[sflag:s16] =	ssyncadd.s32 $0xFFFFC000  }
0x9f: {  	[hbm4b:s0+s2] =	stream.linear.scatter [tilespmem:s14], [sflag:$0x5], $0x4000, $0x38;
	[tilespmem:$0x10800] =	vst v63  }
0xa0: {  	s1 =	rddreg [dreg:$0x11]  }
0xa1: {  	[hbm4b:s1+s2] =	stream.linear.scatter [tilespmem:s15], [sflag:$0x6], $0x4000, $0x38;
	[tilespmem:$0x10800] =	vst v63  }
0xa2: {  	_ = 	snop  }
0xa3: {  	[tilespmem:s5], [sflag:$0x3] =	stream.indirect.gather [hbm4b:s3+s12], $0x80, s19, s12, $0xb8;
	[tilespmem:$0x10800] =	vst v63  }
0xa4: {  	_ = 	snop  }
0xa5: {  	[tilespmem:s7], [sflag:$0x4] =	stream.indirect.gather [hbm4b:s4+s12], $0x80, s20, s12, $0xb8;
	[tilespmem:$0x10800] =	vst v63  }
0xa6: {  	_ =	swait.ge [sflag:s9], $0x4000  }
0xa7: {  	[sflag:s9] =	ssyncset.done $0x0  }
0xa8: {  	[sflag:s9] =	ssyncadd.s32 $0xFFFFC000  }
0xa9: {  	_ =	swait.ge [sflag:s6], $0x4000  }
0xaa: {  	[sflag:s6] =	ssyncset.done $0x0  }
0xab: {  	[sflag:s6] =	ssyncadd.s32 $0xFFFFC000  }
0xac: {  	_ =	swait.ge [sflag:s13], $0x4000  }
0xad: {  	[sflag:s13] =	ssyncset.done $0x0  }
0xae: {  	[sflag:s13] =	ssyncadd.s32 $0xFFFFC000  }
0xaf: {  	_ =	swait.ge [sflag:s11], $0x4000  }
0xb0: {  	[sflag:s11] =	ssyncset.done $0x0  }
0xb1: {  	s0 =	rddreg [dreg:$0x12];
	[sflag:s11] =	ssyncadd.s32 $0xFFFFC000  }
0xb2: {  	[hbm4b:s0+s2] =	stream.linear.scatter [tilespmem:s5], [sflag:$0x7], $0x4000, $0x38;
	[tilespmem:$0x10800] =	vst v63  }
0xb3: {  	s1 =	rddreg [dreg:$0x13]  }
0xb4: {  	[hbm4b:s1+s2] =	stream.linear.scatter [tilespmem:s7], [sflag:$0x8], $0x4000, $0x38;
	[tilespmem:$0x10800] =	vst v63  }
0xb5: {  	_ =	swait.ge [sflag:s10], $0x4000  }
0xb6: {  	[sflag:s10] =	ssyncset.done $0x0  }
0xb7: {  	[sflag:s10] =	ssyncadd.s32 $0xFFFFC000  }
0xb8: {  	_ =	swait.ge [sflag:s8], $0x4000  }
0xb9: {  	[sflag:s8] =	ssyncset.done $0x0  }
0xba: {  	p1 =	sne.s32 s18, $0x1;
	[sflag:s8] =	ssyncadd.s32 $0xFFFFC000  }
.Ltmp1:
0xbb: {  	_ =	swait.ge [sflag:s9], $0x4000;
	(pc) =	sbr.rel @!p1 .LBB2_3-.Ltmp1, $4  }
0xbc: {  	[sflag:s9] =	ssyncset.done $0x0  }
0xbd: {  	[sflag:s9] =	ssyncadd.s32 $0xFFFFC000  }
0xbe: {  	p0 =	por $0x1, $0x1;
	_ =	swait.ge [sflag:s6], $0x4000  }
0xbf: {  	s1 =	sadd.s32 $0xFFFFFFFF, s18;
	s0 =	rddreg [dreg:$0x2];
	[sflag:s6] =	ssyncset.done $0x0  }
.LBB2_4:
0xc0: {  	[sflag:s6] =	ssyncadd.s32 $0xFFFFC000  }
0xc1: {  	[tilespmem:s2], [sflag:$0x9] =	stream.linear.gather [hbm4b:s0+s2], $0x400, $0x38;
	[tilespmem:$0x10800] =	vst v63  }
0xc2: {  	_ =	swait.ge [sflag:s31], $0x400  }
0xc3: {  	[sflag:s31] =	ssyncset.done $0x0  }
0xc4: {  	s18 =	rddreg [dreg:$0x3];
	[sflag:s31] =	ssyncadd.s32 $0xFFFFFC00  }
0xc5: {  	[tilespmem:s30], [sflag:$0x9] =	stream.linear.gather [hbm4b:s18+s2], $0x400, $0x38;
	[tilespmem:$0x10800] =	vst v63  }
0xc6: {  	_ =	swait.ge [sflag:s31], $0x400  }
0xc7: {  	[sflag:s31] =	ssyncset.done $0x0  }
0xc8: {  	[sflag:s31] =	ssyncadd.s32 $0xFFFFFC00  }
0xc9: {  	[tilespmem:s14], [sflag:$0x1] =	stream.indirect.gather [hbm4b:s3+s12], $0x80, s2, s12, $0xb8;
	[tilespmem:$0x10800] =	vst v63  }
0xca: {  	_ = 	snop  }
0xcb: {  	[tilespmem:s15], [sflag:$0x2] =	stream.indirect.gather [hbm4b:s4+s12], $0x80, s30, s12, $0xb8;
	[tilespmem:$0x10800] =	vst v63  }
0xcc: {  	_ =	swait.ge [sflag:s17], $0x4000  }
0xcd: {  	[sflag:s17] =	ssyncset.done $0x0  }
0xce: {  	[sflag:s17] =	ssyncadd.s32 $0xFFFFC000  }
0xcf: {  	_ =	swait.ge [sflag:s16], $0x4000  }
0xd0: {  	[sflag:s16] =	ssyncset.done $0x0  }
0xd1: {  	s0 =	rddreg [dreg:$0x4];
	[sflag:s16] =	ssyncadd.s32 $0xFFFFC000  }
0xd2: {  	[hbm4b:s0+s2] =	stream.linear.scatter [tilespmem:s14], [sflag:$0x5], $0x4000, $0x38;
	[tilespmem:$0x10800] =	vst v63  }
0xd3: {  	s18 =	rddreg [dreg:$0x5]  }
0xd4: {  	[hbm4b:s18+s2] =	stream.linear.scatter [tilespmem:s15], [sflag:$0x6], $0x4000, $0x38;
	[tilespmem:$0x10800] =	vst v63  }
0xd5: {  	_ = 	snop  }
0xd6: {  	[tilespmem:s5], [sflag:$0x3] =	stream.indirect.gather [hbm4b:s3+s12], $0x80, s12, s12, $0xb8;
	[tilespmem:$0x10800] =	vst v63  }
0xd7: {  	s18 =	rddreg [dreg:$0x14]  }
0xd8: {  	[tilespmem:s7], [sflag:$0x4] =	stream.indirect.gather [hbm4b:s4+s12], $0x80, s18, s12, $0xb8;
	[tilespmem:$0x10800] =	vst v63  }
0xd9: {  	_ =	swait.ge [sflag:s13], $0x4000  }
0xda: {  	[sflag:s13] =	ssyncset.done $0x0  }
0xdb: {  	[sflag:s13] =	ssyncadd.s32 $0xFFFFC000  }
0xdc: {  	_ =	swait.ge [sflag:s11], $0x4000  }
0xdd: {  	[sflag:s11] =	ssyncset.done $0x0  }
0xde: {  	s0 =	rddreg [dreg:$0x6];
	[sflag:s11] =	ssyncadd.s32 $0xFFFFC000  }
0xdf: {  	[hbm4b:s0+s2] =	stream.linear.scatter [tilespmem:s5], [sflag:$0x7], $0x4000, $0x38;
	[tilespmem:$0x10800] =	vst v63  }
0xe0: {  	s18 =	rddreg [dreg:$0x7]  }
0xe1: {  	[hbm4b:s18+s2] =	stream.linear.scatter [tilespmem:s7], [sflag:$0x8], $0x4000, $0x38;
	[tilespmem:$0x10800] =	vst v63  }
0xe2: {  	s0 =	rddreg [dreg:$0x15]  }
0xe3: {  	[tilespmem:s14], [sflag:$0x1] =	stream.indirect.gather [hbm4b:s3+s12], $0x80, s0, s12, $0xb8;
	[tilespmem:$0x10800] =	vst v63  }
0xe4: {  	s18 =	simm.s32 $0x500  }
0xe5: {  	[tilespmem:s15], [sflag:$0x2] =	stream.indirect.gather [hbm4b:s4+s12], $0x80, s18, s12, $0xb8;
	[tilespmem:$0x10800] =	vst v63  }
0xe6: {  	_ =	swait.ge [sflag:s10], $0x4000  }
0xe7: {  	[sflag:s10] =	ssyncset.done $0x0  }
0xe8: {  	[sflag:s10] =	ssyncadd.s32 $0xFFFFC000  }
0xe9: {  	_ =	swait.ge [sflag:s8], $0x4000  }
0xea: {  	[sflag:s8] =	ssyncset.done $0x0  }
0xeb: {  	[sflag:s8] =	ssyncadd.s32 $0xFFFFC000  }
0xec: {  	_ =	swait.ge [sflag:s17], $0x4000  }
0xed: {  	[sflag:s17] =	ssyncset.done $0x0  }
0xee: {  	[sflag:s17] =	ssyncadd.s32 $0xFFFFC000  }
0xef: {  	_ =	swait.ge [sflag:s16], $0x4000  }
0xf0: {  	[sflag:s16] =	ssyncset.done $0x0  }
0xf1: {  	s0 =	rddreg [dreg:$0x8];
	[sflag:s16] =	ssyncadd.s32 $0xFFFFC000  }
0xf2: {  	[hbm4b:s0+s2] =	stream.linear.scatter [tilespmem:s14], [sflag:$0x5], $0x4000, $0x38;
	[tilespmem:$0x10800] =	vst v63  }
0xf3: {  	s18 =	rddreg [dreg:$0x9]  }
0xf4: {  	[hbm4b:s18+s2] =	stream.linear.scatter [tilespmem:s15], [sflag:$0x6], $0x4000, $0x38;
	[tilespmem:$0x10800] =	vst v63  }
0xf5: {  	_ = 	snop  }
0xf6: {  	[tilespmem:s5], [sflag:$0x3] =	stream.indirect.gather [hbm4b:s3+s12], $0x80, s28, s12, $0xb8;
	[tilespmem:$0x10800] =	vst v63  }
0xf7: {  	_ = 	snop  }
0xf8: {  	[tilespmem:s7], [sflag:$0x4] =	stream.indirect.gather [hbm4b:s4+s12], $0x80, s29, s12, $0xb8;
	[tilespmem:$0x10800] =	vst v63  }
0xf9: {  	_ =	swait.ge [sflag:s9], $0x4000  }
0xfa: {  	[sflag:s9] =	ssyncset.done $0x0  }
0xfb: {  	[sflag:s9] =	ssyncadd.s32 $0xFFFFC000  }
0xfc: {  	_ =	swait.ge [sflag:s6], $0x4000  }
0xfd: {  	[sflag:s6] =	ssyncset.done $0x0  }
0xfe: {  	[sflag:s6] =	ssyncadd.s32 $0xFFFFC000  }
0xff: {  	_ =	swait.ge [sflag:s13], $0x4000  }
0x100: {  	[sflag:s13] =	ssyncset.done $0x0  }
0x101: {  	[sflag:s13] =	ssyncadd.s32 $0xFFFFC000  }
0x102: {  	_ =	swait.ge [sflag:s11], $0x4000  }
0x103: {  	[sflag:s11] =	ssyncset.done $0x0  }
0x104: {  	s0 =	rddreg [dreg:$0xa];
	[sflag:s11] =	ssyncadd.s32 $0xFFFFC000  }
0x105: {  	[hbm4b:s0+s2] =	stream.linear.scatter [tilespmem:s5], [sflag:$0x7], $0x4000, $0x38;
	[tilespmem:$0x10800] =	vst v63  }
0x106: {  	s18 =	rddreg [dreg:$0xb]  }
0x107: {  	[hbm4b:s18+s2] =	stream.linear.scatter [tilespmem:s7], [sflag:$0x8], $0x4000, $0x38;
	[tilespmem:$0x10800] =	vst v63  }
0x108: {  	_ = 	snop  }
0x109: {  	[tilespmem:s14], [sflag:$0x1] =	stream.indirect.gather [hbm4b:s3+s12], $0x80, s25, s12, $0xb8;
	[tilespmem:$0x10800] =	vst v63  }
0x10a: {  	_ = 	snop  }
0x10b: {  	[tilespmem:s15], [sflag:$0x2] =	stream.indirect.gather [hbm4b:s4+s12], $0x80, s26, s12, $0xb8;
	[tilespmem:$0x10800] =	vst v63  }
0x10c: {  	_ =	swait.ge [sflag:s10], $0x4000  }
0x10d: {  	[sflag:s10] =	ssyncset.done $0x0  }
0x10e: {  	[sflag:s10] =	ssyncadd.s32 $0xFFFFC000  }
0x10f: {  	_ =	swait.ge [sflag:s8], $0x4000  }
0x110: {  	[sflag:s8] =	ssyncset.done $0x0  }
0x111: {  	[sflag:s8] =	ssyncadd.s32 $0xFFFFC000  }
0x112: {  	_ =	swait.ge [sflag:s17], $0x4000  }
0x113: {  	[sflag:s17] =	ssyncset.done $0x0  }
0x114: {  	[sflag:s17] =	ssyncadd.s32 $0xFFFFC000  }
0x115: {  	_ =	swait.ge [sflag:s16], $0x4000  }
0x116: {  	[sflag:s16] =	ssyncset.done $0x0  }
0x117: {  	s0 =	rddreg [dreg:$0xc];
	[sflag:s16] =	ssyncadd.s32 $0xFFFFC000  }
0x118: {  	[hbm4b:s0+s2] =	stream.linear.scatter [tilespmem:s14], [sflag:$0x5], $0x4000, $0x38;
	[tilespmem:$0x10800] =	vst v63  }
0x119: {  	s18 =	rddreg [dreg:$0xd]  }
0x11a: {  	[hbm4b:s18+s2] =	stream.linear.scatter [tilespmem:s15], [sflag:$0x6], $0x4000, $0x38;
	[tilespmem:$0x10800] =	vst v63  }
0x11b: {  	_ = 	snop  }
0x11c: {  	[tilespmem:s5], [sflag:$0x3] =	stream.indirect.gather [hbm4b:s3+s12], $0x80, s23, s12, $0xb8;
	[tilespmem:$0x10800] =	vst v63  }
0x11d: {  	_ = 	snop  }
0x11e: {  	[tilespmem:s7], [sflag:$0x4] =	stream.indirect.gather [hbm4b:s4+s12], $0x80, s24, s12, $0xb8;
	[tilespmem:$0x10800] =	vst v63  }
0x11f: {  	_ =	swait.ge [sflag:s9], $0x4000  }
0x120: {  	[sflag:s9] =	ssyncset.done $0x0  }
0x121: {  	[sflag:s9] =	ssyncadd.s32 $0xFFFFC000  }
0x122: {  	_ =	swait.ge [sflag:s6], $0x4000  }
0x123: {  	[sflag:s6] =	ssyncset.done $0x0  }
0x124: {  	[sflag:s6] =	ssyncadd.s32 $0xFFFFC000  }
0x125: {  	_ =	swait.ge [sflag:s13], $0x4000  }
0x126: {  	[sflag:s13] =	ssyncset.done $0x0  }
0x127: {  	[sflag:s13] =	ssyncadd.s32 $0xFFFFC000  }
0x128: {  	_ =	swait.ge [sflag:s11], $0x4000  }
0x129: {  	[sflag:s11] =	ssyncset.done $0x0  }
0x12a: {  	s0 =	rddreg [dreg:$0xe];
	[sflag:s11] =	ssyncadd.s32 $0xFFFFC000  }
0x12b: {  	[hbm4b:s0+s2] =	stream.linear.scatter [tilespmem:s5], [sflag:$0x7], $0x4000, $0x38;
	[tilespmem:$0x10800] =	vst v63  }
0x12c: {  	s18 =	rddreg [dreg:$0xf]  }
0x12d: {  	[hbm4b:s18+s2] =	stream.linear.scatter [tilespmem:s7], [sflag:$0x8], $0x4000, $0x38;
	[tilespmem:$0x10800] =	vst v63  }
0x12e: {  	_ = 	snop  }
0x12f: {  	[tilespmem:s14], [sflag:$0x1] =	stream.indirect.gather [hbm4b:s3+s12], $0x80, s21, s12, $0xb8;
	[tilespmem:$0x10800] =	vst v63  }
0x130: {  	_ = 	snop  }
0x131: {  	[tilespmem:s15], [sflag:$0x2] =	stream.indirect.gather [hbm4b:s4+s12], $0x80, s22, s12, $0xb8;
	[tilespmem:$0x10800] =	vst v63  }
0x132: {  	_ =	swait.ge [sflag:s10], $0x4000  }
0x133: {  	[sflag:s10] =	ssyncset.done $0x0  }
0x134: {  	[sflag:s10] =	ssyncadd.s32 $0xFFFFC000  }
0x135: {  	_ =	swait.ge [sflag:s8], $0x4000  }
0x136: {  	[sflag:s8] =	ssyncset.done $0x0  }
0x137: {  	[sflag:s8] =	ssyncadd.s32 $0xFFFFC000  }
0x138: {  	_ =	swait.ge [sflag:s17], $0x4000  }
0x139: {  	[sflag:s17] =	ssyncset.done $0x0  }
0x13a: {  	[sflag:s17] =	ssyncadd.s32 $0xFFFFC000  }
0x13b: {  	_ =	swait.ge [sflag:s16], $0x4000  }
0x13c: {  	[sflag:s16] =	ssyncset.done $0x0  }
0x13d: {  	s0 =	rddreg [dreg:$0x10];
	[sflag:s16] =	ssyncadd.s32 $0xFFFFC000  }
0x13e: {  	[hbm4b:s0+s2] =	stream.linear.scatter [tilespmem:s14], [sflag:$0x5], $0x4000, $0x38;
	[tilespmem:$0x10800] =	vst v63  }
0x13f: {  	s18 =	rddreg [dreg:$0x11]  }
0x140: {  	[hbm4b:s18+s2] =	stream.linear.scatter [tilespmem:s15], [sflag:$0x6], $0x4000, $0x38;
	[tilespmem:$0x10800] =	vst v63  }
0x141: {  	_ = 	snop  }
0x142: {  	[tilespmem:s5], [sflag:$0x3] =	stream.indirect.gather [hbm4b:s3+s12], $0x80, s19, s12, $0xb8;
	[tilespmem:$0x10800] =	vst v63  }
0x143: {  	_ = 	snop  }
0x144: {  	[tilespmem:s7], [sflag:$0x4] =	stream.indirect.gather [hbm4b:s4+s12], $0x80, s20, s12, $0xb8;
	[tilespmem:$0x10800] =	vst v63  }
0x145: {  	_ =	swait.ge [sflag:s9], $0x4000  }
0x146: {  	[sflag:s9] =	ssyncset.done $0x0  }
0x147: {  	[sflag:s9] =	ssyncadd.s32 $0xFFFFC000  }
0x148: {  	_ =	swait.ge [sflag:s6], $0x4000  }
0x149: {  	[sflag:s6] =	ssyncset.done $0x0  }
0x14a: {  	[sflag:s6] =	ssyncadd.s32 $0xFFFFC000  }
0x14b: {  	_ =	swait.ge [sflag:s13], $0x4000  }
0x14c: {  	[sflag:s13] =	ssyncset.done $0x0  }
0x14d: {  	[sflag:s13] =	ssyncadd.s32 $0xFFFFC000  }
0x14e: {  	_ =	swait.ge [sflag:s11], $0x4000  }
0x14f: {  	[sflag:s11] =	ssyncset.done $0x0  }
0x150: {  	s0 =	rddreg [dreg:$0x12];
	[sflag:s11] =	ssyncadd.s32 $0xFFFFC000  }
0x151: {  	[hbm4b:s0+s2] =	stream.linear.scatter [tilespmem:s5], [sflag:$0x7], $0x4000, $0x38;
	[tilespmem:$0x10800] =	vst v63  }
0x152: {  	s18 =	rddreg [dreg:$0x13]  }
0x153: {  	[hbm4b:s18+s2] =	stream.linear.scatter [tilespmem:s7], [sflag:$0x8], $0x4000, $0x38;
	[tilespmem:$0x10800] =	vst v63  }
0x154: {  	_ =	swait.ge [sflag:s10], $0x4000  }
0x155: {  	[sflag:s10] =	ssyncset.done $0x0  }
0x156: {  	[sflag:s10] =	ssyncadd.s32 $0xFFFFC000  }
0x157: {  	_ =	swait.ge [sflag:s8], $0x4000  }
0x158: {  	[sflag:s8] =	ssyncset.done $0x0  }
0x159: {  	p1 =	sne.s32 s1, $0x1;
	[sflag:s8] =	ssyncadd.s32 $0xFFFFC000  }
.Ltmp2:
0x15a: {  	_ =	swait.ge [sflag:s9], $0x4000;
	(pc) =	sbr.rel @p1 .LBB2_4-.Ltmp2, $4  }
0x15b: {  	[sflag:s9] =	ssyncset.done $0x0  }
0x15c: {  	[sflag:s9] =	ssyncadd.s32 $0xFFFFC000  }
0x15d: {  	_ =	swait.ge [sflag:s6], $0x4000  }
0x15e: {  	s1 =	sadd.s32 $0xFFFFFFFF, s1;
	s0 =	rddreg [dreg:$0x2];
	[sflag:s6] =	ssyncset.done $0x0  }
0x15f: {  	s20 =	simm.s32 $0x500;
	s29 =	simm.s32 $0x580  }
0x160: {  	s28 =	simm.s32 $0x180;
	s26 =	simm.s32 $0x600;
	s25 =	simm.s32 $0x200  }
0x161: {  	s24 =	simm.s32 $0x680;
	s23 =	simm.s32 $0x280;
	s22 =	simm.s32 $0x700  }
0x162: {  	s21 =	simm.s32 $0x300;
	s19 =	simm.s32 $0x380;
	s18 =	stileid.u32  }
.LBB2_6:
0x163: {  	[sflag:s6] =	ssyncadd.s32 @p0 $0xFFFFC000  }
0x164: {  	[tilespmem:s2], [sflag:$0x9] =	stream.linear.gather [hbm4b:s0+s2], $0x400, $0x38;
	[tilespmem:$0x10800] =	vst v63  }
0x165: {  	_ =	swait.ge [sflag:s31], $0x400  }
0x166: {  	[sflag:s31] =	ssyncset.done $0x0  }
0x167: {  	s1 =	rddreg [dreg:$0x3];
	[sflag:s31] =	ssyncadd.s32 $0xFFFFFC00  }
0x168: {  	[tilespmem:s30], [sflag:$0x9] =	stream.linear.gather [hbm4b:s1+s2], $0x400, $0x38;
	[tilespmem:$0x10800] =	vst v63  }
0x169: {  	_ =	swait.ge [sflag:s31], $0x400  }
0x16a: {  	[sflag:s31] =	ssyncset.done $0x0  }
0x16b: {  	[sflag:s31] =	ssyncadd.s32 $0xFFFFFC00  }
0x16c: {  	[tilespmem:s14], [sflag:$0x1] =	stream.indirect.gather [hbm4b:s3+s12], $0x80, s2, s12, $0xb8;
	[tilespmem:$0x10800] =	vst v63  }
0x16d: {  	_ = 	snop  }
0x16e: {  	[tilespmem:s15], [sflag:$0x2] =	stream.indirect.gather [hbm4b:s4+s12], $0x80, s30, s12, $0xb8;
	[tilespmem:$0x10800] =	vst v63  }
0x16f: {  	_ =	swait.ge [sflag:s17], $0x4000  }
0x170: {  	[sflag:s17] =	ssyncset.done $0x0  }
0x171: {  	[sflag:s17] =	ssyncadd.s32 $0xFFFFC000  }
0x172: {  	_ =	swait.ge [sflag:s16], $0x4000  }
0x173: {  	[sflag:s16] =	ssyncset.done $0x0  }
0x174: {  	s30 =	rddreg [dreg:$0x4];
	[sflag:s16] =	ssyncadd.s32 $0xFFFFC000  }
0x175: {  	[hbm4b:s30+s2] =	stream.linear.scatter [tilespmem:s14], [sflag:$0x5], $0x4000, $0x38;
	[tilespmem:$0x10800] =	vst v63  }
0x176: {  	s1 =	rddreg [dreg:$0x5]  }
0x177: {  	[hbm4b:s1+s2] =	stream.linear.scatter [tilespmem:s15], [sflag:$0x6], $0x4000, $0x38;
	[tilespmem:$0x10800] =	vst v63  }
0x178: {  	_ = 	snop  }
0x179: {  	[tilespmem:s5], [sflag:$0x3] =	stream.indirect.gather [hbm4b:s3+s12], $0x80, s12, s12, $0xb8;
	[tilespmem:$0x10800] =	vst v63  }
0x17a: {  	s31 =	rddreg [dreg:$0x14]  }
0x17b: {  	[tilespmem:s7], [sflag:$0x4] =	stream.indirect.gather [hbm4b:s4+s12], $0x80, s31, s12, $0xb8;
	[tilespmem:$0x10800] =	vst v63  }
0x17c: {  	_ =	swait.ge [sflag:s13], $0x4000  }
0x17d: {  	[sflag:s13] =	ssyncset.done $0x0  }
0x17e: {  	[sflag:s13] =	ssyncadd.s32 $0xFFFFC000  }
0x17f: {  	_ =	swait.ge [sflag:s11], $0x4000  }
0x180: {  	[sflag:s11] =	ssyncset.done $0x0  }
0x181: {  	s1 =	rddreg [dreg:$0x6];
	[sflag:s11] =	ssyncadd.s32 $0xFFFFC000  }
0x182: {  	[hbm4b:s1+s2] =	stream.linear.scatter [tilespmem:s5], [sflag:$0x7], $0x4000, $0x38;
	[tilespmem:$0x10800] =	vst v63  }
0x183: {  	s30 =	rddreg [dreg:$0x7]  }
0x184: {  	[hbm4b:s30+s2] =	stream.linear.scatter [tilespmem:s7], [sflag:$0x8], $0x4000, $0x38;
	[tilespmem:$0x10800] =	vst v63  }
0x185: {  	s31 =	rddreg [dreg:$0x15]  }
0x186: {  	[tilespmem:s14], [sflag:$0x1] =	stream.indirect.gather [hbm4b:s3+s12], $0x80, s31, s12, $0xb8;
	[tilespmem:$0x10800] =	vst v63  }
0x187: {  	_ = 	snop  }
0x188: {  	[tilespmem:s15], [sflag:$0x2] =	stream.indirect.gather [hbm4b:s4+s12], $0x80, s20, s12, $0xb8;
	[tilespmem:$0x10800] =	vst v63  }
0x189: {  	_ =	swait.ge [sflag:s10], $0x4000  }
0x18a: {  	[sflag:s10] =	ssyncset.done $0x0  }
0x18b: {  	[sflag:s10] =	ssyncadd.s32 $0xFFFFC000  }
0x18c: {  	_ =	swait.ge [sflag:s8], $0x4000  }
0x18d: {  	[sflag:s8] =	ssyncset.done $0x0  }
0x18e: {  	[sflag:s8] =	ssyncadd.s32 $0xFFFFC000  }
0x18f: {  	_ =	swait.ge [sflag:s17], $0x4000  }
0x190: {  	[sflag:s17] =	ssyncset.done $0x0  }
0x191: {  	[sflag:s17] =	ssyncadd.s32 $0xFFFFC000  }
0x192: {  	_ =	swait.ge [sflag:s16], $0x4000  }
0x193: {  	[sflag:s16] =	ssyncset.done $0x0  }
0x194: {  	s1 =	rddreg [dreg:$0x8];
	[sflag:s16] =	ssyncadd.s32 $0xFFFFC000  }
0x195: {  	[hbm4b:s1+s2] =	stream.linear.scatter [tilespmem:s14], [sflag:$0x5], $0x4000, $0x38;
	[tilespmem:$0x10800] =	vst v63  }
0x196: {  	s20 =	rddreg [dreg:$0x9]  }
0x197: {  	[hbm4b:s20+s2] =	stream.linear.scatter [tilespmem:s15], [sflag:$0x6], $0x4000, $0x38;
	[tilespmem:$0x10800] =	vst v63  }
0x198: {  	_ = 	snop  }
0x199: {  	[tilespmem:s5], [sflag:$0x3] =	stream.indirect.gather [hbm4b:s3+s12], $0x80, s28, s12, $0xb8;
	[tilespmem:$0x10800] =	vst v63  }
0x19a: {  	_ = 	snop  }
0x19b: {  	[tilespmem:s7], [sflag:$0x4] =	stream.indirect.gather [hbm4b:s4+s12], $0x80, s29, s12, $0xb8;
	[tilespmem:$0x10800] =	vst v63  }
0x19c: {  	_ =	swait.ge [sflag:s9], $0x4000  }
0x19d: {  	[sflag:s9] =	ssyncset.done $0x0  }
0x19e: {  	[sflag:s9] =	ssyncadd.s32 $0xFFFFC000  }
0x19f: {  	_ =	swait.ge [sflag:s6], $0x4000  }
0x1a0: {  	[sflag:s6] =	ssyncset.done $0x0  }
0x1a1: {  	[sflag:s6] =	ssyncadd.s32 $0xFFFFC000  }
0x1a2: {  	_ =	swait.ge [sflag:s13], $0x4000  }
0x1a3: {  	[sflag:s13] =	ssyncset.done $0x0  }
0x1a4: {  	[sflag:s13] =	ssyncadd.s32 $0xFFFFC000  }
0x1a5: {  	_ =	swait.ge [sflag:s11], $0x4000  }
0x1a6: {  	[sflag:s11] =	ssyncset.done $0x0  }
0x1a7: {  	s30 =	rddreg [dreg:$0xa];
	[sflag:s11] =	ssyncadd.s32 $0xFFFFC000  }
0x1a8: {  	[hbm4b:s30+s2] =	stream.linear.scatter [tilespmem:s5], [sflag:$0x7], $0x4000, $0x38;
	[tilespmem:$0x10800] =	vst v63  }
0x1a9: {  	s31 =	rddreg [dreg:$0xb]  }
0x1aa: {  	[hbm4b:s31+s2] =	stream.linear.scatter [tilespmem:s7], [sflag:$0x8], $0x4000, $0x38;
	[tilespmem:$0x10800] =	vst v63  }
0x1ab: {  	_ = 	snop  }
0x1ac: {  	[tilespmem:s14], [sflag:$0x1] =	stream.indirect.gather [hbm4b:s3+s12], $0x80, s25, s12, $0xb8;
	[tilespmem:$0x10800] =	vst v63  }
0x1ad: {  	_ = 	snop  }
0x1ae: {  	[tilespmem:s15], [sflag:$0x2] =	stream.indirect.gather [hbm4b:s4+s12], $0x80, s26, s12, $0xb8;
	[tilespmem:$0x10800] =	vst v63  }
0x1af: {  	_ =	swait.ge [sflag:s10], $0x4000  }
0x1b0: {  	[sflag:s10] =	ssyncset.done $0x0  }
0x1b1: {  	[sflag:s10] =	ssyncadd.s32 $0xFFFFC000  }
0x1b2: {  	_ =	swait.ge [sflag:s8], $0x4000  }
0x1b3: {  	[sflag:s8] =	ssyncset.done $0x0  }
0x1b4: {  	[sflag:s8] =	ssyncadd.s32 $0xFFFFC000  }
0x1b5: {  	_ =	swait.ge [sflag:s17], $0x4000  }
0x1b6: {  	[sflag:s17] =	ssyncset.done $0x0  }
0x1b7: {  	[sflag:s17] =	ssyncadd.s32 $0xFFFFC000  }
0x1b8: {  	_ =	swait.ge [sflag:s16], $0x4000  }
0x1b9: {  	[sflag:s16] =	ssyncset.done $0x0  }
0x1ba: {  	s1 =	rddreg [dreg:$0xc];
	[sflag:s16] =	ssyncadd.s32 $0xFFFFC000  }
0x1bb: {  	[hbm4b:s1+s2] =	stream.linear.scatter [tilespmem:s14], [sflag:$0x5], $0x4000, $0x38;
	[tilespmem:$0x10800] =	vst v63  }
0x1bc: {  	s20 =	rddreg [dreg:$0xd]  }
0x1bd: {  	[hbm4b:s20+s2] =	stream.linear.scatter [tilespmem:s15], [sflag:$0x6], $0x4000, $0x38;
	[tilespmem:$0x10800] =	vst v63  }
0x1be: {  	_ = 	snop  }
0x1bf: {  	[tilespmem:s5], [sflag:$0x3] =	stream.indirect.gather [hbm4b:s3+s12], $0x80, s23, s12, $0xb8;
	[tilespmem:$0x10800] =	vst v63  }
0x1c0: {  	_ = 	snop  }
0x1c1: {  	[tilespmem:s7], [sflag:$0x4] =	stream.indirect.gather [hbm4b:s4+s12], $0x80, s24, s12, $0xb8;
	[tilespmem:$0x10800] =	vst v63  }
0x1c2: {  	_ =	swait.ge [sflag:s9], $0x4000  }
0x1c3: {  	[sflag:s9] =	ssyncset.done $0x0  }
0x1c4: {  	[sflag:s9] =	ssyncadd.s32 $0xFFFFC000  }
0x1c5: {  	_ =	swait.ge [sflag:s6], $0x4000  }
0x1c6: {  	[sflag:s6] =	ssyncset.done $0x0  }
0x1c7: {  	[sflag:s6] =	ssyncadd.s32 $0xFFFFC000  }
0x1c8: {  	_ =	swait.ge [sflag:s13], $0x4000  }
0x1c9: {  	[sflag:s13] =	ssyncset.done $0x0  }
0x1ca: {  	[sflag:s13] =	ssyncadd.s32 $0xFFFFC000  }
0x1cb: {  	_ =	swait.ge [sflag:s11], $0x4000  }
0x1cc: {  	[sflag:s11] =	ssyncset.done $0x0  }
0x1cd: {  	s24 =	rddreg [dreg:$0xe];
	[sflag:s11] =	ssyncadd.s32 $0xFFFFC000  }
0x1ce: {  	[hbm4b:s24+s2] =	stream.linear.scatter [tilespmem:s5], [sflag:$0x7], $0x4000, $0x38;
	[tilespmem:$0x10800] =	vst v63  }
0x1cf: {  	s25 =	rddreg [dreg:$0xf]  }
0x1d0: {  	[hbm4b:s25+s2] =	stream.linear.scatter [tilespmem:s7], [sflag:$0x8], $0x4000, $0x38;
	[tilespmem:$0x10800] =	vst v63  }
0x1d1: {  	_ = 	snop  }
0x1d2: {  	[tilespmem:s14], [sflag:$0x1] =	stream.indirect.gather [hbm4b:s3+s12], $0x80, s21, s12, $0xb8;
	[tilespmem:$0x10800] =	vst v63  }
0x1d3: {  	_ = 	snop  }
0x1d4: {  	[tilespmem:s15], [sflag:$0x2] =	stream.indirect.gather [hbm4b:s4+s12], $0x80, s22, s12, $0xb8;
	[tilespmem:$0x10800] =	vst v63  }
0x1d5: {  	_ =	swait.ge [sflag:s10], $0x4000  }
0x1d6: {  	[sflag:s10] =	ssyncset.done $0x0  }
0x1d7: {  	[sflag:s10] =	ssyncadd.s32 $0xFFFFC000  }
0x1d8: {  	_ =	swait.ge [sflag:s8], $0x4000  }
0x1d9: {  	[sflag:s8] =	ssyncset.done $0x0  }
0x1da: {  	[sflag:s8] =	ssyncadd.s32 $0xFFFFC000  }
0x1db: {  	_ =	swait.ge [sflag:s17], $0x4000  }
0x1dc: {  	[sflag:s17] =	ssyncset.done $0x0  }
0x1dd: {  	[sflag:s17] =	ssyncadd.s32 $0xFFFFC000  }
0x1de: {  	_ =	swait.ge [sflag:s16], $0x4000  }
0x1df: {  	[sflag:s16] =	ssyncset.done $0x0  }
0x1e0: {  	s26 =	rddreg [dreg:$0x10];
	[sflag:s16] =	ssyncadd.s32 $0xFFFFC000  }
0x1e1: {  	[hbm4b:s26+s2] =	stream.linear.scatter [tilespmem:s14], [sflag:$0x5], $0x4000, $0x38;
	[tilespmem:$0x10800] =	vst v63  }
0x1e2: {  	s28 =	rddreg [dreg:$0x11]  }
0x1e3: {  	[hbm4b:s28+s2] =	stream.linear.scatter [tilespmem:s15], [sflag:$0x6], $0x4000, $0x38;
	[tilespmem:$0x10800] =	vst v63  }
0x1e4: {  	_ = 	snop  }
0x1e5: {  	[tilespmem:s5], [sflag:$0x3] =	stream.indirect.gather [hbm4b:s3+s12], $0x80, s19, s12, $0xb8;
	[tilespmem:$0x10800] =	vst v63  }
0x1e6: {  	s29 =	simm.s32 $0x780  }
0x1e7: {  	[tilespmem:s7], [sflag:$0x4] =	stream.indirect.gather [hbm4b:s4+s12], $0x80, s29, s12, $0xb8;
	[tilespmem:$0x10800] =	vst v63  }
0x1e8: {  	_ =	swait.ge [sflag:s9], $0x4000  }
0x1e9: {  	[sflag:s9] =	ssyncset.done $0x0  }
0x1ea: {  	[sflag:s9] =	ssyncadd.s32 $0xFFFFC000  }
0x1eb: {  	_ =	swait.ge [sflag:s6], $0x4000  }
0x1ec: {  	[sflag:s6] =	ssyncset.done $0x0  }
0x1ed: {  	[sflag:s6] =	ssyncadd.s32 $0xFFFFC000  }
0x1ee: {  	_ =	swait.ge [sflag:s13], $0x4000  }
0x1ef: {  	[sflag:s13] =	ssyncset.done $0x0  }
0x1f0: {  	[sflag:s13] =	ssyncadd.s32 $0xFFFFC000  }
0x1f1: {  	_ =	swait.ge [sflag:s11], $0x4000  }
0x1f2: {  	[sflag:s11] =	ssyncset.done $0x0  }
0x1f3: {  	s30 =	rddreg [dreg:$0x12];
	[sflag:s11] =	ssyncadd.s32 $0xFFFFC000  }
0x1f4: {  	[hbm4b:s30+s2] =	stream.linear.scatter [tilespmem:s5], [sflag:$0x7], $0x4000, $0x38;
	[tilespmem:$0x10800] =	vst v63  }
0x1f5: {  	s31 =	rddreg [dreg:$0x13]  }
0x1f6: {  	[hbm4b:s31+s2] =	stream.linear.scatter [tilespmem:s7], [sflag:$0x8], $0x4000, $0x38;
	[tilespmem:$0x10800] =	vst v63  }
0x1f7: {  	_ =	swait.ge [sflag:s10], $0x4000  }
0x1f8: {  	[sflag:s10] =	ssyncset.done $0x0  }
0x1f9: {  	[sflag:s10] =	ssyncadd.s32 $0xFFFFC000  }
0x1fa: {  	_ =	swait.ge [sflag:s8], $0x4000  }
0x1fb: {  	[sflag:s8] =	ssyncset.done $0x0  }
0x1fc: {  	[sflag:s8] =	ssyncadd.s32 $0xFFFFC000  }
0x1fd: {  	_ =	swait.ge [sflag:s9], $0x4000  }
0x1fe: {  	[sflag:s9] =	ssyncset.done $0x0  }
0x1ff: {  	[sflag:s9] =	ssyncadd.s32 $0xFFFFC000  }
0x200: {  	_ =	swait.ge [sflag:s6], $0x4000  }
0x201: {  	[sflag:s6] =	ssyncset.done $0x0  }
0x202: {  	[sflag:s6] =	ssyncadd.s32 $0xFFFFC000  }
0x203: {  	_ =	sfence.sel $0x180000  }
0x204: {  	[bflag:$0x0] =	sbarrier.arrive $0xFFFF  }
0x205: {  	_ =	strace $0x90000047  }
0x206: {  	[bflag:$0x2] =	sbarrier.arrive $0xFFFF  }
0x207: {  	p0 =	sne.s32 s18, $0x0;
	s0 =	rddreg [dreg:$0x1]  }
0x208: {  	s0 =	sadd.s32 @!p0 $0x100000, s0  }
0x209: {  	[sflag:s0] =	ssyncadd.tile.s32 @!p0 $0x1;
	_ =	shalt  }
.LBB2_1:
.Ltmp3:
0x20a: {  	(pc) =	sbr.rel .LBB2_6-.Ltmp3, $4  }
0x20b: {  	s20 =	simm.s32 $0x500  }
0x20c: {  	s29 =	simm.s32 $0x580;
	s28 =	simm.s32 $0x180;
	s26 =	simm.s32 $0x600  }
0x20d: {  	s25 =	simm.s32 $0x200;
	s24 =	simm.s32 $0x680;
	s23 =	simm.s32 $0x280  }
0x20e: {  	s22 =	simm.s32 $0x700;
	s21 =	simm.s32 $0x300;
	s19 =	simm.s32 $0x380  }
.LBB2_3:
.Ltmp4:
0x20f: {  	(pc) =	sbr.rel .LBB2_6-.Ltmp4, $4  }
0x210: {  	s20 =	simm.s32 $0x500;
	s29 =	simm.s32 $0x580  }
0x211: {  	s28 =	simm.s32 $0x180;
	s26 =	simm.s32 $0x600;
	s25 =	simm.s32 $0x200  }
0x212: {  	s24 =	simm.s32 $0x680;
	s23 =	simm.s32 $0x280;
	s22 =	simm.s32 $0x700  }
0x213: {  	s21 =	simm.s32 $0x300;
	s19 =	simm.s32 $0x380;
	s18 =	stileid.u32  }
.Lfunc_end2:
_tile_overlayer_lowered:
.L_overlay_start_2:
0x214: {  	(tag) =	ssettag $0x2  }
0x215: {  	s0 =	rddreg [dreg:$0x0];
	s2 =	stileid.u32  }
0x216: {  	s1 =	rddreg [dreg:$0x1];
	p0 =	sne.s32 s2, $0x0  }
0x217: {  	s3 =	rddreg [dreg:$0x2];
	[bflag:$0x3] =	sbarrier.arrive $0xFFFF;
	s2 =	simm.s32 @!p0 $0x1C09  }
0x218: {  	[timem:s3], [sflag:s2] =	dma.local @!p0 [hbm:s0], s1  }
0x219: {  	s0 =	simm.s32 @!p0 $0x9  }
0x21a: {  	_ =	swait.ge @!p0 [sflag:s0], s1  }
0x21b: {  	s1 =	ssub.s32 @!p0 $0x0, s1;
	[sflag:s0] =	ssyncset.done @!p0 $0x0  }
0x21c: {  	[sflag:s0] =	ssyncadd.s32 @!p0 s1  }
0x21d: {  	[bflag:$0x3] =	sbarrier.arrive $0xFFFF  }
0x21e: {  	_ =	shalt  }

</sc_bundles>
